<compile_context>
chip_gen: v7x
topology: tpu7x:2x2x1
jax: 0.10.2.dev20260603
libtpu: 0.0.44.dev20260713+nightly
codegen_flags: <defaults>
</compile_context>

<pallas_src>
import functools

import jax
import jax.numpy as jnp
from jax import lax
from jax.experimental import pallas as pl
from jax.experimental.pallas import tpu as pltpu
from jax.experimental.pallas import tpu_sc as plsc

_B = 4
_N = 262144
_SAMPLE = 16384
_OUTP = _SAMPLE + 16
_NVOX = 512000
_SENT = 524288
_EMPTY = 0x7FFFFFFF
_TBL = 32768
_NSUB = 16
_NCORE = 2
_CHUNK = 2048
_LSEG = 16384
_PCHUNK = _N // _NSUB
_SCH = 128


def _bin_body(xyz_ref, lin_ref):
    lower = jnp.float32(-4.0)
    voxel = jnp.float32(0.1)
    grid = jnp.float32(80.0)
    x = xyz_ref[0, 0, :]
    y = xyz_ref[0, 1, :]
    z = xyz_ref[0, 2, :]
    cx = jnp.floor((x - lower) / voxel)
    cy = jnp.floor((y - lower) / voxel)
    cz = jnp.floor((z - lower) / voxel)
    valid = (
        (cx >= 0.0) & (cx < grid)
        & (cy >= 0.0) & (cy < grid)
        & (cz >= 0.0) & (cz < grid)
    )
    zero = jnp.float32(0.0)
    ix = jnp.where(valid, cx, zero).astype(jnp.int32)
    iy = jnp.where(valid, cy, zero).astype(jnp.int32)
    iz = jnp.where(valid, cz, zero).astype(jnp.int32)
    lin = ix * 6400 + iy * 80 + iz
    lin_ref[0, 0, :] = jnp.where(valid, lin, jnp.int32(_SENT))


def _voxel_ids(xyz_t):
    return pl.pallas_call(
        _bin_body,
        out_shape=jax.ShapeDtypeStruct((_B, 1, _N), jnp.int32),
        grid=(_B,),
        in_specs=[pl.BlockSpec((1, 3, _N), lambda i: (i, 0, 0))],
        out_specs=pl.BlockSpec((1, 1, _N), lambda i: (i, 0, 0)),
    )(xyz_t).reshape(_B, _N)


def _sc_body(
    lin_hbm,
    xyzf_hbm,
    out_hbm,
    tbl_v,
    buf_v,
    fl_l,
    fl_i,
    fl_l2,
    fl_i2,
    lst_v,
    sidx_v,
    pres_v,
    cmp_v,
    zbuf_v,
    ones_v,
    gidx_v,
    gx_v,
    gy_v,
    gz_v,
    ox_v,
    oy_v,
    oz_v,
    cnt_v,
    cnts_v,
    lin_s,
    pres_s,
    cnts_s,
    sem_g,
    sem_s,
):
    sid = lax.axis_index("s")
    cid = lax.axis_index("c")
    iota = lax.iota(jnp.int32, 16)
    my_tid = jnp.int32(sid)
    prev_idx = jnp.maximum(iota - 1, 0)

    @functools.partial(lax.fori_loop, 0, 1024 // 16, init_val=0)
    def _(i, c):
        zbuf_v[pl.ds(i * 16, 16)] = jnp.zeros((16,), jnp.int32)
        return c

    @functools.partial(lax.fori_loop, 0, _SCH // 16, init_val=0)
    def _(i, c):
        ones_v[pl.ds(i * 16, 16)] = jnp.ones((16,), jnp.int32)
        return c

    def one_batch(step, _carry):
        b = cid * 2 + step

        for j in range(_PCHUNK // 1024):
            pltpu.sync_copy(
                zbuf_v, pres_s.at[pl.ds(sid * _PCHUNK + j * 1024, 1024)]
            )
        pltpu.sync_copy(
            lin_hbm.at[b, pl.ds(sid * _PCHUNK, _PCHUNK)],
            lin_s.at[pl.ds(sid * _PCHUNK, _PCHUNK)],
        )
        @functools.partial(lax.fori_loop, 0, _TBL // 16, init_val=0, unroll=4)
        def _(i, c):
            tbl_v[pl.ds(i * 16, 16)] = jnp.full((16,), _EMPTY, jnp.int32)
            return c

        plsc.subcore_barrier()

        def chunk_body(k, _c):
            pltpu.sync_copy(lin_s.at[pl.ds(k * _CHUNK, _CHUNK)], buf_v)
            base = k * _CHUNK

            def filt(v, offs):
                off_a, off_b = offs
                lin_a = buf_v[pl.ds(v * 32, 16)]
                lin_b = buf_v[pl.ds(v * 32 + 16, 16)]
                own_a = lax.shift_right_logical(lin_a, 15) == my_tid
                own_b = lax.shift_right_logical(lin_b, 15) == my_tid
                plsc.store_compressed(
                    fl_l.at[pl.ds(off_a, 16)],
                    lin_a & jnp.int32(_TBL - 1),
                    mask=own_a,
                )
                plsc.store_compressed(
                    fl_l2.at[pl.ds(off_b, 16)],
                    lin_b & jnp.int32(_TBL - 1),
                    mask=own_b,
                )
                plsc.store_compressed(
                    fl_i.at[pl.ds(off_a, 16)],
                    base + v * 32 + iota,
                    mask=own_a,
                )
                plsc.store_compressed(
                    fl_i2.at[pl.ds(off_b, 16)],
                    base + v * 32 + 16 + iota,
                    mask=own_b,
                )
                return (
                    off_a + jnp.sum(own_a.astype(jnp.int32)),
                    off_b + jnp.sum(own_b.astype(jnp.int32)),
                )

            cnt_a, cnt_b = lax.fori_loop(
                0, _CHUNK // 32, filt, (jnp.int32(0), jnp.int32(0)),
                unroll=4,
            )
            fl_l[pl.ds(cnt_a, 16)] = jnp.zeros((16,), jnp.int32)
            fl_i[pl.ds(cnt_a, 16)] = jnp.full((16,), _EMPTY, jnp.int32)
            fl_l2[pl.ds(cnt_b, 16)] = jnp.zeros((16,), jnp.int32)
            fl_i2[pl.ds(cnt_b, 16)] = jnp.full((16,), _EMPTY, jnp.int32)

            def make_upd(l_ref, i_ref):
                def upd(v, _c2):
                    lidx = l_ref[pl.ds(v * 16, 16)]
                    ivec = i_ref[pl.ds(v * 16, 16)]
                    cur = plsc.load_gather(tbl_v, [lidx])
                    pending = ivec < cur

                    def fix_body(p):
                        plsc.store_scatter(tbl_v, [lidx], ivec, mask=p)
                        got = plsc.load_gather(tbl_v, [lidx], mask=p)
                        return p & (ivec < got)

                    lax.while_loop(
                        lambda p: jnp.sum(p.astype(jnp.int32)) > 0,
                        fix_body,
                        pending,
                    )
                    return 0

                return upd

            lax.fori_loop(0, (cnt_a + 15) // 16, make_upd(fl_l, fl_i), 0)
            lax.fori_loop(0, (cnt_b + 15) // 16, make_upd(fl_l2, fl_i2), 0)
            return 0

        lax.fori_loop(0, _N // _CHUNK, chunk_body, 0)

        def half_seg(seg, _c0):
            def scan_tbl(v, off):
                vals = tbl_v[pl.ds(seg * _LSEG + v * 16, 16)]
                sel = vals != _EMPTY
                plsc.store_compressed(
                    lst_v.at[pl.ds(off, 16)], vals, mask=sel
                )
                return off + jnp.sum(sel.astype(jnp.int32))

            cnt_own = lax.fori_loop(0, _LSEG // 16, scan_tbl, jnp.int32(0))

            @functools.partial(lax.fori_loop, 0, _SCH // 16, init_val=0)
            def _(i, c):
                lst_v[pl.ds(cnt_own + i * 16, 16)] = jnp.full(
                    (16,), _N, jnp.int32
                )
                return c

            def add_chunk(k, _c):
                for t in range(_SCH // 16):
                    sidx_v[pl.ds(t * 16, 16)] = lst_v[
                        pl.ds(k * _SCH + t * 16, 16)
                    ]
                pltpu.sync_copy(ones_v, pres_s.at[sidx_v], add=True)
                return 0

            nstream = (cnt_own + _SCH - 1) // _SCH
            lax.fori_loop(0, nstream, add_chunk, 0)
            return 0

        lax.fori_loop(0, _TBL // _LSEG, half_seg, 0)
        plsc.subcore_barrier()

        pltpu.sync_copy(pres_s.at[pl.ds(sid * _PCHUNK, _PCHUNK)], pres_v)

        def count_body(v, acc):
            return acc + pres_v[pl.ds(v * 16, 16)]

        acc = lax.fori_loop(
            0, _PCHUNK // 16, count_body, jnp.zeros((16,), jnp.int32),
            unroll=4,
        )
        my_cnt = jnp.sum(acc)
        cnt_v[...] = jnp.full((16,), my_cnt, jnp.int32)
        pltpu.sync_copy(cnt_v, cnts_s.at[pl.ds(sid * 16, 16)])
        plsc.subcore_barrier()
        pltpu.sync_copy(cnts_s, cnts_v)
        counts = plsc.load_gather(cnts_v, [iota * 16])
        zero16 = jnp.zeros((16,), jnp.int32)
        prefix = jnp.sum(jnp.where(iota < my_tid, counts, zero16))
        total = jnp.sum(counts)

        def compact_body(v, off):
            pv = pres_v[pl.ds(v * 16, 16)]
            sel = pv > 0
            ivec = sid * _PCHUNK + v * 16 + iota
            plsc.store_compressed(cmp_v.at[pl.ds(off, 16)], ivec, mask=sel)
            return off + jnp.sum(sel.astype(jnp.int32))

        cnt_r = lax.fori_loop(0, _PCHUNK // 16, compact_body, jnp.int32(0))

        emit_n = jnp.clip(jnp.int32(_SAMPLE) - prefix, 0, cnt_r)
        obase = (b * _OUTP + prefix) * 3
        tbase = (b * _OUTP + _SAMPLE) * 3

        def emit_body(j, _c):
            for t in range(8):
                idxs = cmp_v[pl.ds(j * 128 + t * 16, 16)]
                k16 = j * 128 + t * 16 + iota
                vm = k16 < emit_n
                srow = (b * _N + jnp.where(vm, idxs, 0)) * 3
                gidx_v[pl.ds(t * 16, 16)] = srow
                gidx_v[pl.ds(128 + t * 16, 16)] = srow + 1
                gidx_v[pl.ds(256 + t * 16, 16)] = srow + 2
                drow = jnp.where(vm, obase + k16 * 3, tbase)
                ox_v[pl.ds(t * 16, 16)] = drow
                oy_v[pl.ds(t * 16, 16)] = drow + 1
                oz_v[pl.ds(t * 16, 16)] = drow + 2
            d1 = pltpu.async_copy(
                xyzf_hbm.at[gidx_v.at[pl.ds(0, 128)]], gx_v, sem_g
            )
            d2 = pltpu.async_copy(
                xyzf_hbm.at[gidx_v.at[pl.ds(128, 128)]], gy_v, sem_g
            )
            d3 = pltpu.async_copy(
                xyzf_hbm.at[gidx_v.at[pl.ds(256, 128)]], gz_v, sem_g
            )
            d1.wait()
            d2.wait()
            d3.wait()
            e1 = pltpu.async_copy(gx_v, out_hbm.at[ox_v], sem_s)
            e2 = pltpu.async_copy(gy_v, out_hbm.at[oy_v], sem_s)
            e3 = pltpu.async_copy(gz_v, out_hbm.at[oz_v], sem_s)
            e1.wait()
            e2.wait()
            e3.wait()
            return 0

        lax.fori_loop(0, (emit_n + 127) // 128, emit_body, 0)

        fill_lo = jnp.maximum(total, sid * (_SAMPLE // _NSUB))
        fill_hi = (sid + 1) * (_SAMPLE // _NSUB)
        nfill = jnp.maximum(fill_hi - fill_lo, 0)

        def fill_flat(j, _c):
            lim = (b * _OUTP + fill_hi) * 3
            for t in range(8):
                f0 = (b * _OUTP + fill_lo) * 3 + j * 128 + t * 16
                fpos = f0 + iota
                vm = fpos < lim
                coord = (fpos - b * _OUTP * 3) % 3
                gidx_v[pl.ds(t * 16, 16)] = b * _N * 3 + coord
                ox_v[pl.ds(t * 16, 16)] = jnp.where(vm, fpos, tbase)
            d = pltpu.async_copy(
                xyzf_hbm.at[gidx_v.at[pl.ds(0, 128)]], gx_v, sem_g
            )
            d.wait()
            e = pltpu.async_copy(gx_v, out_hbm.at[ox_v], sem_s)
            e.wait()
            return 0

        lax.fori_loop(0, (nfill * 3 + 127) // 128, fill_flat, 0)
        return 0

    lax.fori_loop(0, 2, one_batch, 0)


def _sc_sample(lin, xyzf):
    mesh = plsc.VectorSubcoreMesh(
        core_axis_name="c", subcore_axis_name="s"
    )
    f = pl.kernel(
        _sc_body,
        out_type=jax.ShapeDtypeStruct((_B * _OUTP * 3,), jnp.float32),
        mesh=mesh,
        compiler_params=pltpu.CompilerParams(needs_layout_passes=False),
        scratch_types=[
            pltpu.VMEM((_TBL,), jnp.int32),
            pltpu.VMEM((_CHUNK,), jnp.int32),
            pltpu.VMEM((_CHUNK // 2 + 16,), jnp.int32),
            pltpu.VMEM((_CHUNK // 2 + 16,), jnp.int32),
            pltpu.VMEM((_CHUNK // 2 + 16,), jnp.int32),
            pltpu.VMEM((_CHUNK // 2 + 16,), jnp.int32),
            pltpu.VMEM((_LSEG + _SCH,), jnp.int32),
            pltpu.VMEM((_SCH,), jnp.int32),
            pltpu.VMEM((_PCHUNK,), jnp.int32),
            pltpu.VMEM((_SAMPLE + 16,), jnp.int32),
            pltpu.VMEM((1024,), jnp.int32),
            pltpu.VMEM((_SCH,), jnp.int32),
            pltpu.VMEM((384,), jnp.int32),
            pltpu.VMEM((128,), jnp.float32),
            pltpu.VMEM((128,), jnp.float32),
            pltpu.VMEM((128,), jnp.float32),
            pltpu.VMEM((128,), jnp.int32),
            pltpu.VMEM((128,), jnp.int32),
            pltpu.VMEM((128,), jnp.int32),
            pltpu.VMEM((16,), jnp.int32),
            pltpu.VMEM((256,), jnp.int32),
            pltpu.VMEM_SHARED((_N,), jnp.int32),
            pltpu.VMEM_SHARED((_N + 16,), jnp.int32),
            pltpu.VMEM_SHARED((256,), jnp.int32),
            pltpu.SemaphoreType.DMA,
            pltpu.SemaphoreType.DMA,
        ],
    )
    return f(lin, xyzf)


def kernel(xyz):
    xyz_t = jnp.transpose(xyz, (0, 2, 1))
    lin = _voxel_ids(xyz_t)
    xyzf = xyz.reshape(-1)
    out = _sc_sample(lin, xyzf)
    return out.reshape(_B, _OUTP, 3)[:, :_SAMPLE, :]

# --- scband reference (transcript-rebuilt; emitter-appended) ---
"""Pipeline reference for scband-random-voxel-sampling-21165598835473 (READ-ONLY COPY).

The authoritative reference and input builder live on the scoring server;
editing this copy changes nothing except your own understanding.
"""

import jax, jax.numpy as jnp
import numpy as np

VOXEL = jnp.array([0.1, 0.1, 0.1], dtype=jnp.float32)
LOWER = jnp.array([-4.0, -4.0, -4.0], dtype=jnp.float32)
UPPER = jnp.array([4.0, 4.0, 4.0], dtype=jnp.float32)
GRID = jnp.floor((UPPER - LOWER) / VOXEL + 1e-4).astype(jnp.int64)  # [80,80,80]
SAMPLE_NUM = 16384
B, N = 4, 262144


def setup_inputs(seed: int = 0) -> dict:
    key = jax.random.key(seed)
    xyz = jax.random.normal(key, (B, N, 3), dtype=jnp.float32)
    return {"xyz": xyz}


def _sample_indices(xyz_b, key):
    # voxelize: integer voxel coords per point
    coords = jnp.floor((xyz_b - LOWER) / VOXEL).astype(jnp.int64)
    valid = jnp.all((coords >= 0) & (coords < GRID), axis=1)
    lin = coords[:, 0] * (GRID[1] * GRID[2]) + coords[:, 1] * GRID[2] + coords[:, 2]
    # unique voxels; recover first-occurrence order (spconv inserts in point order)
    sentinel = GRID[0] * GRID[1] * GRID[2]
    lin_masked = jnp.where(valid, lin, sentinel)
    order = jnp.argsort(lin_masked, stable=True)
    sorted_lin = lin_masked[order]
    first_run = jnp.concatenate(
        [jnp.ones((1,), dtype=jnp.bool_), sorted_lin[1:] != sorted_lin[:-1]], axis=0
    )
    is_first = jnp.zeros_like(valid).at[order].set(first_run)
    selected = is_first & valid
    # first point per voxel, pool='rand' with max_pts_per_voxel=1
    pt_idx = jnp.nonzero(selected, size=SAMPLE_NUM, fill_value=0)[0]
    return pt_idx


def reference(xyz):
    keys = jax.random.split(jax.random.key(1), xyz.shape[0])
    idx = jnp.stack([_sample_indices(xyz[i], keys[i]) for i in range(xyz.shape[0])], axis=0)  # [B, SAMPLE_NUM]
    sampled = jnp.take_along_axis(xyz, idx[:, :, None], axis=1)  # [B, SAMPLE_NUM, 3]
    return sampled

if __name__ == "__main__":
    import jax
    _d = setup_inputs()
    print(jax.jit(kernel)(*tuple(_d.values())))

</pallas_src>

<mosaic_0001>
#map = affine_map<(d0, d1) -> (0, 0)>
#map1 = affine_map<(d0, d1) -> (0)>
module attributes {stable_mosaic.version = 14 : i64} {
  func.func @_sc_body(%arg0: i32, %arg1: i32, %arg2: memref<4x262144xi32, #tpu.memory_space<hbm>>, %arg3: memref<3145728xf32, #tpu.memory_space<hbm>>, %arg4: memref<196800xf32, #tpu.memory_space<hbm>>, %arg5: memref<32768xi32, #tpu.memory_space<vmem>>, %arg6: memref<2048xi32, #tpu.memory_space<vmem>>, %arg7: memref<1040xi32, #tpu.memory_space<vmem>>, %arg8: memref<1040xi32, #tpu.memory_space<vmem>>, %arg9: memref<1040xi32, #tpu.memory_space<vmem>>, %arg10: memref<1040xi32, #tpu.memory_space<vmem>>, %arg11: memref<16512xi32, #tpu.memory_space<vmem>>, %arg12: memref<128xi32, #tpu.memory_space<vmem>>, %arg13: memref<16384xi32, #tpu.memory_space<vmem>>, %arg14: memref<16400xi32, #tpu.memory_space<vmem>>, %arg15: memref<1024xi32, #tpu.memory_space<vmem>>, %arg16: memref<128xi32, #tpu.memory_space<vmem>>, %arg17: memref<384xi32, #tpu.memory_space<vmem>>, %arg18: memref<128xf32, #tpu.memory_space<vmem>>, %arg19: memref<128xf32, #tpu.memory_space<vmem>>, %arg20: memref<128xf32, #tpu.memory_space<vmem>>, %arg21: memref<128xi32, #tpu.memory_space<vmem>>, %arg22: memref<128xi32, #tpu.memory_space<vmem>>, %arg23: memref<128xi32, #tpu.memory_space<vmem>>, %arg24: memref<16xi32, #tpu.memory_space<vmem>>, %arg25: memref<256xi32, #tpu.memory_space<vmem>>, %arg26: memref<262144xi32, #tpu.memory_space<vmem_shared>>, %arg27: memref<262160xi32, #tpu.memory_space<vmem_shared>>, %arg28: memref<256xi32, #tpu.memory_space<vmem_shared>>, %arg29: memref<!tpu.dma_semaphore, #tpu.memory_space<semaphore_mem>>, %arg30: memref<!tpu.dma_semaphore, #tpu.memory_space<semaphore_mem>>) attributes {dimension_semantics = [#tpu.dimension_semantics<core_parallel>, #tpu.dimension_semantics<subcore_parallel>], iteration_bounds = array<i64: 2, 16>, scalar_prefetch = 0 : i64, scratch_operands = 26 : i64, tpu.core_type = #tpu.core_type<sc_vector_subcore>, window_params = [{transform_indices = #map}, {transform_indices = #map1}, {transform_indices = #map1}]} {
    %iota3A = tpu.iota {dimensions = array<i32: 0>} : vector<16xi32>
    %sub3A = arith.constant 1 : i32
    %sub3A_0 = vector.broadcast %sub3A : i32 to vector<16xi32>
    %sub3A_1 = arith.subi %iota3A, %sub3A_0 : vector<16xi32>
    %max3A = arith.constant 0 : i32
    %max3A_2 = vector.broadcast %max3A : i32 to vector<16xi32>
    %max3A_3 = arith.maxsi %sub3A_1, %max3A_2 : vector<16xi32>
    %scan3A = arith.constant 0 : i32
    %scan3A_4 = arith.constant 0 : i32
    %scan3A_5 = arith.constant 64 : i32
    %scan3A_6 = arith.addi %scan3A_4, %scan3A_5 : i32
    %scan3A_7 = arith.constant 1 : i32
    scf.for %scan3A_22 = %scan3A_4 to %scan3A_6 step %scan3A_7  : i32 {
      %broadcast_in_dim3A = arith.constant 0 : i32
      %broadcast_in_dim3A_23 = vector.broadcast %broadcast_in_dim3A : i32 to vector<16xi32>
      %mul3A = arith.constant 16 : i32
      %mul3A_24 = arith.muli %scan3A_22, %mul3A : i32
      %swap3A = arith.index_cast %mul3A_24 : i32 to index
      %swap3A_25 = tpu.vector_load %arg15[%swap3A] {strides = array<i32>} : memref<1024xi32, #tpu.memory_space<vmem>>, vector<16xi32>,
      tpu.vector_store %arg15[%swap3A], %broadcast_in_dim3A_23 {strides = array<i32>} : memref<1024xi32, #tpu.memory_space<vmem>>, vector<16xi32>,
    }
    %scan3A_8 = arith.constant 64 : i32
    %scan3A_9 = arith.constant 0 : i32
    %scan3A_10 = arith.constant 0 : i32
    %scan3A_11 = arith.constant 8 : i32
    %scan3A_12 = arith.addi %scan3A_10, %scan3A_11 : i32
    %scan3A_13 = arith.constant 1 : i32
    scf.for %scan3A_22 = %scan3A_10 to %scan3A_12 step %scan3A_13  : i32 {
      %broadcast_in_dim3A = arith.constant 1 : i32
      %broadcast_in_dim3A_23 = vector.broadcast %broadcast_in_dim3A : i32 to vector<16xi32>
      %mul3A = arith.constant 16 : i32
      %mul3A_24 = arith.muli %scan3A_22, %mul3A : i32
      %swap3A = arith.index_cast %mul3A_24 : i32 to index
      %swap3A_25 = tpu.vector_load %arg16[%swap3A] {strides = array<i32>} : memref<128xi32, #tpu.memory_space<vmem>>, vector<16xi32>,
      tpu.vector_store %arg16[%swap3A], %broadcast_in_dim3A_23 {strides = array<i32>} : memref<128xi32, #tpu.memory_space<vmem>>, vector<16xi32>,
    }
    %scan3A_14 = arith.constant 8 : i32
    %scan3A_15 = arith.constant 0 : i32
    %scan3A_16 = arith.constant 0 : i32
    %scan3A_17 = arith.constant 2 : i32
    %scan3A_18 = arith.addi %scan3A_16, %scan3A_17 : i32
    %scan3A_19 = arith.constant 1 : i32
    %scan3A_20 = scf.for %scan3A_22 = %scan3A_16 to %scan3A_18 step %scan3A_19 iter_args(%scan3A_23 = %scan3A_15) -> (i32)  : i32 {
      %mul3A = arith.constant 2 : i32
      %mul3A_24 = arith.muli %arg0, %mul3A : i32
      %add3A = arith.addi %mul3A_24, %scan3A_22 : i32
      %mul3A_25 = arith.constant 16384 : i32
      %mul3A_26 = arith.muli %arg1, %mul3A_25 : i32
      %add3A_27 = arith.constant 0 : i32
      %add3A_28 = arith.addi %mul3A_26, %add3A_27 : i32
      "tpu.region"() ({
        %run_scoped3A = tpu.sem_alloc : memref<!tpu.dma_semaphore, #tpu.memory_space<semaphore_mem>>
        %dma_start3A = tpu.memref_slice %arg27[%add3A_28] : memref<262160xi32, #tpu.memory_space<vmem_shared>> -> memref<1024xi32, #tpu.memory_space<vmem_shared>>
        %dma_start3A_249 = tpu.memref_slice %arg27[%add3A_28] : memref<262160xi32, #tpu.memory_space<vmem_shared>> -> memref<1024xi32, #tpu.memory_space<vmem_shared>>
        tpu.enqueue_dma source(%arg15 : memref<1024xi32, #tpu.memory_space<vmem>>) target(%dma_start3A_249 : memref<1024xi32, #tpu.memory_space<vmem_shared>>) target_semaphore(%run_scoped3A : memref<!tpu.dma_semaphore, #tpu.memory_space<semaphore_mem>>)
        %dma_wait3A = tpu.memref_slice %arg27[%add3A_28] : memref<262160xi32, #tpu.memory_space<vmem_shared>> -> memref<1024xi32, #tpu.memory_space<vmem_shared>>
        %dma_wait3A_250 = tpu.memref_slice %arg27[%add3A_28] : memref<262160xi32, #tpu.memory_space<vmem_shared>> -> memref<1024xi32, #tpu.memory_space<vmem_shared>>
        tpu.wait_dma2 semaphore(%run_scoped3A : memref<!tpu.dma_semaphore, #tpu.memory_space<semaphore_mem>>) src(%arg15 : memref<1024xi32, #tpu.memory_space<vmem>>) dst(%dma_wait3A_250 : memref<1024xi32, #tpu.memory_space<vmem_shared>>)
        tpu.yield
      }) : () -> ()
      %mul3A_29 = arith.constant 16384 : i32
      %mul3A_30 = arith.muli %arg1, %mul3A_29 : i32
      %add3A_31 = arith.constant 1024 : i32
      %add3A_32 = arith.addi %mul3A_30, %add3A_31 : i32
      "tpu.region"() ({
        %run_scoped3A = tpu.sem_alloc : memref<!tpu.dma_semaphore, #tpu.memory_space<semaphore_mem>>
        %dma_start3A = tpu.memref_slice %arg27[%add3A_32] : memref<262160xi32, #tpu.memory_space<vmem_shared>> -> memref<1024xi32, #tpu.memory_space<vmem_shared>>
        %dma_start3A_249 = tpu.memref_slice %arg27[%add3A_32] : memref<262160xi32, #tpu.memory_space<vmem_shared>> -> memref<1024xi32, #tpu.memory_space<vmem_shared>>
        tpu.enqueue_dma source(%arg15 : memref<1024xi32, #tpu.memory_space<vmem>>) target(%dma_start3A_249 : memref<1024xi32, #tpu.memory_space<vmem_shared>>) target_semaphore(%run_scoped3A : memref<!tpu.dma_semaphore, #tpu.memory_space<semaphore_mem>>)
        %dma_wait3A = tpu.memref_slice %arg27[%add3A_32] : memref<262160xi32, #tpu.memory_space<vmem_shared>> -> memref<1024xi32, #tpu.memory_space<vmem_shared>>
        %dma_wait3A_250 = tpu.memref_slice %arg27[%add3A_32] : memref<262160xi32, #tpu.memory_space<vmem_shared>> -> memref<1024xi32, #tpu.memory_space<vmem_shared>>
        tpu.wait_dma2 semaphore(%run_scoped3A : memref<!tpu.dma_semaphore, #tpu.memory_space<semaphore_mem>>) src(%arg15 : memref<1024xi32, #tpu.memory_space<vmem>>) dst(%dma_wait3A_250 : memref<1024xi32, #tpu.memory_space<vmem_shared>>)
        tpu.yield
      }) : () -> ()
      %mul3A_33 = arith.constant 16384 : i32
      %mul3A_34 = arith.muli %arg1, %mul3A_33 : i32
      %add3A_35 = arith.constant 2048 : i32
      %add3A_36 = arith.addi %mul3A_34, %add3A_35 : i32
      "tpu.region"() ({
        %run_scoped3A = tpu.sem_alloc : memref<!tpu.dma_semaphore, #tpu.memory_space<semaphore_mem>>
        %dma_start3A = tpu.memref_slice %arg27[%add3A_36] : memref<262160xi32, #tpu.memory_space<vmem_shared>> -> memref<1024xi32, #tpu.memory_space<vmem_shared>>
        %dma_start3A_249 = tpu.memref_slice %arg27[%add3A_36] : memref<262160xi32, #tpu.memory_space<vmem_shared>> -> memref<1024xi32, #tpu.memory_space<vmem_shared>>
        tpu.enqueue_dma source(%arg15 : memref<1024xi32, #tpu.memory_space<vmem>>) target(%dma_start3A_249 : memref<1024xi32, #tpu.memory_space<vmem_shared>>) target_semaphore(%run_scoped3A : memref<!tpu.dma_semaphore, #tpu.memory_space<semaphore_mem>>)
        %dma_wait3A = tpu.memref_slice %arg27[%add3A_36] : memref<262160xi32, #tpu.memory_space<vmem_shared>> -> memref<1024xi32, #tpu.memory_space<vmem_shared>>
        %dma_wait3A_250 = tpu.memref_slice %arg27[%add3A_36] : memref<262160xi32, #tpu.memory_space<vmem_shared>> -> memref<1024xi32, #tpu.memory_space<vmem_shared>>
        tpu.wait_dma2 semaphore(%run_scoped3A : memref<!tpu.dma_semaphore, #tpu.memory_space<semaphore_mem>>) src(%arg15 : memref<1024xi32, #tpu.memory_space<vmem>>) dst(%dma_wait3A_250 : memref<1024xi32, #tpu.memory_space<vmem_shared>>)
        tpu.yield
      }) : () -> ()
      %mul3A_37 = arith.constant 16384 : i32
      %mul3A_38 = arith.muli %arg1, %mul3A_37 : i32
      %add3A_39 = arith.constant 3072 : i32
      %add3A_40 = arith.addi %mul3A_38, %add3A_39 : i32
      "tpu.region"() ({
        %run_scoped3A = tpu.sem_alloc : memref<!tpu.dma_semaphore, #tpu.memory_space<semaphore_mem>>
        %dma_start3A = tpu.memref_slice %arg27[%add3A_40] : memref<262160xi32, #tpu.memory_space<vmem_shared>> -> memref<1024xi32, #tpu.memory_space<vmem_shared>>
        %dma_start3A_249 = tpu.memref_slice %arg27[%add3A_40] : memref<262160xi32, #tpu.memory_space<vmem_shared>> -> memref<1024xi32, #tpu.memory_space<vmem_shared>>
        tpu.enqueue_dma source(%arg15 : memref<1024xi32, #tpu.memory_space<vmem>>) target(%dma_start3A_249 : memref<1024xi32, #tpu.memory_space<vmem_shared>>) target_semaphore(%run_scoped3A : memref<!tpu.dma_semaphore, #tpu.memory_space<semaphore_mem>>)
        %dma_wait3A = tpu.memref_slice %arg27[%add3A_40] : memref<262160xi32, #tpu.memory_space<vmem_shared>> -> memref<1024xi32, #tpu.memory_space<vmem_shared>>
        %dma_wait3A_250 = tpu.memref_slice %arg27[%add3A_40] : memref<262160xi32, #tpu.memory_space<vmem_shared>> -> memref<1024xi32, #tpu.memory_space<vmem_shared>>
        tpu.wait_dma2 semaphore(%run_scoped3A : memref<!tpu.dma_semaphore, #tpu.memory_space<semaphore_mem>>) src(%arg15 : memref<1024xi32, #tpu.memory_space<vmem>>) dst(%dma_wait3A_250 : memref<1024xi32, #tpu.memory_space<vmem_shared>>)
        tpu.yield
      }) : () -> ()
      %mul3A_41 = arith.constant 16384 : i32
      %mul3A_42 = arith.muli %arg1, %mul3A_41 : i32
      %add3A_43 = arith.constant 4096 : i32
      %add3A_44 = arith.addi %mul3A_42, %add3A_43 : i32
      "tpu.region"() ({
        %run_scoped3A = tpu.sem_alloc : memref<!tpu.dma_semaphore, #tpu.memory_space<semaphore_mem>>
        %dma_start3A = tpu.memref_slice %arg27[%add3A_44] : memref<262160xi32, #tpu.memory_space<vmem_shared>> -> memref<1024xi32, #tpu.memory_space<vmem_shared>>
        %dma_start3A_249 = tpu.memref_slice %arg27[%add3A_44] : memref<262160xi32, #tpu.memory_space<vmem_shared>> -> memref<1024xi32, #tpu.memory_space<vmem_shared>>
        tpu.enqueue_dma source(%arg15 : memref<1024xi32, #tpu.memory_space<vmem>>) target(%dma_start3A_249 : memref<1024xi32, #tpu.memory_space<vmem_shared>>) target_semaphore(%run_scoped3A : memref<!tpu.dma_semaphore, #tpu.memory_space<semaphore_mem>>)
        %dma_wait3A = tpu.memref_slice %arg27[%add3A_44] : memref<262160xi32, #tpu.memory_space<vmem_shared>> -> memref<1024xi32, #tpu.memory_space<vmem_shared>>
        %dma_wait3A_250 = tpu.memref_slice %arg27[%add3A_44] : memref<262160xi32, #tpu.memory_space<vmem_shared>> -> memref<1024xi32, #tpu.memory_space<vmem_shared>>
        tpu.wait_dma2 semaphore(%run_scoped3A : memref<!tpu.dma_semaphore, #tpu.memory_space<semaphore_mem>>) src(%arg15 : memref<1024xi32, #tpu.memory_space<vmem>>) dst(%dma_wait3A_250 : memref<1024xi32, #tpu.memory_space<vmem_shared>>)
        tpu.yield
      }) : () -> ()
      %mul3A_45 = arith.constant 16384 : i32
      %mul3A_46 = arith.muli %arg1, %mul3A_45 : i32
      %add3A_47 = arith.constant 5120 : i32
      %add3A_48 = arith.addi %mul3A_46, %add3A_47 : i32
      "tpu.region"() ({
        %run_scoped3A = tpu.sem_alloc : memref<!tpu.dma_semaphore, #tpu.memory_space<semaphore_mem>>
        %dma_start3A = tpu.memref_slice %arg27[%add3A_48] : memref<262160xi32, #tpu.memory_space<vmem_shared>> -> memref<1024xi32, #tpu.memory_space<vmem_shared>>
        %dma_start3A_249 = tpu.memref_slice %arg27[%add3A_48] : memref<262160xi32, #tpu.memory_space<vmem_shared>> -> memref<1024xi32, #tpu.memory_space<vmem_shared>>
        tpu.enqueue_dma source(%arg15 : memref<1024xi32, #tpu.memory_space<vmem>>) target(%dma_start3A_249 : memref<1024xi32, #tpu.memory_space<vmem_shared>>) target_semaphore(%run_scoped3A : memref<!tpu.dma_semaphore, #tpu.memory_space<semaphore_mem>>)
        %dma_wait3A = tpu.memref_slice %arg27[%add3A_48] : memref<262160xi32, #tpu.memory_space<vmem_shared>> -> memref<1024xi32, #tpu.memory_space<vmem_shared>>
        %dma_wait3A_250 = tpu.memref_slice %arg27[%add3A_48] : memref<262160xi32, #tpu.memory_space<vmem_shared>> -> memref<1024xi32, #tpu.memory_space<vmem_shared>>
        tpu.wait_dma2 semaphore(%run_scoped3A : memref<!tpu.dma_semaphore, #tpu.memory_space<semaphore_mem>>) src(%arg15 : memref<1024xi32, #tpu.memory_space<vmem>>) dst(%dma_wait3A_250 : memref<1024xi32, #tpu.memory_space<vmem_shared>>)
        tpu.yield
      }) : () -> ()
      %mul3A_49 = arith.constant 16384 : i32
      %mul3A_50 = arith.muli %arg1, %mul3A_49 : i32
      %add3A_51 = arith.constant 6144 : i32
      %add3A_52 = arith.addi %mul3A_50, %add3A_51 : i32
      "tpu.region"() ({
        %run_scoped3A = tpu.sem_alloc : memref<!tpu.dma_semaphore, #tpu.memory_space<semaphore_mem>>
        %dma_start3A = tpu.memref_slice %arg27[%add3A_52] : memref<262160xi32, #tpu.memory_space<vmem_shared>> -> memref<1024xi32, #tpu.memory_space<vmem_shared>>
        %dma_start3A_249 = tpu.memref_slice %arg27[%add3A_52] : memref<262160xi32, #tpu.memory_space<vmem_shared>> -> memref<1024xi32, #tpu.memory_space<vmem_shared>>
        tpu.enqueue_dma source(%arg15 : memref<1024xi32, #tpu.memory_space<vmem>>) target(%dma_start3A_249 : memref<1024xi32, #tpu.memory_space<vmem_shared>>) target_semaphore(%run_scoped3A : memref<!tpu.dma_semaphore, #tpu.memory_space<semaphore_mem>>)
        %dma_wait3A = tpu.memref_slice %arg27[%add3A_52] : memref<262160xi32, #tpu.memory_space<vmem_shared>> -> memref<1024xi32, #tpu.memory_space<vmem_shared>>
        %dma_wait3A_250 = tpu.memref_slice %arg27[%add3A_52] : memref<262160xi32, #tpu.memory_space<vmem_shared>> -> memref<1024xi32, #tpu.memory_space<vmem_shared>>
        tpu.wait_dma2 semaphore(%run_scoped3A : memref<!tpu.dma_semaphore, #tpu.memory_space<semaphore_mem>>) src(%arg15 : memref<1024xi32, #tpu.memory_space<vmem>>) dst(%dma_wait3A_250 : memref<1024xi32, #tpu.memory_space<vmem_shared>>)
        tpu.yield
      }) : () -> ()
      %mul3A_53 = arith.constant 16384 : i32
      %mul3A_54 = arith.muli %arg1, %mul3A_53 : i32
      %add3A_55 = arith.constant 7168 : i32
      %add3A_56 = arith.addi %mul3A_54, %add3A_55 : i32
      "tpu.region"() ({
        %run_scoped3A = tpu.sem_alloc : memref<!tpu.dma_semaphore, #tpu.memory_space<semaphore_mem>>
        %dma_start3A = tpu.memref_slice %arg27[%add3A_56] : memref<262160xi32, #tpu.memory_space<vmem_shared>> -> memref<1024xi32, #tpu.memory_space<vmem_shared>>
        %dma_start3A_249 = tpu.memref_slice %arg27[%add3A_56] : memref<262160xi32, #tpu.memory_space<vmem_shared>> -> memref<1024xi32, #tpu.memory_space<vmem_shared>>
        tpu.enqueue_dma source(%arg15 : memref<1024xi32, #tpu.memory_space<vmem>>) target(%dma_start3A_249 : memref<1024xi32, #tpu.memory_space<vmem_shared>>) target_semaphore(%run_scoped3A : memref<!tpu.dma_semaphore, #tpu.memory_space<semaphore_mem>>)
        %dma_wait3A = tpu.memref_slice %arg27[%add3A_56] : memref<262160xi32, #tpu.memory_space<vmem_shared>> -> memref<1024xi32, #tpu.memory_space<vmem_shared>>
        %dma_wait3A_250 = tpu.memref_slice %arg27[%add3A_56] : memref<262160xi32, #tpu.memory_space<vmem_shared>> -> memref<1024xi32, #tpu.memory_space<vmem_shared>>
        tpu.wait_dma2 semaphore(%run_scoped3A : memref<!tpu.dma_semaphore, #tpu.memory_space<semaphore_mem>>) src(%arg15 : memref<1024xi32, #tpu.memory_space<vmem>>) dst(%dma_wait3A_250 : memref<1024xi32, #tpu.memory_space<vmem_shared>>)
        tpu.yield
      }) : () -> ()
      %mul3A_57 = arith.constant 16384 : i32
      %mul3A_58 = arith.muli %arg1, %mul3A_57 : i32
      %add3A_59 = arith.constant 8192 : i32
      %add3A_60 = arith.addi %mul3A_58, %add3A_59 : i32
      "tpu.region"() ({
        %run_scoped3A = tpu.sem_alloc : memref<!tpu.dma_semaphore, #tpu.memory_space<semaphore_mem>>
        %dma_start3A = tpu.memref_slice %arg27[%add3A_60] : memref<262160xi32, #tpu.memory_space<vmem_shared>> -> memref<1024xi32, #tpu.memory_space<vmem_shared>>
        %dma_start3A_249 = tpu.memref_slice %arg27[%add3A_60] : memref<262160xi32, #tpu.memory_space<vmem_shared>> -> memref<1024xi32, #tpu.memory_space<vmem_shared>>
        tpu.enqueue_dma source(%arg15 : memref<1024xi32, #tpu.memory_space<vmem>>) target(%dma_start3A_249 : memref<1024xi32, #tpu.memory_space<vmem_shared>>) target_semaphore(%run_scoped3A : memref<!tpu.dma_semaphore, #tpu.memory_space<semaphore_mem>>)
        %dma_wait3A = tpu.memref_slice %arg27[%add3A_60] : memref<262160xi32, #tpu.memory_space<vmem_shared>> -> memref<1024xi32, #tpu.memory_space<vmem_shared>>
        %dma_wait3A_250 = tpu.memref_slice %arg27[%add3A_60] : memref<262160xi32, #tpu.memory_space<vmem_shared>> -> memref<1024xi32, #tpu.memory_space<vmem_shared>>
        tpu.wait_dma2 semaphore(%run_scoped3A : memref<!tpu.dma_semaphore, #tpu.memory_space<semaphore_mem>>) src(%arg15 : memref<1024xi32, #tpu.memory_space<vmem>>) dst(%dma_wait3A_250 : memref<1024xi32, #tpu.memory_space<vmem_shared>>)
        tpu.yield
      }) : () -> ()
      %mul3A_61 = arith.constant 16384 : i32
      %mul3A_62 = arith.muli %arg1, %mul3A_61 : i32
      %add3A_63 = arith.constant 9216 : i32
      %add3A_64 = arith.addi %mul3A_62, %add3A_63 : i32
      "tpu.region"() ({
        %run_scoped3A = tpu.sem_alloc : memref<!tpu.dma_semaphore, #tpu.memory_space<semaphore_mem>>
        %dma_start3A = tpu.memref_slice %arg27[%add3A_64] : memref<262160xi32, #tpu.memory_space<vmem_shared>> -> memref<1024xi32, #tpu.memory_space<vmem_shared>>
        %dma_start3A_249 = tpu.memref_slice %arg27[%add3A_64] : memref<262160xi32, #tpu.memory_space<vmem_shared>> -> memref<1024xi32, #tpu.memory_space<vmem_shared>>
        tpu.enqueue_dma source(%arg15 : memref<1024xi32, #tpu.memory_space<vmem>>) target(%dma_start3A_249 : memref<1024xi32, #tpu.memory_space<vmem_shared>>) target_semaphore(%run_scoped3A : memref<!tpu.dma_semaphore, #tpu.memory_space<semaphore_mem>>)
        %dma_wait3A = tpu.memref_slice %arg27[%add3A_64] : memref<262160xi32, #tpu.memory_space<vmem_shared>> -> memref<1024xi32, #tpu.memory_space<vmem_shared>>
        %dma_wait3A_250 = tpu.memref_slice %arg27[%add3A_64] : memref<262160xi32, #tpu.memory_space<vmem_shared>> -> memref<1024xi32, #tpu.memory_space<vmem_shared>>
        tpu.wait_dma2 semaphore(%run_scoped3A : memref<!tpu.dma_semaphore, #tpu.memory_space<semaphore_mem>>) src(%arg15 : memref<1024xi32, #tpu.memory_space<vmem>>) dst(%dma_wait3A_250 : memref<1024xi32, #tpu.memory_space<vmem_shared>>)
        tpu.yield
      }) : () -> ()
      %mul3A_65 = arith.constant 16384 : i32
      %mul3A_66 = arith.muli %arg1, %mul3A_65 : i32
      %add3A_67 = arith.constant 10240 : i32
      %add3A_68 = arith.addi %mul3A_66, %add3A_67 : i32
      "tpu.region"() ({
        %run_scoped3A = tpu.sem_alloc : memref<!tpu.dma_semaphore, #tpu.memory_space<semaphore_mem>>
        %dma_start3A = tpu.memref_slice %arg27[%add3A_68] : memref<262160xi32, #tpu.memory_space<vmem_shared>> -> memref<1024xi32, #tpu.memory_space<vmem_shared>>
        %dma_start3A_249 = tpu.memref_slice %arg27[%add3A_68] : memref<262160xi32, #tpu.memory_space<vmem_shared>> -> memref<1024xi32, #tpu.memory_space<vmem_shared>>
        tpu.enqueue_dma source(%arg15 : memref<1024xi32, #tpu.memory_space<vmem>>) target(%dma_start3A_249 : memref<1024xi32, #tpu.memory_space<vmem_shared>>) target_semaphore(%run_scoped3A : memref<!tpu.dma_semaphore, #tpu.memory_space<semaphore_mem>>)
        %dma_wait3A = tpu.memref_slice %arg27[%add3A_68] : memref<262160xi32, #tpu.memory_space<vmem_shared>> -> memref<1024xi32, #tpu.memory_space<vmem_shared>>
        %dma_wait3A_250 = tpu.memref_slice %arg27[%add3A_68] : memref<262160xi32, #tpu.memory_space<vmem_shared>> -> memref<1024xi32, #tpu.memory_space<vmem_shared>>
        tpu.wait_dma2 semaphore(%run_scoped3A : memref<!tpu.dma_semaphore, #tpu.memory_space<semaphore_mem>>) src(%arg15 : memref<1024xi32, #tpu.memory_space<vmem>>) dst(%dma_wait3A_250 : memref<1024xi32, #tpu.memory_space<vmem_shared>>)
        tpu.yield
      }) : () -> ()
      %mul3A_69 = arith.constant 16384 : i32
      %mul3A_70 = arith.muli %arg1, %mul3A_69 : i32
      %add3A_71 = arith.constant 11264 : i32
      %add3A_72 = arith.addi %mul3A_70, %add3A_71 : i32
      "tpu.region"() ({
        %run_scoped3A = tpu.sem_alloc : memref<!tpu.dma_semaphore, #tpu.memory_space<semaphore_mem>>
        %dma_start3A = tpu.memref_slice %arg27[%add3A_72] : memref<262160xi32, #tpu.memory_space<vmem_shared>> -> memref<1024xi32, #tpu.memory_space<vmem_shared>>
        %dma_start3A_249 = tpu.memref_slice %arg27[%add3A_72] : memref<262160xi32, #tpu.memory_space<vmem_shared>> -> memref<1024xi32, #tpu.memory_space<vmem_shared>>
        tpu.enqueue_dma source(%arg15 : memref<1024xi32, #tpu.memory_space<vmem>>) target(%dma_start3A_249 : memref<1024xi32, #tpu.memory_space<vmem_shared>>) target_semaphore(%run_scoped3A : memref<!tpu.dma_semaphore, #tpu.memory_space<semaphore_mem>>)
        %dma_wait3A = tpu.memref_slice %arg27[%add3A_72] : memref<262160xi32, #tpu.memory_space<vmem_shared>> -> memref<1024xi32, #tpu.memory_space<vmem_shared>>
        %dma_wait3A_250 = tpu.memref_slice %arg27[%add3A_72] : memref<262160xi32, #tpu.memory_space<vmem_shared>> -> memref<1024xi32, #tpu.memory_space<vmem_shared>>
        tpu.wait_dma2 semaphore(%run_scoped3A : memref<!tpu.dma_semaphore, #tpu.memory_space<semaphore_mem>>) src(%arg15 : memref<1024xi32, #tpu.memory_space<vmem>>) dst(%dma_wait3A_250 : memref<1024xi32, #tpu.memory_space<vmem_shared>>)
        tpu.yield
      }) : () -> ()
      %mul3A_73 = arith.constant 16384 : i32
      %mul3A_74 = arith.muli %arg1, %mul3A_73 : i32
      %add3A_75 = arith.constant 12288 : i32
      %add3A_76 = arith.addi %mul3A_74, %add3A_75 : i32
      "tpu.region"() ({
        %run_scoped3A = tpu.sem_alloc : memref<!tpu.dma_semaphore, #tpu.memory_space<semaphore_mem>>
        %dma_start3A = tpu.memref_slice %arg27[%add3A_76] : memref<262160xi32, #tpu.memory_space<vmem_shared>> -> memref<1024xi32, #tpu.memory_space<vmem_shared>>
        %dma_start3A_249 = tpu.memref_slice %arg27[%add3A_76] : memref<262160xi32, #tpu.memory_space<vmem_shared>> -> memref<1024xi32, #tpu.memory_space<vmem_shared>>
        tpu.enqueue_dma source(%arg15 : memref<1024xi32, #tpu.memory_space<vmem>>) target(%dma_start3A_249 : memref<1024xi32, #tpu.memory_space<vmem_shared>>) target_semaphore(%run_scoped3A : memref<!tpu.dma_semaphore, #tpu.memory_space<semaphore_mem>>)
        %dma_wait3A = tpu.memref_slice %arg27[%add3A_76] : memref<262160xi32, #tpu.memory_space<vmem_shared>> -> memref<1024xi32, #tpu.memory_space<vmem_shared>>
        %dma_wait3A_250 = tpu.memref_slice %arg27[%add3A_76] : memref<262160xi32, #tpu.memory_space<vmem_shared>> -> memref<1024xi32, #tpu.memory_space<vmem_shared>>
        tpu.wait_dma2 semaphore(%run_scoped3A : memref<!tpu.dma_semaphore, #tpu.memory_space<semaphore_mem>>) src(%arg15 : memref<1024xi32, #tpu.memory_space<vmem>>) dst(%dma_wait3A_250 : memref<1024xi32, #tpu.memory_space<vmem_shared>>)
        tpu.yield
      }) : () -> ()
      %mul3A_77 = arith.constant 16384 : i32
      %mul3A_78 = arith.muli %arg1, %mul3A_77 : i32
      %add3A_79 = arith.constant 13312 : i32
      %add3A_80 = arith.addi %mul3A_78, %add3A_79 : i32
      "tpu.region"() ({
        %run_scoped3A = tpu.sem_alloc : memref<!tpu.dma_semaphore, #tpu.memory_space<semaphore_mem>>
        %dma_start3A = tpu.memref_slice %arg27[%add3A_80] : memref<262160xi32, #tpu.memory_space<vmem_shared>> -> memref<1024xi32, #tpu.memory_space<vmem_shared>>
        %dma_start3A_249 = tpu.memref_slice %arg27[%add3A_80] : memref<262160xi32, #tpu.memory_space<vmem_shared>> -> memref<1024xi32, #tpu.memory_space<vmem_shared>>
        tpu.enqueue_dma source(%arg15 : memref<1024xi32, #tpu.memory_space<vmem>>) target(%dma_start3A_249 : memref<1024xi32, #tpu.memory_space<vmem_shared>>) target_semaphore(%run_scoped3A : memref<!tpu.dma_semaphore, #tpu.memory_space<semaphore_mem>>)
        %dma_wait3A = tpu.memref_slice %arg27[%add3A_80] : memref<262160xi32, #tpu.memory_space<vmem_shared>> -> memref<1024xi32, #tpu.memory_space<vmem_shared>>
        %dma_wait3A_250 = tpu.memref_slice %arg27[%add3A_80] : memref<262160xi32, #tpu.memory_space<vmem_shared>> -> memref<1024xi32, #tpu.memory_space<vmem_shared>>
        tpu.wait_dma2 semaphore(%run_scoped3A : memref<!tpu.dma_semaphore, #tpu.memory_space<semaphore_mem>>) src(%arg15 : memref<1024xi32, #tpu.memory_space<vmem>>) dst(%dma_wait3A_250 : memref<1024xi32, #tpu.memory_space<vmem_shared>>)
        tpu.yield
      }) : () -> ()
      %mul3A_81 = arith.constant 16384 : i32
      %mul3A_82 = arith.muli %arg1, %mul3A_81 : i32
      %add3A_83 = arith.constant 14336 : i32
      %add3A_84 = arith.addi %mul3A_82, %add3A_83 : i32
      "tpu.region"() ({
        %run_scoped3A = tpu.sem_alloc : memref<!tpu.dma_semaphore, #tpu.memory_space<semaphore_mem>>
        %dma_start3A = tpu.memref_slice %arg27[%add3A_84] : memref<262160xi32, #tpu.memory_space<vmem_shared>> -> memref<1024xi32, #tpu.memory_space<vmem_shared>>
        %dma_start3A_249 = tpu.memref_slice %arg27[%add3A_84] : memref<262160xi32, #tpu.memory_space<vmem_shared>> -> memref<1024xi32, #tpu.memory_space<vmem_shared>>
        tpu.enqueue_dma source(%arg15 : memref<1024xi32, #tpu.memory_space<vmem>>) target(%dma_start3A_249 : memref<1024xi32, #tpu.memory_space<vmem_shared>>) target_semaphore(%run_scoped3A : memref<!tpu.dma_semaphore, #tpu.memory_space<semaphore_mem>>)
        %dma_wait3A = tpu.memref_slice %arg27[%add3A_84] : memref<262160xi32, #tpu.memory_space<vmem_shared>> -> memref<1024xi32, #tpu.memory_space<vmem_shared>>
        %dma_wait3A_250 = tpu.memref_slice %arg27[%add3A_84] : memref<262160xi32, #tpu.memory_space<vmem_shared>> -> memref<1024xi32, #tpu.memory_space<vmem_shared>>
        tpu.wait_dma2 semaphore(%run_scoped3A : memref<!tpu.dma_semaphore, #tpu.memory_space<semaphore_mem>>) src(%arg15 : memref<1024xi32, #tpu.memory_space<vmem>>) dst(%dma_wait3A_250 : memref<1024xi32, #tpu.memory_space<vmem_shared>>)
        tpu.yield
      }) : () -> ()
      %mul3A_85 = arith.constant 16384 : i32
      %mul3A_86 = arith.muli %arg1, %mul3A_85 : i32
      %add3A_87 = arith.constant 15360 : i32
      %add3A_88 = arith.addi %mul3A_86, %add3A_87 : i32
      "tpu.region"() ({
        %run_scoped3A = tpu.sem_alloc : memref<!tpu.dma_semaphore, #tpu.memory_space<semaphore_mem>>
        %dma_start3A = tpu.memref_slice %arg27[%add3A_88] : memref<262160xi32, #tpu.memory_space<vmem_shared>> -> memref<1024xi32, #tpu.memory_space<vmem_shared>>
        %dma_start3A_249 = tpu.memref_slice %arg27[%add3A_88] : memref<262160xi32, #tpu.memory_space<vmem_shared>> -> memref<1024xi32, #tpu.memory_space<vmem_shared>>
        tpu.enqueue_dma source(%arg15 : memref<1024xi32, #tpu.memory_space<vmem>>) target(%dma_start3A_249 : memref<1024xi32, #tpu.memory_space<vmem_shared>>) target_semaphore(%run_scoped3A : memref<!tpu.dma_semaphore, #tpu.memory_space<semaphore_mem>>)
        %dma_wait3A = tpu.memref_slice %arg27[%add3A_88] : memref<262160xi32, #tpu.memory_space<vmem_shared>> -> memref<1024xi32, #tpu.memory_space<vmem_shared>>
        %dma_wait3A_250 = tpu.memref_slice %arg27[%add3A_88] : memref<262160xi32, #tpu.memory_space<vmem_shared>> -> memref<1024xi32, #tpu.memory_space<vmem_shared>>
        tpu.wait_dma2 semaphore(%run_scoped3A : memref<!tpu.dma_semaphore, #tpu.memory_space<semaphore_mem>>) src(%arg15 : memref<1024xi32, #tpu.memory_space<vmem>>) dst(%dma_wait3A_250 : memref<1024xi32, #tpu.memory_space<vmem_shared>>)
        tpu.yield
      }) : () -> ()
      %mul3A_89 = arith.constant 16384 : i32
      %mul3A_90 = arith.muli %arg1, %mul3A_89 : i32
      %mul3A_91 = arith.constant 16384 : i32
      %mul3A_92 = arith.muli %arg1, %mul3A_91 : i32
      "tpu.region"() ({
        %run_scoped3A = tpu.sem_alloc : memref<!tpu.dma_semaphore, #tpu.memory_space<semaphore_mem>>
        %dma_start3A = tpu.memref_slice %arg26[%mul3A_92] : memref<262144xi32, #tpu.memory_space<vmem_shared>> -> memref<16384xi32, #tpu.memory_space<vmem_shared>>
        %dma_start3A_249 = tpu.memref_slice %arg2[%add3A, %mul3A_90] : memref<4x262144xi32, #tpu.memory_space<hbm>> -> memref<1x16384xi32, #tpu.memory_space<hbm>>
        %dma_start3A_250 = tpu.memref_squeeze %dma_start3A_249 : memref<1x16384xi32, #tpu.memory_space<hbm>> -> memref<16384xi32, #tpu.memory_space<hbm>>
        tpu.enqueue_dma source(%dma_start3A_250 : memref<16384xi32, #tpu.memory_space<hbm>>) target(%dma_start3A : memref<16384xi32, #tpu.memory_space<vmem_shared>>) target_semaphore(%run_scoped3A : memref<!tpu.dma_semaphore, #tpu.memory_space<semaphore_mem>>)
        %dma_wait3A = tpu.memref_slice %arg26[%mul3A_92] : memref<262144xi32, #tpu.memory_space<vmem_shared>> -> memref<16384xi32, #tpu.memory_space<vmem_shared>>
        %dma_wait3A_251 = tpu.memref_slice %arg2[%add3A, %mul3A_90] : memref<4x262144xi32, #tpu.memory_space<hbm>> -> memref<1x16384xi32, #tpu.memory_space<hbm>>
        %dma_wait3A_252 = tpu.memref_squeeze %dma_wait3A_251 : memref<1x16384xi32, #tpu.memory_space<hbm>> -> memref<16384xi32, #tpu.memory_space<hbm>>
        tpu.wait_dma2 semaphore(%run_scoped3A : memref<!tpu.dma_semaphore, #tpu.memory_space<semaphore_mem>>) src(%dma_wait3A_252 : memref<16384xi32, #tpu.memory_space<hbm>>) dst(%dma_wait3A : memref<16384xi32, #tpu.memory_space<vmem_shared>>)
        tpu.yield
      }) : () -> ()
      %scan3A_93 = arith.constant 0 : i32
      %scan3A_94 = arith.constant 0 : i32
      %scan3A_95 = arith.constant 2048 : i32
      %scan3A_96 = arith.addi %scan3A_94, %scan3A_95 : i32
      %scan3A_97 = arith.constant 4 : i32
      scf.for %scan3A_249 = %scan3A_94 to %scan3A_96 step %scan3A_97  : i32 {
        %broadcast_in_dim3A_250 = arith.constant 2147483647 : i32
        %broadcast_in_dim3A_251 = vector.broadcast %broadcast_in_dim3A_250 : i32 to vector<16xi32>
        %mul3A_252 = arith.constant 16 : i32
        %mul3A_253 = arith.muli %scan3A_249, %mul3A_252 : i32
        %swap3A_254 = arith.index_cast %mul3A_253 : i32 to index
        %swap3A_255 = tpu.vector_load %arg5[%swap3A_254] {strides = array<i32>} : memref<32768xi32, #tpu.memory_space<vmem>>, vector<16xi32>,
        tpu.vector_store %arg5[%swap3A_254], %broadcast_in_dim3A_251 {strides = array<i32>} : memref<32768xi32, #tpu.memory_space<vmem>>, vector<16xi32>,
        %scan3A_256 = arith.constant 1 : i32
        %scan3A_257 = arith.addi %scan3A_249, %scan3A_256 : i32
        %broadcast_in_dim3A_258 = arith.constant 2147483647 : i32
        %broadcast_in_dim3A_259 = vector.broadcast %broadcast_in_dim3A_258 : i32 to vector<16xi32>
        %mul3A_260 = arith.constant 16 : i32
        %mul3A_261 = arith.muli %scan3A_257, %mul3A_260 : i32
        %swap3A_262 = arith.index_cast %mul3A_261 : i32 to index
        %swap3A_263 = tpu.vector_load %arg5[%swap3A_262] {strides = array<i32>} : memref<32768xi32, #tpu.memory_space<vmem>>, vector<16xi32>,
        tpu.vector_store %arg5[%swap3A_262], %broadcast_in_dim3A_259 {strides = array<i32>} : memref<32768xi32, #tpu.memory_space<vmem>>, vector<16xi32>,
        %scan3A_264 = arith.constant 2 : i32
        %scan3A_265 = arith.addi %scan3A_249, %scan3A_264 : i32
        %broadcast_in_dim3A_266 = arith.constant 2147483647 : i32
        %broadcast_in_dim3A_267 = vector.broadcast %broadcast_in_dim3A_266 : i32 to vector<16xi32>
        %mul3A_268 = arith.constant 16 : i32
        %mul3A_269 = arith.muli %scan3A_265, %mul3A_268 : i32
        %swap3A_270 = arith.index_cast %mul3A_269 : i32 to index
        %swap3A_271 = tpu.vector_load %arg5[%swap3A_270] {strides = array<i32>} : memref<32768xi32, #tpu.memory_space<vmem>>, vector<16xi32>,
        tpu.vector_store %arg5[%swap3A_270], %broadcast_in_dim3A_267 {strides = array<i32>} : memref<32768xi32, #tpu.memory_space<vmem>>, vector<16xi32>,
        %scan3A_272 = arith.constant 3 : i32
        %scan3A_273 = arith.addi %scan3A_249, %scan3A_272 : i32
        %broadcast_in_dim3A_274 = arith.constant 2147483647 : i32
        %broadcast_in_dim3A_275 = vector.broadcast %broadcast_in_dim3A_274 : i32 to vector<16xi32>
        %mul3A_276 = arith.constant 16 : i32
        %mul3A_277 = arith.muli %scan3A_273, %mul3A_276 : i32
        %swap3A_278 = arith.index_cast %mul3A_277 : i32 to index
        %swap3A_279 = tpu.vector_load %arg5[%swap3A_278] {strides = array<i32>} : memref<32768xi32, #tpu.memory_space<vmem>>, vector<16xi32>,
        tpu.vector_store %arg5[%swap3A_278], %broadcast_in_dim3A_275 {strides = array<i32>} : memref<32768xi32, #tpu.memory_space<vmem>>, vector<16xi32>,
      }
      %scan3A_98 = arith.constant 2048 : i32
      %barrier3A = arith.constant 0 : index
      tpu.barrier barrier_id(%barrier3A)
      %scan3A_99 = arith.constant 0 : i32
      %scan3A_100 = arith.constant 0 : i32
      %scan3A_101 = arith.constant 128 : i32
      %scan3A_102 = arith.addi %scan3A_100, %scan3A_101 : i32
      %scan3A_103 = arith.constant 1 : i32
      %scan3A_104 = scf.for %scan3A_249 = %scan3A_100 to %scan3A_102 step %scan3A_103 iter_args(%scan3A_250 = %scan3A_99) -> (i32)  : i32 {
        %mul3A_251 = arith.constant 2048 : i32
        %mul3A_252 = arith.muli %scan3A_249, %mul3A_251 : i32
        "tpu.region"() ({
          %run_scoped3A = tpu.sem_alloc : memref<!tpu.dma_semaphore, #tpu.memory_space<semaphore_mem>>
          %dma_start3A = tpu.memref_slice %arg26[%mul3A_252] : memref<262144xi32, #tpu.memory_space<vmem_shared>> -> memref<2048xi32, #tpu.memory_space<vmem_shared>>
          %dma_start3A_356 = tpu.memref_slice %arg26[%mul3A_252] : memref<262144xi32, #tpu.memory_space<vmem_shared>> -> memref<2048xi32, #tpu.memory_space<vmem_shared>>
          tpu.enqueue_dma source(%dma_start3A_356 : memref<2048xi32, #tpu.memory_space<vmem_shared>>) target(%arg6 : memref<2048xi32, #tpu.memory_space<vmem>>) target_semaphore(%run_scoped3A : memref<!tpu.dma_semaphore, #tpu.memory_space<semaphore_mem>>)
          %dma_wait3A = tpu.memref_slice %arg26[%mul3A_252] : memref<262144xi32, #tpu.memory_space<vmem_shared>> -> memref<2048xi32, #tpu.memory_space<vmem_shared>>
          %dma_wait3A_357 = tpu.memref_slice %arg26[%mul3A_252] : memref<262144xi32, #tpu.memory_space<vmem_shared>> -> memref<2048xi32, #tpu.memory_space<vmem_shared>>
          tpu.wait_dma2 semaphore(%run_scoped3A : memref<!tpu.dma_semaphore, #tpu.memory_space<semaphore_mem>>) src(%dma_wait3A_357 : memref<2048xi32, #tpu.memory_space<vmem_shared>>) dst(%arg6 : memref<2048xi32, #tpu.memory_space<vmem>>)
          tpu.yield
        }) : () -> ()
        %mul3A_253 = arith.constant 2048 : i32
        %mul3A_254 = arith.muli %scan3A_249, %mul3A_253 : i32
        %scan3A_255 = arith.constant 0 : i32
        %scan3A_256 = arith.constant 0 : i32
        %scan3A_257 = arith.constant 0 : i32
        %scan3A_258 = arith.constant 64 : i32
        %scan3A_259 = arith.addi %scan3A_257, %scan3A_258 : i32
        %scan3A_260 = arith.constant 4 : i32
        %scan3A_261:2 = scf.for %scan3A_356 = %scan3A_257 to %scan3A_259 step %scan3A_260 iter_args(%scan3A_357 = %scan3A_255, %scan3A_358 = %scan3A_256) -> (i32, i32)  : i32 {
          %mul3A_359 = arith.constant 32 : i32
          %mul3A_360 = arith.muli %scan3A_356, %mul3A_359 : i32
          %get3A = arith.index_cast %mul3A_360 : i32 to index
          %get3A_361 = tpu.vector_load %arg6[%get3A] {strides = array<i32>} : memref<2048xi32, #tpu.memory_space<vmem>>, vector<16xi32>,
          %mul3A_362 = arith.constant 32 : i32
          %mul3A_363 = arith.muli %scan3A_356, %mul3A_362 : i32
          %add3A_364 = arith.constant 16 : i32
          %add3A_365 = arith.addi %mul3A_363, %add3A_364 : i32
          %get3A_366 = arith.index_cast %add3A_365 : i32 to index
          %get3A_367 = tpu.vector_load %arg6[%get3A_366] {strides = array<i32>} : memref<2048xi32, #tpu.memory_space<vmem>>, vector<16xi32>,
          %shift_right_logical3A = arith.constant 15 : i32
          %shift_right_logical3A_368 = vector.broadcast %shift_right_logical3A : i32 to vector<16xi32>
          %shift_right_logical3A_369 = arith.shrui %get3A_361, %shift_right_logical3A_368 : vector<16xi32>
          %eq3A = vector.broadcast %arg1 : i32 to vector<16xi32>
          %eq3A_370 = arith.cmpi eq, %shift_right_logical3A_369, %eq3A : vector<16xi32>
          %shift_right_logical3A_371 = arith.constant 15 : i32
          %shift_right_logical3A_372 = vector.broadcast %shift_right_logical3A_371 : i32 to vector<16xi32>
          %shift_right_logical3A_373 = arith.shrui %get3A_367, %shift_right_logical3A_372 : vector<16xi32>
          %eq3A_374 = vector.broadcast %arg1 : i32 to vector<16xi32>
          %eq3A_375 = arith.cmpi eq, %shift_right_logical3A_373, %eq3A_374 : vector<16xi32>
          %and3A_376 = arith.constant 32767 : i32
          %and3A_377 = vector.broadcast %and3A_376 : i32 to vector<16xi32>
          %and3A_378 = arith.andi %get3A_361, %and3A_377 : vector<16xi32>
          %swap3A_379 = arith.index_cast %scan3A_357 : i32 to index
          %swap3A_380 = tpu.vector_load %arg7[%swap3A_379] masked %eq3A_370 {strides = array<i32>} : memref<1040xi32, #tpu.memory_space<vmem>>, vector<16xi32>, vector<16xi1>
          tpu.vector_store %arg7[%swap3A_379], %and3A_378 masked %eq3A_370 {strides = array<i32>} : memref<1040xi32, #tpu.memory_space<vmem>>, vector<16xi32>, vector<16xi1>
          %and3A_381 = arith.constant 32767 : i32
          %and3A_382 = vector.broadcast %and3A_381 : i32 to vector<16xi32>
          %and3A_383 = arith.andi %get3A_367, %and3A_382 : vector<16xi32>
          %swap3A_384 = arith.index_cast %scan3A_358 : i32 to index
          %swap3A_385 = tpu.vector_load %arg9[%swap3A_384] masked %eq3A_375 {strides = array<i32>} : memref<1040xi32, #tpu.memory_space<vmem>>, vector<16xi32>, vector<16xi1>
          tpu.vector_store %arg9[%swap3A_384], %and3A_383 masked %eq3A_375 {strides = array<i32>} : memref<1040xi32, #tpu.memory_space<vmem>>, vector<16xi32>, vector<16xi1>
          %mul3A_386 = arith.constant 32 : i32
          %mul3A_387 = arith.muli %scan3A_356, %mul3A_386 : i32
          %add3A_388 = arith.addi %mul3A_254, %mul3A_387 : i32
          %add3A_389 = vector.broadcast %add3A_388 : i32 to vector<16xi32>
          %add3A_390 = arith.addi %add3A_389, %iota3A : vector<16xi32>
          %swap3A_391 = arith.index_cast %scan3A_357 : i32 to index
          %swap3A_392 = tpu.vector_load %arg8[%swap3A_391] masked %eq3A_370 {strides = array<i32>} : memref<1040xi32, #tpu.memory_space<vmem>>, vector<16xi32>, vector<16xi1>
          tpu.vector_store %arg8[%swap3A_391], %add3A_390 masked %eq3A_370 {strides = array<i32>} : memref<1040xi32, #tpu.memory_space<vmem>>, vector<16xi32>, vector<16xi1>
          %mul3A_393 = arith.constant 32 : i32
          %mul3A_394 = arith.muli %scan3A_356, %mul3A_393 : i32
          %add3A_395 = arith.addi %mul3A_254, %mul3A_394 : i32
          %add3A_396 = arith.constant 16 : i32
          %add3A_397 = arith.addi %add3A_395, %add3A_396 : i32
          %add3A_398 = vector.broadcast %add3A_397 : i32 to vector<16xi32>
          %add3A_399 = arith.addi %add3A_398, %iota3A : vector<16xi32>
          %swap3A_400 = arith.index_cast %scan3A_358 : i32 to index
          %swap3A_401 = tpu.vector_load %arg10[%swap3A_400] masked %eq3A_375 {strides = array<i32>} : memref<1040xi32, #tpu.memory_space<vmem>>, vector<16xi32>, vector<16xi1>
          tpu.vector_store %arg10[%swap3A_400], %add3A_399 masked %eq3A_375 {strides = array<i32>} : memref<1040xi32, #tpu.memory_space<vmem>>, vector<16xi32>, vector<16xi1>
          %convert_element_type3A = arith.extui %eq3A_370 : vector<16xi1> to vector<16xi32>
          %reduce_sum3A_402 = arith.constant true
          %reduce_sum3A_403 = vector.broadcast %reduce_sum3A_402 : i1 to vector<16xi1>
          %reduce_sum3A_404 = tpu.scan <sum>, %convert_element_type3A masked %reduce_sum3A_403 : vector<16xi32>, vector<16xi1> -> vector<16xi32>
          %reduce_sum3A_405 = vector.extract %reduce_sum3A_404[15] : i32 from vector<16xi32>
          %add3A_406 = arith.addi %scan3A_357, %reduce_sum3A_405 : i32
          %convert_element_type3A_407 = arith.extui %eq3A_375 : vector<16xi1> to vector<16xi32>
          %reduce_sum3A_408 = arith.constant true
          %reduce_sum3A_409 = vector.broadcast %reduce_sum3A_408 : i1 to vector<16xi1>
          %reduce_sum3A_410 = tpu.scan <sum>, %convert_element_type3A_407 masked %reduce_sum3A_409 : vector<16xi32>, vector<16xi1> -> vector<16xi32>
          %reduce_sum3A_411 = vector.extract %reduce_sum3A_410[15] : i32 from vector<16xi32>
          %add3A_412 = arith.addi %scan3A_358, %reduce_sum3A_411 : i32
          %scan3A_413 = arith.constant 1 : i32
          %scan3A_414 = arith.addi %scan3A_356, %scan3A_413 : i32
          %mul3A_415 = arith.constant 32 : i32
          %mul3A_416 = arith.muli %scan3A_414, %mul3A_415 : i32
          %get3A_417 = arith.index_cast %mul3A_416 : i32 to index
          %get3A_418 = tpu.vector_load %arg6[%get3A_417] {strides = array<i32>} : memref<2048xi32, #tpu.memory_space<vmem>>, vector<16xi32>,
          %mul3A_419 = arith.constant 32 : i32
          %mul3A_420 = arith.muli %scan3A_414, %mul3A_419 : i32
          %add3A_421 = arith.constant 16 : i32
          %add3A_422 = arith.addi %mul3A_420, %add3A_421 : i32
          %get3A_423 = arith.index_cast %add3A_422 : i32 to index
          %get3A_424 = tpu.vector_load %arg6[%get3A_423] {strides = array<i32>} : memref<2048xi32, #tpu.memory_space<vmem>>, vector<16xi32>,
          %shift_right_logical3A_425 = arith.constant 15 : i32
          %shift_right_logical3A_426 = vector.broadcast %shift_right_logical3A_425 : i32 to vector<16xi32>
          %shift_right_logical3A_427 = arith.shrui %get3A_418, %shift_right_logical3A_426 : vector<16xi32>
          %eq3A_428 = vector.broadcast %arg1 : i32 to vector<16xi32>
          %eq3A_429 = arith.cmpi eq, %shift_right_logical3A_427, %eq3A_428 : vector<16xi32>
          %shift_right_logical3A_430 = arith.constant 15 : i32
          %shift_right_logical3A_431 = vector.broadcast %shift_right_logical3A_430 : i32 to vector<16xi32>
          %shift_right_logical3A_432 = arith.shrui %get3A_424, %shift_right_logical3A_431 : vector<16xi32>
          %eq3A_433 = vector.broadcast %arg1 : i32 to vector<16xi32>
          %eq3A_434 = arith.cmpi eq, %shift_right_logical3A_432, %eq3A_433 : vector<16xi32>
          %and3A_435 = arith.constant 32767 : i32
          %and3A_436 = vector.broadcast %and3A_435 : i32 to vector<16xi32>
          %and3A_437 = arith.andi %get3A_418, %and3A_436 : vector<16xi32>
          %swap3A_438 = arith.index_cast %add3A_406 : i32 to index
          %swap3A_439 = tpu.vector_load %arg7[%swap3A_438] masked %eq3A_429 {strides = array<i32>} : memref<1040xi32, #tpu.memory_space<vmem>>, vector<16xi32>, vector<16xi1>
          tpu.vector_store %arg7[%swap3A_438], %and3A_437 masked %eq3A_429 {strides = array<i32>} : memref<1040xi32, #tpu.memory_space<vmem>>, vector<16xi32>, vector<16xi1>
          %and3A_440 = arith.constant 32767 : i32
          %and3A_441 = vector.broadcast %and3A_440 : i32 to vector<16xi32>
          %and3A_442 = arith.andi %get3A_424, %and3A_441 : vector<16xi32>
          %swap3A_443 = arith.index_cast %add3A_412 : i32 to index
          %swap3A_444 = tpu.vector_load %arg9[%swap3A_443] masked %eq3A_434 {strides = array<i32>} : memref<1040xi32, #tpu.memory_space<vmem>>, vector<16xi32>, vector<16xi1>
          tpu.vector_store %arg9[%swap3A_443], %and3A_442 masked %eq3A_434 {strides = array<i32>} : memref<1040xi32, #tpu.memory_space<vmem>>, vector<16xi32>, vector<16xi1>
          %mul3A_445 = arith.constant 32 : i32
          %mul3A_446 = arith.muli %scan3A_414, %mul3A_445 : i32
          %add3A_447 = arith.addi %mul3A_254, %mul3A_446 : i32
          %add3A_448 = vector.broadcast %add3A_447 : i32 to vector<16xi32>
          %add3A_449 = arith.addi %add3A_448, %iota3A : vector<16xi32>
          %swap3A_450 = arith.index_cast %add3A_406 : i32 to index
          %swap3A_451 = tpu.vector_load %arg8[%swap3A_450] masked %eq3A_429 {strides = array<i32>} : memref<1040xi32, #tpu.memory_space<vmem>>, vector<16xi32>, vector<16xi1>
          tpu.vector_store %arg8[%swap3A_450], %add3A_449 masked %eq3A_429 {strides = array<i32>} : memref<1040xi32, #tpu.memory_space<vmem>>, vector<16xi32>, vector<16xi1>
          %mul3A_452 = arith.constant 32 : i32
          %mul3A_453 = arith.muli %scan3A_414, %mul3A_452 : i32
          %add3A_454 = arith.addi %mul3A_254, %mul3A_453 : i32
          %add3A_455 = arith.constant 16 : i32
          %add3A_456 = arith.addi %add3A_454, %add3A_455 : i32
          %add3A_457 = vector.broadcast %add3A_456 : i32 to vector<16xi32>
          %add3A_458 = arith.addi %add3A_457, %iota3A : vector<16xi32>
          %swap3A_459 = arith.index_cast %add3A_412 : i32 to index
          %swap3A_460 = tpu.vector_load %arg10[%swap3A_459] masked %eq3A_434 {strides = array<i32>} : memref<1040xi32, #tpu.memory_space<vmem>>, vector<16xi32>, vector<16xi1>
          tpu.vector_store %arg10[%swap3A_459], %add3A_458 masked %eq3A_434 {strides = array<i32>} : memref<1040xi32, #tpu.memory_space<vmem>>, vector<16xi32>, vector<16xi1>
          %convert_element_type3A_461 = arith.extui %eq3A_429 : vector<16xi1> to vector<16xi32>
          %reduce_sum3A_462 = arith.constant true
          %reduce_sum3A_463 = vector.broadcast %reduce_sum3A_462 : i1 to vector<16xi1>
          %reduce_sum3A_464 = tpu.scan <sum>, %convert_element_type3A_461 masked %reduce_sum3A_463 : vector<16xi32>, vector<16xi1> -> vector<16xi32>
          %reduce_sum3A_465 = vector.extract %reduce_sum3A_464[15] : i32 from vector<16xi32>
          %add3A_466 = arith.addi %add3A_406, %reduce_sum3A_465 : i32
          %convert_element_type3A_467 = arith.extui %eq3A_434 : vector<16xi1> to vector<16xi32>
          %reduce_sum3A_468 = arith.constant true
          %reduce_sum3A_469 = vector.broadcast %reduce_sum3A_468 : i1 to vector<16xi1>
          %reduce_sum3A_470 = tpu.scan <sum>, %convert_element_type3A_467 masked %reduce_sum3A_469 : vector<16xi32>, vector<16xi1> -> vector<16xi32>
          %reduce_sum3A_471 = vector.extract %reduce_sum3A_470[15] : i32 from vector<16xi32>
          %add3A_472 = arith.addi %add3A_412, %reduce_sum3A_471 : i32
          %scan3A_473 = arith.constant 2 : i32
          %scan3A_474 = arith.addi %scan3A_356, %scan3A_473 : i32
          %mul3A_475 = arith.constant 32 : i32
          %mul3A_476 = arith.muli %scan3A_474, %mul3A_475 : i32
          %get3A_477 = arith.index_cast %mul3A_476 : i32 to index
          %get3A_478 = tpu.vector_load %arg6[%get3A_477] {strides = array<i32>} : memref<2048xi32, #tpu.memory_space<vmem>>, vector<16xi32>,
          %mul3A_479 = arith.constant 32 : i32
          %mul3A_480 = arith.muli %scan3A_474, %mul3A_479 : i32
          %add3A_481 = arith.constant 16 : i32
          %add3A_482 = arith.addi %mul3A_480, %add3A_481 : i32
          %get3A_483 = arith.index_cast %add3A_482 : i32 to index
          %get3A_484 = tpu.vector_load %arg6[%get3A_483] {strides = array<i32>} : memref<2048xi32, #tpu.memory_space<vmem>>, vector<16xi32>,
          %shift_right_logical3A_485 = arith.constant 15 : i32
          %shift_right_logical3A_486 = vector.broadcast %shift_right_logical3A_485 : i32 to vector<16xi32>
          %shift_right_logical3A_487 = arith.shrui %get3A_478, %shift_right_logical3A_486 : vector<16xi32>
          %eq3A_488 = vector.broadcast %arg1 : i32 to vector<16xi32>
          %eq3A_489 = arith.cmpi eq, %shift_right_logical3A_487, %eq3A_488 : vector<16xi32>
          %shift_right_logical3A_490 = arith.constant 15 : i32
          %shift_right_logical3A_491 = vector.broadcast %shift_right_logical3A_490 : i32 to vector<16xi32>
          %shift_right_logical3A_492 = arith.shrui %get3A_484, %shift_right_logical3A_491 : vector<16xi32>
          %eq3A_493 = vector.broadcast %arg1 : i32 to vector<16xi32>
          %eq3A_494 = arith.cmpi eq, %shift_right_logical3A_492, %eq3A_493 : vector<16xi32>
          %and3A_495 = arith.constant 32767 : i32
          %and3A_496 = vector.broadcast %and3A_495 : i32 to vector<16xi32>
          %and3A_497 = arith.andi %get3A_478, %and3A_496 : vector<16xi32>
          %swap3A_498 = arith.index_cast %add3A_466 : i32 to index
          %swap3A_499 = tpu.vector_load %arg7[%swap3A_498] masked %eq3A_489 {strides = array<i32>} : memref<1040xi32, #tpu.memory_space<vmem>>, vector<16xi32>, vector<16xi1>
          tpu.vector_store %arg7[%swap3A_498], %and3A_497 masked %eq3A_489 {strides = array<i32>} : memref<1040xi32, #tpu.memory_space<vmem>>, vector<16xi32>, vector<16xi1>
          %and3A_500 = arith.constant 32767 : i32
          %and3A_501 = vector.broadcast %and3A_500 : i32 to vector<16xi32>
          %and3A_502 = arith.andi %get3A_484, %and3A_501 : vector<16xi32>
          %swap3A_503 = arith.index_cast %add3A_472 : i32 to index
          %swap3A_504 = tpu.vector_load %arg9[%swap3A_503] masked %eq3A_494 {strides = array<i32>} : memref<1040xi32, #tpu.memory_space<vmem>>, vector<16xi32>, vector<16xi1>
          tpu.vector_store %arg9[%swap3A_503], %and3A_502 masked %eq3A_494 {strides = array<i32>} : memref<1040xi32, #tpu.memory_space<vmem>>, vector<16xi32>, vector<16xi1>
          %mul3A_505 = arith.constant 32 : i32
          %mul3A_506 = arith.muli %scan3A_474, %mul3A_505 : i32
          %add3A_507 = arith.addi %mul3A_254, %mul3A_506 : i32
          %add3A_508 = vector.broadcast %add3A_507 : i32 to vector<16xi32>
          %add3A_509 = arith.addi %add3A_508, %iota3A : vector<16xi32>
          %swap3A_510 = arith.index_cast %add3A_466 : i32 to index
          %swap3A_511 = tpu.vector_load %arg8[%swap3A_510] masked %eq3A_489 {strides = array<i32>} : memref<1040xi32, #tpu.memory_space<vmem>>, vector<16xi32>, vector<16xi1>
          tpu.vector_store %arg8[%swap3A_510], %add3A_509 masked %eq3A_489 {strides = array<i32>} : memref<1040xi32, #tpu.memory_space<vmem>>, vector<16xi32>, vector<16xi1>
          %mul3A_512 = arith.constant 32 : i32
          %mul3A_513 = arith.muli %scan3A_474, %mul3A_512 : i32
          %add3A_514 = arith.addi %mul3A_254, %mul3A_513 : i32
          %add3A_515 = arith.constant 16 : i32
          %add3A_516 = arith.addi %add3A_514, %add3A_515 : i32
          %add3A_517 = vector.broadcast %add3A_516 : i32 to vector<16xi32>
          %add3A_518 = arith.addi %add3A_517, %iota3A : vector<16xi32>
          %swap3A_519 = arith.index_cast %add3A_472 : i32 to index
          %swap3A_520 = tpu.vector_load %arg10[%swap3A_519] masked %eq3A_494 {strides = array<i32>} : memref<1040xi32, #tpu.memory_space<vmem>>, vector<16xi32>, vector<16xi1>
          tpu.vector_store %arg10[%swap3A_519], %add3A_518 masked %eq3A_494 {strides = array<i32>} : memref<1040xi32, #tpu.memory_space<vmem>>, vector<16xi32>, vector<16xi1>
          %convert_element_type3A_521 = arith.extui %eq3A_489 : vector<16xi1> to vector<16xi32>
          %reduce_sum3A_522 = arith.constant true
          %reduce_sum3A_523 = vector.broadcast %reduce_sum3A_522 : i1 to vector<16xi1>
          %reduce_sum3A_524 = tpu.scan <sum>, %convert_element_type3A_521 masked %reduce_sum3A_523 : vector<16xi32>, vector<16xi1> -> vector<16xi32>
          %reduce_sum3A_525 = vector.extract %reduce_sum3A_524[15] : i32 from vector<16xi32>
          %add3A_526 = arith.addi %add3A_466, %reduce_sum3A_525 : i32
          %convert_element_type3A_527 = arith.extui %eq3A_494 : vector<16xi1> to vector<16xi32>
          %reduce_sum3A_528 = arith.constant true
          %reduce_sum3A_529 = vector.broadcast %reduce_sum3A_528 : i1 to vector<16xi1>
          %reduce_sum3A_530 = tpu.scan <sum>, %convert_element_type3A_527 masked %reduce_sum3A_529 : vector<16xi32>, vector<16xi1> -> vector<16xi32>
          %reduce_sum3A_531 = vector.extract %reduce_sum3A_530[15] : i32 from vector<16xi32>
          %add3A_532 = arith.addi %add3A_472, %reduce_sum3A_531 : i32
          %scan3A_533 = arith.constant 3 : i32
          %scan3A_534 = arith.addi %scan3A_356, %scan3A_533 : i32
          %mul3A_535 = arith.constant 32 : i32
          %mul3A_536 = arith.muli %scan3A_534, %mul3A_535 : i32
          %get3A_537 = arith.index_cast %mul3A_536 : i32 to index
          %get3A_538 = tpu.vector_load %arg6[%get3A_537] {strides = array<i32>} : memref<2048xi32, #tpu.memory_space<vmem>>, vector<16xi32>,
          %mul3A_539 = arith.constant 32 : i32
          %mul3A_540 = arith.muli %scan3A_534, %mul3A_539 : i32
          %add3A_541 = arith.constant 16 : i32
          %add3A_542 = arith.addi %mul3A_540, %add3A_541 : i32
          %get3A_543 = arith.index_cast %add3A_542 : i32 to index
          %get3A_544 = tpu.vector_load %arg6[%get3A_543] {strides = array<i32>} : memref<2048xi32, #tpu.memory_space<vmem>>, vector<16xi32>,
          %shift_right_logical3A_545 = arith.constant 15 : i32
          %shift_right_logical3A_546 = vector.broadcast %shift_right_logical3A_545 : i32 to vector<16xi32>
          %shift_right_logical3A_547 = arith.shrui %get3A_538, %shift_right_logical3A_546 : vector<16xi32>
          %eq3A_548 = vector.broadcast %arg1 : i32 to vector<16xi32>
          %eq3A_549 = arith.cmpi eq, %shift_right_logical3A_547, %eq3A_548 : vector<16xi32>
          %shift_right_logical3A_550 = arith.constant 15 : i32
          %shift_right_logical3A_551 = vector.broadcast %shift_right_logical3A_550 : i32 to vector<16xi32>
          %shift_right_logical3A_552 = arith.shrui %get3A_544, %shift_right_logical3A_551 : vector<16xi32>
          %eq3A_553 = vector.broadcast %arg1 : i32 to vector<16xi32>
          %eq3A_554 = arith.cmpi eq, %shift_right_logical3A_552, %eq3A_553 : vector<16xi32>
          %and3A_555 = arith.constant 32767 : i32
          %and3A_556 = vector.broadcast %and3A_555 : i32 to vector<16xi32>
          %and3A_557 = arith.andi %get3A_538, %and3A_556 : vector<16xi32>
          %swap3A_558 = arith.index_cast %add3A_526 : i32 to index
          %swap3A_559 = tpu.vector_load %arg7[%swap3A_558] masked %eq3A_549 {strides = array<i32>} : memref<1040xi32, #tpu.memory_space<vmem>>, vector<16xi32>, vector<16xi1>
          tpu.vector_store %arg7[%swap3A_558], %and3A_557 masked %eq3A_549 {strides = array<i32>} : memref<1040xi32, #tpu.memory_space<vmem>>, vector<16xi32>, vector<16xi1>
          %and3A_560 = arith.constant 32767 : i32
          %and3A_561 = vector.broadcast %and3A_560 : i32 to vector<16xi32>
          %and3A_562 = arith.andi %get3A_544, %and3A_561 : vector<16xi32>
          %swap3A_563 = arith.index_cast %add3A_532 : i32 to index
          %swap3A_564 = tpu.vector_load %arg9[%swap3A_563] masked %eq3A_554 {strides = array<i32>} : memref<1040xi32, #tpu.memory_space<vmem>>, vector<16xi32>, vector<16xi1>
          tpu.vector_store %arg9[%swap3A_563], %and3A_562 masked %eq3A_554 {strides = array<i32>} : memref<1040xi32, #tpu.memory_space<vmem>>, vector<16xi32>, vector<16xi1>
          %mul3A_565 = arith.constant 32 : i32
          %mul3A_566 = arith.muli %scan3A_534, %mul3A_565 : i32
          %add3A_567 = arith.addi %mul3A_254, %mul3A_566 : i32
          %add3A_568 = vector.broadcast %add3A_567 : i32 to vector<16xi32>
          %add3A_569 = arith.addi %add3A_568, %iota3A : vector<16xi32>
          %swap3A_570 = arith.index_cast %add3A_526 : i32 to index
          %swap3A_571 = tpu.vector_load %arg8[%swap3A_570] masked %eq3A_549 {strides = array<i32>} : memref<1040xi32, #tpu.memory_space<vmem>>, vector<16xi32>, vector<16xi1>
          tpu.vector_store %arg8[%swap3A_570], %add3A_569 masked %eq3A_549 {strides = array<i32>} : memref<1040xi32, #tpu.memory_space<vmem>>, vector<16xi32>, vector<16xi1>
          %mul3A_572 = arith.constant 32 : i32
          %mul3A_573 = arith.muli %scan3A_534, %mul3A_572 : i32
          %add3A_574 = arith.addi %mul3A_254, %mul3A_573 : i32
          %add3A_575 = arith.constant 16 : i32
          %add3A_576 = arith.addi %add3A_574, %add3A_575 : i32
          %add3A_577 = vector.broadcast %add3A_576 : i32 to vector<16xi32>
          %add3A_578 = arith.addi %add3A_577, %iota3A : vector<16xi32>
          %swap3A_579 = arith.index_cast %add3A_532 : i32 to index
          %swap3A_580 = tpu.vector_load %arg10[%swap3A_579] masked %eq3A_554 {strides = array<i32>} : memref<1040xi32, #tpu.memory_space<vmem>>, vector<16xi32>, vector<16xi1>
          tpu.vector_store %arg10[%swap3A_579], %add3A_578 masked %eq3A_554 {strides = array<i32>} : memref<1040xi32, #tpu.memory_space<vmem>>, vector<16xi32>, vector<16xi1>
          %convert_element_type3A_581 = arith.extui %eq3A_549 : vector<16xi1> to vector<16xi32>
          %reduce_sum3A_582 = arith.constant true
          %reduce_sum3A_583 = vector.broadcast %reduce_sum3A_582 : i1 to vector<16xi1>
          %reduce_sum3A_584 = tpu.scan <sum>, %convert_element_type3A_581 masked %reduce_sum3A_583 : vector<16xi32>, vector<16xi1> -> vector<16xi32>
          %reduce_sum3A_585 = vector.extract %reduce_sum3A_584[15] : i32 from vector<16xi32>
          %add3A_586 = arith.addi %add3A_526, %reduce_sum3A_585 : i32
          %convert_element_type3A_587 = arith.extui %eq3A_554 : vector<16xi1> to vector<16xi32>
          %reduce_sum3A_588 = arith.constant true
          %reduce_sum3A_589 = vector.broadcast %reduce_sum3A_588 : i1 to vector<16xi1>
          %reduce_sum3A_590 = tpu.scan <sum>, %convert_element_type3A_587 masked %reduce_sum3A_589 : vector<16xi32>, vector<16xi1> -> vector<16xi32>
          %reduce_sum3A_591 = vector.extract %reduce_sum3A_590[15] : i32 from vector<16xi32>
          %add3A_592 = arith.addi %add3A_532, %reduce_sum3A_591 : i32
          scf.yield %add3A_586, %add3A_592 : i32, i32
        }
        %scan3A_262 = arith.constant 64 : i32
        %broadcast_in_dim3A_263 = arith.constant 0 : i32
        %broadcast_in_dim3A_264 = vector.broadcast %broadcast_in_dim3A_263 : i32 to vector<16xi32>
        %swap3A_265 = arith.index_cast %scan3A_261#0 : i32 to index
        %swap3A_266 = tpu.vector_load %arg7[%swap3A_265] {strides = array<i32>} : memref<1040xi32, #tpu.memory_space<vmem>>, vector<16xi32>,
        tpu.vector_store %arg7[%swap3A_265], %broadcast_in_dim3A_264 {strides = array<i32>} : memref<1040xi32, #tpu.memory_space<vmem>>, vector<16xi32>,
        %broadcast_in_dim3A_267 = arith.constant 2147483647 : i32
        %broadcast_in_dim3A_268 = vector.broadcast %broadcast_in_dim3A_267 : i32 to vector<16xi32>
        %swap3A_269 = arith.index_cast %scan3A_261#0 : i32 to index
        %swap3A_270 = tpu.vector_load %arg8[%swap3A_269] {strides = array<i32>} : memref<1040xi32, #tpu.memory_space<vmem>>, vector<16xi32>,
        tpu.vector_store %arg8[%swap3A_269], %broadcast_in_dim3A_268 {strides = array<i32>} : memref<1040xi32, #tpu.memory_space<vmem>>, vector<16xi32>,
        %broadcast_in_dim3A_271 = arith.constant 0 : i32
        %broadcast_in_dim3A_272 = vector.broadcast %broadcast_in_dim3A_271 : i32 to vector<16xi32>
        %swap3A_273 = arith.index_cast %scan3A_261#1 : i32 to index
        %swap3A_274 = tpu.vector_load %arg9[%swap3A_273] {strides = array<i32>} : memref<1040xi32, #tpu.memory_space<vmem>>, vector<16xi32>,
        tpu.vector_store %arg9[%swap3A_273], %broadcast_in_dim3A_272 {strides = array<i32>} : memref<1040xi32, #tpu.memory_space<vmem>>, vector<16xi32>,
        %broadcast_in_dim3A_275 = arith.constant 2147483647 : i32
        %broadcast_in_dim3A_276 = vector.broadcast %broadcast_in_dim3A_275 : i32 to vector<16xi32>
        %swap3A_277 = arith.index_cast %scan3A_261#1 : i32 to index
        %swap3A_278 = tpu.vector_load %arg10[%swap3A_277] {strides = array<i32>} : memref<1040xi32, #tpu.memory_space<vmem>>, vector<16xi32>,
        tpu.vector_store %arg10[%swap3A_277], %broadcast_in_dim3A_276 {strides = array<i32>} : memref<1040xi32, #tpu.memory_space<vmem>>, vector<16xi32>,
        %add3A_279 = arith.constant 15 : i32
        %add3A_280 = arith.addi %scan3A_261#0, %add3A_279 : i32
        %jit3A_281 = arith.constant 16 : i32
        %div3A_282 = arith.divsi %add3A_280, %jit3A_281 : i32
        %sign3A_283 = arith.constant 0 : i32
        %sign3A_284 = arith.cmpi sgt, %add3A_280, %sign3A_283 : i32
        %sign3A_285 = arith.extui %sign3A_284 : i1 to i32
        %sign3A_286 = arith.constant 0 : i32
        %sign3A_287 = arith.cmpi slt, %add3A_280, %sign3A_286 : i32
        %sign3A_288 = arith.extui %sign3A_287 : i1 to i32
        %sign3A_289 = arith.subi %sign3A_285, %sign3A_288 : i32
        %sign3A_290 = arith.constant 0 : i32
        %sign3A_291 = arith.cmpi sgt, %jit3A_281, %sign3A_290 : i32
        %sign3A_292 = arith.extui %sign3A_291 : i1 to i32
        %sign3A_293 = arith.constant 0 : i32
        %sign3A_294 = arith.cmpi slt, %jit3A_281, %sign3A_293 : i32
        %sign3A_295 = arith.extui %sign3A_294 : i1 to i32
        %sign3A_296 = arith.subi %sign3A_292, %sign3A_295 : i32
        %ne3A_297 = arith.cmpi ne, %sign3A_289, %sign3A_296 : i32
        %rem3A_298 = arith.remsi %add3A_280, %jit3A_281 : i32
        %ne3A_299 = arith.constant 0 : i32
        %ne3A_300 = arith.cmpi ne, %rem3A_298, %ne3A_299 : i32
        %and3A_301 = arith.andi %ne3A_297, %ne3A_300 : i1
        %sub3A_302 = arith.constant 1 : i32
        %sub3A_303 = arith.subi %div3A_282, %sub3A_302 : i32
        %select_n3A_304 = arith.select %and3A_301, %sub3A_303, %div3A_282 : i32
        %while3A_305 = arith.constant 0 : i32
        %while3A_306 = arith.constant 0 : i32
        %while3A_307 = arith.subi %select_n3A_304, %while3A_305 : i32
        %while3A_308 = arith.addi %while3A_305, %while3A_307 : i32
        %while3A_309 = arith.constant 1 : i32
        %while3A_310 = arith.divsi %while3A_307, %while3A_309 : i32
        %while3A_311 = arith.muli %while3A_310, %while3A_309 : i32
        %while3A_312 = arith.addi %while3A_305, %while3A_311 : i32
        %while3A_313 = arith.constant 1 : i32
        %while3A_314 = scf.for %while3A_356 = %while3A_305 to %while3A_312 step %while3A_313 iter_args(%while3A_357 = %while3A_306) -> (i32)  : i32 {
          %mul3A_358 = arith.constant 16 : i32
          %mul3A_359 = arith.muli %while3A_356, %mul3A_358 : i32
          %get3A = arith.index_cast %mul3A_359 : i32 to index
          %get3A_360 = tpu.vector_load %arg7[%get3A] {strides = array<i32>} : memref<1040xi32, #tpu.memory_space<vmem>>, vector<16xi32>,
          %mul3A_361 = arith.constant 16 : i32
          %mul3A_362 = arith.muli %while3A_356, %mul3A_361 : i32
          %get3A_363 = arith.index_cast %mul3A_362 : i32 to index
          %get3A_364 = tpu.vector_load %arg8[%get3A_363] {strides = array<i32>} : memref<1040xi32, #tpu.memory_space<vmem>>, vector<16xi32>,
          %gather3A_365 = tpu.vector_load_idx %arg5[%get3A_360] : memref<32768xi32, #tpu.memory_space<vmem>>[vector<16xi32>], vector<16xi32>,
          %lt3A_366 = arith.cmpi slt, %get3A_364, %gather3A_365 : vector<16xi32>
          %while3A_367 = scf.while (%while3A_369 = %lt3A_366) : (vector<16xi1>) -> vector<16xi1> {
            %convert_element_type3A = arith.extui %while3A_369 : vector<16xi1> to vector<16xi32>
            %reduce_sum3A_370 = arith.constant true
            %reduce_sum3A_371 = vector.broadcast %reduce_sum3A_370 : i1 to vector<16xi1>
            %reduce_sum3A_372 = tpu.scan <sum>, %convert_element_type3A masked %reduce_sum3A_371 : vector<16xi32>, vector<16xi1> -> vector<16xi32>
            %reduce_sum3A_373 = vector.extract %reduce_sum3A_372[15] : i32 from vector<16xi32>
            %gt3A = arith.constant 0 : i32
            %gt3A_374 = arith.cmpi sgt, %reduce_sum3A_373, %gt3A : i32
            scf.condition(%gt3A_374) %while3A_369 : vector<16xi1>
          } do {
          ^bb0(%while3A_369: vector<16xi1>):
            tpu.vector_store_idx %arg5[%get3A_360], %get3A_364 masked %while3A_369 : memref<32768xi32, #tpu.memory_space<vmem>>[vector<16xi32>], vector<16xi32>, vector<16xi1>
            %gather3A_370 = tpu.vector_load_idx %arg5[%get3A_360] masked %while3A_369 : memref<32768xi32, #tpu.memory_space<vmem>>[vector<16xi32>], vector<16xi32>, vector<16xi1>
            %lt3A_371 = arith.cmpi slt, %get3A_364, %gather3A_370 : vector<16xi32>
            %and3A_372 = arith.andi %while3A_369, %lt3A_371 : vector<16xi1>
            scf.yield %and3A_372 : vector<16xi1>
          }
          %while3A_368 = arith.constant 0 : i32
          scf.yield %while3A_368 : i32
        }
        %while3A_315 = arith.constant 1 : i32
        %while3A_316 = scf.for %while3A_356 = %while3A_312 to %while3A_308 step %while3A_315 iter_args(%while3A_357 = %while3A_314) -> (i32)  : i32 {
          %mul3A_358 = arith.constant 16 : i32
          %mul3A_359 = arith.muli %while3A_356, %mul3A_358 : i32
          %get3A = arith.index_cast %mul3A_359 : i32 to index
          %get3A_360 = tpu.vector_load %arg7[%get3A] {strides = array<i32>} : memref<1040xi32, #tpu.memory_space<vmem>>, vector<16xi32>,
          %mul3A_361 = arith.constant 16 : i32
          %mul3A_362 = arith.muli %while3A_356, %mul3A_361 : i32
          %get3A_363 = arith.index_cast %mul3A_362 : i32 to index
          %get3A_364 = tpu.vector_load %arg8[%get3A_363] {strides = array<i32>} : memref<1040xi32, #tpu.memory_space<vmem>>, vector<16xi32>,
          %gather3A_365 = tpu.vector_load_idx %arg5[%get3A_360] : memref<32768xi32, #tpu.memory_space<vmem>>[vector<16xi32>], vector<16xi32>,
          %lt3A_366 = arith.cmpi slt, %get3A_364, %gather3A_365 : vector<16xi32>
          %while3A_367 = scf.while (%while3A_369 = %lt3A_366) : (vector<16xi1>) -> vector<16xi1> {
            %convert_element_type3A = arith.extui %while3A_369 : vector<16xi1> to vector<16xi32>
            %reduce_sum3A_370 = arith.constant true
            %reduce_sum3A_371 = vector.broadcast %reduce_sum3A_370 : i1 to vector<16xi1>
            %reduce_sum3A_372 = tpu.scan <sum>, %convert_element_type3A masked %reduce_sum3A_371 : vector<16xi32>, vector<16xi1> -> vector<16xi32>
            %reduce_sum3A_373 = vector.extract %reduce_sum3A_372[15] : i32 from vector<16xi32>
            %gt3A = arith.constant 0 : i32
            %gt3A_374 = arith.cmpi sgt, %reduce_sum3A_373, %gt3A : i32
            scf.condition(%gt3A_374) %while3A_369 : vector<16xi1>
          } do {
          ^bb0(%while3A_369: vector<16xi1>):
            tpu.vector_store_idx %arg5[%get3A_360], %get3A_364 masked %while3A_369 : memref<32768xi32, #tpu.memory_space<vmem>>[vector<16xi32>], vector<16xi32>, vector<16xi1>
            %gather3A_370 = tpu.vector_load_idx %arg5[%get3A_360] masked %while3A_369 : memref<32768xi32, #tpu.memory_space<vmem>>[vector<16xi32>], vector<16xi32>, vector<16xi1>
            %lt3A_371 = arith.cmpi slt, %get3A_364, %gather3A_370 : vector<16xi32>
            %and3A_372 = arith.andi %while3A_369, %lt3A_371 : vector<16xi1>
            scf.yield %and3A_372 : vector<16xi1>
          }
          %while3A_368 = arith.constant 0 : i32
          scf.yield %while3A_368 : i32
        }
        %add3A_317 = arith.constant 15 : i32
        %add3A_318 = arith.addi %scan3A_261#1, %add3A_317 : i32
        %jit3A_319 = arith.constant 16 : i32
        %div3A_320 = arith.divsi %add3A_318, %jit3A_319 : i32
        %sign3A_321 = arith.constant 0 : i32
        %sign3A_322 = arith.cmpi sgt, %add3A_318, %sign3A_321 : i32
        %sign3A_323 = arith.extui %sign3A_322 : i1 to i32
        %sign3A_324 = arith.constant 0 : i32
        %sign3A_325 = arith.cmpi slt, %add3A_318, %sign3A_324 : i32
        %sign3A_326 = arith.extui %sign3A_325 : i1 to i32
        %sign3A_327 = arith.subi %sign3A_323, %sign3A_326 : i32
        %sign3A_328 = arith.constant 0 : i32
        %sign3A_329 = arith.cmpi sgt, %jit3A_319, %sign3A_328 : i32
        %sign3A_330 = arith.extui %sign3A_329 : i1 to i32
        %sign3A_331 = arith.constant 0 : i32
        %sign3A_332 = arith.cmpi slt, %jit3A_319, %sign3A_331 : i32
        %sign3A_333 = arith.extui %sign3A_332 : i1 to i32
        %sign3A_334 = arith.subi %sign3A_330, %sign3A_333 : i32
        %ne3A_335 = arith.cmpi ne, %sign3A_327, %sign3A_334 : i32
        %rem3A_336 = arith.remsi %add3A_318, %jit3A_319 : i32
        %ne3A_337 = arith.constant 0 : i32
        %ne3A_338 = arith.cmpi ne, %rem3A_336, %ne3A_337 : i32
        %and3A_339 = arith.andi %ne3A_335, %ne3A_338 : i1
        %sub3A_340 = arith.constant 1 : i32
        %sub3A_341 = arith.subi %div3A_320, %sub3A_340 : i32
        %select_n3A_342 = arith.select %and3A_339, %sub3A_341, %div3A_320 : i32
        %while3A_343 = arith.constant 0 : i32
        %while3A_344 = arith.constant 0 : i32
        %while3A_345 = arith.subi %select_n3A_342, %while3A_343 : i32
        %while3A_346 = arith.addi %while3A_343, %while3A_345 : i32
        %while3A_347 = arith.constant 1 : i32
        %while3A_348 = arith.divsi %while3A_345, %while3A_347 : i32
        %while3A_349 = arith.muli %while3A_348, %while3A_347 : i32
        %while3A_350 = arith.addi %while3A_343, %while3A_349 : i32
        %while3A_351 = arith.constant 1 : i32
        %while3A_352 = scf.for %while3A_356 = %while3A_343 to %while3A_350 step %while3A_351 iter_args(%while3A_357 = %while3A_344) -> (i32)  : i32 {
          %mul3A_358 = arith.constant 16 : i32
          %mul3A_359 = arith.muli %while3A_356, %mul3A_358 : i32
          %get3A = arith.index_cast %mul3A_359 : i32 to index
          %get3A_360 = tpu.vector_load %arg9[%get3A] {strides = array<i32>} : memref<1040xi32, #tpu.memory_space<vmem>>, vector<16xi32>,
          %mul3A_361 = arith.constant 16 : i32
          %mul3A_362 = arith.muli %while3A_356, %mul3A_361 : i32
          %get3A_363 = arith.index_cast %mul3A_362 : i32 to index
          %get3A_364 = tpu.vector_load %arg10[%get3A_363] {strides = array<i32>} : memref<1040xi32, #tpu.memory_space<vmem>>, vector<16xi32>,
          %gather3A_365 = tpu.vector_load_idx %arg5[%get3A_360] : memref<32768xi32, #tpu.memory_space<vmem>>[vector<16xi32>], vector<16xi32>,
          %lt3A_366 = arith.cmpi slt, %get3A_364, %gather3A_365 : vector<16xi32>
          %while3A_367 = scf.while (%while3A_369 = %lt3A_366) : (vector<16xi1>) -> vector<16xi1> {
            %convert_element_type3A = arith.extui %while3A_369 : vector<16xi1> to vector<16xi32>
            %reduce_sum3A_370 = arith.constant true
            %reduce_sum3A_371 = vector.broadcast %reduce_sum3A_370 : i1 to vector<16xi1>
            %reduce_sum3A_372 = tpu.scan <sum>, %convert_element_type3A masked %reduce_sum3A_371 : vector<16xi32>, vector<16xi1> -> vector<16xi32>
            %reduce_sum3A_373 = vector.extract %reduce_sum3A_372[15] : i32 from vector<16xi32>
            %gt3A = arith.constant 0 : i32
            %gt3A_374 = arith.cmpi sgt, %reduce_sum3A_373, %gt3A : i32
            scf.condition(%gt3A_374) %while3A_369 : vector<16xi1>
          } do {
          ^bb0(%while3A_369: vector<16xi1>):
            tpu.vector_store_idx %arg5[%get3A_360], %get3A_364 masked %while3A_369 : memref<32768xi32, #tpu.memory_space<vmem>>[vector<16xi32>], vector<16xi32>, vector<16xi1>
            %gather3A_370 = tpu.vector_load_idx %arg5[%get3A_360] masked %while3A_369 : memref<32768xi32, #tpu.memory_space<vmem>>[vector<16xi32>], vector<16xi32>, vector<16xi1>
            %lt3A_371 = arith.cmpi slt, %get3A_364, %gather3A_370 : vector<16xi32>
            %and3A_372 = arith.andi %while3A_369, %lt3A_371 : vector<16xi1>
            scf.yield %and3A_372 : vector<16xi1>
          }
          %while3A_368 = arith.constant 0 : i32
          scf.yield %while3A_368 : i32
        }
        %while3A_353 = arith.constant 1 : i32
        %while3A_354 = scf.for %while3A_356 = %while3A_350 to %while3A_346 step %while3A_353 iter_args(%while3A_357 = %while3A_352) -> (i32)  : i32 {
          %mul3A_358 = arith.constant 16 : i32
          %mul3A_359 = arith.muli %while3A_356, %mul3A_358 : i32
          %get3A = arith.index_cast %mul3A_359 : i32 to index
          %get3A_360 = tpu.vector_load %arg9[%get3A] {strides = array<i32>} : memref<1040xi32, #tpu.memory_space<vmem>>, vector<16xi32>,
          %mul3A_361 = arith.constant 16 : i32
          %mul3A_362 = arith.muli %while3A_356, %mul3A_361 : i32
          %get3A_363 = arith.index_cast %mul3A_362 : i32 to index
          %get3A_364 = tpu.vector_load %arg10[%get3A_363] {strides = array<i32>} : memref<1040xi32, #tpu.memory_space<vmem>>, vector<16xi32>,
          %gather3A_365 = tpu.vector_load_idx %arg5[%get3A_360] : memref<32768xi32, #tpu.memory_space<vmem>>[vector<16xi32>], vector<16xi32>,
          %lt3A_366 = arith.cmpi slt, %get3A_364, %gather3A_365 : vector<16xi32>
          %while3A_367 = scf.while (%while3A_369 = %lt3A_366) : (vector<16xi1>) -> vector<16xi1> {
            %convert_element_type3A = arith.extui %while3A_369 : vector<16xi1> to vector<16xi32>
            %reduce_sum3A_370 = arith.constant true
            %reduce_sum3A_371 = vector.broadcast %reduce_sum3A_370 : i1 to vector<16xi1>
            %reduce_sum3A_372 = tpu.scan <sum>, %convert_element_type3A masked %reduce_sum3A_371 : vector<16xi32>, vector<16xi1> -> vector<16xi32>
            %reduce_sum3A_373 = vector.extract %reduce_sum3A_372[15] : i32 from vector<16xi32>
            %gt3A = arith.constant 0 : i32
            %gt3A_374 = arith.cmpi sgt, %reduce_sum3A_373, %gt3A : i32
            scf.condition(%gt3A_374) %while3A_369 : vector<16xi1>
          } do {
          ^bb0(%while3A_369: vector<16xi1>):
            tpu.vector_store_idx %arg5[%get3A_360], %get3A_364 masked %while3A_369 : memref<32768xi32, #tpu.memory_space<vmem>>[vector<16xi32>], vector<16xi32>, vector<16xi1>
            %gather3A_370 = tpu.vector_load_idx %arg5[%get3A_360] masked %while3A_369 : memref<32768xi32, #tpu.memory_space<vmem>>[vector<16xi32>], vector<16xi32>, vector<16xi1>
            %lt3A_371 = arith.cmpi slt, %get3A_364, %gather3A_370 : vector<16xi32>
            %and3A_372 = arith.andi %while3A_369, %lt3A_371 : vector<16xi1>
            scf.yield %and3A_372 : vector<16xi1>
          }
          %while3A_368 = arith.constant 0 : i32
          scf.yield %while3A_368 : i32
        }
        %scan3A_355 = arith.constant 0 : i32
        scf.yield %scan3A_355 : i32
      }
      %scan3A_105 = arith.constant 128 : i32
      %scan3A_106 = arith.constant 0 : i32
      %scan3A_107 = arith.constant 0 : i32
      %scan3A_108 = arith.constant 2 : i32
      %scan3A_109 = arith.addi %scan3A_107, %scan3A_108 : i32
      %scan3A_110 = arith.constant 1 : i32
      %scan3A_111 = scf.for %scan3A_249 = %scan3A_107 to %scan3A_109 step %scan3A_110 iter_args(%scan3A_250 = %scan3A_106) -> (i32)  : i32 {
        %scan3A_251 = arith.constant 0 : i32
        %scan3A_252 = arith.constant 0 : i32
        %scan3A_253 = arith.constant 1024 : i32
        %scan3A_254 = arith.addi %scan3A_252, %scan3A_253 : i32
        %scan3A_255 = arith.constant 1 : i32
        %scan3A_256 = scf.for %scan3A_305 = %scan3A_252 to %scan3A_254 step %scan3A_255 iter_args(%scan3A_306 = %scan3A_251) -> (i32)  : i32 {
          %mul3A_307 = arith.constant 16384 : i32
          %mul3A_308 = arith.muli %scan3A_249, %mul3A_307 : i32
          %mul3A_309 = arith.constant 16 : i32
          %mul3A_310 = arith.muli %scan3A_305, %mul3A_309 : i32
          %add3A_311 = arith.addi %mul3A_308, %mul3A_310 : i32
          %get3A = arith.index_cast %add3A_311 : i32 to index
          %get3A_312 = tpu.vector_load %arg5[%get3A] {strides = array<i32>} : memref<32768xi32, #tpu.memory_space<vmem>>, vector<16xi32>,
          %ne3A_313 = arith.constant 2147483647 : i32
          %ne3A_314 = vector.broadcast %ne3A_313 : i32 to vector<16xi32>
          %ne3A_315 = arith.cmpi ne, %get3A_312, %ne3A_314 : vector<16xi32>
          %swap3A_316 = arith.index_cast %scan3A_306 : i32 to index
          %swap3A_317 = tpu.vector_load %arg11[%swap3A_316] masked %ne3A_315 {strides = array<i32>} : memref<16512xi32, #tpu.memory_space<vmem>>, vector<16xi32>, vector<16xi1>
          tpu.vector_store %arg11[%swap3A_316], %get3A_312 masked %ne3A_315 {strides = array<i32>} : memref<16512xi32, #tpu.memory_space<vmem>>, vector<16xi32>, vector<16xi1>
          %convert_element_type3A = arith.extui %ne3A_315 : vector<16xi1> to vector<16xi32>
          %reduce_sum3A_318 = arith.constant true
          %reduce_sum3A_319 = vector.broadcast %reduce_sum3A_318 : i1 to vector<16xi1>
          %reduce_sum3A_320 = tpu.scan <sum>, %convert_element_type3A masked %reduce_sum3A_319 : vector<16xi32>, vector<16xi1> -> vector<16xi32>
          %reduce_sum3A_321 = vector.extract %reduce_sum3A_320[15] : i32 from vector<16xi32>
          %add3A_322 = arith.addi %scan3A_306, %reduce_sum3A_321 : i32
          scf.yield %add3A_322 : i32
        }
        %scan3A_257 = arith.constant 1024 : i32
        %scan3A_258 = arith.constant 0 : i32
        %scan3A_259 = arith.constant 0 : i32
        %scan3A_260 = arith.constant 8 : i32
        %scan3A_261 = arith.addi %scan3A_259, %scan3A_260 : i32
        %scan3A_262 = arith.constant 1 : i32
        scf.for %scan3A_305 = %scan3A_259 to %scan3A_261 step %scan3A_262  : i32 {
          %broadcast_in_dim3A_306 = arith.constant 262144 : i32
          %broadcast_in_dim3A_307 = vector.broadcast %broadcast_in_dim3A_306 : i32 to vector<16xi32>
          %mul3A_308 = arith.constant 16 : i32
          %mul3A_309 = arith.muli %scan3A_305, %mul3A_308 : i32
          %add3A_310 = arith.addi %scan3A_256, %mul3A_309 : i32
          %swap3A_311 = arith.index_cast %add3A_310 : i32 to index
          %swap3A_312 = tpu.vector_load %arg11[%swap3A_311] {strides = array<i32>} : memref<16512xi32, #tpu.memory_space<vmem>>, vector<16xi32>,
          tpu.vector_store %arg11[%swap3A_311], %broadcast_in_dim3A_307 {strides = array<i32>} : memref<16512xi32, #tpu.memory_space<vmem>>, vector<16xi32>,
        }
        %scan3A_263 = arith.constant 8 : i32
        %add3A_264 = arith.constant 128 : i32
        %add3A_265 = arith.addi %scan3A_256, %add3A_264 : i32
        %sub3A_266 = arith.constant 1 : i32
        %sub3A_267 = arith.subi %add3A_265, %sub3A_266 : i32
        %jit3A_268 = arith.constant 128 : i32
        %div3A_269 = arith.divsi %sub3A_267, %jit3A_268 : i32
        %sign3A_270 = arith.constant 0 : i32
        %sign3A_271 = arith.cmpi sgt, %sub3A_267, %sign3A_270 : i32
        %sign3A_272 = arith.extui %sign3A_271 : i1 to i32
        %sign3A_273 = arith.constant 0 : i32
        %sign3A_274 = arith.cmpi slt, %sub3A_267, %sign3A_273 : i32
        %sign3A_275 = arith.extui %sign3A_274 : i1 to i32
        %sign3A_276 = arith.subi %sign3A_272, %sign3A_275 : i32
        %sign3A_277 = arith.constant 0 : i32
        %sign3A_278 = arith.cmpi sgt, %jit3A_268, %sign3A_277 : i32
        %sign3A_279 = arith.extui %sign3A_278 : i1 to i32
        %sign3A_280 = arith.constant 0 : i32
        %sign3A_281 = arith.cmpi slt, %jit3A_268, %sign3A_280 : i32
        %sign3A_282 = arith.extui %sign3A_281 : i1 to i32
        %sign3A_283 = arith.subi %sign3A_279, %sign3A_282 : i32
        %ne3A_284 = arith.cmpi ne, %sign3A_276, %sign3A_283 : i32
        %rem3A_285 = arith.remsi %sub3A_267, %jit3A_268 : i32
        %ne3A_286 = arith.constant 0 : i32
        %ne3A_287 = arith.cmpi ne, %rem3A_285, %ne3A_286 : i32
        %and3A_288 = arith.andi %ne3A_284, %ne3A_287 : i1
        %sub3A_289 = arith.constant 1 : i32
        %sub3A_290 = arith.subi %div3A_269, %sub3A_289 : i32
        %select_n3A_291 = arith.select %and3A_288, %sub3A_290, %div3A_269 : i32
        %while3A_292 = arith.constant 0 : i32
        %while3A_293 = arith.constant 0 : i32
        %while3A_294 = arith.subi %select_n3A_291, %while3A_292 : i32
        %while3A_295 = arith.addi %while3A_292, %while3A_294 : i32
        %while3A_296 = arith.constant 1 : i32
        %while3A_297 = arith.divsi %while3A_294, %while3A_296 : i32
        %while3A_298 = arith.muli %while3A_297, %while3A_296 : i32
        %while3A_299 = arith.addi %while3A_292, %while3A_298 : i32
        %while3A_300 = arith.constant 1 : i32
        %while3A_301 = scf.for %while3A_305 = %while3A_292 to %while3A_299 step %while3A_300 iter_args(%while3A_306 = %while3A_293) -> (i32)  : i32 {
          %mul3A_307 = arith.constant 128 : i32
          %mul3A_308 = arith.muli %while3A_305, %mul3A_307 : i32
          %add3A_309 = arith.constant 0 : i32
          %add3A_310 = arith.addi %mul3A_308, %add3A_309 : i32
          %get3A = arith.index_cast %add3A_310 : i32 to index
          %get3A_311 = tpu.vector_load %arg11[%get3A] {strides = array<i32>} : memref<16512xi32, #tpu.memory_space<vmem>>, vector<16xi32>,
          %swap3A_312 = arith.constant 0 : index
          %swap3A_313 = tpu.vector_load %arg12[%swap3A_312] {strides = array<i32>} : memref<128xi32, #tpu.memory_space<vmem>>, vector<16xi32>,
          tpu.vector_store %arg12[%swap3A_312], %get3A_311 {strides = array<i32>} : memref<128xi32, #tpu.memory_space<vmem>>, vector<16xi32>,
          %mul3A_314 = arith.constant 128 : i32
          %mul3A_315 = arith.muli %while3A_305, %mul3A_314 : i32
          %add3A_316 = arith.constant 16 : i32
          %add3A_317 = arith.addi %mul3A_315, %add3A_316 : i32
          %get3A_318 = arith.index_cast %add3A_317 : i32 to index
          %get3A_319 = tpu.vector_load %arg11[%get3A_318] {strides = array<i32>} : memref<16512xi32, #tpu.memory_space<vmem>>, vector<16xi32>,
          %swap3A_320 = arith.constant 16 : index
          %swap3A_321 = tpu.vector_load %arg12[%swap3A_320] {strides = array<i32>} : memref<128xi32, #tpu.memory_space<vmem>>, vector<16xi32>,
          tpu.vector_store %arg12[%swap3A_320], %get3A_319 {strides = array<i32>} : memref<128xi32, #tpu.memory_space<vmem>>, vector<16xi32>,
          %mul3A_322 = arith.constant 128 : i32
          %mul3A_323 = arith.muli %while3A_305, %mul3A_322 : i32
          %add3A_324 = arith.constant 32 : i32
          %add3A_325 = arith.addi %mul3A_323, %add3A_324 : i32
          %get3A_326 = arith.index_cast %add3A_325 : i32 to index
          %get3A_327 = tpu.vector_load %arg11[%get3A_326] {strides = array<i32>} : memref<16512xi32, #tpu.memory_space<vmem>>, vector<16xi32>,
          %swap3A_328 = arith.constant 32 : index
          %swap3A_329 = tpu.vector_load %arg12[%swap3A_328] {strides = array<i32>} : memref<128xi32, #tpu.memory_space<vmem>>, vector<16xi32>,
          tpu.vector_store %arg12[%swap3A_328], %get3A_327 {strides = array<i32>} : memref<128xi32, #tpu.memory_space<vmem>>, vector<16xi32>,
          %mul3A_330 = arith.constant 128 : i32
          %mul3A_331 = arith.muli %while3A_305, %mul3A_330 : i32
          %add3A_332 = arith.constant 48 : i32
          %add3A_333 = arith.addi %mul3A_331, %add3A_332 : i32
          %get3A_334 = arith.index_cast %add3A_333 : i32 to index
          %get3A_335 = tpu.vector_load %arg11[%get3A_334] {strides = array<i32>} : memref<16512xi32, #tpu.memory_space<vmem>>, vector<16xi32>,
          %swap3A_336 = arith.constant 48 : index
          %swap3A_337 = tpu.vector_load %arg12[%swap3A_336] {strides = array<i32>} : memref<128xi32, #tpu.memory_space<vmem>>, vector<16xi32>,
          tpu.vector_store %arg12[%swap3A_336], %get3A_335 {strides = array<i32>} : memref<128xi32, #tpu.memory_space<vmem>>, vector<16xi32>,
          %mul3A_338 = arith.constant 128 : i32
          %mul3A_339 = arith.muli %while3A_305, %mul3A_338 : i32
          %add3A_340 = arith.constant 64 : i32
          %add3A_341 = arith.addi %mul3A_339, %add3A_340 : i32
          %get3A_342 = arith.index_cast %add3A_341 : i32 to index
          %get3A_343 = tpu.vector_load %arg11[%get3A_342] {strides = array<i32>} : memref<16512xi32, #tpu.memory_space<vmem>>, vector<16xi32>,
          %swap3A_344 = arith.constant 64 : index
          %swap3A_345 = tpu.vector_load %arg12[%swap3A_344] {strides = array<i32>} : memref<128xi32, #tpu.memory_space<vmem>>, vector<16xi32>,
          tpu.vector_store %arg12[%swap3A_344], %get3A_343 {strides = array<i32>} : memref<128xi32, #tpu.memory_space<vmem>>, vector<16xi32>,
          %mul3A_346 = arith.constant 128 : i32
          %mul3A_347 = arith.muli %while3A_305, %mul3A_346 : i32
          %add3A_348 = arith.constant 80 : i32
          %add3A_349 = arith.addi %mul3A_347, %add3A_348 : i32
          %get3A_350 = arith.index_cast %add3A_349 : i32 to index
          %get3A_351 = tpu.vector_load %arg11[%get3A_350] {strides = array<i32>} : memref<16512xi32, #tpu.memory_space<vmem>>, vector<16xi32>,
          %swap3A_352 = arith.constant 80 : index
          %swap3A_353 = tpu.vector_load %arg12[%swap3A_352] {strides = array<i32>} : memref<128xi32, #tpu.memory_space<vmem>>, vector<16xi32>,
          tpu.vector_store %arg12[%swap3A_352], %get3A_351 {strides = array<i32>} : memref<128xi32, #tpu.memory_space<vmem>>, vector<16xi32>,
          %mul3A_354 = arith.constant 128 : i32
          %mul3A_355 = arith.muli %while3A_305, %mul3A_354 : i32
          %add3A_356 = arith.constant 96 : i32
          %add3A_357 = arith.addi %mul3A_355, %add3A_356 : i32
          %get3A_358 = arith.index_cast %add3A_357 : i32 to index
          %get3A_359 = tpu.vector_load %arg11[%get3A_358] {strides = array<i32>} : memref<16512xi32, #tpu.memory_space<vmem>>, vector<16xi32>,
          %swap3A_360 = arith.constant 96 : index
          %swap3A_361 = tpu.vector_load %arg12[%swap3A_360] {strides = array<i32>} : memref<128xi32, #tpu.memory_space<vmem>>, vector<16xi32>,
          tpu.vector_store %arg12[%swap3A_360], %get3A_359 {strides = array<i32>} : memref<128xi32, #tpu.memory_space<vmem>>, vector<16xi32>,
          %mul3A_362 = arith.constant 128 : i32
          %mul3A_363 = arith.muli %while3A_305, %mul3A_362 : i32
          %add3A_364 = arith.constant 112 : i32
          %add3A_365 = arith.addi %mul3A_363, %add3A_364 : i32
          %get3A_366 = arith.index_cast %add3A_365 : i32 to index
          %get3A_367 = tpu.vector_load %arg11[%get3A_366] {strides = array<i32>} : memref<16512xi32, #tpu.memory_space<vmem>>, vector<16xi32>,
          %swap3A_368 = arith.constant 112 : index
          %swap3A_369 = tpu.vector_load %arg12[%swap3A_368] {strides = array<i32>} : memref<128xi32, #tpu.memory_space<vmem>>, vector<16xi32>,
          tpu.vector_store %arg12[%swap3A_368], %get3A_367 {strides = array<i32>} : memref<128xi32, #tpu.memory_space<vmem>>, vector<16xi32>,
          "tpu.region"() ({
            %run_scoped3A = tpu.sem_alloc : memref<!tpu.dma_semaphore, #tpu.memory_space<semaphore_mem>>
            %dma_start3A = arith.constant 0 : i32
            %dma_start3A_371 = tpu.memref_slice %arg27[%dma_start3A] : memref<262160xi32, #tpu.memory_space<vmem_shared>> -> memref<262160xi32, #tpu.memory_space<vmem_shared>>
            tpu.enqueue_indirect_dma source(%arg16 : memref<128xi32, #tpu.memory_space<vmem>>) target(%dma_start3A_371 : memref<262160xi32, #tpu.memory_space<vmem_shared>>) offsets(%arg12 : memref<128xi32, #tpu.memory_space<vmem>>) semaphore(%run_scoped3A : memref<!tpu.dma_semaphore, #tpu.memory_space<semaphore_mem>>) {add = true}
            %dma_wait3A = arith.constant 0 : i32
            %dma_wait3A_372 = tpu.memref_slice %arg27[%dma_wait3A] : memref<262160xi32, #tpu.memory_space<vmem_shared>> -> memref<262160xi32, #tpu.memory_space<vmem_shared>>
            tpu.wait_indirect_dma semaphore(%run_scoped3A : memref<!tpu.dma_semaphore, #tpu.memory_space<semaphore_mem>>) src(%arg16 : memref<128xi32, #tpu.memory_space<vmem>>) dst(%dma_wait3A_372 : memref<262160xi32, #tpu.memory_space<vmem_shared>>)
            tpu.yield
          }) : () -> ()
          %while3A_370 = arith.constant 0 : i32
          scf.yield %while3A_370 : i32
        }
        %while3A_302 = arith.constant 1 : i32
        %while3A_303 = scf.for %while3A_305 = %while3A_299 to %while3A_295 step %while3A_302 iter_args(%while3A_306 = %while3A_301) -> (i32)  : i32 {
          %mul3A_307 = arith.constant 128 : i32
          %mul3A_308 = arith.muli %while3A_305, %mul3A_307 : i32
          %add3A_309 = arith.constant 0 : i32
          %add3A_310 = arith.addi %mul3A_308, %add3A_309 : i32
          %get3A = arith.index_cast %add3A_310 : i32 to index
          %get3A_311 = tpu.vector_load %arg11[%get3A] {strides = array<i32>} : memref<16512xi32, #tpu.memory_space<vmem>>, vector<16xi32>,
          %swap3A_312 = arith.constant 0 : index
          %swap3A_313 = tpu.vector_load %arg12[%swap3A_312] {strides = array<i32>} : memref<128xi32, #tpu.memory_space<vmem>>, vector<16xi32>,
          tpu.vector_store %arg12[%swap3A_312], %get3A_311 {strides = array<i32>} : memref<128xi32, #tpu.memory_space<vmem>>, vector<16xi32>,
          %mul3A_314 = arith.constant 128 : i32
          %mul3A_315 = arith.muli %while3A_305, %mul3A_314 : i32
          %add3A_316 = arith.constant 16 : i32
          %add3A_317 = arith.addi %mul3A_315, %add3A_316 : i32
          %get3A_318 = arith.index_cast %add3A_317 : i32 to index
          %get3A_319 = tpu.vector_load %arg11[%get3A_318] {strides = array<i32>} : memref<16512xi32, #tpu.memory_space<vmem>>, vector<16xi32>,
          %swap3A_320 = arith.constant 16 : index
          %swap3A_321 = tpu.vector_load %arg12[%swap3A_320] {strides = array<i32>} : memref<128xi32, #tpu.memory_space<vmem>>, vector<16xi32>,
          tpu.vector_store %arg12[%swap3A_320], %get3A_319 {strides = array<i32>} : memref<128xi32, #tpu.memory_space<vmem>>, vector<16xi32>,
          %mul3A_322 = arith.constant 128 : i32
          %mul3A_323 = arith.muli %while3A_305, %mul3A_322 : i32
          %add3A_324 = arith.constant 32 : i32
          %add3A_325 = arith.addi %mul3A_323, %add3A_324 : i32
          %get3A_326 = arith.index_cast %add3A_325 : i32 to index
          %get3A_327 = tpu.vector_load %arg11[%get3A_326] {strides = array<i32>} : memref<16512xi32, #tpu.memory_space<vmem>>, vector<16xi32>,
          %swap3A_328 = arith.constant 32 : index
          %swap3A_329 = tpu.vector_load %arg12[%swap3A_328] {strides = array<i32>} : memref<128xi32, #tpu.memory_space<vmem>>, vector<16xi32>,
          tpu.vector_store %arg12[%swap3A_328], %get3A_327 {strides = array<i32>} : memref<128xi32, #tpu.memory_space<vmem>>, vector<16xi32>,
          %mul3A_330 = arith.constant 128 : i32
          %mul3A_331 = arith.muli %while3A_305, %mul3A_330 : i32
          %add3A_332 = arith.constant 48 : i32
          %add3A_333 = arith.addi %mul3A_331, %add3A_332 : i32
          %get3A_334 = arith.index_cast %add3A_333 : i32 to index
          %get3A_335 = tpu.vector_load %arg11[%get3A_334] {strides = array<i32>} : memref<16512xi32, #tpu.memory_space<vmem>>, vector<16xi32>,
          %swap3A_336 = arith.constant 48 : index
          %swap3A_337 = tpu.vector_load %arg12[%swap3A_336] {strides = array<i32>} : memref<128xi32, #tpu.memory_space<vmem>>, vector<16xi32>,
          tpu.vector_store %arg12[%swap3A_336], %get3A_335 {strides = array<i32>} : memref<128xi32, #tpu.memory_space<vmem>>, vector<16xi32>,
          %mul3A_338 = arith.constant 128 : i32
          %mul3A_339 = arith.muli %while3A_305, %mul3A_338 : i32
          %add3A_340 = arith.constant 64 : i32
          %add3A_341 = arith.addi %mul3A_339, %add3A_340 : i32
          %get3A_342 = arith.index_cast %add3A_341 : i32 to index
          %get3A_343 = tpu.vector_load %arg11[%get3A_342] {strides = array<i32>} : memref<16512xi32, #tpu.memory_space<vmem>>, vector<16xi32>,
          %swap3A_344 = arith.constant 64 : index
          %swap3A_345 = tpu.vector_load %arg12[%swap3A_344] {strides = array<i32>} : memref<128xi32, #tpu.memory_space<vmem>>, vector<16xi32>,
          tpu.vector_store %arg12[%swap3A_344], %get3A_343 {strides = array<i32>} : memref<128xi32, #tpu.memory_space<vmem>>, vector<16xi32>,
          %mul3A_346 = arith.constant 128 : i32
          %mul3A_347 = arith.muli %while3A_305, %mul3A_346 : i32
          %add3A_348 = arith.constant 80 : i32
          %add3A_349 = arith.addi %mul3A_347, %add3A_348 : i32
          %get3A_350 = arith.index_cast %add3A_349 : i32 to index
          %get3A_351 = tpu.vector_load %arg11[%get3A_350] {strides = array<i32>} : memref<16512xi32, #tpu.memory_space<vmem>>, vector<16xi32>,
          %swap3A_352 = arith.constant 80 : index
          %swap3A_353 = tpu.vector_load %arg12[%swap3A_352] {strides = array<i32>} : memref<128xi32, #tpu.memory_space<vmem>>, vector<16xi32>,
          tpu.vector_store %arg12[%swap3A_352], %get3A_351 {strides = array<i32>} : memref<128xi32, #tpu.memory_space<vmem>>, vector<16xi32>,
          %mul3A_354 = arith.constant 128 : i32
          %mul3A_355 = arith.muli %while3A_305, %mul3A_354 : i32
          %add3A_356 = arith.constant 96 : i32
          %add3A_357 = arith.addi %mul3A_355, %add3A_356 : i32
          %get3A_358 = arith.index_cast %add3A_357 : i32 to index
          %get3A_359 = tpu.vector_load %arg11[%get3A_358] {strides = array<i32>} : memref<16512xi32, #tpu.memory_space<vmem>>, vector<16xi32>,
          %swap3A_360 = arith.constant 96 : index
          %swap3A_361 = tpu.vector_load %arg12[%swap3A_360] {strides = array<i32>} : memref<128xi32, #tpu.memory_space<vmem>>, vector<16xi32>,
          tpu.vector_store %arg12[%swap3A_360], %get3A_359 {strides = array<i32>} : memref<128xi32, #tpu.memory_space<vmem>>, vector<16xi32>,
          %mul3A_362 = arith.constant 128 : i32
          %mul3A_363 = arith.muli %while3A_305, %mul3A_362 : i32
          %add3A_364 = arith.constant 112 : i32
          %add3A_365 = arith.addi %mul3A_363, %add3A_364 : i32
          %get3A_366 = arith.index_cast %add3A_365 : i32 to index
          %get3A_367 = tpu.vector_load %arg11[%get3A_366] {strides = array<i32>} : memref<16512xi32, #tpu.memory_space<vmem>>, vector<16xi32>,
          %swap3A_368 = arith.constant 112 : index
          %swap3A_369 = tpu.vector_load %arg12[%swap3A_368] {strides = array<i32>} : memref<128xi32, #tpu.memory_space<vmem>>, vector<16xi32>,
          tpu.vector_store %arg12[%swap3A_368], %get3A_367 {strides = array<i32>} : memref<128xi32, #tpu.memory_space<vmem>>, vector<16xi32>,
          "tpu.region"() ({
            %run_scoped3A = tpu.sem_alloc : memref<!tpu.dma_semaphore, #tpu.memory_space<semaphore_mem>>
            %dma_start3A = arith.constant 0 : i32
            %dma_start3A_371 = tpu.memref_slice %arg27[%dma_start3A] : memref<262160xi32, #tpu.memory_space<vmem_shared>> -> memref<262160xi32, #tpu.memory_space<vmem_shared>>
            tpu.enqueue_indirect_dma source(%arg16 : memref<128xi32, #tpu.memory_space<vmem>>) target(%dma_start3A_371 : memref<262160xi32, #tpu.memory_space<vmem_shared>>) offsets(%arg12 : memref<128xi32, #tpu.memory_space<vmem>>) semaphore(%run_scoped3A : memref<!tpu.dma_semaphore, #tpu.memory_space<semaphore_mem>>) {add = true}
            %dma_wait3A = arith.constant 0 : i32
            %dma_wait3A_372 = tpu.memref_slice %arg27[%dma_wait3A] : memref<262160xi32, #tpu.memory_space<vmem_shared>> -> memref<262160xi32, #tpu.memory_space<vmem_shared>>
            tpu.wait_indirect_dma semaphore(%run_scoped3A : memref<!tpu.dma_semaphore, #tpu.memory_space<semaphore_mem>>) src(%arg16 : memref<128xi32, #tpu.memory_space<vmem>>) dst(%dma_wait3A_372 : memref<262160xi32, #tpu.memory_space<vmem_shared>>)
            tpu.yield
          }) : () -> ()
          %while3A_370 = arith.constant 0 : i32
          scf.yield %while3A_370 : i32
        }
        %scan3A_304 = arith.constant 0 : i32
        scf.yield %scan3A_304 : i32
      }
      %scan3A_112 = arith.constant 2 : i32
      %barrier3A_113 = arith.constant 0 : index
      tpu.barrier barrier_id(%barrier3A_113)
      %mul3A_114 = arith.constant 16384 : i32
      %mul3A_115 = arith.muli %arg1, %mul3A_114 : i32
      "tpu.region"() ({
        %run_scoped3A = tpu.sem_alloc : memref<!tpu.dma_semaphore, #tpu.memory_space<semaphore_mem>>
        %dma_start3A = tpu.memref_slice %arg27[%mul3A_115] : memref<262160xi32, #tpu.memory_space<vmem_shared>> -> memref<16384xi32, #tpu.memory_space<vmem_shared>>
        %dma_start3A_249 = tpu.memref_slice %arg27[%mul3A_115] : memref<262160xi32, #tpu.memory_space<vmem_shared>> -> memref<16384xi32, #tpu.memory_space<vmem_shared>>
        tpu.enqueue_dma source(%dma_start3A_249 : memref<16384xi32, #tpu.memory_space<vmem_shared>>) target(%arg13 : memref<16384xi32, #tpu.memory_space<vmem>>) target_semaphore(%run_scoped3A : memref<!tpu.dma_semaphore, #tpu.memory_space<semaphore_mem>>)
        %dma_wait3A = tpu.memref_slice %arg27[%mul3A_115] : memref<262160xi32, #tpu.memory_space<vmem_shared>> -> memref<16384xi32, #tpu.memory_space<vmem_shared>>
        %dma_wait3A_250 = tpu.memref_slice %arg27[%mul3A_115] : memref<262160xi32, #tpu.memory_space<vmem_shared>> -> memref<16384xi32, #tpu.memory_space<vmem_shared>>
        tpu.wait_dma2 semaphore(%run_scoped3A : memref<!tpu.dma_semaphore, #tpu.memory_space<semaphore_mem>>) src(%dma_wait3A_250 : memref<16384xi32, #tpu.memory_space<vmem_shared>>) dst(%arg13 : memref<16384xi32, #tpu.memory_space<vmem>>)
        tpu.yield
      }) : () -> ()
      %broadcast_in_dim3A = arith.constant 0 : i32
      %broadcast_in_dim3A_116 = vector.broadcast %broadcast_in_dim3A : i32 to vector<16xi32>
      %scan3A_117 = arith.constant 0 : i32
      %scan3A_118 = arith.constant 1024 : i32
      %scan3A_119 = arith.addi %scan3A_117, %scan3A_118 : i32
      %scan3A_120 = arith.constant 4 : i32
      %scan3A_121 = scf.for %scan3A_249 = %scan3A_117 to %scan3A_119 step %scan3A_120 iter_args(%scan3A_250 = %broadcast_in_dim3A_116) -> (vector<16xi32>)  : i32 {
        %mul3A_251 = arith.constant 16 : i32
        %mul3A_252 = arith.muli %scan3A_249, %mul3A_251 : i32
        %get3A = arith.index_cast %mul3A_252 : i32 to index
        %get3A_253 = tpu.vector_load %arg13[%get3A] {strides = array<i32>} : memref<16384xi32, #tpu.memory_space<vmem>>, vector<16xi32>,
        %add3A_254 = arith.addi %scan3A_250, %get3A_253 : vector<16xi32>
        %scan3A_255 = arith.constant 1 : i32
        %scan3A_256 = arith.addi %scan3A_249, %scan3A_255 : i32
        %mul3A_257 = arith.constant 16 : i32
        %mul3A_258 = arith.muli %scan3A_256, %mul3A_257 : i32
        %get3A_259 = arith.index_cast %mul3A_258 : i32 to index
        %get3A_260 = tpu.vector_load %arg13[%get3A_259] {strides = array<i32>} : memref<16384xi32, #tpu.memory_space<vmem>>, vector<16xi32>,
        %add3A_261 = arith.addi %add3A_254, %get3A_260 : vector<16xi32>
        %scan3A_262 = arith.constant 2 : i32
        %scan3A_263 = arith.addi %scan3A_249, %scan3A_262 : i32
        %mul3A_264 = arith.constant 16 : i32
        %mul3A_265 = arith.muli %scan3A_263, %mul3A_264 : i32
        %get3A_266 = arith.index_cast %mul3A_265 : i32 to index
        %get3A_267 = tpu.vector_load %arg13[%get3A_266] {strides = array<i32>} : memref<16384xi32, #tpu.memory_space<vmem>>, vector<16xi32>,
        %add3A_268 = arith.addi %add3A_261, %get3A_267 : vector<16xi32>
        %scan3A_269 = arith.constant 3 : i32
        %scan3A_270 = arith.addi %scan3A_249, %scan3A_269 : i32
        %mul3A_271 = arith.constant 16 : i32
        %mul3A_272 = arith.muli %scan3A_270, %mul3A_271 : i32
        %get3A_273 = arith.index_cast %mul3A_272 : i32 to index
        %get3A_274 = tpu.vector_load %arg13[%get3A_273] {strides = array<i32>} : memref<16384xi32, #tpu.memory_space<vmem>>, vector<16xi32>,
        %add3A_275 = arith.addi %add3A_268, %get3A_274 : vector<16xi32>
        scf.yield %add3A_275 : vector<16xi32>
      }
      %scan3A_122 = arith.constant 1024 : i32
      %reduce_sum3A = arith.constant true
      %reduce_sum3A_123 = vector.broadcast %reduce_sum3A : i1 to vector<16xi1>
      %reduce_sum3A_124 = tpu.scan <sum>, %scan3A_121 masked %reduce_sum3A_123 : vector<16xi32>, vector<16xi1> -> vector<16xi32>
      %reduce_sum3A_125 = vector.extract %reduce_sum3A_124[15] : i32 from vector<16xi32>
      %broadcast_in_dim3A_126 = vector.broadcast %reduce_sum3A_125 : i32 to vector<16xi32>
      %swap3A = arith.constant 0 : index
      %swap3A_127 = tpu.vector_load %arg24[%swap3A] {strides = array<i32>} : memref<16xi32, #tpu.memory_space<vmem>>, vector<16xi32>,
      tpu.vector_store %arg24[%swap3A], %broadcast_in_dim3A_126 {strides = array<i32>} : memref<16xi32, #tpu.memory_space<vmem>>, vector<16xi32>,
      %mul3A_128 = arith.constant 16 : i32
      %mul3A_129 = arith.muli %arg1, %mul3A_128 : i32
      "tpu.region"() ({
        %run_scoped3A = tpu.sem_alloc : memref<!tpu.dma_semaphore, #tpu.memory_space<semaphore_mem>>
        %dma_start3A = tpu.memref_slice %arg28[%mul3A_129] : memref<256xi32, #tpu.memory_space<vmem_shared>> -> memref<16xi32, #tpu.memory_space<vmem_shared>>
        %dma_start3A_249 = tpu.memref_slice %arg28[%mul3A_129] : memref<256xi32, #tpu.memory_space<vmem_shared>> -> memref<16xi32, #tpu.memory_space<vmem_shared>>
        tpu.enqueue_dma source(%arg24 : memref<16xi32, #tpu.memory_space<vmem>>) target(%dma_start3A_249 : memref<16xi32, #tpu.memory_space<vmem_shared>>) target_semaphore(%run_scoped3A : memref<!tpu.dma_semaphore, #tpu.memory_space<semaphore_mem>>)
        %dma_wait3A = tpu.memref_slice %arg28[%mul3A_129] : memref<256xi32, #tpu.memory_space<vmem_shared>> -> memref<16xi32, #tpu.memory_space<vmem_shared>>
        %dma_wait3A_250 = tpu.memref_slice %arg28[%mul3A_129] : memref<256xi32, #tpu.memory_space<vmem_shared>> -> memref<16xi32, #tpu.memory_space<vmem_shared>>
        tpu.wait_dma2 semaphore(%run_scoped3A : memref<!tpu.dma_semaphore, #tpu.memory_space<semaphore_mem>>) src(%arg24 : memref<16xi32, #tpu.memory_space<vmem>>) dst(%dma_wait3A_250 : memref<16xi32, #tpu.memory_space<vmem_shared>>)
        tpu.yield
      }) : () -> ()
      %barrier3A_130 = arith.constant 0 : index
      tpu.barrier barrier_id(%barrier3A_130)
      "tpu.region"() ({
        %run_scoped3A = tpu.sem_alloc : memref<!tpu.dma_semaphore, #tpu.memory_space<semaphore_mem>>
        tpu.enqueue_dma source(%arg28 : memref<256xi32, #tpu.memory_space<vmem_shared>>) target(%arg25 : memref<256xi32, #tpu.memory_space<vmem>>) target_semaphore(%run_scoped3A : memref<!tpu.dma_semaphore, #tpu.memory_space<semaphore_mem>>)
        tpu.wait_dma2 semaphore(%run_scoped3A : memref<!tpu.dma_semaphore, #tpu.memory_space<semaphore_mem>>) src(%arg28 : memref<256xi32, #tpu.memory_space<vmem_shared>>) dst(%arg25 : memref<256xi32, #tpu.memory_space<vmem>>)
        tpu.yield
      }) : () -> ()
      %mul3A_131 = arith.constant 16 : i32
      %mul3A_132 = vector.broadcast %mul3A_131 : i32 to vector<16xi32>
      %mul3A_133 = arith.muli %iota3A, %mul3A_132 : vector<16xi32>
      %gather3A = tpu.vector_load_idx %arg25[%mul3A_133] : memref<256xi32, #tpu.memory_space<vmem>>[vector<16xi32>], vector<16xi32>,
      %broadcast_in_dim3A_134 = arith.constant 0 : i32
      %broadcast_in_dim3A_135 = vector.broadcast %broadcast_in_dim3A_134 : i32 to vector<16xi32>
      %lt3A = vector.broadcast %arg1 : i32 to vector<16xi32>
      %lt3A_136 = arith.cmpi slt, %iota3A, %lt3A : vector<16xi32>
      %select_n3A = arith.select %lt3A_136, %gather3A, %broadcast_in_dim3A_135 : vector<16xi1>, vector<16xi32>
      %reduce_sum3A_137 = arith.constant true
      %reduce_sum3A_138 = vector.broadcast %reduce_sum3A_137 : i1 to vector<16xi1>
      %reduce_sum3A_139 = tpu.scan <sum>, %select_n3A masked %reduce_sum3A_138 : vector<16xi32>, vector<16xi1> -> vector<16xi32>
      %reduce_sum3A_140 = vector.extract %reduce_sum3A_139[15] : i32 from vector<16xi32>
      %reduce_sum3A_141 = arith.constant true
      %reduce_sum3A_142 = vector.broadcast %reduce_sum3A_141 : i1 to vector<16xi1>
      %reduce_sum3A_143 = tpu.scan <sum>, %gather3A masked %reduce_sum3A_142 : vector<16xi32>, vector<16xi1> -> vector<16xi32>
      %reduce_sum3A_144 = vector.extract %reduce_sum3A_143[15] : i32 from vector<16xi32>
      %scan3A_145 = arith.constant 0 : i32
      %scan3A_146 = arith.constant 0 : i32
      %scan3A_147 = arith.constant 1024 : i32
      %scan3A_148 = arith.addi %scan3A_146, %scan3A_147 : i32
      %scan3A_149 = arith.constant 1 : i32
      %scan3A_150 = scf.for %scan3A_249 = %scan3A_146 to %scan3A_148 step %scan3A_149 iter_args(%scan3A_250 = %scan3A_145) -> (i32)  : i32 {
        %mul3A_251 = arith.constant 16 : i32
        %mul3A_252 = arith.muli %scan3A_249, %mul3A_251 : i32
        %get3A = arith.index_cast %mul3A_252 : i32 to index
        %get3A_253 = tpu.vector_load %arg13[%get3A] {strides = array<i32>} : memref<16384xi32, #tpu.memory_space<vmem>>, vector<16xi32>,
        %gt3A = arith.constant 0 : i32
        %gt3A_254 = vector.broadcast %gt3A : i32 to vector<16xi32>
        %gt3A_255 = arith.cmpi sgt, %get3A_253, %gt3A_254 : vector<16xi32>
        %mul3A_256 = arith.constant 16384 : i32
        %mul3A_257 = arith.muli %arg1, %mul3A_256 : i32
        %mul3A_258 = arith.constant 16 : i32
        %mul3A_259 = arith.muli %scan3A_249, %mul3A_258 : i32
        %add3A_260 = arith.addi %mul3A_257, %mul3A_259 : i32
        %add3A_261 = vector.broadcast %add3A_260 : i32 to vector<16xi32>
        %add3A_262 = arith.addi %add3A_261, %iota3A : vector<16xi32>
        %swap3A_263 = arith.index_cast %scan3A_250 : i32 to index
        %swap3A_264 = tpu.vector_load %arg14[%swap3A_263] masked %gt3A_255 {strides = array<i32>} : memref<16400xi32, #tpu.memory_space<vmem>>, vector<16xi32>, vector<16xi1>
        tpu.vector_store %arg14[%swap3A_263], %add3A_262 masked %gt3A_255 {strides = array<i32>} : memref<16400xi32, #tpu.memory_space<vmem>>, vector<16xi32>, vector<16xi1>
        %convert_element_type3A = arith.extui %gt3A_255 : vector<16xi1> to vector<16xi32>
        %reduce_sum3A_265 = arith.constant true
        %reduce_sum3A_266 = vector.broadcast %reduce_sum3A_265 : i1 to vector<16xi1>
        %reduce_sum3A_267 = tpu.scan <sum>, %convert_element_type3A masked %reduce_sum3A_266 : vector<16xi32>, vector<16xi1> -> vector<16xi32>
        %reduce_sum3A_268 = vector.extract %reduce_sum3A_267[15] : i32 from vector<16xi32>
        %add3A_269 = arith.addi %scan3A_250, %reduce_sum3A_268 : i32
        scf.yield %add3A_269 : i32
      }
      %scan3A_151 = arith.constant 1024 : i32
      %sub3A_152 = arith.constant 16384 : i32
      %sub3A_153 = arith.subi %sub3A_152, %reduce_sum3A_140 : i32
      %jit3A = arith.constant 0 : i32
      %max3A_154 = arith.maxsi %jit3A, %sub3A_153 : i32
      %min3A = arith.minsi %scan3A_150, %max3A_154 : i32
      %mul3A_155 = arith.constant 16400 : i32
      %mul3A_156 = arith.muli %add3A, %mul3A_155 : i32
      %add3A_157 = arith.addi %mul3A_156, %reduce_sum3A_140 : i32
      %mul3A_158 = arith.constant 3 : i32
      %mul3A_159 = arith.muli %add3A_157, %mul3A_158 : i32
      %mul3A_160 = arith.constant 16400 : i32
      %mul3A_161 = arith.muli %add3A, %mul3A_160 : i32
      %add3A_162 = arith.constant 16384 : i32
      %add3A_163 = arith.addi %mul3A_161, %add3A_162 : i32
      %mul3A_164 = arith.constant 3 : i32
      %mul3A_165 = arith.muli %add3A_163, %mul3A_164 : i32
      %add3A_166 = arith.constant 127 : i32
      %add3A_167 = arith.addi %min3A, %add3A_166 : i32
      %jit3A_168 = arith.constant 128 : i32
      %div3A = arith.divsi %add3A_167, %jit3A_168 : i32
      %sign3A = arith.constant 0 : i32
      %sign3A_169 = arith.cmpi sgt, %add3A_167, %sign3A : i32
      %sign3A_170 = arith.extui %sign3A_169 : i1 to i32
      %sign3A_171 = arith.constant 0 : i32
      %sign3A_172 = arith.cmpi slt, %add3A_167, %sign3A_171 : i32
      %sign3A_173 = arith.extui %sign3A_172 : i1 to i32
      %sign3A_174 = arith.subi %sign3A_170, %sign3A_173 : i32
      %sign3A_175 = arith.constant 0 : i32
      %sign3A_176 = arith.cmpi sgt, %jit3A_168, %sign3A_175 : i32
      %sign3A_177 = arith.extui %sign3A_176 : i1 to i32
      %sign3A_178 = arith.constant 0 : i32
      %sign3A_179 = arith.cmpi slt, %jit3A_168, %sign3A_178 : i32
      %sign3A_180 = arith.extui %sign3A_179 : i1 to i32
      %sign3A_181 = arith.subi %sign3A_177, %sign3A_180 : i32
      %ne3A = arith.cmpi ne, %sign3A_174, %sign3A_181 : i32
      %rem3A = arith.remsi %add3A_167, %jit3A_168 : i32
      %ne3A_182 = arith.constant 0 : i32
      %ne3A_183 = arith.cmpi ne, %rem3A, %ne3A_182 : i32
      %and3A = arith.andi %ne3A, %ne3A_183 : i1
      %sub3A_184 = arith.constant 1 : i32
      %sub3A_185 = arith.subi %div3A, %sub3A_184 : i32
      %select_n3A_186 = arith.select %and3A, %sub3A_185, %div3A : i32
      %while3A = arith.constant 0 : i32
      %while3A_187 = arith.constant 0 : i32
      %while3A_188 = arith.subi %select_n3A_186, %while3A : i32
      %while3A_189 = arith.addi %while3A, %while3A_188 : i32
      %while3A_190 = arith.constant 1 : i32
      %while3A_191 = arith.divsi %while3A_188, %while3A_190 : i32
      %while3A_192 = arith.muli %while3A_191, %while3A_190 : i32
      %while3A_193 = arith.addi %while3A, %while3A_192 : i32
      %while3A_194 = arith.constant 1 : i32
      %while3A_195 = scf.for %while3A_249 = %while3A to %while3A_193 step %while3A_194 iter_args(%while3A_250 = %while3A_187) -> (i32)  : i32 {
        %mul3A_251 = arith.constant 128 : i32
        %mul3A_252 = arith.muli %while3A_249, %mul3A_251 : i32
        %add3A_253 = arith.constant 0 : i32
        %add3A_254 = arith.addi %mul3A_252, %add3A_253 : i32
        %get3A = arith.index_cast %add3A_254 : i32 to index
        %get3A_255 = tpu.vector_load %arg14[%get3A] {strides = array<i32>} : memref<16400xi32, #tpu.memory_space<vmem>>, vector<16xi32>,
        %mul3A_256 = arith.constant 128 : i32
        %mul3A_257 = arith.muli %while3A_249, %mul3A_256 : i32
        %add3A_258 = arith.constant 0 : i32
        %add3A_259 = arith.addi %mul3A_257, %add3A_258 : i32
        %add3A_260 = vector.broadcast %add3A_259 : i32 to vector<16xi32>
        %add3A_261 = arith.addi %add3A_260, %iota3A : vector<16xi32>
        %lt3A_262 = vector.broadcast %min3A : i32 to vector<16xi32>
        %lt3A_263 = arith.cmpi slt, %add3A_261, %lt3A_262 : vector<16xi32>
        %mul3A_264 = arith.constant 262144 : i32
        %mul3A_265 = arith.muli %add3A, %mul3A_264 : i32
        %jit3A_266 = arith.constant 0 : i32
        %broadcast_in_dim3A_267 = vector.broadcast %jit3A_266 : i32 to vector<16xi32>
        %select_n3A_268 = arith.select %lt3A_263, %get3A_255, %broadcast_in_dim3A_267 : vector<16xi1>, vector<16xi32>
        %add3A_269 = vector.broadcast %mul3A_265 : i32 to vector<16xi32>
        %add3A_270 = arith.addi %add3A_269, %select_n3A_268 : vector<16xi32>
        %mul3A_271 = arith.constant 3 : i32
        %mul3A_272 = vector.broadcast %mul3A_271 : i32 to vector<16xi32>
        %mul3A_273 = arith.muli %add3A_270, %mul3A_272 : vector<16xi32>
        %swap3A_274 = arith.constant 0 : index
        %swap3A_275 = tpu.vector_load %arg17[%swap3A_274] {strides = array<i32>} : memref<384xi32, #tpu.memory_space<vmem>>, vector<16xi32>,
        tpu.vector_store %arg17[%swap3A_274], %mul3A_273 {strides = array<i32>} : memref<384xi32, #tpu.memory_space<vmem>>, vector<16xi32>,
        %add3A_276 = arith.constant 1 : i32
        %add3A_277 = vector.broadcast %add3A_276 : i32 to vector<16xi32>
        %add3A_278 = arith.addi %mul3A_273, %add3A_277 : vector<16xi32>
        %swap3A_279 = arith.constant 128 : index
        %swap3A_280 = tpu.vector_load %arg17[%swap3A_279] {strides = array<i32>} : memref<384xi32, #tpu.memory_space<vmem>>, vector<16xi32>,
        tpu.vector_store %arg17[%swap3A_279], %add3A_278 {strides = array<i32>} : memref<384xi32, #tpu.memory_space<vmem>>, vector<16xi32>,
        %add3A_281 = arith.constant 2 : i32
        %add3A_282 = vector.broadcast %add3A_281 : i32 to vector<16xi32>
        %add3A_283 = arith.addi %mul3A_273, %add3A_282 : vector<16xi32>
        %swap3A_284 = arith.constant 256 : index
        %swap3A_285 = tpu.vector_load %arg17[%swap3A_284] {strides = array<i32>} : memref<384xi32, #tpu.memory_space<vmem>>, vector<16xi32>,
        tpu.vector_store %arg17[%swap3A_284], %add3A_283 {strides = array<i32>} : memref<384xi32, #tpu.memory_space<vmem>>, vector<16xi32>,
        %mul3A_286 = arith.constant 3 : i32
        %mul3A_287 = vector.broadcast %mul3A_286 : i32 to vector<16xi32>
        %mul3A_288 = arith.muli %add3A_261, %mul3A_287 : vector<16xi32>
        %add3A_289 = vector.broadcast %mul3A_159 : i32 to vector<16xi32>
        %add3A_290 = arith.addi %add3A_289, %mul3A_288 : vector<16xi32>
        %broadcast_in_dim3A_291 = vector.broadcast %mul3A_165 : i32 to vector<16xi32>
        %select_n3A_292 = arith.select %lt3A_263, %add3A_290, %broadcast_in_dim3A_291 : vector<16xi1>, vector<16xi32>
        %swap3A_293 = arith.constant 0 : index
        %swap3A_294 = tpu.vector_load %arg21[%swap3A_293] {strides = array<i32>} : memref<128xi32, #tpu.memory_space<vmem>>, vector<16xi32>,
        tpu.vector_store %arg21[%swap3A_293], %select_n3A_292 {strides = array<i32>} : memref<128xi32, #tpu.memory_space<vmem>>, vector<16xi32>,
        %add3A_295 = arith.constant 1 : i32
        %add3A_296 = vector.broadcast %add3A_295 : i32 to vector<16xi32>
        %add3A_297 = arith.addi %select_n3A_292, %add3A_296 : vector<16xi32>
        %swap3A_298 = arith.constant 0 : index
        %swap3A_299 = tpu.vector_load %arg22[%swap3A_298] {strides = array<i32>} : memref<128xi32, #tpu.memory_space<vmem>>, vector<16xi32>,
        tpu.vector_store %arg22[%swap3A_298], %add3A_297 {strides = array<i32>} : memref<128xi32, #tpu.memory_space<vmem>>, vector<16xi32>,
        %add3A_300 = arith.constant 2 : i32
        %add3A_301 = vector.broadcast %add3A_300 : i32 to vector<16xi32>
        %add3A_302 = arith.addi %select_n3A_292, %add3A_301 : vector<16xi32>
        %swap3A_303 = arith.constant 0 : index
        %swap3A_304 = tpu.vector_load %arg23[%swap3A_303] {strides = array<i32>} : memref<128xi32, #tpu.memory_space<vmem>>, vector<16xi32>,
        tpu.vector_store %arg23[%swap3A_303], %add3A_302 {strides = array<i32>} : memref<128xi32, #tpu.memory_space<vmem>>, vector<16xi32>,
        %mul3A_305 = arith.constant 128 : i32
        %mul3A_306 = arith.muli %while3A_249, %mul3A_305 : i32
        %add3A_307 = arith.constant 16 : i32
        %add3A_308 = arith.addi %mul3A_306, %add3A_307 : i32
        %get3A_309 = arith.index_cast %add3A_308 : i32 to index
        %get3A_310 = tpu.vector_load %arg14[%get3A_309] {strides = array<i32>} : memref<16400xi32, #tpu.memory_space<vmem>>, vector<16xi32>,
        %mul3A_311 = arith.constant 128 : i32
        %mul3A_312 = arith.muli %while3A_249, %mul3A_311 : i32
        %add3A_313 = arith.constant 16 : i32
        %add3A_314 = arith.addi %mul3A_312, %add3A_313 : i32
        %add3A_315 = vector.broadcast %add3A_314 : i32 to vector<16xi32>
        %add3A_316 = arith.addi %add3A_315, %iota3A : vector<16xi32>
        %lt3A_317 = vector.broadcast %min3A : i32 to vector<16xi32>
        %lt3A_318 = arith.cmpi slt, %add3A_316, %lt3A_317 : vector<16xi32>
        %mul3A_319 = arith.constant 262144 : i32
        %mul3A_320 = arith.muli %add3A, %mul3A_319 : i32
        %jit3A_321 = arith.constant 0 : i32
        %broadcast_in_dim3A_322 = vector.broadcast %jit3A_321 : i32 to vector<16xi32>
        %select_n3A_323 = arith.select %lt3A_318, %get3A_310, %broadcast_in_dim3A_322 : vector<16xi1>, vector<16xi32>
        %add3A_324 = vector.broadcast %mul3A_320 : i32 to vector<16xi32>
        %add3A_325 = arith.addi %add3A_324, %select_n3A_323 : vector<16xi32>
        %mul3A_326 = arith.constant 3 : i32
        %mul3A_327 = vector.broadcast %mul3A_326 : i32 to vector<16xi32>
        %mul3A_328 = arith.muli %add3A_325, %mul3A_327 : vector<16xi32>
        %swap3A_329 = arith.constant 16 : index
        %swap3A_330 = tpu.vector_load %arg17[%swap3A_329] {strides = array<i32>} : memref<384xi32, #tpu.memory_space<vmem>>, vector<16xi32>,
        tpu.vector_store %arg17[%swap3A_329], %mul3A_328 {strides = array<i32>} : memref<384xi32, #tpu.memory_space<vmem>>, vector<16xi32>,
        %add3A_331 = arith.constant 1 : i32
        %add3A_332 = vector.broadcast %add3A_331 : i32 to vector<16xi32>
        %add3A_333 = arith.addi %mul3A_328, %add3A_332 : vector<16xi32>
        %swap3A_334 = arith.constant 144 : index
        %swap3A_335 = tpu.vector_load %arg17[%swap3A_334] {strides = array<i32>} : memref<384xi32, #tpu.memory_space<vmem>>, vector<16xi32>,
        tpu.vector_store %arg17[%swap3A_334], %add3A_333 {strides = array<i32>} : memref<384xi32, #tpu.memory_space<vmem>>, vector<16xi32>,
        %add3A_336 = arith.constant 2 : i32
        %add3A_337 = vector.broadcast %add3A_336 : i32 to vector<16xi32>
        %add3A_338 = arith.addi %mul3A_328, %add3A_337 : vector<16xi32>
        %swap3A_339 = arith.constant 272 : index
        %swap3A_340 = tpu.vector_load %arg17[%swap3A_339] {strides = array<i32>} : memref<384xi32, #tpu.memory_space<vmem>>, vector<16xi32>,
        tpu.vector_store %arg17[%swap3A_339], %add3A_338 {strides = array<i32>} : memref<384xi32, #tpu.memory_space<vmem>>, vector<16xi32>,
        %mul3A_341 = arith.constant 3 : i32
        %mul3A_342 = vector.broadcast %mul3A_341 : i32 to vector<16xi32>
        %mul3A_343 = arith.muli %add3A_316, %mul3A_342 : vector<16xi32>
        %add3A_344 = vector.broadcast %mul3A_159 : i32 to vector<16xi32>
        %add3A_345 = arith.addi %add3A_344, %mul3A_343 : vector<16xi32>
        %broadcast_in_dim3A_346 = vector.broadcast %mul3A_165 : i32 to vector<16xi32>
        %select_n3A_347 = arith.select %lt3A_318, %add3A_345, %broadcast_in_dim3A_346 : vector<16xi1>, vector<16xi32>
        %swap3A_348 = arith.constant 16 : index
        %swap3A_349 = tpu.vector_load %arg21[%swap3A_348] {strides = array<i32>} : memref<128xi32, #tpu.memory_space<vmem>>, vector<16xi32>,
        tpu.vector_store %arg21[%swap3A_348], %select_n3A_347 {strides = array<i32>} : memref<128xi32, #tpu.memory_space<vmem>>, vector<16xi32>,
        %add3A_350 = arith.constant 1 : i32
        %add3A_351 = vector.broadcast %add3A_350 : i32 to vector<16xi32>
        %add3A_352 = arith.addi %select_n3A_347, %add3A_351 : vector<16xi32>
        %swap3A_353 = arith.constant 16 : index
        %swap3A_354 = tpu.vector_load %arg22[%swap3A_353] {strides = array<i32>} : memref<128xi32, #tpu.memory_space<vmem>>, vector<16xi32>,
        tpu.vector_store %arg22[%swap3A_353], %add3A_352 {strides = array<i32>} : memref<128xi32, #tpu.memory_space<vmem>>, vector<16xi32>,
        %add3A_355 = arith.constant 2 : i32
        %add3A_356 = vector.broadcast %add3A_355 : i32 to vector<16xi32>
        %add3A_357 = arith.addi %select_n3A_347, %add3A_356 : vector<16xi32>
        %swap3A_358 = arith.constant 16 : index
        %swap3A_359 = tpu.vector_load %arg23[%swap3A_358] {strides = array<i32>} : memref<128xi32, #tpu.memory_space<vmem>>, vector<16xi32>,
        tpu.vector_store %arg23[%swap3A_358], %add3A_357 {strides = array<i32>} : memref<128xi32, #tpu.memory_space<vmem>>, vector<16xi32>,
        %mul3A_360 = arith.constant 128 : i32
        %mul3A_361 = arith.muli %while3A_249, %mul3A_360 : i32
        %add3A_362 = arith.constant 32 : i32
        %add3A_363 = arith.addi %mul3A_361, %add3A_362 : i32
        %get3A_364 = arith.index_cast %add3A_363 : i32 to index
        %get3A_365 = tpu.vector_load %arg14[%get3A_364] {strides = array<i32>} : memref<16400xi32, #tpu.memory_space<vmem>>, vector<16xi32>,
        %mul3A_366 = arith.constant 128 : i32
        %mul3A_367 = arith.muli %while3A_249, %mul3A_366 : i32
        %add3A_368 = arith.constant 32 : i32
        %add3A_369 = arith.addi %mul3A_367, %add3A_368 : i32
        %add3A_370 = vector.broadcast %add3A_369 : i32 to vector<16xi32>
        %add3A_371 = arith.addi %add3A_370, %iota3A : vector<16xi32>
        %lt3A_372 = vector.broadcast %min3A : i32 to vector<16xi32>
        %lt3A_373 = arith.cmpi slt, %add3A_371, %lt3A_372 : vector<16xi32>
        %mul3A_374 = arith.constant 262144 : i32
        %mul3A_375 = arith.muli %add3A, %mul3A_374 : i32
        %jit3A_376 = arith.constant 0 : i32
        %broadcast_in_dim3A_377 = vector.broadcast %jit3A_376 : i32 to vector<16xi32>
        %select_n3A_378 = arith.select %lt3A_373, %get3A_365, %broadcast_in_dim3A_377 : vector<16xi1>, vector<16xi32>
        %add3A_379 = vector.broadcast %mul3A_375 : i32 to vector<16xi32>
        %add3A_380 = arith.addi %add3A_379, %select_n3A_378 : vector<16xi32>
        %mul3A_381 = arith.constant 3 : i32
        %mul3A_382 = vector.broadcast %mul3A_381 : i32 to vector<16xi32>
        %mul3A_383 = arith.muli %add3A_380, %mul3A_382 : vector<16xi32>
        %swap3A_384 = arith.constant 32 : index
        %swap3A_385 = tpu.vector_load %arg17[%swap3A_384] {strides = array<i32>} : memref<384xi32, #tpu.memory_space<vmem>>, vector<16xi32>,
        tpu.vector_store %arg17[%swap3A_384], %mul3A_383 {strides = array<i32>} : memref<384xi32, #tpu.memory_space<vmem>>, vector<16xi32>,
        %add3A_386 = arith.constant 1 : i32
        %add3A_387 = vector.broadcast %add3A_386 : i32 to vector<16xi32>
        %add3A_388 = arith.addi %mul3A_383, %add3A_387 : vector<16xi32>
        %swap3A_389 = arith.constant 160 : index
        %swap3A_390 = tpu.vector_load %arg17[%swap3A_389] {strides = array<i32>} : memref<384xi32, #tpu.memory_space<vmem>>, vector<16xi32>,
        tpu.vector_store %arg17[%swap3A_389], %add3A_388 {strides = array<i32>} : memref<384xi32, #tpu.memory_space<vmem>>, vector<16xi32>,
        %add3A_391 = arith.constant 2 : i32
        %add3A_392 = vector.broadcast %add3A_391 : i32 to vector<16xi32>
        %add3A_393 = arith.addi %mul3A_383, %add3A_392 : vector<16xi32>
        %swap3A_394 = arith.constant 288 : index
        %swap3A_395 = tpu.vector_load %arg17[%swap3A_394] {strides = array<i32>} : memref<384xi32, #tpu.memory_space<vmem>>, vector<16xi32>,
        tpu.vector_store %arg17[%swap3A_394], %add3A_393 {strides = array<i32>} : memref<384xi32, #tpu.memory_space<vmem>>, vector<16xi32>,
        %mul3A_396 = arith.constant 3 : i32
        %mul3A_397 = vector.broadcast %mul3A_396 : i32 to vector<16xi32>
        %mul3A_398 = arith.muli %add3A_371, %mul3A_397 : vector<16xi32>
        %add3A_399 = vector.broadcast %mul3A_159 : i32 to vector<16xi32>
        %add3A_400 = arith.addi %add3A_399, %mul3A_398 : vector<16xi32>
        %broadcast_in_dim3A_401 = vector.broadcast %mul3A_165 : i32 to vector<16xi32>
        %select_n3A_402 = arith.select %lt3A_373, %add3A_400, %broadcast_in_dim3A_401 : vector<16xi1>, vector<16xi32>
        %swap3A_403 = arith.constant 32 : index
        %swap3A_404 = tpu.vector_load %arg21[%swap3A_403] {strides = array<i32>} : memref<128xi32, #tpu.memory_space<vmem>>, vector<16xi32>,
        tpu.vector_store %arg21[%swap3A_403], %select_n3A_402 {strides = array<i32>} : memref<128xi32, #tpu.memory_space<vmem>>, vector<16xi32>,
        %add3A_405 = arith.constant 1 : i32
        %add3A_406 = vector.broadcast %add3A_405 : i32 to vector<16xi32>
        %add3A_407 = arith.addi %select_n3A_402, %add3A_406 : vector<16xi32>
        %swap3A_408 = arith.constant 32 : index
        %swap3A_409 = tpu.vector_load %arg22[%swap3A_408] {strides = array<i32>} : memref<128xi32, #tpu.memory_space<vmem>>, vector<16xi32>,
        tpu.vector_store %arg22[%swap3A_408], %add3A_407 {strides = array<i32>} : memref<128xi32, #tpu.memory_space<vmem>>, vector<16xi32>,
        %add3A_410 = arith.constant 2 : i32
        %add3A_411 = vector.broadcast %add3A_410 : i32 to vector<16xi32>
        %add3A_412 = arith.addi %select_n3A_402, %add3A_411 : vector<16xi32>
        %swap3A_413 = arith.constant 32 : index
        %swap3A_414 = tpu.vector_load %arg23[%swap3A_413] {strides = array<i32>} : memref<128xi32, #tpu.memory_space<vmem>>, vector<16xi32>,
        tpu.vector_store %arg23[%swap3A_413], %add3A_412 {strides = array<i32>} : memref<128xi32, #tpu.memory_space<vmem>>, vector<16xi32>,
        %mul3A_415 = arith.constant 128 : i32
        %mul3A_416 = arith.muli %while3A_249, %mul3A_415 : i32
        %add3A_417 = arith.constant 48 : i32
        %add3A_418 = arith.addi %mul3A_416, %add3A_417 : i32
        %get3A_419 = arith.index_cast %add3A_418 : i32 to index
        %get3A_420 = tpu.vector_load %arg14[%get3A_419] {strides = array<i32>} : memref<16400xi32, #tpu.memory_space<vmem>>, vector<16xi32>,
        %mul3A_421 = arith.constant 128 : i32
        %mul3A_422 = arith.muli %while3A_249, %mul3A_421 : i32
        %add3A_423 = arith.constant 48 : i32
        %add3A_424 = arith.addi %mul3A_422, %add3A_423 : i32
        %add3A_425 = vector.broadcast %add3A_424 : i32 to vector<16xi32>
        %add3A_426 = arith.addi %add3A_425, %iota3A : vector<16xi32>
        %lt3A_427 = vector.broadcast %min3A : i32 to vector<16xi32>
        %lt3A_428 = arith.cmpi slt, %add3A_426, %lt3A_427 : vector<16xi32>
        %mul3A_429 = arith.constant 262144 : i32
        %mul3A_430 = arith.muli %add3A, %mul3A_429 : i32
        %jit3A_431 = arith.constant 0 : i32
        %broadcast_in_dim3A_432 = vector.broadcast %jit3A_431 : i32 to vector<16xi32>
        %select_n3A_433 = arith.select %lt3A_428, %get3A_420, %broadcast_in_dim3A_432 : vector<16xi1>, vector<16xi32>
        %add3A_434 = vector.broadcast %mul3A_430 : i32 to vector<16xi32>
        %add3A_435 = arith.addi %add3A_434, %select_n3A_433 : vector<16xi32>
        %mul3A_436 = arith.constant 3 : i32
        %mul3A_437 = vector.broadcast %mul3A_436 : i32 to vector<16xi32>
        %mul3A_438 = arith.muli %add3A_435, %mul3A_437 : vector<16xi32>
        %swap3A_439 = arith.constant 48 : index
        %swap3A_440 = tpu.vector_load %arg17[%swap3A_439] {strides = array<i32>} : memref<384xi32, #tpu.memory_space<vmem>>, vector<16xi32>,
        tpu.vector_store %arg17[%swap3A_439], %mul3A_438 {strides = array<i32>} : memref<384xi32, #tpu.memory_space<vmem>>, vector<16xi32>,
        %add3A_441 = arith.constant 1 : i32
        %add3A_442 = vector.broadcast %add3A_441 : i32 to vector<16xi32>
        %add3A_443 = arith.addi %mul3A_438, %add3A_442 : vector<16xi32>
        %swap3A_444 = arith.constant 176 : index
        %swap3A_445 = tpu.vector_load %arg17[%swap3A_444] {strides = array<i32>} : memref<384xi32, #tpu.memory_space<vmem>>, vector<16xi32>,
        tpu.vector_store %arg17[%swap3A_444], %add3A_443 {strides = array<i32>} : memref<384xi32, #tpu.memory_space<vmem>>, vector<16xi32>,
        %add3A_446 = arith.constant 2 : i32
        %add3A_447 = vector.broadcast %add3A_446 : i32 to vector<16xi32>
        %add3A_448 = arith.addi %mul3A_438, %add3A_447 : vector<16xi32>
        %swap3A_449 = arith.constant 304 : index
        %swap3A_450 = tpu.vector_load %arg17[%swap3A_449] {strides = array<i32>} : memref<384xi32, #tpu.memory_space<vmem>>, vector<16xi32>,
        tpu.vector_store %arg17[%swap3A_449], %add3A_448 {strides = array<i32>} : memref<384xi32, #tpu.memory_space<vmem>>, vector<16xi32>,
        %mul3A_451 = arith.constant 3 : i32
        %mul3A_452 = vector.broadcast %mul3A_451 : i32 to vector<16xi32>
        %mul3A_453 = arith.muli %add3A_426, %mul3A_452 : vector<16xi32>
        %add3A_454 = vector.broadcast %mul3A_159 : i32 to vector<16xi32>
        %add3A_455 = arith.addi %add3A_454, %mul3A_453 : vector<16xi32>
        %broadcast_in_dim3A_456 = vector.broadcast %mul3A_165 : i32 to vector<16xi32>
        %select_n3A_457 = arith.select %lt3A_428, %add3A_455, %broadcast_in_dim3A_456 : vector<16xi1>, vector<16xi32>
        %swap3A_458 = arith.constant 48 : index
        %swap3A_459 = tpu.vector_load %arg21[%swap3A_458] {strides = array<i32>} : memref<128xi32, #tpu.memory_space<vmem>>, vector<16xi32>,
        tpu.vector_store %arg21[%swap3A_458], %select_n3A_457 {strides = array<i32>} : memref<128xi32, #tpu.memory_space<vmem>>, vector<16xi32>,
        %add3A_460 = arith.constant 1 : i32
        %add3A_461 = vector.broadcast %add3A_460 : i32 to vector<16xi32>
        %add3A_462 = arith.addi %select_n3A_457, %add3A_461 : vector<16xi32>
        %swap3A_463 = arith.constant 48 : index
        %swap3A_464 = tpu.vector_load %arg22[%swap3A_463] {strides = array<i32>} : memref<128xi32, #tpu.memory_space<vmem>>, vector<16xi32>,
        tpu.vector_store %arg22[%swap3A_463], %add3A_462 {strides = array<i32>} : memref<128xi32, #tpu.memory_space<vmem>>, vector<16xi32>,
        %add3A_465 = arith.constant 2 : i32
        %add3A_466 = vector.broadcast %add3A_465 : i32 to vector<16xi32>
        %add3A_467 = arith.addi %select_n3A_457, %add3A_466 : vector<16xi32>
        %swap3A_468 = arith.constant 48 : index
        %swap3A_469 = tpu.vector_load %arg23[%swap3A_468] {strides = array<i32>} : memref<128xi32, #tpu.memory_space<vmem>>, vector<16xi32>,
        tpu.vector_store %arg23[%swap3A_468], %add3A_467 {strides = array<i32>} : memref<128xi32, #tpu.memory_space<vmem>>, vector<16xi32>,
        %mul3A_470 = arith.constant 128 : i32
        %mul3A_471 = arith.muli %while3A_249, %mul3A_470 : i32
        %add3A_472 = arith.constant 64 : i32
        %add3A_473 = arith.addi %mul3A_471, %add3A_472 : i32
        %get3A_474 = arith.index_cast %add3A_473 : i32 to index
        %get3A_475 = tpu.vector_load %arg14[%get3A_474] {strides = array<i32>} : memref<16400xi32, #tpu.memory_space<vmem>>, vector<16xi32>,
        %mul3A_476 = arith.constant 128 : i32
        %mul3A_477 = arith.muli %while3A_249, %mul3A_476 : i32
        %add3A_478 = arith.constant 64 : i32
        %add3A_479 = arith.addi %mul3A_477, %add3A_478 : i32
        %add3A_480 = vector.broadcast %add3A_479 : i32 to vector<16xi32>
        %add3A_481 = arith.addi %add3A_480, %iota3A : vector<16xi32>
        %lt3A_482 = vector.broadcast %min3A : i32 to vector<16xi32>
        %lt3A_483 = arith.cmpi slt, %add3A_481, %lt3A_482 : vector<16xi32>
        %mul3A_484 = arith.constant 262144 : i32
        %mul3A_485 = arith.muli %add3A, %mul3A_484 : i32
        %jit3A_486 = arith.constant 0 : i32
        %broadcast_in_dim3A_487 = vector.broadcast %jit3A_486 : i32 to vector<16xi32>
        %select_n3A_488 = arith.select %lt3A_483, %get3A_475, %broadcast_in_dim3A_487 : vector<16xi1>, vector<16xi32>
        %add3A_489 = vector.broadcast %mul3A_485 : i32 to vector<16xi32>
        %add3A_490 = arith.addi %add3A_489, %select_n3A_488 : vector<16xi32>
        %mul3A_491 = arith.constant 3 : i32
        %mul3A_492 = vector.broadcast %mul3A_491 : i32 to vector<16xi32>
        %mul3A_493 = arith.muli %add3A_490, %mul3A_492 : vector<16xi32>
        %swap3A_494 = arith.constant 64 : index
        %swap3A_495 = tpu.vector_load %arg17[%swap3A_494] {strides = array<i32>} : memref<384xi32, #tpu.memory_space<vmem>>, vector<16xi32>,
        tpu.vector_store %arg17[%swap3A_494], %mul3A_493 {strides = array<i32>} : memref<384xi32, #tpu.memory_space<vmem>>, vector<16xi32>,
        %add3A_496 = arith.constant 1 : i32
        %add3A_497 = vector.broadcast %add3A_496 : i32 to vector<16xi32>
        %add3A_498 = arith.addi %mul3A_493, %add3A_497 : vector<16xi32>
        %swap3A_499 = arith.constant 192 : index
        %swap3A_500 = tpu.vector_load %arg17[%swap3A_499] {strides = array<i32>} : memref<384xi32, #tpu.memory_space<vmem>>, vector<16xi32>,
        tpu.vector_store %arg17[%swap3A_499], %add3A_498 {strides = array<i32>} : memref<384xi32, #tpu.memory_space<vmem>>, vector<16xi32>,
        %add3A_501 = arith.constant 2 : i32
        %add3A_502 = vector.broadcast %add3A_501 : i32 to vector<16xi32>
        %add3A_503 = arith.addi %mul3A_493, %add3A_502 : vector<16xi32>
        %swap3A_504 = arith.constant 320 : index
        %swap3A_505 = tpu.vector_load %arg17[%swap3A_504] {strides = array<i32>} : memref<384xi32, #tpu.memory_space<vmem>>, vector<16xi32>,
        tpu.vector_store %arg17[%swap3A_504], %add3A_503 {strides = array<i32>} : memref<384xi32, #tpu.memory_space<vmem>>, vector<16xi32>,
        %mul3A_506 = arith.constant 3 : i32
        %mul3A_507 = vector.broadcast %mul3A_506 : i32 to vector<16xi32>
        %mul3A_508 = arith.muli %add3A_481, %mul3A_507 : vector<16xi32>
        %add3A_509 = vector.broadcast %mul3A_159 : i32 to vector<16xi32>
        %add3A_510 = arith.addi %add3A_509, %mul3A_508 : vector<16xi32>
        %broadcast_in_dim3A_511 = vector.broadcast %mul3A_165 : i32 to vector<16xi32>
        %select_n3A_512 = arith.select %lt3A_483, %add3A_510, %broadcast_in_dim3A_511 : vector<16xi1>, vector<16xi32>
        %swap3A_513 = arith.constant 64 : index
        %swap3A_514 = tpu.vector_load %arg21[%swap3A_513] {strides = array<i32>} : memref<128xi32, #tpu.memory_space<vmem>>, vector<16xi32>,
        tpu.vector_store %arg21[%swap3A_513], %select_n3A_512 {strides = array<i32>} : memref<128xi32, #tpu.memory_space<vmem>>, vector<16xi32>,
        %add3A_515 = arith.constant 1 : i32
        %add3A_516 = vector.broadcast %add3A_515 : i32 to vector<16xi32>
        %add3A_517 = arith.addi %select_n3A_512, %add3A_516 : vector<16xi32>
        %swap3A_518 = arith.constant 64 : index
        %swap3A_519 = tpu.vector_load %arg22[%swap3A_518] {strides = array<i32>} : memref<128xi32, #tpu.memory_space<vmem>>, vector<16xi32>,
        tpu.vector_store %arg22[%swap3A_518], %add3A_517 {strides = array<i32>} : memref<128xi32, #tpu.memory_space<vmem>>, vector<16xi32>,
        %add3A_520 = arith.constant 2 : i32
        %add3A_521 = vector.broadcast %add3A_520 : i32 to vector<16xi32>
        %add3A_522 = arith.addi %select_n3A_512, %add3A_521 : vector<16xi32>
        %swap3A_523 = arith.constant 64 : index
        %swap3A_524 = tpu.vector_load %arg23[%swap3A_523] {strides = array<i32>} : memref<128xi32, #tpu.memory_space<vmem>>, vector<16xi32>,
        tpu.vector_store %arg23[%swap3A_523], %add3A_522 {strides = array<i32>} : memref<128xi32, #tpu.memory_space<vmem>>, vector<16xi32>,
        %mul3A_525 = arith.constant 128 : i32
        %mul3A_526 = arith.muli %while3A_249, %mul3A_525 : i32
        %add3A_527 = arith.constant 80 : i32
        %add3A_528 = arith.addi %mul3A_526, %add3A_527 : i32
        %get3A_529 = arith.index_cast %add3A_528 : i32 to index
        %get3A_530 = tpu.vector_load %arg14[%get3A_529] {strides = array<i32>} : memref<16400xi32, #tpu.memory_space<vmem>>, vector<16xi32>,
        %mul3A_531 = arith.constant 128 : i32
        %mul3A_532 = arith.muli %while3A_249, %mul3A_531 : i32
        %add3A_533 = arith.constant 80 : i32
        %add3A_534 = arith.addi %mul3A_532, %add3A_533 : i32
        %add3A_535 = vector.broadcast %add3A_534 : i32 to vector<16xi32>
        %add3A_536 = arith.addi %add3A_535, %iota3A : vector<16xi32>
        %lt3A_537 = vector.broadcast %min3A : i32 to vector<16xi32>
        %lt3A_538 = arith.cmpi slt, %add3A_536, %lt3A_537 : vector<16xi32>
        %mul3A_539 = arith.constant 262144 : i32
        %mul3A_540 = arith.muli %add3A, %mul3A_539 : i32
        %jit3A_541 = arith.constant 0 : i32
        %broadcast_in_dim3A_542 = vector.broadcast %jit3A_541 : i32 to vector<16xi32>
        %select_n3A_543 = arith.select %lt3A_538, %get3A_530, %broadcast_in_dim3A_542 : vector<16xi1>, vector<16xi32>
        %add3A_544 = vector.broadcast %mul3A_540 : i32 to vector<16xi32>
        %add3A_545 = arith.addi %add3A_544, %select_n3A_543 : vector<16xi32>
        %mul3A_546 = arith.constant 3 : i32
        %mul3A_547 = vector.broadcast %mul3A_546 : i32 to vector<16xi32>
        %mul3A_548 = arith.muli %add3A_545, %mul3A_547 : vector<16xi32>
        %swap3A_549 = arith.constant 80 : index
        %swap3A_550 = tpu.vector_load %arg17[%swap3A_549] {strides = array<i32>} : memref<384xi32, #tpu.memory_space<vmem>>, vector<16xi32>,
        tpu.vector_store %arg17[%swap3A_549], %mul3A_548 {strides = array<i32>} : memref<384xi32, #tpu.memory_space<vmem>>, vector<16xi32>,
        %add3A_551 = arith.constant 1 : i32
        %add3A_552 = vector.broadcast %add3A_551 : i32 to vector<16xi32>
        %add3A_553 = arith.addi %mul3A_548, %add3A_552 : vector<16xi32>
        %swap3A_554 = arith.constant 208 : index
        %swap3A_555 = tpu.vector_load %arg17[%swap3A_554] {strides = array<i32>} : memref<384xi32, #tpu.memory_space<vmem>>, vector<16xi32>,
        tpu.vector_store %arg17[%swap3A_554], %add3A_553 {strides = array<i32>} : memref<384xi32, #tpu.memory_space<vmem>>, vector<16xi32>,
        %add3A_556 = arith.constant 2 : i32
        %add3A_557 = vector.broadcast %add3A_556 : i32 to vector<16xi32>
        %add3A_558 = arith.addi %mul3A_548, %add3A_557 : vector<16xi32>
        %swap3A_559 = arith.constant 336 : index
        %swap3A_560 = tpu.vector_load %arg17[%swap3A_559] {strides = array<i32>} : memref<384xi32, #tpu.memory_space<vmem>>, vector<16xi32>,
        tpu.vector_store %arg17[%swap3A_559], %add3A_558 {strides = array<i32>} : memref<384xi32, #tpu.memory_space<vmem>>, vector<16xi32>,
        %mul3A_561 = arith.constant 3 : i32
        %mul3A_562 = vector.broadcast %mul3A_561 : i32 to vector<16xi32>
        %mul3A_563 = arith.muli %add3A_536, %mul3A_562 : vector<16xi32>
        %add3A_564 = vector.broadcast %mul3A_159 : i32 to vector<16xi32>
        %add3A_565 = arith.addi %add3A_564, %mul3A_563 : vector<16xi32>
        %broadcast_in_dim3A_566 = vector.broadcast %mul3A_165 : i32 to vector<16xi32>
        %select_n3A_567 = arith.select %lt3A_538, %add3A_565, %broadcast_in_dim3A_566 : vector<16xi1>, vector<16xi32>
        %swap3A_568 = arith.constant 80 : index
        %swap3A_569 = tpu.vector_load %arg21[%swap3A_568] {strides = array<i32>} : memref<128xi32, #tpu.memory_space<vmem>>, vector<16xi32>,
        tpu.vector_store %arg21[%swap3A_568], %select_n3A_567 {strides = array<i32>} : memref<128xi32, #tpu.memory_space<vmem>>, vector<16xi32>,
        %add3A_570 = arith.constant 1 : i32
        %add3A_571 = vector.broadcast %add3A_570 : i32 to vector<16xi32>
        %add3A_572 = arith.addi %select_n3A_567, %add3A_571 : vector<16xi32>
        %swap3A_573 = arith.constant 80 : index
        %swap3A_574 = tpu.vector_load %arg22[%swap3A_573] {strides = array<i32>} : memref<128xi32, #tpu.memory_space<vmem>>, vector<16xi32>,
        tpu.vector_store %arg22[%swap3A_573], %add3A_572 {strides = array<i32>} : memref<128xi32, #tpu.memory_space<vmem>>, vector<16xi32>,
        %add3A_575 = arith.constant 2 : i32
        %add3A_576 = vector.broadcast %add3A_575 : i32 to vector<16xi32>
        %add3A_577 = arith.addi %select_n3A_567, %add3A_576 : vector<16xi32>
        %swap3A_578 = arith.constant 80 : index
        %swap3A_579 = tpu.vector_load %arg23[%swap3A_578] {strides = array<i32>} : memref<128xi32, #tpu.memory_space<vmem>>, vector<16xi32>,
        tpu.vector_store %arg23[%swap3A_578], %add3A_577 {strides = array<i32>} : memref<128xi32, #tpu.memory_space<vmem>>, vector<16xi32>,
        %mul3A_580 = arith.constant 128 : i32
        %mul3A_581 = arith.muli %while3A_249, %mul3A_580 : i32
        %add3A_582 = arith.constant 96 : i32
        %add3A_583 = arith.addi %mul3A_581, %add3A_582 : i32
        %get3A_584 = arith.index_cast %add3A_583 : i32 to index
        %get3A_585 = tpu.vector_load %arg14[%get3A_584] {strides = array<i32>} : memref<16400xi32, #tpu.memory_space<vmem>>, vector<16xi32>,
        %mul3A_586 = arith.constant 128 : i32
        %mul3A_587 = arith.muli %while3A_249, %mul3A_586 : i32
        %add3A_588 = arith.constant 96 : i32
        %add3A_589 = arith.addi %mul3A_587, %add3A_588 : i32
        %add3A_590 = vector.broadcast %add3A_589 : i32 to vector<16xi32>
        %add3A_591 = arith.addi %add3A_590, %iota3A : vector<16xi32>
        %lt3A_592 = vector.broadcast %min3A : i32 to vector<16xi32>
        %lt3A_593 = arith.cmpi slt, %add3A_591, %lt3A_592 : vector<16xi32>
        %mul3A_594 = arith.constant 262144 : i32
        %mul3A_595 = arith.muli %add3A, %mul3A_594 : i32
        %jit3A_596 = arith.constant 0 : i32
        %broadcast_in_dim3A_597 = vector.broadcast %jit3A_596 : i32 to vector<16xi32>
        %select_n3A_598 = arith.select %lt3A_593, %get3A_585, %broadcast_in_dim3A_597 : vector<16xi1>, vector<16xi32>
        %add3A_599 = vector.broadcast %mul3A_595 : i32 to vector<16xi32>
        %add3A_600 = arith.addi %add3A_599, %select_n3A_598 : vector<16xi32>
        %mul3A_601 = arith.constant 3 : i32
        %mul3A_602 = vector.broadcast %mul3A_601 : i32 to vector<16xi32>
        %mul3A_603 = arith.muli %add3A_600, %mul3A_602 : vector<16xi32>
        %swap3A_604 = arith.constant 96 : index
        %swap3A_605 = tpu.vector_load %arg17[%swap3A_604] {strides = array<i32>} : memref<384xi32, #tpu.memory_space<vmem>>, vector<16xi32>,
        tpu.vector_store %arg17[%swap3A_604], %mul3A_603 {strides = array<i32>} : memref<384xi32, #tpu.memory_space<vmem>>, vector<16xi32>,
        %add3A_606 = arith.constant 1 : i32
        %add3A_607 = vector.broadcast %add3A_606 : i32 to vector<16xi32>
        %add3A_608 = arith.addi %mul3A_603, %add3A_607 : vector<16xi32>
        %swap3A_609 = arith.constant 224 : index
        %swap3A_610 = tpu.vector_load %arg17[%swap3A_609] {strides = array<i32>} : memref<384xi32, #tpu.memory_space<vmem>>, vector<16xi32>,
        tpu.vector_store %arg17[%swap3A_609], %add3A_608 {strides = array<i32>} : memref<384xi32, #tpu.memory_space<vmem>>, vector<16xi32>,
        %add3A_611 = arith.constant 2 : i32
        %add3A_612 = vector.broadcast %add3A_611 : i32 to vector<16xi32>
        %add3A_613 = arith.addi %mul3A_603, %add3A_612 : vector<16xi32>
        %swap3A_614 = arith.constant 352 : index
        %swap3A_615 = tpu.vector_load %arg17[%swap3A_614] {strides = array<i32>} : memref<384xi32, #tpu.memory_space<vmem>>, vector<16xi32>,
        tpu.vector_store %arg17[%swap3A_614], %add3A_613 {strides = array<i32>} : memref<384xi32, #tpu.memory_space<vmem>>, vector<16xi32>,
        %mul3A_616 = arith.constant 3 : i32
        %mul3A_617 = vector.broadcast %mul3A_616 : i32 to vector<16xi32>
        %mul3A_618 = arith.muli %add3A_591, %mul3A_617 : vector<16xi32>
        %add3A_619 = vector.broadcast %mul3A_159 : i32 to vector<16xi32>
        %add3A_620 = arith.addi %add3A_619, %mul3A_618 : vector<16xi32>
        %broadcast_in_dim3A_621 = vector.broadcast %mul3A_165 : i32 to vector<16xi32>
        %select_n3A_622 = arith.select %lt3A_593, %add3A_620, %broadcast_in_dim3A_621 : vector<16xi1>, vector<16xi32>
        %swap3A_623 = arith.constant 96 : index
        %swap3A_624 = tpu.vector_load %arg21[%swap3A_623] {strides = array<i32>} : memref<128xi32, #tpu.memory_space<vmem>>, vector<16xi32>,
        tpu.vector_store %arg21[%swap3A_623], %select_n3A_622 {strides = array<i32>} : memref<128xi32, #tpu.memory_space<vmem>>, vector<16xi32>,
        %add3A_625 = arith.constant 1 : i32
        %add3A_626 = vector.broadcast %add3A_625 : i32 to vector<16xi32>
        %add3A_627 = arith.addi %select_n3A_622, %add3A_626 : vector<16xi32>
        %swap3A_628 = arith.constant 96 : index
        %swap3A_629 = tpu.vector_load %arg22[%swap3A_628] {strides = array<i32>} : memref<128xi32, #tpu.memory_space<vmem>>, vector<16xi32>,
        tpu.vector_store %arg22[%swap3A_628], %add3A_627 {strides = array<i32>} : memref<128xi32, #tpu.memory_space<vmem>>, vector<16xi32>,
        %add3A_630 = arith.constant 2 : i32
        %add3A_631 = vector.broadcast %add3A_630 : i32 to vector<16xi32>
        %add3A_632 = arith.addi %select_n3A_622, %add3A_631 : vector<16xi32>
        %swap3A_633 = arith.constant 96 : index
        %swap3A_634 = tpu.vector_load %arg23[%swap3A_633] {strides = array<i32>} : memref<128xi32, #tpu.memory_space<vmem>>, vector<16xi32>,
        tpu.vector_store %arg23[%swap3A_633], %add3A_632 {strides = array<i32>} : memref<128xi32, #tpu.memory_space<vmem>>, vector<16xi32>,
        %mul3A_635 = arith.constant 128 : i32
        %mul3A_636 = arith.muli %while3A_249, %mul3A_635 : i32
        %add3A_637 = arith.constant 112 : i32
        %add3A_638 = arith.addi %mul3A_636, %add3A_637 : i32
        %get3A_639 = arith.index_cast %add3A_638 : i32 to index
        %get3A_640 = tpu.vector_load %arg14[%get3A_639] {strides = array<i32>} : memref<16400xi32, #tpu.memory_space<vmem>>, vector<16xi32>,
        %mul3A_641 = arith.constant 128 : i32
        %mul3A_642 = arith.muli %while3A_249, %mul3A_641 : i32
        %add3A_643 = arith.constant 112 : i32
        %add3A_644 = arith.addi %mul3A_642, %add3A_643 : i32
        %add3A_645 = vector.broadcast %add3A_644 : i32 to vector<16xi32>
        %add3A_646 = arith.addi %add3A_645, %iota3A : vector<16xi32>
        %lt3A_647 = vector.broadcast %min3A : i32 to vector<16xi32>
        %lt3A_648 = arith.cmpi slt, %add3A_646, %lt3A_647 : vector<16xi32>
        %mul3A_649 = arith.constant 262144 : i32
        %mul3A_650 = arith.muli %add3A, %mul3A_649 : i32
        %jit3A_651 = arith.constant 0 : i32
        %broadcast_in_dim3A_652 = vector.broadcast %jit3A_651 : i32 to vector<16xi32>
        %select_n3A_653 = arith.select %lt3A_648, %get3A_640, %broadcast_in_dim3A_652 : vector<16xi1>, vector<16xi32>
        %add3A_654 = vector.broadcast %mul3A_650 : i32 to vector<16xi32>
        %add3A_655 = arith.addi %add3A_654, %select_n3A_653 : vector<16xi32>
        %mul3A_656 = arith.constant 3 : i32
        %mul3A_657 = vector.broadcast %mul3A_656 : i32 to vector<16xi32>
        %mul3A_658 = arith.muli %add3A_655, %mul3A_657 : vector<16xi32>
        %swap3A_659 = arith.constant 112 : index
        %swap3A_660 = tpu.vector_load %arg17[%swap3A_659] {strides = array<i32>} : memref<384xi32, #tpu.memory_space<vmem>>, vector<16xi32>,
        tpu.vector_store %arg17[%swap3A_659], %mul3A_658 {strides = array<i32>} : memref<384xi32, #tpu.memory_space<vmem>>, vector<16xi32>,
        %add3A_661 = arith.constant 1 : i32
        %add3A_662 = vector.broadcast %add3A_661 : i32 to vector<16xi32>
        %add3A_663 = arith.addi %mul3A_658, %add3A_662 : vector<16xi32>
        %swap3A_664 = arith.constant 240 : index
        %swap3A_665 = tpu.vector_load %arg17[%swap3A_664] {strides = array<i32>} : memref<384xi32, #tpu.memory_space<vmem>>, vector<16xi32>,
        tpu.vector_store %arg17[%swap3A_664], %add3A_663 {strides = array<i32>} : memref<384xi32, #tpu.memory_space<vmem>>, vector<16xi32>,
        %add3A_666 = arith.constant 2 : i32
        %add3A_667 = vector.broadcast %add3A_666 : i32 to vector<16xi32>
        %add3A_668 = arith.addi %mul3A_658, %add3A_667 : vector<16xi32>
        %swap3A_669 = arith.constant 368 : index
        %swap3A_670 = tpu.vector_load %arg17[%swap3A_669] {strides = array<i32>} : memref<384xi32, #tpu.memory_space<vmem>>, vector<16xi32>,
        tpu.vector_store %arg17[%swap3A_669], %add3A_668 {strides = array<i32>} : memref<384xi32, #tpu.memory_space<vmem>>, vector<16xi32>,
        %mul3A_671 = arith.constant 3 : i32
        %mul3A_672 = vector.broadcast %mul3A_671 : i32 to vector<16xi32>
        %mul3A_673 = arith.muli %add3A_646, %mul3A_672 : vector<16xi32>
        %add3A_674 = vector.broadcast %mul3A_159 : i32 to vector<16xi32>
        %add3A_675 = arith.addi %add3A_674, %mul3A_673 : vector<16xi32>
        %broadcast_in_dim3A_676 = vector.broadcast %mul3A_165 : i32 to vector<16xi32>
        %select_n3A_677 = arith.select %lt3A_648, %add3A_675, %broadcast_in_dim3A_676 : vector<16xi1>, vector<16xi32>
        %swap3A_678 = arith.constant 112 : index
        %swap3A_679 = tpu.vector_load %arg21[%swap3A_678] {strides = array<i32>} : memref<128xi32, #tpu.memory_space<vmem>>, vector<16xi32>,
        tpu.vector_store %arg21[%swap3A_678], %select_n3A_677 {strides = array<i32>} : memref<128xi32, #tpu.memory_space<vmem>>, vector<16xi32>,
        %add3A_680 = arith.constant 1 : i32
        %add3A_681 = vector.broadcast %add3A_680 : i32 to vector<16xi32>
        %add3A_682 = arith.addi %select_n3A_677, %add3A_681 : vector<16xi32>
        %swap3A_683 = arith.constant 112 : index
        %swap3A_684 = tpu.vector_load %arg22[%swap3A_683] {strides = array<i32>} : memref<128xi32, #tpu.memory_space<vmem>>, vector<16xi32>,
        tpu.vector_store %arg22[%swap3A_683], %add3A_682 {strides = array<i32>} : memref<128xi32, #tpu.memory_space<vmem>>, vector<16xi32>,
        %add3A_685 = arith.constant 2 : i32
        %add3A_686 = vector.broadcast %add3A_685 : i32 to vector<16xi32>
        %add3A_687 = arith.addi %select_n3A_677, %add3A_686 : vector<16xi32>
        %swap3A_688 = arith.constant 112 : index
        %swap3A_689 = tpu.vector_load %arg23[%swap3A_688] {strides = array<i32>} : memref<128xi32, #tpu.memory_space<vmem>>, vector<16xi32>,
        tpu.vector_store %arg23[%swap3A_688], %add3A_687 {strides = array<i32>} : memref<128xi32, #tpu.memory_space<vmem>>, vector<16xi32>,
        %dma_start3A = arith.constant 0 : i32
        %dma_start3A_690 = tpu.memref_slice %arg17[%dma_start3A] : memref<384xi32, #tpu.memory_space<vmem>> -> memref<128xi32, #tpu.memory_space<vmem>>
        %dma_start3A_691 = arith.constant 0 : i32
        %dma_start3A_692 = tpu.memref_slice %arg3[%dma_start3A_691] : memref<3145728xf32, #tpu.memory_space<hbm>> -> memref<3145728xf32, #tpu.memory_space<hbm>>
        tpu.enqueue_indirect_dma source(%dma_start3A_692 : memref<3145728xf32, #tpu.memory_space<hbm>>) target(%arg18 : memref<128xf32, #tpu.memory_space<vmem>>) offsets(%dma_start3A_690 : memref<128xi32, #tpu.memory_space<vmem>>) semaphore(%arg29 : memref<!tpu.dma_semaphore, #tpu.memory_space<semaphore_mem>>)
        %dma_start3A_693 = arith.constant 128 : i32
        %dma_start3A_694 = tpu.memref_slice %arg17[%dma_start3A_693] : memref<384xi32, #tpu.memory_space<vmem>> -> memref<128xi32, #tpu.memory_space<vmem>>
        %dma_start3A_695 = arith.constant 0 : i32
        %dma_start3A_696 = tpu.memref_slice %arg3[%dma_start3A_695] : memref<3145728xf32, #tpu.memory_space<hbm>> -> memref<3145728xf32, #tpu.memory_space<hbm>>
        tpu.enqueue_indirect_dma source(%dma_start3A_696 : memref<3145728xf32, #tpu.memory_space<hbm>>) target(%arg19 : memref<128xf32, #tpu.memory_space<vmem>>) offsets(%dma_start3A_694 : memref<128xi32, #tpu.memory_space<vmem>>) semaphore(%arg29 : memref<!tpu.dma_semaphore, #tpu.memory_space<semaphore_mem>>)
        %dma_start3A_697 = arith.constant 256 : i32
        %dma_start3A_698 = tpu.memref_slice %arg17[%dma_start3A_697] : memref<384xi32, #tpu.memory_space<vmem>> -> memref<128xi32, #tpu.memory_space<vmem>>
        %dma_start3A_699 = arith.constant 0 : i32
        %dma_start3A_700 = tpu.memref_slice %arg3[%dma_start3A_699] : memref<3145728xf32, #tpu.memory_space<hbm>> -> memref<3145728xf32, #tpu.memory_space<hbm>>
        tpu.enqueue_indirect_dma source(%dma_start3A_700 : memref<3145728xf32, #tpu.memory_space<hbm>>) target(%arg20 : memref<128xf32, #tpu.memory_space<vmem>>) offsets(%dma_start3A_698 : memref<128xi32, #tpu.memory_space<vmem>>) semaphore(%arg29 : memref<!tpu.dma_semaphore, #tpu.memory_space<semaphore_mem>>)
        %dma_wait3A = arith.constant 0 : i32
        %dma_wait3A_701 = tpu.memref_slice %arg17[%dma_wait3A] : memref<384xi32, #tpu.memory_space<vmem>> -> memref<128xi32, #tpu.memory_space<vmem>>
        %dma_wait3A_702 = arith.constant 0 : i32
        %dma_wait3A_703 = tpu.memref_slice %arg3[%dma_wait3A_702] : memref<3145728xf32, #tpu.memory_space<hbm>> -> memref<3145728xf32, #tpu.memory_space<hbm>>
        tpu.wait_indirect_dma semaphore(%arg29 : memref<!tpu.dma_semaphore, #tpu.memory_space<semaphore_mem>>) src(%dma_wait3A_703 : memref<3145728xf32, #tpu.memory_space<hbm>>) dst(%arg18 : memref<128xf32, #tpu.memory_space<vmem>>)
        %dma_wait3A_704 = arith.constant 128 : i32
        %dma_wait3A_705 = tpu.memref_slice %arg17[%dma_wait3A_704] : memref<384xi32, #tpu.memory_space<vmem>> -> memref<128xi32, #tpu.memory_space<vmem>>
        %dma_wait3A_706 = arith.constant 0 : i32
        %dma_wait3A_707 = tpu.memref_slice %arg3[%dma_wait3A_706] : memref<3145728xf32, #tpu.memory_space<hbm>> -> memref<3145728xf32, #tpu.memory_space<hbm>>
        tpu.wait_indirect_dma semaphore(%arg29 : memref<!tpu.dma_semaphore, #tpu.memory_space<semaphore_mem>>) src(%dma_wait3A_707 : memref<3145728xf32, #tpu.memory_space<hbm>>) dst(%arg19 : memref<128xf32, #tpu.memory_space<vmem>>)
        %dma_wait3A_708 = arith.constant 256 : i32
        %dma_wait3A_709 = tpu.memref_slice %arg17[%dma_wait3A_708] : memref<384xi32, #tpu.memory_space<vmem>> -> memref<128xi32, #tpu.memory_space<vmem>>
        %dma_wait3A_710 = arith.constant 0 : i32
        %dma_wait3A_711 = tpu.memref_slice %arg3[%dma_wait3A_710] : memref<3145728xf32, #tpu.memory_space<hbm>> -> memref<3145728xf32, #tpu.memory_space<hbm>>
        tpu.wait_indirect_dma semaphore(%arg29 : memref<!tpu.dma_semaphore, #tpu.memory_space<semaphore_mem>>) src(%dma_wait3A_711 : memref<3145728xf32, #tpu.memory_space<hbm>>) dst(%arg20 : memref<128xf32, #tpu.memory_space<vmem>>)
        %dma_start3A_712 = arith.constant 0 : i32
        %dma_start3A_713 = tpu.memref_slice %arg4[%dma_start3A_712] : memref<196800xf32, #tpu.memory_space<hbm>> -> memref<196800xf32, #tpu.memory_space<hbm>>
        tpu.enqueue_indirect_dma source(%arg18 : memref<128xf32, #tpu.memory_space<vmem>>) target(%dma_start3A_713 : memref<196800xf32, #tpu.memory_space<hbm>>) offsets(%arg21 : memref<128xi32, #tpu.memory_space<vmem>>) semaphore(%arg30 : memref<!tpu.dma_semaphore, #tpu.memory_space<semaphore_mem>>)
        %dma_start3A_714 = arith.constant 0 : i32
        %dma_start3A_715 = tpu.memref_slice %arg4[%dma_start3A_714] : memref<196800xf32, #tpu.memory_space<hbm>> -> memref<196800xf32, #tpu.memory_space<hbm>>
        tpu.enqueue_indirect_dma source(%arg19 : memref<128xf32, #tpu.memory_space<vmem>>) target(%dma_start3A_715 : memref<196800xf32, #tpu.memory_space<hbm>>) offsets(%arg22 : memref<128xi32, #tpu.memory_space<vmem>>) semaphore(%arg30 : memref<!tpu.dma_semaphore, #tpu.memory_space<semaphore_mem>>)
        %dma_start3A_716 = arith.constant 0 : i32
        %dma_start3A_717 = tpu.memref_slice %arg4[%dma_start3A_716] : memref<196800xf32, #tpu.memory_space<hbm>> -> memref<196800xf32, #tpu.memory_space<hbm>>
        tpu.enqueue_indirect_dma source(%arg20 : memref<128xf32, #tpu.memory_space<vmem>>) target(%dma_start3A_717 : memref<196800xf32, #tpu.memory_space<hbm>>) offsets(%arg23 : memref<128xi32, #tpu.memory_space<vmem>>) semaphore(%arg30 : memref<!tpu.dma_semaphore, #tpu.memory_space<semaphore_mem>>)
        %dma_wait3A_718 = arith.constant 0 : i32
        %dma_wait3A_719 = tpu.memref_slice %arg4[%dma_wait3A_718] : memref<196800xf32, #tpu.memory_space<hbm>> -> memref<196800xf32, #tpu.memory_space<hbm>>
        tpu.wait_indirect_dma semaphore(%arg30 : memref<!tpu.dma_semaphore, #tpu.memory_space<semaphore_mem>>) src(%arg18 : memref<128xf32, #tpu.memory_space<vmem>>) dst(%dma_wait3A_719 : memref<196800xf32, #tpu.memory_space<hbm>>)
        %dma_wait3A_720 = arith.constant 0 : i32
        %dma_wait3A_721 = tpu.memref_slice %arg4[%dma_wait3A_720] : memref<196800xf32, #tpu.memory_space<hbm>> -> memref<196800xf32, #tpu.memory_space<hbm>>
        tpu.wait_indirect_dma semaphore(%arg30 : memref<!tpu.dma_semaphore, #tpu.memory_space<semaphore_mem>>) src(%arg19 : memref<128xf32, #tpu.memory_space<vmem>>) dst(%dma_wait3A_721 : memref<196800xf32, #tpu.memory_space<hbm>>)
        %dma_wait3A_722 = arith.constant 0 : i32
        %dma_wait3A_723 = tpu.memref_slice %arg4[%dma_wait3A_722] : memref<196800xf32, #tpu.memory_space<hbm>> -> memref<196800xf32, #tpu.memory_space<hbm>>
        tpu.wait_indirect_dma semaphore(%arg30 : memref<!tpu.dma_semaphore, #tpu.memory_space<semaphore_mem>>) src(%arg20 : memref<128xf32, #tpu.memory_space<vmem>>) dst(%dma_wait3A_723 : memref<196800xf32, #tpu.memory_space<hbm>>)
        %while3A_724 = arith.constant 0 : i32
        scf.yield %while3A_724 : i32
      }
      %while3A_196 = arith.constant 1 : i32
      %while3A_197 = scf.for %while3A_249 = %while3A_193 to %while3A_189 step %while3A_196 iter_args(%while3A_250 = %while3A_195) -> (i32)  : i32 {
        %mul3A_251 = arith.constant 128 : i32
        %mul3A_252 = arith.muli %while3A_249, %mul3A_251 : i32
        %add3A_253 = arith.constant 0 : i32
        %add3A_254 = arith.addi %mul3A_252, %add3A_253 : i32
        %get3A = arith.index_cast %add3A_254 : i32 to index
        %get3A_255 = tpu.vector_load %arg14[%get3A] {strides = array<i32>} : memref<16400xi32, #tpu.memory_space<vmem>>, vector<16xi32>,
        %mul3A_256 = arith.constant 128 : i32
        %mul3A_257 = arith.muli %while3A_249, %mul3A_256 : i32
        %add3A_258 = arith.constant 0 : i32
        %add3A_259 = arith.addi %mul3A_257, %add3A_258 : i32
        %add3A_260 = vector.broadcast %add3A_259 : i32 to vector<16xi32>
        %add3A_261 = arith.addi %add3A_260, %iota3A : vector<16xi32>
        %lt3A_262 = vector.broadcast %min3A : i32 to vector<16xi32>
        %lt3A_263 = arith.cmpi slt, %add3A_261, %lt3A_262 : vector<16xi32>
        %mul3A_264 = arith.constant 262144 : i32
        %mul3A_265 = arith.muli %add3A, %mul3A_264 : i32
        %jit3A_266 = arith.constant 0 : i32
        %broadcast_in_dim3A_267 = vector.broadcast %jit3A_266 : i32 to vector<16xi32>
        %select_n3A_268 = arith.select %lt3A_263, %get3A_255, %broadcast_in_dim3A_267 : vector<16xi1>, vector<16xi32>
        %add3A_269 = vector.broadcast %mul3A_265 : i32 to vector<16xi32>
        %add3A_270 = arith.addi %add3A_269, %select_n3A_268 : vector<16xi32>
        %mul3A_271 = arith.constant 3 : i32
        %mul3A_272 = vector.broadcast %mul3A_271 : i32 to vector<16xi32>
        %mul3A_273 = arith.muli %add3A_270, %mul3A_272 : vector<16xi32>
        %swap3A_274 = arith.constant 0 : index
        %swap3A_275 = tpu.vector_load %arg17[%swap3A_274] {strides = array<i32>} : memref<384xi32, #tpu.memory_space<vmem>>, vector<16xi32>,
        tpu.vector_store %arg17[%swap3A_274], %mul3A_273 {strides = array<i32>} : memref<384xi32, #tpu.memory_space<vmem>>, vector<16xi32>,
        %add3A_276 = arith.constant 1 : i32
        %add3A_277 = vector.broadcast %add3A_276 : i32 to vector<16xi32>
        %add3A_278 = arith.addi %mul3A_273, %add3A_277 : vector<16xi32>
        %swap3A_279 = arith.constant 128 : index
        %swap3A_280 = tpu.vector_load %arg17[%swap3A_279] {strides = array<i32>} : memref<384xi32, #tpu.memory_space<vmem>>, vector<16xi32>,
        tpu.vector_store %arg17[%swap3A_279], %add3A_278 {strides = array<i32>} : memref<384xi32, #tpu.memory_space<vmem>>, vector<16xi32>,
        %add3A_281 = arith.constant 2 : i32
        %add3A_282 = vector.broadcast %add3A_281 : i32 to vector<16xi32>
        %add3A_283 = arith.addi %mul3A_273, %add3A_282 : vector<16xi32>
        %swap3A_284 = arith.constant 256 : index
        %swap3A_285 = tpu.vector_load %arg17[%swap3A_284] {strides = array<i32>} : memref<384xi32, #tpu.memory_space<vmem>>, vector<16xi32>,
        tpu.vector_store %arg17[%swap3A_284], %add3A_283 {strides = array<i32>} : memref<384xi32, #tpu.memory_space<vmem>>, vector<16xi32>,
        %mul3A_286 = arith.constant 3 : i32
        %mul3A_287 = vector.broadcast %mul3A_286 : i32 to vector<16xi32>
        %mul3A_288 = arith.muli %add3A_261, %mul3A_287 : vector<16xi32>
        %add3A_289 = vector.broadcast %mul3A_159 : i32 to vector<16xi32>
        %add3A_290 = arith.addi %add3A_289, %mul3A_288 : vector<16xi32>
        %broadcast_in_dim3A_291 = vector.broadcast %mul3A_165 : i32 to vector<16xi32>
        %select_n3A_292 = arith.select %lt3A_263, %add3A_290, %broadcast_in_dim3A_291 : vector<16xi1>, vector<16xi32>
        %swap3A_293 = arith.constant 0 : index
        %swap3A_294 = tpu.vector_load %arg21[%swap3A_293] {strides = array<i32>} : memref<128xi32, #tpu.memory_space<vmem>>, vector<16xi32>,
        tpu.vector_store %arg21[%swap3A_293], %select_n3A_292 {strides = array<i32>} : memref<128xi32, #tpu.memory_space<vmem>>, vector<16xi32>,
        %add3A_295 = arith.constant 1 : i32
        %add3A_296 = vector.broadcast %add3A_295 : i32 to vector<16xi32>
        %add3A_297 = arith.addi %select_n3A_292, %add3A_296 : vector<16xi32>
        %swap3A_298 = arith.constant 0 : index
        %swap3A_299 = tpu.vector_load %arg22[%swap3A_298] {strides = array<i32>} : memref<128xi32, #tpu.memory_space<vmem>>, vector<16xi32>,
        tpu.vector_store %arg22[%swap3A_298], %add3A_297 {strides = array<i32>} : memref<128xi32, #tpu.memory_space<vmem>>, vector<16xi32>,
        %add3A_300 = arith.constant 2 : i32
        %add3A_301 = vector.broadcast %add3A_300 : i32 to vector<16xi32>
        %add3A_302 = arith.addi %select_n3A_292, %add3A_301 : vector<16xi32>
        %swap3A_303 = arith.constant 0 : index
        %swap3A_304 = tpu.vector_load %arg23[%swap3A_303] {strides = array<i32>} : memref<128xi32, #tpu.memory_space<vmem>>, vector<16xi32>,
        tpu.vector_store %arg23[%swap3A_303], %add3A_302 {strides = array<i32>} : memref<128xi32, #tpu.memory_space<vmem>>, vector<16xi32>,
        %mul3A_305 = arith.constant 128 : i32
        %mul3A_306 = arith.muli %while3A_249, %mul3A_305 : i32
        %add3A_307 = arith.constant 16 : i32
        %add3A_308 = arith.addi %mul3A_306, %add3A_307 : i32
        %get3A_309 = arith.index_cast %add3A_308 : i32 to index
        %get3A_310 = tpu.vector_load %arg14[%get3A_309] {strides = array<i32>} : memref<16400xi32, #tpu.memory_space<vmem>>, vector<16xi32>,
        %mul3A_311 = arith.constant 128 : i32
        %mul3A_312 = arith.muli %while3A_249, %mul3A_311 : i32
        %add3A_313 = arith.constant 16 : i32
        %add3A_314 = arith.addi %mul3A_312, %add3A_313 : i32
        %add3A_315 = vector.broadcast %add3A_314 : i32 to vector<16xi32>
        %add3A_316 = arith.addi %add3A_315, %iota3A : vector<16xi32>
        %lt3A_317 = vector.broadcast %min3A : i32 to vector<16xi32>
        %lt3A_318 = arith.cmpi slt, %add3A_316, %lt3A_317 : vector<16xi32>
        %mul3A_319 = arith.constant 262144 : i32
        %mul3A_320 = arith.muli %add3A, %mul3A_319 : i32
        %jit3A_321 = arith.constant 0 : i32
        %broadcast_in_dim3A_322 = vector.broadcast %jit3A_321 : i32 to vector<16xi32>
        %select_n3A_323 = arith.select %lt3A_318, %get3A_310, %broadcast_in_dim3A_322 : vector<16xi1>, vector<16xi32>
        %add3A_324 = vector.broadcast %mul3A_320 : i32 to vector<16xi32>
        %add3A_325 = arith.addi %add3A_324, %select_n3A_323 : vector<16xi32>
        %mul3A_326 = arith.constant 3 : i32
        %mul3A_327 = vector.broadcast %mul3A_326 : i32 to vector<16xi32>
        %mul3A_328 = arith.muli %add3A_325, %mul3A_327 : vector<16xi32>
        %swap3A_329 = arith.constant 16 : index
        %swap3A_330 = tpu.vector_load %arg17[%swap3A_329] {strides = array<i32>} : memref<384xi32, #tpu.memory_space<vmem>>, vector<16xi32>,
        tpu.vector_store %arg17[%swap3A_329], %mul3A_328 {strides = array<i32>} : memref<384xi32, #tpu.memory_space<vmem>>, vector<16xi32>,
        %add3A_331 = arith.constant 1 : i32
        %add3A_332 = vector.broadcast %add3A_331 : i32 to vector<16xi32>
        %add3A_333 = arith.addi %mul3A_328, %add3A_332 : vector<16xi32>
        %swap3A_334 = arith.constant 144 : index
        %swap3A_335 = tpu.vector_load %arg17[%swap3A_334] {strides = array<i32>} : memref<384xi32, #tpu.memory_space<vmem>>, vector<16xi32>,
        tpu.vector_store %arg17[%swap3A_334], %add3A_333 {strides = array<i32>} : memref<384xi32, #tpu.memory_space<vmem>>, vector<16xi32>,
        %add3A_336 = arith.constant 2 : i32
        %add3A_337 = vector.broadcast %add3A_336 : i32 to vector<16xi32>
        %add3A_338 = arith.addi %mul3A_328, %add3A_337 : vector<16xi32>
        %swap3A_339 = arith.constant 272 : index
        %swap3A_340 = tpu.vector_load %arg17[%swap3A_339] {strides = array<i32>} : memref<384xi32, #tpu.memory_space<vmem>>, vector<16xi32>,
        tpu.vector_store %arg17[%swap3A_339], %add3A_338 {strides = array<i32>} : memref<384xi32, #tpu.memory_space<vmem>>, vector<16xi32>,
        %mul3A_341 = arith.constant 3 : i32
        %mul3A_342 = vector.broadcast %mul3A_341 : i32 to vector<16xi32>
        %mul3A_343 = arith.muli %add3A_316, %mul3A_342 : vector<16xi32>
        %add3A_344 = vector.broadcast %mul3A_159 : i32 to vector<16xi32>
        %add3A_345 = arith.addi %add3A_344, %mul3A_343 : vector<16xi32>
        %broadcast_in_dim3A_346 = vector.broadcast %mul3A_165 : i32 to vector<16xi32>
        %select_n3A_347 = arith.select %lt3A_318, %add3A_345, %broadcast_in_dim3A_346 : vector<16xi1>, vector<16xi32>
        %swap3A_348 = arith.constant 16 : index
        %swap3A_349 = tpu.vector_load %arg21[%swap3A_348] {strides = array<i32>} : memref<128xi32, #tpu.memory_space<vmem>>, vector<16xi32>,
        tpu.vector_store %arg21[%swap3A_348], %select_n3A_347 {strides = array<i32>} : memref<128xi32, #tpu.memory_space<vmem>>, vector<16xi32>,
        %add3A_350 = arith.constant 1 : i32
        %add3A_351 = vector.broadcast %add3A_350 : i32 to vector<16xi32>
        %add3A_352 = arith.addi %select_n3A_347, %add3A_351 : vector<16xi32>
        %swap3A_353 = arith.constant 16 : index
        %swap3A_354 = tpu.vector_load %arg22[%swap3A_353] {strides = array<i32>} : memref<128xi32, #tpu.memory_space<vmem>>, vector<16xi32>,
        tpu.vector_store %arg22[%swap3A_353], %add3A_352 {strides = array<i32>} : memref<128xi32, #tpu.memory_space<vmem>>, vector<16xi32>,
        %add3A_355 = arith.constant 2 : i32
        %add3A_356 = vector.broadcast %add3A_355 : i32 to vector<16xi32>
        %add3A_357 = arith.addi %select_n3A_347, %add3A_356 : vector<16xi32>
        %swap3A_358 = arith.constant 16 : index
        %swap3A_359 = tpu.vector_load %arg23[%swap3A_358] {strides = array<i32>} : memref<128xi32, #tpu.memory_space<vmem>>, vector<16xi32>,
        tpu.vector_store %arg23[%swap3A_358], %add3A_357 {strides = array<i32>} : memref<128xi32, #tpu.memory_space<vmem>>, vector<16xi32>,
        %mul3A_360 = arith.constant 128 : i32
        %mul3A_361 = arith.muli %while3A_249, %mul3A_360 : i32
        %add3A_362 = arith.constant 32 : i32
        %add3A_363 = arith.addi %mul3A_361, %add3A_362 : i32
        %get3A_364 = arith.index_cast %add3A_363 : i32 to index
        %get3A_365 = tpu.vector_load %arg14[%get3A_364] {strides = array<i32>} : memref<16400xi32, #tpu.memory_space<vmem>>, vector<16xi32>,
        %mul3A_366 = arith.constant 128 : i32
        %mul3A_367 = arith.muli %while3A_249, %mul3A_366 : i32
        %add3A_368 = arith.constant 32 : i32
        %add3A_369 = arith.addi %mul3A_367, %add3A_368 : i32
        %add3A_370 = vector.broadcast %add3A_369 : i32 to vector<16xi32>
        %add3A_371 = arith.addi %add3A_370, %iota3A : vector<16xi32>
        %lt3A_372 = vector.broadcast %min3A : i32 to vector<16xi32>
        %lt3A_373 = arith.cmpi slt, %add3A_371, %lt3A_372 : vector<16xi32>
        %mul3A_374 = arith.constant 262144 : i32
        %mul3A_375 = arith.muli %add3A, %mul3A_374 : i32
        %jit3A_376 = arith.constant 0 : i32
        %broadcast_in_dim3A_377 = vector.broadcast %jit3A_376 : i32 to vector<16xi32>
        %select_n3A_378 = arith.select %lt3A_373, %get3A_365, %broadcast_in_dim3A_377 : vector<16xi1>, vector<16xi32>
        %add3A_379 = vector.broadcast %mul3A_375 : i32 to vector<16xi32>
        %add3A_380 = arith.addi %add3A_379, %select_n3A_378 : vector<16xi32>
        %mul3A_381 = arith.constant 3 : i32
        %mul3A_382 = vector.broadcast %mul3A_381 : i32 to vector<16xi32>
        %mul3A_383 = arith.muli %add3A_380, %mul3A_382 : vector<16xi32>
        %swap3A_384 = arith.constant 32 : index
        %swap3A_385 = tpu.vector_load %arg17[%swap3A_384] {strides = array<i32>} : memref<384xi32, #tpu.memory_space<vmem>>, vector<16xi32>,
        tpu.vector_store %arg17[%swap3A_384], %mul3A_383 {strides = array<i32>} : memref<384xi32, #tpu.memory_space<vmem>>, vector<16xi32>,
        %add3A_386 = arith.constant 1 : i32
        %add3A_387 = vector.broadcast %add3A_386 : i32 to vector<16xi32>
        %add3A_388 = arith.addi %mul3A_383, %add3A_387 : vector<16xi32>
        %swap3A_389 = arith.constant 160 : index
        %swap3A_390 = tpu.vector_load %arg17[%swap3A_389] {strides = array<i32>} : memref<384xi32, #tpu.memory_space<vmem>>, vector<16xi32>,
        tpu.vector_store %arg17[%swap3A_389], %add3A_388 {strides = array<i32>} : memref<384xi32, #tpu.memory_space<vmem>>, vector<16xi32>,
        %add3A_391 = arith.constant 2 : i32
        %add3A_392 = vector.broadcast %add3A_391 : i32 to vector<16xi32>
        %add3A_393 = arith.addi %mul3A_383, %add3A_392 : vector<16xi32>
        %swap3A_394 = arith.constant 288 : index
        %swap3A_395 = tpu.vector_load %arg17[%swap3A_394] {strides = array<i32>} : memref<384xi32, #tpu.memory_space<vmem>>, vector<16xi32>,
        tpu.vector_store %arg17[%swap3A_394], %add3A_393 {strides = array<i32>} : memref<384xi32, #tpu.memory_space<vmem>>, vector<16xi32>,
        %mul3A_396 = arith.constant 3 : i32
        %mul3A_397 = vector.broadcast %mul3A_396 : i32 to vector<16xi32>
        %mul3A_398 = arith.muli %add3A_371, %mul3A_397 : vector<16xi32>
        %add3A_399 = vector.broadcast %mul3A_159 : i32 to vector<16xi32>
        %add3A_400 = arith.addi %add3A_399, %mul3A_398 : vector<16xi32>
        %broadcast_in_dim3A_401 = vector.broadcast %mul3A_165 : i32 to vector<16xi32>
        %select_n3A_402 = arith.select %lt3A_373, %add3A_400, %broadcast_in_dim3A_401 : vector<16xi1>, vector<16xi32>
        %swap3A_403 = arith.constant 32 : index
        %swap3A_404 = tpu.vector_load %arg21[%swap3A_403] {strides = array<i32>} : memref<128xi32, #tpu.memory_space<vmem>>, vector<16xi32>,
        tpu.vector_store %arg21[%swap3A_403], %select_n3A_402 {strides = array<i32>} : memref<128xi32, #tpu.memory_space<vmem>>, vector<16xi32>,
        %add3A_405 = arith.constant 1 : i32
        %add3A_406 = vector.broadcast %add3A_405 : i32 to vector<16xi32>
        %add3A_407 = arith.addi %select_n3A_402, %add3A_406 : vector<16xi32>
        %swap3A_408 = arith.constant 32 : index
        %swap3A_409 = tpu.vector_load %arg22[%swap3A_408] {strides = array<i32>} : memref<128xi32, #tpu.memory_space<vmem>>, vector<16xi32>,
        tpu.vector_store %arg22[%swap3A_408], %add3A_407 {strides = array<i32>} : memref<128xi32, #tpu.memory_space<vmem>>, vector<16xi32>,
        %add3A_410 = arith.constant 2 : i32
        %add3A_411 = vector.broadcast %add3A_410 : i32 to vector<16xi32>
        %add3A_412 = arith.addi %select_n3A_402, %add3A_411 : vector<16xi32>
        %swap3A_413 = arith.constant 32 : index
        %swap3A_414 = tpu.vector_load %arg23[%swap3A_413] {strides = array<i32>} : memref<128xi32, #tpu.memory_space<vmem>>, vector<16xi32>,
        tpu.vector_store %arg23[%swap3A_413], %add3A_412 {strides = array<i32>} : memref<128xi32, #tpu.memory_space<vmem>>, vector<16xi32>,
        %mul3A_415 = arith.constant 128 : i32
        %mul3A_416 = arith.muli %while3A_249, %mul3A_415 : i32
        %add3A_417 = arith.constant 48 : i32
        %add3A_418 = arith.addi %mul3A_416, %add3A_417 : i32
        %get3A_419 = arith.index_cast %add3A_418 : i32 to index
        %get3A_420 = tpu.vector_load %arg14[%get3A_419] {strides = array<i32>} : memref<16400xi32, #tpu.memory_space<vmem>>, vector<16xi32>,
        %mul3A_421 = arith.constant 128 : i32
        %mul3A_422 = arith.muli %while3A_249, %mul3A_421 : i32
        %add3A_423 = arith.constant 48 : i32
        %add3A_424 = arith.addi %mul3A_422, %add3A_423 : i32
        %add3A_425 = vector.broadcast %add3A_424 : i32 to vector<16xi32>
        %add3A_426 = arith.addi %add3A_425, %iota3A : vector<16xi32>
        %lt3A_427 = vector.broadcast %min3A : i32 to vector<16xi32>
        %lt3A_428 = arith.cmpi slt, %add3A_426, %lt3A_427 : vector<16xi32>
        %mul3A_429 = arith.constant 262144 : i32
        %mul3A_430 = arith.muli %add3A, %mul3A_429 : i32
        %jit3A_431 = arith.constant 0 : i32
        %broadcast_in_dim3A_432 = vector.broadcast %jit3A_431 : i32 to vector<16xi32>
        %select_n3A_433 = arith.select %lt3A_428, %get3A_420, %broadcast_in_dim3A_432 : vector<16xi1>, vector<16xi32>
        %add3A_434 = vector.broadcast %mul3A_430 : i32 to vector<16xi32>
        %add3A_435 = arith.addi %add3A_434, %select_n3A_433 : vector<16xi32>
        %mul3A_436 = arith.constant 3 : i32
        %mul3A_437 = vector.broadcast %mul3A_436 : i32 to vector<16xi32>
        %mul3A_438 = arith.muli %add3A_435, %mul3A_437 : vector<16xi32>
        %swap3A_439 = arith.constant 48 : index
        %swap3A_440 = tpu.vector_load %arg17[%swap3A_439] {strides = array<i32>} : memref<384xi32, #tpu.memory_space<vmem>>, vector<16xi32>,
        tpu.vector_store %arg17[%swap3A_439], %mul3A_438 {strides = array<i32>} : memref<384xi32, #tpu.memory_space<vmem>>, vector<16xi32>,
        %add3A_441 = arith.constant 1 : i32
        %add3A_442 = vector.broadcast %add3A_441 : i32 to vector<16xi32>
        %add3A_443 = arith.addi %mul3A_438, %add3A_442 : vector<16xi32>
        %swap3A_444 = arith.constant 176 : index
        %swap3A_445 = tpu.vector_load %arg17[%swap3A_444] {strides = array<i32>} : memref<384xi32, #tpu.memory_space<vmem>>, vector<16xi32>,
        tpu.vector_store %arg17[%swap3A_444], %add3A_443 {strides = array<i32>} : memref<384xi32, #tpu.memory_space<vmem>>, vector<16xi32>,
        %add3A_446 = arith.constant 2 : i32
        %add3A_447 = vector.broadcast %add3A_446 : i32 to vector<16xi32>
        %add3A_448 = arith.addi %mul3A_438, %add3A_447 : vector<16xi32>
        %swap3A_449 = arith.constant 304 : index
        %swap3A_450 = tpu.vector_load %arg17[%swap3A_449] {strides = array<i32>} : memref<384xi32, #tpu.memory_space<vmem>>, vector<16xi32>,
        tpu.vector_store %arg17[%swap3A_449], %add3A_448 {strides = array<i32>} : memref<384xi32, #tpu.memory_space<vmem>>, vector<16xi32>,
        %mul3A_451 = arith.constant 3 : i32
        %mul3A_452 = vector.broadcast %mul3A_451 : i32 to vector<16xi32>
        %mul3A_453 = arith.muli %add3A_426, %mul3A_452 : vector<16xi32>
        %add3A_454 = vector.broadcast %mul3A_159 : i32 to vector<16xi32>
        %add3A_455 = arith.addi %add3A_454, %mul3A_453 : vector<16xi32>
        %broadcast_in_dim3A_456 = vector.broadcast %mul3A_165 : i32 to vector<16xi32>
        %select_n3A_457 = arith.select %lt3A_428, %add3A_455, %broadcast_in_dim3A_456 : vector<16xi1>, vector<16xi32>
        %swap3A_458 = arith.constant 48 : index
        %swap3A_459 = tpu.vector_load %arg21[%swap3A_458] {strides = array<i32>} : memref<128xi32, #tpu.memory_space<vmem>>, vector<16xi32>,
        tpu.vector_store %arg21[%swap3A_458], %select_n3A_457 {strides = array<i32>} : memref<128xi32, #tpu.memory_space<vmem>>, vector<16xi32>,
        %add3A_460 = arith.constant 1 : i32
        %add3A_461 = vector.broadcast %add3A_460 : i32 to vector<16xi32>
        %add3A_462 = arith.addi %select_n3A_457, %add3A_461 : vector<16xi32>
        %swap3A_463 = arith.constant 48 : index
        %swap3A_464 = tpu.vector_load %arg22[%swap3A_463] {strides = array<i32>} : memref<128xi32, #tpu.memory_space<vmem>>, vector<16xi32>,
        tpu.vector_store %arg22[%swap3A_463], %add3A_462 {strides = array<i32>} : memref<128xi32, #tpu.memory_space<vmem>>, vector<16xi32>,
        %add3A_465 = arith.constant 2 : i32
        %add3A_466 = vector.broadcast %add3A_465 : i32 to vector<16xi32>
        %add3A_467 = arith.addi %select_n3A_457, %add3A_466 : vector<16xi32>
        %swap3A_468 = arith.constant 48 : index
        %swap3A_469 = tpu.vector_load %arg23[%swap3A_468] {strides = array<i32>} : memref<128xi32, #tpu.memory_space<vmem>>, vector<16xi32>,
        tpu.vector_store %arg23[%swap3A_468], %add3A_467 {strides = array<i32>} : memref<128xi32, #tpu.memory_space<vmem>>, vector<16xi32>,
        %mul3A_470 = arith.constant 128 : i32
        %mul3A_471 = arith.muli %while3A_249, %mul3A_470 : i32
        %add3A_472 = arith.constant 64 : i32
        %add3A_473 = arith.addi %mul3A_471, %add3A_472 : i32
        %get3A_474 = arith.index_cast %add3A_473 : i32 to index
        %get3A_475 = tpu.vector_load %arg14[%get3A_474] {strides = array<i32>} : memref<16400xi32, #tpu.memory_space<vmem>>, vector<16xi32>,
        %mul3A_476 = arith.constant 128 : i32
        %mul3A_477 = arith.muli %while3A_249, %mul3A_476 : i32
        %add3A_478 = arith.constant 64 : i32
        %add3A_479 = arith.addi %mul3A_477, %add3A_478 : i32
        %add3A_480 = vector.broadcast %add3A_479 : i32 to vector<16xi32>
        %add3A_481 = arith.addi %add3A_480, %iota3A : vector<16xi32>
        %lt3A_482 = vector.broadcast %min3A : i32 to vector<16xi32>
        %lt3A_483 = arith.cmpi slt, %add3A_481, %lt3A_482 : vector<16xi32>
        %mul3A_484 = arith.constant 262144 : i32
        %mul3A_485 = arith.muli %add3A, %mul3A_484 : i32
        %jit3A_486 = arith.constant 0 : i32
        %broadcast_in_dim3A_487 = vector.broadcast %jit3A_486 : i32 to vector<16xi32>
        %select_n3A_488 = arith.select %lt3A_483, %get3A_475, %broadcast_in_dim3A_487 : vector<16xi1>, vector<16xi32>
        %add3A_489 = vector.broadcast %mul3A_485 : i32 to vector<16xi32>
        %add3A_490 = arith.addi %add3A_489, %select_n3A_488 : vector<16xi32>
        %mul3A_491 = arith.constant 3 : i32
        %mul3A_492 = vector.broadcast %mul3A_491 : i32 to vector<16xi32>
        %mul3A_493 = arith.muli %add3A_490, %mul3A_492 : vector<16xi32>
        %swap3A_494 = arith.constant 64 : index
        %swap3A_495 = tpu.vector_load %arg17[%swap3A_494] {strides = array<i32>} : memref<384xi32, #tpu.memory_space<vmem>>, vector<16xi32>,
        tpu.vector_store %arg17[%swap3A_494], %mul3A_493 {strides = array<i32>} : memref<384xi32, #tpu.memory_space<vmem>>, vector<16xi32>,
        %add3A_496 = arith.constant 1 : i32
        %add3A_497 = vector.broadcast %add3A_496 : i32 to vector<16xi32>
        %add3A_498 = arith.addi %mul3A_493, %add3A_497 : vector<16xi32>
        %swap3A_499 = arith.constant 192 : index
        %swap3A_500 = tpu.vector_load %arg17[%swap3A_499] {strides = array<i32>} : memref<384xi32, #tpu.memory_space<vmem>>, vector<16xi32>,
        tpu.vector_store %arg17[%swap3A_499], %add3A_498 {strides = array<i32>} : memref<384xi32, #tpu.memory_space<vmem>>, vector<16xi32>,
        %add3A_501 = arith.constant 2 : i32
        %add3A_502 = vector.broadcast %add3A_501 : i32 to vector<16xi32>
        %add3A_503 = arith.addi %mul3A_493, %add3A_502 : vector<16xi32>
        %swap3A_504 = arith.constant 320 : index
        %swap3A_505 = tpu.vector_load %arg17[%swap3A_504] {strides = array<i32>} : memref<384xi32, #tpu.memory_space<vmem>>, vector<16xi32>,
        tpu.vector_store %arg17[%swap3A_504], %add3A_503 {strides = array<i32>} : memref<384xi32, #tpu.memory_space<vmem>>, vector<16xi32>,
        %mul3A_506 = arith.constant 3 : i32
        %mul3A_507 = vector.broadcast %mul3A_506 : i32 to vector<16xi32>
        %mul3A_508 = arith.muli %add3A_481, %mul3A_507 : vector<16xi32>
        %add3A_509 = vector.broadcast %mul3A_159 : i32 to vector<16xi32>
        %add3A_510 = arith.addi %add3A_509, %mul3A_508 : vector<16xi32>
        %broadcast_in_dim3A_511 = vector.broadcast %mul3A_165 : i32 to vector<16xi32>
        %select_n3A_512 = arith.select %lt3A_483, %add3A_510, %broadcast_in_dim3A_511 : vector<16xi1>, vector<16xi32>
        %swap3A_513 = arith.constant 64 : index
        %swap3A_514 = tpu.vector_load %arg21[%swap3A_513] {strides = array<i32>} : memref<128xi32, #tpu.memory_space<vmem>>, vector<16xi32>,
        tpu.vector_store %arg21[%swap3A_513], %select_n3A_512 {strides = array<i32>} : memref<128xi32, #tpu.memory_space<vmem>>, vector<16xi32>,
        %add3A_515 = arith.constant 1 : i32
        %add3A_516 = vector.broadcast %add3A_515 : i32 to vector<16xi32>
        %add3A_517 = arith.addi %select_n3A_512, %add3A_516 : vector<16xi32>
        %swap3A_518 = arith.constant 64 : index
        %swap3A_519 = tpu.vector_load %arg22[%swap3A_518] {strides = array<i32>} : memref<128xi32, #tpu.memory_space<vmem>>, vector<16xi32>,
        tpu.vector_store %arg22[%swap3A_518], %add3A_517 {strides = array<i32>} : memref<128xi32, #tpu.memory_space<vmem>>, vector<16xi32>,
        %add3A_520 = arith.constant 2 : i32
        %add3A_521 = vector.broadcast %add3A_520 : i32 to vector<16xi32>
        %add3A_522 = arith.addi %select_n3A_512, %add3A_521 : vector<16xi32>
        %swap3A_523 = arith.constant 64 : index
        %swap3A_524 = tpu.vector_load %arg23[%swap3A_523] {strides = array<i32>} : memref<128xi32, #tpu.memory_space<vmem>>, vector<16xi32>,
        tpu.vector_store %arg23[%swap3A_523], %add3A_522 {strides = array<i32>} : memref<128xi32, #tpu.memory_space<vmem>>, vector<16xi32>,
        %mul3A_525 = arith.constant 128 : i32
        %mul3A_526 = arith.muli %while3A_249, %mul3A_525 : i32
        %add3A_527 = arith.constant 80 : i32
        %add3A_528 = arith.addi %mul3A_526, %add3A_527 : i32
        %get3A_529 = arith.index_cast %add3A_528 : i32 to index
        %get3A_530 = tpu.vector_load %arg14[%get3A_529] {strides = array<i32>} : memref<16400xi32, #tpu.memory_space<vmem>>, vector<16xi32>,
        %mul3A_531 = arith.constant 128 : i32
        %mul3A_532 = arith.muli %while3A_249, %mul3A_531 : i32
        %add3A_533 = arith.constant 80 : i32
        %add3A_534 = arith.addi %mul3A_532, %add3A_533 : i32
        %add3A_535 = vector.broadcast %add3A_534 : i32 to vector<16xi32>
        %add3A_536 = arith.addi %add3A_535, %iota3A : vector<16xi32>
        %lt3A_537 = vector.broadcast %min3A : i32 to vector<16xi32>
        %lt3A_538 = arith.cmpi slt, %add3A_536, %lt3A_537 : vector<16xi32>
        %mul3A_539 = arith.constant 262144 : i32
        %mul3A_540 = arith.muli %add3A, %mul3A_539 : i32
        %jit3A_541 = arith.constant 0 : i32
        %broadcast_in_dim3A_542 = vector.broadcast %jit3A_541 : i32 to vector<16xi32>
        %select_n3A_543 = arith.select %lt3A_538, %get3A_530, %broadcast_in_dim3A_542 : vector<16xi1>, vector<16xi32>
        %add3A_544 = vector.broadcast %mul3A_540 : i32 to vector<16xi32>
        %add3A_545 = arith.addi %add3A_544, %select_n3A_543 : vector<16xi32>
        %mul3A_546 = arith.constant 3 : i32
        %mul3A_547 = vector.broadcast %mul3A_546 : i32 to vector<16xi32>
        %mul3A_548 = arith.muli %add3A_545, %mul3A_547 : vector<16xi32>
        %swap3A_549 = arith.constant 80 : index
        %swap3A_550 = tpu.vector_load %arg17[%swap3A_549] {strides = array<i32>} : memref<384xi32, #tpu.memory_space<vmem>>, vector<16xi32>,
        tpu.vector_store %arg17[%swap3A_549], %mul3A_548 {strides = array<i32>} : memref<384xi32, #tpu.memory_space<vmem>>, vector<16xi32>,
        %add3A_551 = arith.constant 1 : i32
        %add3A_552 = vector.broadcast %add3A_551 : i32 to vector<16xi32>
        %add3A_553 = arith.addi %mul3A_548, %add3A_552 : vector<16xi32>
        %swap3A_554 = arith.constant 208 : index
        %swap3A_555 = tpu.vector_load %arg17[%swap3A_554] {strides = array<i32>} : memref<384xi32, #tpu.memory_space<vmem>>, vector<16xi32>,
        tpu.vector_store %arg17[%swap3A_554], %add3A_553 {strides = array<i32>} : memref<384xi32, #tpu.memory_space<vmem>>, vector<16xi32>,
        %add3A_556 = arith.constant 2 : i32
        %add3A_557 = vector.broadcast %add3A_556 : i32 to vector<16xi32>
        %add3A_558 = arith.addi %mul3A_548, %add3A_557 : vector<16xi32>
        %swap3A_559 = arith.constant 336 : index
        %swap3A_560 = tpu.vector_load %arg17[%swap3A_559] {strides = array<i32>} : memref<384xi32, #tpu.memory_space<vmem>>, vector<16xi32>,
        tpu.vector_store %arg17[%swap3A_559], %add3A_558 {strides = array<i32>} : memref<384xi32, #tpu.memory_space<vmem>>, vector<16xi32>,
        %mul3A_561 = arith.constant 3 : i32
        %mul3A_562 = vector.broadcast %mul3A_561 : i32 to vector<16xi32>
        %mul3A_563 = arith.muli %add3A_536, %mul3A_562 : vector<16xi32>
        %add3A_564 = vector.broadcast %mul3A_159 : i32 to vector<16xi32>
        %add3A_565 = arith.addi %add3A_564, %mul3A_563 : vector<16xi32>
        %broadcast_in_dim3A_566 = vector.broadcast %mul3A_165 : i32 to vector<16xi32>
        %select_n3A_567 = arith.select %lt3A_538, %add3A_565, %broadcast_in_dim3A_566 : vector<16xi1>, vector<16xi32>
        %swap3A_568 = arith.constant 80 : index
        %swap3A_569 = tpu.vector_load %arg21[%swap3A_568] {strides = array<i32>} : memref<128xi32, #tpu.memory_space<vmem>>, vector<16xi32>,
        tpu.vector_store %arg21[%swap3A_568], %select_n3A_567 {strides = array<i32>} : memref<128xi32, #tpu.memory_space<vmem>>, vector<16xi32>,
        %add3A_570 = arith.constant 1 : i32
        %add3A_571 = vector.broadcast %add3A_570 : i32 to vector<16xi32>
        %add3A_572 = arith.addi %select_n3A_567, %add3A_571 : vector<16xi32>
        %swap3A_573 = arith.constant 80 : index
        %swap3A_574 = tpu.vector_load %arg22[%swap3A_573] {strides = array<i32>} : memref<128xi32, #tpu.memory_space<vmem>>, vector<16xi32>,
        tpu.vector_store %arg22[%swap3A_573], %add3A_572 {strides = array<i32>} : memref<128xi32, #tpu.memory_space<vmem>>, vector<16xi32>,
        %add3A_575 = arith.constant 2 : i32
        %add3A_576 = vector.broadcast %add3A_575 : i32 to vector<16xi32>
        %add3A_577 = arith.addi %select_n3A_567, %add3A_576 : vector<16xi32>
        %swap3A_578 = arith.constant 80 : index
        %swap3A_579 = tpu.vector_load %arg23[%swap3A_578] {strides = array<i32>} : memref<128xi32, #tpu.memory_space<vmem>>, vector<16xi32>,
        tpu.vector_store %arg23[%swap3A_578], %add3A_577 {strides = array<i32>} : memref<128xi32, #tpu.memory_space<vmem>>, vector<16xi32>,
        %mul3A_580 = arith.constant 128 : i32
        %mul3A_581 = arith.muli %while3A_249, %mul3A_580 : i32
        %add3A_582 = arith.constant 96 : i32
        %add3A_583 = arith.addi %mul3A_581, %add3A_582 : i32
        %get3A_584 = arith.index_cast %add3A_583 : i32 to index
        %get3A_585 = tpu.vector_load %arg14[%get3A_584] {strides = array<i32>} : memref<16400xi32, #tpu.memory_space<vmem>>, vector<16xi32>,
        %mul3A_586 = arith.constant 128 : i32
        %mul3A_587 = arith.muli %while3A_249, %mul3A_586 : i32
        %add3A_588 = arith.constant 96 : i32
        %add3A_589 = arith.addi %mul3A_587, %add3A_588 : i32
        %add3A_590 = vector.broadcast %add3A_589 : i32 to vector<16xi32>
        %add3A_591 = arith.addi %add3A_590, %iota3A : vector<16xi32>
        %lt3A_592 = vector.broadcast %min3A : i32 to vector<16xi32>
        %lt3A_593 = arith.cmpi slt, %add3A_591, %lt3A_592 : vector<16xi32>
        %mul3A_594 = arith.constant 262144 : i32
        %mul3A_595 = arith.muli %add3A, %mul3A_594 : i32
        %jit3A_596 = arith.constant 0 : i32
        %broadcast_in_dim3A_597 = vector.broadcast %jit3A_596 : i32 to vector<16xi32>
        %select_n3A_598 = arith.select %lt3A_593, %get3A_585, %broadcast_in_dim3A_597 : vector<16xi1>, vector<16xi32>
        %add3A_599 = vector.broadcast %mul3A_595 : i32 to vector<16xi32>
        %add3A_600 = arith.addi %add3A_599, %select_n3A_598 : vector<16xi32>
        %mul3A_601 = arith.constant 3 : i32
        %mul3A_602 = vector.broadcast %mul3A_601 : i32 to vector<16xi32>
        %mul3A_603 = arith.muli %add3A_600, %mul3A_602 : vector<16xi32>
        %swap3A_604 = arith.constant 96 : index
        %swap3A_605 = tpu.vector_load %arg17[%swap3A_604] {strides = array<i32>} : memref<384xi32, #tpu.memory_space<vmem>>, vector<16xi32>,
        tpu.vector_store %arg17[%swap3A_604], %mul3A_603 {strides = array<i32>} : memref<384xi32, #tpu.memory_space<vmem>>, vector<16xi32>,
        %add3A_606 = arith.constant 1 : i32
        %add3A_607 = vector.broadcast %add3A_606 : i32 to vector<16xi32>
        %add3A_608 = arith.addi %mul3A_603, %add3A_607 : vector<16xi32>
        %swap3A_609 = arith.constant 224 : index
        %swap3A_610 = tpu.vector_load %arg17[%swap3A_609] {strides = array<i32>} : memref<384xi32, #tpu.memory_space<vmem>>, vector<16xi32>,
        tpu.vector_store %arg17[%swap3A_609], %add3A_608 {strides = array<i32>} : memref<384xi32, #tpu.memory_space<vmem>>, vector<16xi32>,
        %add3A_611 = arith.constant 2 : i32
        %add3A_612 = vector.broadcast %add3A_611 : i32 to vector<16xi32>
        %add3A_613 = arith.addi %mul3A_603, %add3A_612 : vector<16xi32>
        %swap3A_614 = arith.constant 352 : index
        %swap3A_615 = tpu.vector_load %arg17[%swap3A_614] {strides = array<i32>} : memref<384xi32, #tpu.memory_space<vmem>>, vector<16xi32>,
        tpu.vector_store %arg17[%swap3A_614], %add3A_613 {strides = array<i32>} : memref<384xi32, #tpu.memory_space<vmem>>, vector<16xi32>,
        %mul3A_616 = arith.constant 3 : i32
        %mul3A_617 = vector.broadcast %mul3A_616 : i32 to vector<16xi32>
        %mul3A_618 = arith.muli %add3A_591, %mul3A_617 : vector<16xi32>
        %add3A_619 = vector.broadcast %mul3A_159 : i32 to vector<16xi32>
        %add3A_620 = arith.addi %add3A_619, %mul3A_618 : vector<16xi32>
        %broadcast_in_dim3A_621 = vector.broadcast %mul3A_165 : i32 to vector<16xi32>
        %select_n3A_622 = arith.select %lt3A_593, %add3A_620, %broadcast_in_dim3A_621 : vector<16xi1>, vector<16xi32>
        %swap3A_623 = arith.constant 96 : index
        %swap3A_624 = tpu.vector_load %arg21[%swap3A_623] {strides = array<i32>} : memref<128xi32, #tpu.memory_space<vmem>>, vector<16xi32>,
        tpu.vector_store %arg21[%swap3A_623], %select_n3A_622 {strides = array<i32>} : memref<128xi32, #tpu.memory_space<vmem>>, vector<16xi32>,
        %add3A_625 = arith.constant 1 : i32
        %add3A_626 = vector.broadcast %add3A_625 : i32 to vector<16xi32>
        %add3A_627 = arith.addi %select_n3A_622, %add3A_626 : vector<16xi32>
        %swap3A_628 = arith.constant 96 : index
        %swap3A_629 = tpu.vector_load %arg22[%swap3A_628] {strides = array<i32>} : memref<128xi32, #tpu.memory_space<vmem>>, vector<16xi32>,
        tpu.vector_store %arg22[%swap3A_628], %add3A_627 {strides = array<i32>} : memref<128xi32, #tpu.memory_space<vmem>>, vector<16xi32>,
        %add3A_630 = arith.constant 2 : i32
        %add3A_631 = vector.broadcast %add3A_630 : i32 to vector<16xi32>
        %add3A_632 = arith.addi %select_n3A_622, %add3A_631 : vector<16xi32>
        %swap3A_633 = arith.constant 96 : index
        %swap3A_634 = tpu.vector_load %arg23[%swap3A_633] {strides = array<i32>} : memref<128xi32, #tpu.memory_space<vmem>>, vector<16xi32>,
        tpu.vector_store %arg23[%swap3A_633], %add3A_632 {strides = array<i32>} : memref<128xi32, #tpu.memory_space<vmem>>, vector<16xi32>,
        %mul3A_635 = arith.constant 128 : i32
        %mul3A_636 = arith.muli %while3A_249, %mul3A_635 : i32
        %add3A_637 = arith.constant 112 : i32
        %add3A_638 = arith.addi %mul3A_636, %add3A_637 : i32
        %get3A_639 = arith.index_cast %add3A_638 : i32 to index
        %get3A_640 = tpu.vector_load %arg14[%get3A_639] {strides = array<i32>} : memref<16400xi32, #tpu.memory_space<vmem>>, vector<16xi32>,
        %mul3A_641 = arith.constant 128 : i32
        %mul3A_642 = arith.muli %while3A_249, %mul3A_641 : i32
        %add3A_643 = arith.constant 112 : i32
        %add3A_644 = arith.addi %mul3A_642, %add3A_643 : i32
        %add3A_645 = vector.broadcast %add3A_644 : i32 to vector<16xi32>
        %add3A_646 = arith.addi %add3A_645, %iota3A : vector<16xi32>
        %lt3A_647 = vector.broadcast %min3A : i32 to vector<16xi32>
        %lt3A_648 = arith.cmpi slt, %add3A_646, %lt3A_647 : vector<16xi32>
        %mul3A_649 = arith.constant 262144 : i32
        %mul3A_650 = arith.muli %add3A, %mul3A_649 : i32
        %jit3A_651 = arith.constant 0 : i32
        %broadcast_in_dim3A_652 = vector.broadcast %jit3A_651 : i32 to vector<16xi32>
        %select_n3A_653 = arith.select %lt3A_648, %get3A_640, %broadcast_in_dim3A_652 : vector<16xi1>, vector<16xi32>
        %add3A_654 = vector.broadcast %mul3A_650 : i32 to vector<16xi32>
        %add3A_655 = arith.addi %add3A_654, %select_n3A_653 : vector<16xi32>
        %mul3A_656 = arith.constant 3 : i32
        %mul3A_657 = vector.broadcast %mul3A_656 : i32 to vector<16xi32>
        %mul3A_658 = arith.muli %add3A_655, %mul3A_657 : vector<16xi32>
        %swap3A_659 = arith.constant 112 : index
        %swap3A_660 = tpu.vector_load %arg17[%swap3A_659] {strides = array<i32>} : memref<384xi32, #tpu.memory_space<vmem>>, vector<16xi32>,
        tpu.vector_store %arg17[%swap3A_659], %mul3A_658 {strides = array<i32>} : memref<384xi32, #tpu.memory_space<vmem>>, vector<16xi32>,
        %add3A_661 = arith.constant 1 : i32
        %add3A_662 = vector.broadcast %add3A_661 : i32 to vector<16xi32>
        %add3A_663 = arith.addi %mul3A_658, %add3A_662 : vector<16xi32>
        %swap3A_664 = arith.constant 240 : index
        %swap3A_665 = tpu.vector_load %arg17[%swap3A_664] {strides = array<i32>} : memref<384xi32, #tpu.memory_space<vmem>>, vector<16xi32>,
        tpu.vector_store %arg17[%swap3A_664], %add3A_663 {strides = array<i32>} : memref<384xi32, #tpu.memory_space<vmem>>, vector<16xi32>,
        %add3A_666 = arith.constant 2 : i32
        %add3A_667 = vector.broadcast %add3A_666 : i32 to vector<16xi32>
        %add3A_668 = arith.addi %mul3A_658, %add3A_667 : vector<16xi32>
        %swap3A_669 = arith.constant 368 : index
        %swap3A_670 = tpu.vector_load %arg17[%swap3A_669] {strides = array<i32>} : memref<384xi32, #tpu.memory_space<vmem>>, vector<16xi32>,
        tpu.vector_store %arg17[%swap3A_669], %add3A_668 {strides = array<i32>} : memref<384xi32, #tpu.memory_space<vmem>>, vector<16xi32>,
        %mul3A_671 = arith.constant 3 : i32
        %mul3A_672 = vector.broadcast %mul3A_671 : i32 to vector<16xi32>
        %mul3A_673 = arith.muli %add3A_646, %mul3A_672 : vector<16xi32>
        %add3A_674 = vector.broadcast %mul3A_159 : i32 to vector<16xi32>
        %add3A_675 = arith.addi %add3A_674, %mul3A_673 : vector<16xi32>
        %broadcast_in_dim3A_676 = vector.broadcast %mul3A_165 : i32 to vector<16xi32>
        %select_n3A_677 = arith.select %lt3A_648, %add3A_675, %broadcast_in_dim3A_676 : vector<16xi1>, vector<16xi32>
        %swap3A_678 = arith.constant 112 : index
        %swap3A_679 = tpu.vector_load %arg21[%swap3A_678] {strides = array<i32>} : memref<128xi32, #tpu.memory_space<vmem>>, vector<16xi32>,
        tpu.vector_store %arg21[%swap3A_678], %select_n3A_677 {strides = array<i32>} : memref<128xi32, #tpu.memory_space<vmem>>, vector<16xi32>,
        %add3A_680 = arith.constant 1 : i32
        %add3A_681 = vector.broadcast %add3A_680 : i32 to vector<16xi32>
        %add3A_682 = arith.addi %select_n3A_677, %add3A_681 : vector<16xi32>
        %swap3A_683 = arith.constant 112 : index
        %swap3A_684 = tpu.vector_load %arg22[%swap3A_683] {strides = array<i32>} : memref<128xi32, #tpu.memory_space<vmem>>, vector<16xi32>,
        tpu.vector_store %arg22[%swap3A_683], %add3A_682 {strides = array<i32>} : memref<128xi32, #tpu.memory_space<vmem>>, vector<16xi32>,
        %add3A_685 = arith.constant 2 : i32
        %add3A_686 = vector.broadcast %add3A_685 : i32 to vector<16xi32>
        %add3A_687 = arith.addi %select_n3A_677, %add3A_686 : vector<16xi32>
        %swap3A_688 = arith.constant 112 : index
        %swap3A_689 = tpu.vector_load %arg23[%swap3A_688] {strides = array<i32>} : memref<128xi32, #tpu.memory_space<vmem>>, vector<16xi32>,
        tpu.vector_store %arg23[%swap3A_688], %add3A_687 {strides = array<i32>} : memref<128xi32, #tpu.memory_space<vmem>>, vector<16xi32>,
        %dma_start3A = arith.constant 0 : i32
        %dma_start3A_690 = tpu.memref_slice %arg17[%dma_start3A] : memref<384xi32, #tpu.memory_space<vmem>> -> memref<128xi32, #tpu.memory_space<vmem>>
        %dma_start3A_691 = arith.constant 0 : i32
        %dma_start3A_692 = tpu.memref_slice %arg3[%dma_start3A_691] : memref<3145728xf32, #tpu.memory_space<hbm>> -> memref<3145728xf32, #tpu.memory_space<hbm>>
        tpu.enqueue_indirect_dma source(%dma_start3A_692 : memref<3145728xf32, #tpu.memory_space<hbm>>) target(%arg18 : memref<128xf32, #tpu.memory_space<vmem>>) offsets(%dma_start3A_690 : memref<128xi32, #tpu.memory_space<vmem>>) semaphore(%arg29 : memref<!tpu.dma_semaphore, #tpu.memory_space<semaphore_mem>>)
        %dma_start3A_693 = arith.constant 128 : i32
        %dma_start3A_694 = tpu.memref_slice %arg17[%dma_start3A_693] : memref<384xi32, #tpu.memory_space<vmem>> -> memref<128xi32, #tpu.memory_space<vmem>>
        %dma_start3A_695 = arith.constant 0 : i32
        %dma_start3A_696 = tpu.memref_slice %arg3[%dma_start3A_695] : memref<3145728xf32, #tpu.memory_space<hbm>> -> memref<3145728xf32, #tpu.memory_space<hbm>>
        tpu.enqueue_indirect_dma source(%dma_start3A_696 : memref<3145728xf32, #tpu.memory_space<hbm>>) target(%arg19 : memref<128xf32, #tpu.memory_space<vmem>>) offsets(%dma_start3A_694 : memref<128xi32, #tpu.memory_space<vmem>>) semaphore(%arg29 : memref<!tpu.dma_semaphore, #tpu.memory_space<semaphore_mem>>)
        %dma_start3A_697 = arith.constant 256 : i32
        %dma_start3A_698 = tpu.memref_slice %arg17[%dma_start3A_697] : memref<384xi32, #tpu.memory_space<vmem>> -> memref<128xi32, #tpu.memory_space<vmem>>
        %dma_start3A_699 = arith.constant 0 : i32
        %dma_start3A_700 = tpu.memref_slice %arg3[%dma_start3A_699] : memref<3145728xf32, #tpu.memory_space<hbm>> -> memref<3145728xf32, #tpu.memory_space<hbm>>
        tpu.enqueue_indirect_dma source(%dma_start3A_700 : memref<3145728xf32, #tpu.memory_space<hbm>>) target(%arg20 : memref<128xf32, #tpu.memory_space<vmem>>) offsets(%dma_start3A_698 : memref<128xi32, #tpu.memory_space<vmem>>) semaphore(%arg29 : memref<!tpu.dma_semaphore, #tpu.memory_space<semaphore_mem>>)
        %dma_wait3A = arith.constant 0 : i32
        %dma_wait3A_701 = tpu.memref_slice %arg17[%dma_wait3A] : memref<384xi32, #tpu.memory_space<vmem>> -> memref<128xi32, #tpu.memory_space<vmem>>
        %dma_wait3A_702 = arith.constant 0 : i32
        %dma_wait3A_703 = tpu.memref_slice %arg3[%dma_wait3A_702] : memref<3145728xf32, #tpu.memory_space<hbm>> -> memref<3145728xf32, #tpu.memory_space<hbm>>
        tpu.wait_indirect_dma semaphore(%arg29 : memref<!tpu.dma_semaphore, #tpu.memory_space<semaphore_mem>>) src(%dma_wait3A_703 : memref<3145728xf32, #tpu.memory_space<hbm>>) dst(%arg18 : memref<128xf32, #tpu.memory_space<vmem>>)
        %dma_wait3A_704 = arith.constant 128 : i32
        %dma_wait3A_705 = tpu.memref_slice %arg17[%dma_wait3A_704] : memref<384xi32, #tpu.memory_space<vmem>> -> memref<128xi32, #tpu.memory_space<vmem>>
        %dma_wait3A_706 = arith.constant 0 : i32
        %dma_wait3A_707 = tpu.memref_slice %arg3[%dma_wait3A_706] : memref<3145728xf32, #tpu.memory_space<hbm>> -> memref<3145728xf32, #tpu.memory_space<hbm>>
        tpu.wait_indirect_dma semaphore(%arg29 : memref<!tpu.dma_semaphore, #tpu.memory_space<semaphore_mem>>) src(%dma_wait3A_707 : memref<3145728xf32, #tpu.memory_space<hbm>>) dst(%arg19 : memref<128xf32, #tpu.memory_space<vmem>>)
        %dma_wait3A_708 = arith.constant 256 : i32
        %dma_wait3A_709 = tpu.memref_slice %arg17[%dma_wait3A_708] : memref<384xi32, #tpu.memory_space<vmem>> -> memref<128xi32, #tpu.memory_space<vmem>>
        %dma_wait3A_710 = arith.constant 0 : i32
        %dma_wait3A_711 = tpu.memref_slice %arg3[%dma_wait3A_710] : memref<3145728xf32, #tpu.memory_space<hbm>> -> memref<3145728xf32, #tpu.memory_space<hbm>>
        tpu.wait_indirect_dma semaphore(%arg29 : memref<!tpu.dma_semaphore, #tpu.memory_space<semaphore_mem>>) src(%dma_wait3A_711 : memref<3145728xf32, #tpu.memory_space<hbm>>) dst(%arg20 : memref<128xf32, #tpu.memory_space<vmem>>)
        %dma_start3A_712 = arith.constant 0 : i32
        %dma_start3A_713 = tpu.memref_slice %arg4[%dma_start3A_712] : memref<196800xf32, #tpu.memory_space<hbm>> -> memref<196800xf32, #tpu.memory_space<hbm>>
        tpu.enqueue_indirect_dma source(%arg18 : memref<128xf32, #tpu.memory_space<vmem>>) target(%dma_start3A_713 : memref<196800xf32, #tpu.memory_space<hbm>>) offsets(%arg21 : memref<128xi32, #tpu.memory_space<vmem>>) semaphore(%arg30 : memref<!tpu.dma_semaphore, #tpu.memory_space<semaphore_mem>>)
        %dma_start3A_714 = arith.constant 0 : i32
        %dma_start3A_715 = tpu.memref_slice %arg4[%dma_start3A_714] : memref<196800xf32, #tpu.memory_space<hbm>> -> memref<196800xf32, #tpu.memory_space<hbm>>
        tpu.enqueue_indirect_dma source(%arg19 : memref<128xf32, #tpu.memory_space<vmem>>) target(%dma_start3A_715 : memref<196800xf32, #tpu.memory_space<hbm>>) offsets(%arg22 : memref<128xi32, #tpu.memory_space<vmem>>) semaphore(%arg30 : memref<!tpu.dma_semaphore, #tpu.memory_space<semaphore_mem>>)
        %dma_start3A_716 = arith.constant 0 : i32
        %dma_start3A_717 = tpu.memref_slice %arg4[%dma_start3A_716] : memref<196800xf32, #tpu.memory_space<hbm>> -> memref<196800xf32, #tpu.memory_space<hbm>>
        tpu.enqueue_indirect_dma source(%arg20 : memref<128xf32, #tpu.memory_space<vmem>>) target(%dma_start3A_717 : memref<196800xf32, #tpu.memory_space<hbm>>) offsets(%arg23 : memref<128xi32, #tpu.memory_space<vmem>>) semaphore(%arg30 : memref<!tpu.dma_semaphore, #tpu.memory_space<semaphore_mem>>)
        %dma_wait3A_718 = arith.constant 0 : i32
        %dma_wait3A_719 = tpu.memref_slice %arg4[%dma_wait3A_718] : memref<196800xf32, #tpu.memory_space<hbm>> -> memref<196800xf32, #tpu.memory_space<hbm>>
        tpu.wait_indirect_dma semaphore(%arg30 : memref<!tpu.dma_semaphore, #tpu.memory_space<semaphore_mem>>) src(%arg18 : memref<128xf32, #tpu.memory_space<vmem>>) dst(%dma_wait3A_719 : memref<196800xf32, #tpu.memory_space<hbm>>)
        %dma_wait3A_720 = arith.constant 0 : i32
        %dma_wait3A_721 = tpu.memref_slice %arg4[%dma_wait3A_720] : memref<196800xf32, #tpu.memory_space<hbm>> -> memref<196800xf32, #tpu.memory_space<hbm>>
        tpu.wait_indirect_dma semaphore(%arg30 : memref<!tpu.dma_semaphore, #tpu.memory_space<semaphore_mem>>) src(%arg19 : memref<128xf32, #tpu.memory_space<vmem>>) dst(%dma_wait3A_721 : memref<196800xf32, #tpu.memory_space<hbm>>)
        %dma_wait3A_722 = arith.constant 0 : i32
        %dma_wait3A_723 = tpu.memref_slice %arg4[%dma_wait3A_722] : memref<196800xf32, #tpu.memory_space<hbm>> -> memref<196800xf32, #tpu.memory_space<hbm>>
        tpu.wait_indirect_dma semaphore(%arg30 : memref<!tpu.dma_semaphore, #tpu.memory_space<semaphore_mem>>) src(%arg20 : memref<128xf32, #tpu.memory_space<vmem>>) dst(%dma_wait3A_723 : memref<196800xf32, #tpu.memory_space<hbm>>)
        %while3A_724 = arith.constant 0 : i32
        scf.yield %while3A_724 : i32
      }
      %mul3A_198 = arith.constant 1024 : i32
      %mul3A_199 = arith.muli %arg1, %mul3A_198 : i32
      %max3A_200 = arith.maxsi %reduce_sum3A_144, %mul3A_199 : i32
      %add3A_201 = arith.constant 1 : i32
      %add3A_202 = arith.addi %arg1, %add3A_201 : i32
      %mul3A_203 = arith.constant 1024 : i32
      %mul3A_204 = arith.muli %add3A_202, %mul3A_203 : i32
      %sub3A_205 = arith.subi %mul3A_204, %max3A_200 : i32
      %max3A_206 = arith.constant 0 : i32
      %max3A_207 = arith.maxsi %sub3A_205, %max3A_206 : i32
      %mul3A_208 = arith.constant 3 : i32
      %mul3A_209 = arith.muli %max3A_207, %mul3A_208 : i32
      %add3A_210 = arith.constant 127 : i32
      %add3A_211 = arith.addi %mul3A_209, %add3A_210 : i32
      %jit3A_212 = arith.constant 128 : i32
      %div3A_213 = arith.divsi %add3A_211, %jit3A_212 : i32
      %sign3A_214 = arith.constant 0 : i32
      %sign3A_215 = arith.cmpi sgt, %add3A_211, %sign3A_214 : i32
      %sign3A_216 = arith.extui %sign3A_215 : i1 to i32
      %sign3A_217 = arith.constant 0 : i32
      %sign3A_218 = arith.cmpi slt, %add3A_211, %sign3A_217 : i32
      %sign3A_219 = arith.extui %sign3A_218 : i1 to i32
      %sign3A_220 = arith.subi %sign3A_216, %sign3A_219 : i32
      %sign3A_221 = arith.constant 0 : i32
      %sign3A_222 = arith.cmpi sgt, %jit3A_212, %sign3A_221 : i32
      %sign3A_223 = arith.extui %sign3A_222 : i1 to i32
      %sign3A_224 = arith.constant 0 : i32
      %sign3A_225 = arith.cmpi slt, %jit3A_212, %sign3A_224 : i32
      %sign3A_226 = arith.extui %sign3A_225 : i1 to i32
      %sign3A_227 = arith.subi %sign3A_223, %sign3A_226 : i32
      %ne3A_228 = arith.cmpi ne, %sign3A_220, %sign3A_227 : i32
      %rem3A_229 = arith.remsi %add3A_211, %jit3A_212 : i32
      %ne3A_230 = arith.constant 0 : i32
      %ne3A_231 = arith.cmpi ne, %rem3A_229, %ne3A_230 : i32
      %and3A_232 = arith.andi %ne3A_228, %ne3A_231 : i1
      %sub3A_233 = arith.constant 1 : i32
      %sub3A_234 = arith.subi %div3A_213, %sub3A_233 : i32
      %select_n3A_235 = arith.select %and3A_232, %sub3A_234, %div3A_213 : i32
      %while3A_236 = arith.constant 0 : i32
      %while3A_237 = arith.constant 0 : i32
      %while3A_238 = arith.subi %select_n3A_235, %while3A_236 : i32
      %while3A_239 = arith.addi %while3A_236, %while3A_238 : i32
      %while3A_240 = arith.constant 1 : i32
      %while3A_241 = arith.divsi %while3A_238, %while3A_240 : i32
      %while3A_242 = arith.muli %while3A_241, %while3A_240 : i32
      %while3A_243 = arith.addi %while3A_236, %while3A_242 : i32
      %while3A_244 = arith.constant 1 : i32
      %while3A_245 = scf.for %while3A_249 = %while3A_236 to %while3A_243 step %while3A_244 iter_args(%while3A_250 = %while3A_237) -> (i32)  : i32 {
        %mul3A_251 = arith.constant 16400 : i32
        %mul3A_252 = arith.muli %add3A, %mul3A_251 : i32
        %add3A_253 = arith.addi %mul3A_252, %mul3A_204 : i32
        %mul3A_254 = arith.constant 3 : i32
        %mul3A_255 = arith.muli %add3A_253, %mul3A_254 : i32
        %mul3A_256 = arith.constant 16400 : i32
        %mul3A_257 = arith.muli %add3A, %mul3A_256 : i32
        %add3A_258 = arith.addi %mul3A_257, %max3A_200 : i32
        %mul3A_259 = arith.constant 3 : i32
        %mul3A_260 = arith.muli %add3A_258, %mul3A_259 : i32
        %mul3A_261 = arith.constant 128 : i32
        %mul3A_262 = arith.muli %while3A_249, %mul3A_261 : i32
        %add3A_263 = arith.addi %mul3A_260, %mul3A_262 : i32
        %add3A_264 = arith.constant 0 : i32
        %add3A_265 = arith.addi %add3A_263, %add3A_264 : i32
        %add3A_266 = vector.broadcast %add3A_265 : i32 to vector<16xi32>
        %add3A_267 = arith.addi %add3A_266, %iota3A : vector<16xi32>
        %lt3A_268 = vector.broadcast %mul3A_255 : i32 to vector<16xi32>
        %lt3A_269 = arith.cmpi slt, %add3A_267, %lt3A_268 : vector<16xi32>
        %mul3A_270 = arith.constant 16400 : i32
        %mul3A_271 = arith.muli %add3A, %mul3A_270 : i32
        %mul3A_272 = arith.constant 3 : i32
        %mul3A_273 = arith.muli %mul3A_271, %mul3A_272 : i32
        %sub3A_274 = vector.broadcast %mul3A_273 : i32 to vector<16xi32>
        %sub3A_275 = arith.subi %add3A_267, %sub3A_274 : vector<16xi32>
        %jit3A_276 = arith.constant 3 : i32
        %eq3A = arith.constant 0 : i32
        %eq3A_277 = arith.cmpi eq, %jit3A_276, %eq3A : i32
        %jit3A_278 = arith.constant 1 : i32
        %select_n3A_279 = arith.select %eq3A_277, %jit3A_278, %jit3A_276 : i32
        %rem3A_280 = vector.broadcast %select_n3A_279 : i32 to vector<16xi32>
        %rem3A_281 = arith.remsi %sub3A_275, %rem3A_280 : vector<16xi32>
        %ne3A_282 = arith.constant 0 : i32
        %ne3A_283 = vector.broadcast %ne3A_282 : i32 to vector<16xi32>
        %ne3A_284 = arith.cmpi ne, %rem3A_281, %ne3A_283 : vector<16xi32>
        %lt3A_285 = arith.constant 0 : i32
        %lt3A_286 = vector.broadcast %lt3A_285 : i32 to vector<16xi32>
        %lt3A_287 = arith.cmpi slt, %rem3A_281, %lt3A_286 : vector<16xi32>
        %lt3A_288 = arith.constant 0 : i32
        %lt3A_289 = arith.cmpi slt, %select_n3A_279, %lt3A_288 : i32
        %ne3A_290 = vector.broadcast %lt3A_289 : i1 to vector<16xi1>
        %ne3A_291 = vector.broadcast %ne3A_290 : vector<16xi1> to vector<16xi1>
        %ne3A_292 = arith.xori %lt3A_287, %ne3A_291 : vector<16xi1>
        %and3A_293 = arith.andi %ne3A_292, %ne3A_284 : vector<16xi1>
        %add3A_294 = vector.broadcast %select_n3A_279 : i32 to vector<16xi32>
        %add3A_295 = arith.addi %rem3A_281, %add3A_294 : vector<16xi32>
        %select_n3A_296 = arith.select %and3A_293, %add3A_295, %rem3A_281 : vector<16xi1>, vector<16xi32>
        %mul3A_297 = arith.constant 262144 : i32
        %mul3A_298 = arith.muli %add3A, %mul3A_297 : i32
        %mul3A_299 = arith.constant 3 : i32
        %mul3A_300 = arith.muli %mul3A_298, %mul3A_299 : i32
        %add3A_301 = vector.broadcast %mul3A_300 : i32 to vector<16xi32>
        %add3A_302 = arith.addi %add3A_301, %select_n3A_296 : vector<16xi32>
        %swap3A_303 = arith.constant 0 : index
        %swap3A_304 = tpu.vector_load %arg17[%swap3A_303] {strides = array<i32>} : memref<384xi32, #tpu.memory_space<vmem>>, vector<16xi32>,
        tpu.vector_store %arg17[%swap3A_303], %add3A_302 {strides = array<i32>} : memref<384xi32, #tpu.memory_space<vmem>>, vector<16xi32>,
        %broadcast_in_dim3A_305 = vector.broadcast %mul3A_165 : i32 to vector<16xi32>
        %select_n3A_306 = arith.select %lt3A_269, %add3A_267, %broadcast_in_dim3A_305 : vector<16xi1>, vector<16xi32>
        %swap3A_307 = arith.constant 0 : index
        %swap3A_308 = tpu.vector_load %arg21[%swap3A_307] {strides = array<i32>} : memref<128xi32, #tpu.memory_space<vmem>>, vector<16xi32>,
        tpu.vector_store %arg21[%swap3A_307], %select_n3A_306 {strides = array<i32>} : memref<128xi32, #tpu.memory_space<vmem>>, vector<16xi32>,
        %mul3A_309 = arith.constant 16400 : i32
        %mul3A_310 = arith.muli %add3A, %mul3A_309 : i32
        %add3A_311 = arith.addi %mul3A_310, %max3A_200 : i32
        %mul3A_312 = arith.constant 3 : i32
        %mul3A_313 = arith.muli %add3A_311, %mul3A_312 : i32
        %mul3A_314 = arith.constant 128 : i32
        %mul3A_315 = arith.muli %while3A_249, %mul3A_314 : i32
        %add3A_316 = arith.addi %mul3A_313, %mul3A_315 : i32
        %add3A_317 = arith.constant 16 : i32
        %add3A_318 = arith.addi %add3A_316, %add3A_317 : i32
        %add3A_319 = vector.broadcast %add3A_318 : i32 to vector<16xi32>
        %add3A_320 = arith.addi %add3A_319, %iota3A : vector<16xi32>
        %lt3A_321 = vector.broadcast %mul3A_255 : i32 to vector<16xi32>
        %lt3A_322 = arith.cmpi slt, %add3A_320, %lt3A_321 : vector<16xi32>
        %mul3A_323 = arith.constant 16400 : i32
        %mul3A_324 = arith.muli %add3A, %mul3A_323 : i32
        %mul3A_325 = arith.constant 3 : i32
        %mul3A_326 = arith.muli %mul3A_324, %mul3A_325 : i32
        %sub3A_327 = vector.broadcast %mul3A_326 : i32 to vector<16xi32>
        %sub3A_328 = arith.subi %add3A_320, %sub3A_327 : vector<16xi32>
        %jit3A_329 = arith.constant 3 : i32
        %eq3A_330 = arith.constant 0 : i32
        %eq3A_331 = arith.cmpi eq, %jit3A_329, %eq3A_330 : i32
        %jit3A_332 = arith.constant 1 : i32
        %select_n3A_333 = arith.select %eq3A_331, %jit3A_332, %jit3A_329 : i32
        %rem3A_334 = vector.broadcast %select_n3A_333 : i32 to vector<16xi32>
        %rem3A_335 = arith.remsi %sub3A_328, %rem3A_334 : vector<16xi32>
        %ne3A_336 = arith.constant 0 : i32
        %ne3A_337 = vector.broadcast %ne3A_336 : i32 to vector<16xi32>
        %ne3A_338 = arith.cmpi ne, %rem3A_335, %ne3A_337 : vector<16xi32>
        %lt3A_339 = arith.constant 0 : i32
        %lt3A_340 = vector.broadcast %lt3A_339 : i32 to vector<16xi32>
        %lt3A_341 = arith.cmpi slt, %rem3A_335, %lt3A_340 : vector<16xi32>
        %lt3A_342 = arith.constant 0 : i32
        %lt3A_343 = arith.cmpi slt, %select_n3A_333, %lt3A_342 : i32
        %ne3A_344 = vector.broadcast %lt3A_343 : i1 to vector<16xi1>
        %ne3A_345 = vector.broadcast %ne3A_344 : vector<16xi1> to vector<16xi1>
        %ne3A_346 = arith.xori %lt3A_341, %ne3A_345 : vector<16xi1>
        %and3A_347 = arith.andi %ne3A_346, %ne3A_338 : vector<16xi1>
        %add3A_348 = vector.broadcast %select_n3A_333 : i32 to vector<16xi32>
        %add3A_349 = arith.addi %rem3A_335, %add3A_348 : vector<16xi32>
        %select_n3A_350 = arith.select %and3A_347, %add3A_349, %rem3A_335 : vector<16xi1>, vector<16xi32>
        %mul3A_351 = arith.constant 262144 : i32
        %mul3A_352 = arith.muli %add3A, %mul3A_351 : i32
        %mul3A_353 = arith.constant 3 : i32
        %mul3A_354 = arith.muli %mul3A_352, %mul3A_353 : i32
        %add3A_355 = vector.broadcast %mul3A_354 : i32 to vector<16xi32>
        %add3A_356 = arith.addi %add3A_355, %select_n3A_350 : vector<16xi32>
        %swap3A_357 = arith.constant 16 : index
        %swap3A_358 = tpu.vector_load %arg17[%swap3A_357] {strides = array<i32>} : memref<384xi32, #tpu.memory_space<vmem>>, vector<16xi32>,
        tpu.vector_store %arg17[%swap3A_357], %add3A_356 {strides = array<i32>} : memref<384xi32, #tpu.memory_space<vmem>>, vector<16xi32>,
        %broadcast_in_dim3A_359 = vector.broadcast %mul3A_165 : i32 to vector<16xi32>
        %select_n3A_360 = arith.select %lt3A_322, %add3A_320, %broadcast_in_dim3A_359 : vector<16xi1>, vector<16xi32>
        %swap3A_361 = arith.constant 16 : index
        %swap3A_362 = tpu.vector_load %arg21[%swap3A_361] {strides = array<i32>} : memref<128xi32, #tpu.memory_space<vmem>>, vector<16xi32>,
        tpu.vector_store %arg21[%swap3A_361], %select_n3A_360 {strides = array<i32>} : memref<128xi32, #tpu.memory_space<vmem>>, vector<16xi32>,
        %mul3A_363 = arith.constant 16400 : i32
        %mul3A_364 = arith.muli %add3A, %mul3A_363 : i32
        %add3A_365 = arith.addi %mul3A_364, %max3A_200 : i32
        %mul3A_366 = arith.constant 3 : i32
        %mul3A_367 = arith.muli %add3A_365, %mul3A_366 : i32
        %mul3A_368 = arith.constant 128 : i32
        %mul3A_369 = arith.muli %while3A_249, %mul3A_368 : i32
        %add3A_370 = arith.addi %mul3A_367, %mul3A_369 : i32
        %add3A_371 = arith.constant 32 : i32
        %add3A_372 = arith.addi %add3A_370, %add3A_371 : i32
        %add3A_373 = vector.broadcast %add3A_372 : i32 to vector<16xi32>
        %add3A_374 = arith.addi %add3A_373, %iota3A : vector<16xi32>
        %lt3A_375 = vector.broadcast %mul3A_255 : i32 to vector<16xi32>
        %lt3A_376 = arith.cmpi slt, %add3A_374, %lt3A_375 : vector<16xi32>
        %mul3A_377 = arith.constant 16400 : i32
        %mul3A_378 = arith.muli %add3A, %mul3A_377 : i32
        %mul3A_379 = arith.constant 3 : i32
        %mul3A_380 = arith.muli %mul3A_378, %mul3A_379 : i32
        %sub3A_381 = vector.broadcast %mul3A_380 : i32 to vector<16xi32>
        %sub3A_382 = arith.subi %add3A_374, %sub3A_381 : vector<16xi32>
        %jit3A_383 = arith.constant 3 : i32
        %eq3A_384 = arith.constant 0 : i32
        %eq3A_385 = arith.cmpi eq, %jit3A_383, %eq3A_384 : i32
        %jit3A_386 = arith.constant 1 : i32
        %select_n3A_387 = arith.select %eq3A_385, %jit3A_386, %jit3A_383 : i32
        %rem3A_388 = vector.broadcast %select_n3A_387 : i32 to vector<16xi32>
        %rem3A_389 = arith.remsi %sub3A_382, %rem3A_388 : vector<16xi32>
        %ne3A_390 = arith.constant 0 : i32
        %ne3A_391 = vector.broadcast %ne3A_390 : i32 to vector<16xi32>
        %ne3A_392 = arith.cmpi ne, %rem3A_389, %ne3A_391 : vector<16xi32>
        %lt3A_393 = arith.constant 0 : i32
        %lt3A_394 = vector.broadcast %lt3A_393 : i32 to vector<16xi32>
        %lt3A_395 = arith.cmpi slt, %rem3A_389, %lt3A_394 : vector<16xi32>
        %lt3A_396 = arith.constant 0 : i32
        %lt3A_397 = arith.cmpi slt, %select_n3A_387, %lt3A_396 : i32
        %ne3A_398 = vector.broadcast %lt3A_397 : i1 to vector<16xi1>
        %ne3A_399 = vector.broadcast %ne3A_398 : vector<16xi1> to vector<16xi1>
        %ne3A_400 = arith.xori %lt3A_395, %ne3A_399 : vector<16xi1>
        %and3A_401 = arith.andi %ne3A_400, %ne3A_392 : vector<16xi1>
        %add3A_402 = vector.broadcast %select_n3A_387 : i32 to vector<16xi32>
        %add3A_403 = arith.addi %rem3A_389, %add3A_402 : vector<16xi32>
        %select_n3A_404 = arith.select %and3A_401, %add3A_403, %rem3A_389 : vector<16xi1>, vector<16xi32>
        %mul3A_405 = arith.constant 262144 : i32
        %mul3A_406 = arith.muli %add3A, %mul3A_405 : i32
        %mul3A_407 = arith.constant 3 : i32
        %mul3A_408 = arith.muli %mul3A_406, %mul3A_407 : i32
        %add3A_409 = vector.broadcast %mul3A_408 : i32 to vector<16xi32>
        %add3A_410 = arith.addi %add3A_409, %select_n3A_404 : vector<16xi32>
        %swap3A_411 = arith.constant 32 : index
        %swap3A_412 = tpu.vector_load %arg17[%swap3A_411] {strides = array<i32>} : memref<384xi32, #tpu.memory_space<vmem>>, vector<16xi32>,
        tpu.vector_store %arg17[%swap3A_411], %add3A_410 {strides = array<i32>} : memref<384xi32, #tpu.memory_space<vmem>>, vector<16xi32>,
        %broadcast_in_dim3A_413 = vector.broadcast %mul3A_165 : i32 to vector<16xi32>
        %select_n3A_414 = arith.select %lt3A_376, %add3A_374, %broadcast_in_dim3A_413 : vector<16xi1>, vector<16xi32>
        %swap3A_415 = arith.constant 32 : index
        %swap3A_416 = tpu.vector_load %arg21[%swap3A_415] {strides = array<i32>} : memref<128xi32, #tpu.memory_space<vmem>>, vector<16xi32>,
        tpu.vector_store %arg21[%swap3A_415], %select_n3A_414 {strides = array<i32>} : memref<128xi32, #tpu.memory_space<vmem>>, vector<16xi32>,
        %mul3A_417 = arith.constant 16400 : i32
        %mul3A_418 = arith.muli %add3A, %mul3A_417 : i32
        %add3A_419 = arith.addi %mul3A_418, %max3A_200 : i32
        %mul3A_420 = arith.constant 3 : i32
        %mul3A_421 = arith.muli %add3A_419, %mul3A_420 : i32
        %mul3A_422 = arith.constant 128 : i32
        %mul3A_423 = arith.muli %while3A_249, %mul3A_422 : i32
        %add3A_424 = arith.addi %mul3A_421, %mul3A_423 : i32
        %add3A_425 = arith.constant 48 : i32
        %add3A_426 = arith.addi %add3A_424, %add3A_425 : i32
        %add3A_427 = vector.broadcast %add3A_426 : i32 to vector<16xi32>
        %add3A_428 = arith.addi %add3A_427, %iota3A : vector<16xi32>
        %lt3A_429 = vector.broadcast %mul3A_255 : i32 to vector<16xi32>
        %lt3A_430 = arith.cmpi slt, %add3A_428, %lt3A_429 : vector<16xi32>
        %mul3A_431 = arith.constant 16400 : i32
        %mul3A_432 = arith.muli %add3A, %mul3A_431 : i32
        %mul3A_433 = arith.constant 3 : i32
        %mul3A_434 = arith.muli %mul3A_432, %mul3A_433 : i32
        %sub3A_435 = vector.broadcast %mul3A_434 : i32 to vector<16xi32>
        %sub3A_436 = arith.subi %add3A_428, %sub3A_435 : vector<16xi32>
        %jit3A_437 = arith.constant 3 : i32
        %eq3A_438 = arith.constant 0 : i32
        %eq3A_439 = arith.cmpi eq, %jit3A_437, %eq3A_438 : i32
        %jit3A_440 = arith.constant 1 : i32
        %select_n3A_441 = arith.select %eq3A_439, %jit3A_440, %jit3A_437 : i32
        %rem3A_442 = vector.broadcast %select_n3A_441 : i32 to vector<16xi32>
        %rem3A_443 = arith.remsi %sub3A_436, %rem3A_442 : vector<16xi32>
        %ne3A_444 = arith.constant 0 : i32
        %ne3A_445 = vector.broadcast %ne3A_444 : i32 to vector<16xi32>
        %ne3A_446 = arith.cmpi ne, %rem3A_443, %ne3A_445 : vector<16xi32>
        %lt3A_447 = arith.constant 0 : i32
        %lt3A_448 = vector.broadcast %lt3A_447 : i32 to vector<16xi32>
        %lt3A_449 = arith.cmpi slt, %rem3A_443, %lt3A_448 : vector<16xi32>
        %lt3A_450 = arith.constant 0 : i32
        %lt3A_451 = arith.cmpi slt, %select_n3A_441, %lt3A_450 : i32
        %ne3A_452 = vector.broadcast %lt3A_451 : i1 to vector<16xi1>
        %ne3A_453 = vector.broadcast %ne3A_452 : vector<16xi1> to vector<16xi1>
        %ne3A_454 = arith.xori %lt3A_449, %ne3A_453 : vector<16xi1>
        %and3A_455 = arith.andi %ne3A_454, %ne3A_446 : vector<16xi1>
        %add3A_456 = vector.broadcast %select_n3A_441 : i32 to vector<16xi32>
        %add3A_457 = arith.addi %rem3A_443, %add3A_456 : vector<16xi32>
        %select_n3A_458 = arith.select %and3A_455, %add3A_457, %rem3A_443 : vector<16xi1>, vector<16xi32>
        %mul3A_459 = arith.constant 262144 : i32
        %mul3A_460 = arith.muli %add3A, %mul3A_459 : i32
        %mul3A_461 = arith.constant 3 : i32
        %mul3A_462 = arith.muli %mul3A_460, %mul3A_461 : i32
        %add3A_463 = vector.broadcast %mul3A_462 : i32 to vector<16xi32>
        %add3A_464 = arith.addi %add3A_463, %select_n3A_458 : vector<16xi32>
        %swap3A_465 = arith.constant 48 : index
        %swap3A_466 = tpu.vector_load %arg17[%swap3A_465] {strides = array<i32>} : memref<384xi32, #tpu.memory_space<vmem>>, vector<16xi32>,
        tpu.vector_store %arg17[%swap3A_465], %add3A_464 {strides = array<i32>} : memref<384xi32, #tpu.memory_space<vmem>>, vector<16xi32>,
        %broadcast_in_dim3A_467 = vector.broadcast %mul3A_165 : i32 to vector<16xi32>
        %select_n3A_468 = arith.select %lt3A_430, %add3A_428, %broadcast_in_dim3A_467 : vector<16xi1>, vector<16xi32>
        %swap3A_469 = arith.constant 48 : index
        %swap3A_470 = tpu.vector_load %arg21[%swap3A_469] {strides = array<i32>} : memref<128xi32, #tpu.memory_space<vmem>>, vector<16xi32>,
        tpu.vector_store %arg21[%swap3A_469], %select_n3A_468 {strides = array<i32>} : memref<128xi32, #tpu.memory_space<vmem>>, vector<16xi32>,
        %mul3A_471 = arith.constant 16400 : i32
        %mul3A_472 = arith.muli %add3A, %mul3A_471 : i32
        %add3A_473 = arith.addi %mul3A_472, %max3A_200 : i32
        %mul3A_474 = arith.constant 3 : i32
        %mul3A_475 = arith.muli %add3A_473, %mul3A_474 : i32
        %mul3A_476 = arith.constant 128 : i32
        %mul3A_477 = arith.muli %while3A_249, %mul3A_476 : i32
        %add3A_478 = arith.addi %mul3A_475, %mul3A_477 : i32
        %add3A_479 = arith.constant 64 : i32
        %add3A_480 = arith.addi %add3A_478, %add3A_479 : i32
        %add3A_481 = vector.broadcast %add3A_480 : i32 to vector<16xi32>
        %add3A_482 = arith.addi %add3A_481, %iota3A : vector<16xi32>
        %lt3A_483 = vector.broadcast %mul3A_255 : i32 to vector<16xi32>
        %lt3A_484 = arith.cmpi slt, %add3A_482, %lt3A_483 : vector<16xi32>
        %mul3A_485 = arith.constant 16400 : i32
        %mul3A_486 = arith.muli %add3A, %mul3A_485 : i32
        %mul3A_487 = arith.constant 3 : i32
        %mul3A_488 = arith.muli %mul3A_486, %mul3A_487 : i32
        %sub3A_489 = vector.broadcast %mul3A_488 : i32 to vector<16xi32>
        %sub3A_490 = arith.subi %add3A_482, %sub3A_489 : vector<16xi32>
        %jit3A_491 = arith.constant 3 : i32
        %eq3A_492 = arith.constant 0 : i32
        %eq3A_493 = arith.cmpi eq, %jit3A_491, %eq3A_492 : i32
        %jit3A_494 = arith.constant 1 : i32
        %select_n3A_495 = arith.select %eq3A_493, %jit3A_494, %jit3A_491 : i32
        %rem3A_496 = vector.broadcast %select_n3A_495 : i32 to vector<16xi32>
        %rem3A_497 = arith.remsi %sub3A_490, %rem3A_496 : vector<16xi32>
        %ne3A_498 = arith.constant 0 : i32
        %ne3A_499 = vector.broadcast %ne3A_498 : i32 to vector<16xi32>
        %ne3A_500 = arith.cmpi ne, %rem3A_497, %ne3A_499 : vector<16xi32>
        %lt3A_501 = arith.constant 0 : i32
        %lt3A_502 = vector.broadcast %lt3A_501 : i32 to vector<16xi32>
        %lt3A_503 = arith.cmpi slt, %rem3A_497, %lt3A_502 : vector<16xi32>
        %lt3A_504 = arith.constant 0 : i32
        %lt3A_505 = arith.cmpi slt, %select_n3A_495, %lt3A_504 : i32
        %ne3A_506 = vector.broadcast %lt3A_505 : i1 to vector<16xi1>
        %ne3A_507 = vector.broadcast %ne3A_506 : vector<16xi1> to vector<16xi1>
        %ne3A_508 = arith.xori %lt3A_503, %ne3A_507 : vector<16xi1>
        %and3A_509 = arith.andi %ne3A_508, %ne3A_500 : vector<16xi1>
        %add3A_510 = vector.broadcast %select_n3A_495 : i32 to vector<16xi32>
        %add3A_511 = arith.addi %rem3A_497, %add3A_510 : vector<16xi32>
        %select_n3A_512 = arith.select %and3A_509, %add3A_511, %rem3A_497 : vector<16xi1>, vector<16xi32>
        %mul3A_513 = arith.constant 262144 : i32
        %mul3A_514 = arith.muli %add3A, %mul3A_513 : i32
        %mul3A_515 = arith.constant 3 : i32
        %mul3A_516 = arith.muli %mul3A_514, %mul3A_515 : i32
        %add3A_517 = vector.broadcast %mul3A_516 : i32 to vector<16xi32>
        %add3A_518 = arith.addi %add3A_517, %select_n3A_512 : vector<16xi32>
        %swap3A_519 = arith.constant 64 : index
        %swap3A_520 = tpu.vector_load %arg17[%swap3A_519] {strides = array<i32>} : memref<384xi32, #tpu.memory_space<vmem>>, vector<16xi32>,
        tpu.vector_store %arg17[%swap3A_519], %add3A_518 {strides = array<i32>} : memref<384xi32, #tpu.memory_space<vmem>>, vector<16xi32>,
        %broadcast_in_dim3A_521 = vector.broadcast %mul3A_165 : i32 to vector<16xi32>
        %select_n3A_522 = arith.select %lt3A_484, %add3A_482, %broadcast_in_dim3A_521 : vector<16xi1>, vector<16xi32>
        %swap3A_523 = arith.constant 64 : index
        %swap3A_524 = tpu.vector_load %arg21[%swap3A_523] {strides = array<i32>} : memref<128xi32, #tpu.memory_space<vmem>>, vector<16xi32>,
        tpu.vector_store %arg21[%swap3A_523], %select_n3A_522 {strides = array<i32>} : memref<128xi32, #tpu.memory_space<vmem>>, vector<16xi32>,
        %mul3A_525 = arith.constant 16400 : i32
        %mul3A_526 = arith.muli %add3A, %mul3A_525 : i32
        %add3A_527 = arith.addi %mul3A_526, %max3A_200 : i32
        %mul3A_528 = arith.constant 3 : i32
        %mul3A_529 = arith.muli %add3A_527, %mul3A_528 : i32
        %mul3A_530 = arith.constant 128 : i32
        %mul3A_531 = arith.muli %while3A_249, %mul3A_530 : i32
        %add3A_532 = arith.addi %mul3A_529, %mul3A_531 : i32
        %add3A_533 = arith.constant 80 : i32
        %add3A_534 = arith.addi %add3A_532, %add3A_533 : i32
        %add3A_535 = vector.broadcast %add3A_534 : i32 to vector<16xi32>
        %add3A_536 = arith.addi %add3A_535, %iota3A : vector<16xi32>
        %lt3A_537 = vector.broadcast %mul3A_255 : i32 to vector<16xi32>
        %lt3A_538 = arith.cmpi slt, %add3A_536, %lt3A_537 : vector<16xi32>
        %mul3A_539 = arith.constant 16400 : i32
        %mul3A_540 = arith.muli %add3A, %mul3A_539 : i32
        %mul3A_541 = arith.constant 3 : i32
        %mul3A_542 = arith.muli %mul3A_540, %mul3A_541 : i32
        %sub3A_543 = vector.broadcast %mul3A_542 : i32 to vector<16xi32>
        %sub3A_544 = arith.subi %add3A_536, %sub3A_543 : vector<16xi32>
        %jit3A_545 = arith.constant 3 : i32
        %eq3A_546 = arith.constant 0 : i32
        %eq3A_547 = arith.cmpi eq, %jit3A_545, %eq3A_546 : i32
        %jit3A_548 = arith.constant 1 : i32
        %select_n3A_549 = arith.select %eq3A_547, %jit3A_548, %jit3A_545 : i32
        %rem3A_550 = vector.broadcast %select_n3A_549 : i32 to vector<16xi32>
        %rem3A_551 = arith.remsi %sub3A_544, %rem3A_550 : vector<16xi32>
        %ne3A_552 = arith.constant 0 : i32
        %ne3A_553 = vector.broadcast %ne3A_552 : i32 to vector<16xi32>
        %ne3A_554 = arith.cmpi ne, %rem3A_551, %ne3A_553 : vector<16xi32>
        %lt3A_555 = arith.constant 0 : i32
        %lt3A_556 = vector.broadcast %lt3A_555 : i32 to vector<16xi32>
        %lt3A_557 = arith.cmpi slt, %rem3A_551, %lt3A_556 : vector<16xi32>
        %lt3A_558 = arith.constant 0 : i32
        %lt3A_559 = arith.cmpi slt, %select_n3A_549, %lt3A_558 : i32
        %ne3A_560 = vector.broadcast %lt3A_559 : i1 to vector<16xi1>
        %ne3A_561 = vector.broadcast %ne3A_560 : vector<16xi1> to vector<16xi1>
        %ne3A_562 = arith.xori %lt3A_557, %ne3A_561 : vector<16xi1>
        %and3A_563 = arith.andi %ne3A_562, %ne3A_554 : vector<16xi1>
        %add3A_564 = vector.broadcast %select_n3A_549 : i32 to vector<16xi32>
        %add3A_565 = arith.addi %rem3A_551, %add3A_564 : vector<16xi32>
        %select_n3A_566 = arith.select %and3A_563, %add3A_565, %rem3A_551 : vector<16xi1>, vector<16xi32>
        %mul3A_567 = arith.constant 262144 : i32
        %mul3A_568 = arith.muli %add3A, %mul3A_567 : i32
        %mul3A_569 = arith.constant 3 : i32
        %mul3A_570 = arith.muli %mul3A_568, %mul3A_569 : i32
        %add3A_571 = vector.broadcast %mul3A_570 : i32 to vector<16xi32>
        %add3A_572 = arith.addi %add3A_571, %select_n3A_566 : vector<16xi32>
        %swap3A_573 = arith.constant 80 : index
        %swap3A_574 = tpu.vector_load %arg17[%swap3A_573] {strides = array<i32>} : memref<384xi32, #tpu.memory_space<vmem>>, vector<16xi32>,
        tpu.vector_store %arg17[%swap3A_573], %add3A_572 {strides = array<i32>} : memref<384xi32, #tpu.memory_space<vmem>>, vector<16xi32>,
        %broadcast_in_dim3A_575 = vector.broadcast %mul3A_165 : i32 to vector<16xi32>
        %select_n3A_576 = arith.select %lt3A_538, %add3A_536, %broadcast_in_dim3A_575 : vector<16xi1>, vector<16xi32>
        %swap3A_577 = arith.constant 80 : index
        %swap3A_578 = tpu.vector_load %arg21[%swap3A_577] {strides = array<i32>} : memref<128xi32, #tpu.memory_space<vmem>>, vector<16xi32>,
        tpu.vector_store %arg21[%swap3A_577], %select_n3A_576 {strides = array<i32>} : memref<128xi32, #tpu.memory_space<vmem>>, vector<16xi32>,
        %mul3A_579 = arith.constant 16400 : i32
        %mul3A_580 = arith.muli %add3A, %mul3A_579 : i32
        %add3A_581 = arith.addi %mul3A_580, %max3A_200 : i32
        %mul3A_582 = arith.constant 3 : i32
        %mul3A_583 = arith.muli %add3A_581, %mul3A_582 : i32
        %mul3A_584 = arith.constant 128 : i32
        %mul3A_585 = arith.muli %while3A_249, %mul3A_584 : i32
        %add3A_586 = arith.addi %mul3A_583, %mul3A_585 : i32
        %add3A_587 = arith.constant 96 : i32
        %add3A_588 = arith.addi %add3A_586, %add3A_587 : i32
        %add3A_589 = vector.broadcast %add3A_588 : i32 to vector<16xi32>
        %add3A_590 = arith.addi %add3A_589, %iota3A : vector<16xi32>
        %lt3A_591 = vector.broadcast %mul3A_255 : i32 to vector<16xi32>
        %lt3A_592 = arith.cmpi slt, %add3A_590, %lt3A_591 : vector<16xi32>
        %mul3A_593 = arith.constant 16400 : i32
        %mul3A_594 = arith.muli %add3A, %mul3A_593 : i32
        %mul3A_595 = arith.constant 3 : i32
        %mul3A_596 = arith.muli %mul3A_594, %mul3A_595 : i32
        %sub3A_597 = vector.broadcast %mul3A_596 : i32 to vector<16xi32>
        %sub3A_598 = arith.subi %add3A_590, %sub3A_597 : vector<16xi32>
        %jit3A_599 = arith.constant 3 : i32
        %eq3A_600 = arith.constant 0 : i32
        %eq3A_601 = arith.cmpi eq, %jit3A_599, %eq3A_600 : i32
        %jit3A_602 = arith.constant 1 : i32
        %select_n3A_603 = arith.select %eq3A_601, %jit3A_602, %jit3A_599 : i32
        %rem3A_604 = vector.broadcast %select_n3A_603 : i32 to vector<16xi32>
        %rem3A_605 = arith.remsi %sub3A_598, %rem3A_604 : vector<16xi32>
        %ne3A_606 = arith.constant 0 : i32
        %ne3A_607 = vector.broadcast %ne3A_606 : i32 to vector<16xi32>
        %ne3A_608 = arith.cmpi ne, %rem3A_605, %ne3A_607 : vector<16xi32>
        %lt3A_609 = arith.constant 0 : i32
        %lt3A_610 = vector.broadcast %lt3A_609 : i32 to vector<16xi32>
        %lt3A_611 = arith.cmpi slt, %rem3A_605, %lt3A_610 : vector<16xi32>
        %lt3A_612 = arith.constant 0 : i32
        %lt3A_613 = arith.cmpi slt, %select_n3A_603, %lt3A_612 : i32
        %ne3A_614 = vector.broadcast %lt3A_613 : i1 to vector<16xi1>
        %ne3A_615 = vector.broadcast %ne3A_614 : vector<16xi1> to vector<16xi1>
        %ne3A_616 = arith.xori %lt3A_611, %ne3A_615 : vector<16xi1>
        %and3A_617 = arith.andi %ne3A_616, %ne3A_608 : vector<16xi1>
        %add3A_618 = vector.broadcast %select_n3A_603 : i32 to vector<16xi32>
        %add3A_619 = arith.addi %rem3A_605, %add3A_618 : vector<16xi32>
        %select_n3A_620 = arith.select %and3A_617, %add3A_619, %rem3A_605 : vector<16xi1>, vector<16xi32>
        %mul3A_621 = arith.constant 262144 : i32
        %mul3A_622 = arith.muli %add3A, %mul3A_621 : i32
        %mul3A_623 = arith.constant 3 : i32
        %mul3A_624 = arith.muli %mul3A_622, %mul3A_623 : i32
        %add3A_625 = vector.broadcast %mul3A_624 : i32 to vector<16xi32>
        %add3A_626 = arith.addi %add3A_625, %select_n3A_620 : vector<16xi32>
        %swap3A_627 = arith.constant 96 : index
        %swap3A_628 = tpu.vector_load %arg17[%swap3A_627] {strides = array<i32>} : memref<384xi32, #tpu.memory_space<vmem>>, vector<16xi32>,
        tpu.vector_store %arg17[%swap3A_627], %add3A_626 {strides = array<i32>} : memref<384xi32, #tpu.memory_space<vmem>>, vector<16xi32>,
        %broadcast_in_dim3A_629 = vector.broadcast %mul3A_165 : i32 to vector<16xi32>
        %select_n3A_630 = arith.select %lt3A_592, %add3A_590, %broadcast_in_dim3A_629 : vector<16xi1>, vector<16xi32>
        %swap3A_631 = arith.constant 96 : index
        %swap3A_632 = tpu.vector_load %arg21[%swap3A_631] {strides = array<i32>} : memref<128xi32, #tpu.memory_space<vmem>>, vector<16xi32>,
        tpu.vector_store %arg21[%swap3A_631], %select_n3A_630 {strides = array<i32>} : memref<128xi32, #tpu.memory_space<vmem>>, vector<16xi32>,
        %mul3A_633 = arith.constant 16400 : i32
        %mul3A_634 = arith.muli %add3A, %mul3A_633 : i32
        %add3A_635 = arith.addi %mul3A_634, %max3A_200 : i32
        %mul3A_636 = arith.constant 3 : i32
        %mul3A_637 = arith.muli %add3A_635, %mul3A_636 : i32
        %mul3A_638 = arith.constant 128 : i32
        %mul3A_639 = arith.muli %while3A_249, %mul3A_638 : i32
        %add3A_640 = arith.addi %mul3A_637, %mul3A_639 : i32
        %add3A_641 = arith.constant 112 : i32
        %add3A_642 = arith.addi %add3A_640, %add3A_641 : i32
        %add3A_643 = vector.broadcast %add3A_642 : i32 to vector<16xi32>
        %add3A_644 = arith.addi %add3A_643, %iota3A : vector<16xi32>
        %lt3A_645 = vector.broadcast %mul3A_255 : i32 to vector<16xi32>
        %lt3A_646 = arith.cmpi slt, %add3A_644, %lt3A_645 : vector<16xi32>
        %mul3A_647 = arith.constant 16400 : i32
        %mul3A_648 = arith.muli %add3A, %mul3A_647 : i32
        %mul3A_649 = arith.constant 3 : i32
        %mul3A_650 = arith.muli %mul3A_648, %mul3A_649 : i32
        %sub3A_651 = vector.broadcast %mul3A_650 : i32 to vector<16xi32>
        %sub3A_652 = arith.subi %add3A_644, %sub3A_651 : vector<16xi32>
        %jit3A_653 = arith.constant 3 : i32
        %eq3A_654 = arith.constant 0 : i32
        %eq3A_655 = arith.cmpi eq, %jit3A_653, %eq3A_654 : i32
        %jit3A_656 = arith.constant 1 : i32
        %select_n3A_657 = arith.select %eq3A_655, %jit3A_656, %jit3A_653 : i32
        %rem3A_658 = vector.broadcast %select_n3A_657 : i32 to vector<16xi32>
        %rem3A_659 = arith.remsi %sub3A_652, %rem3A_658 : vector<16xi32>
        %ne3A_660 = arith.constant 0 : i32
        %ne3A_661 = vector.broadcast %ne3A_660 : i32 to vector<16xi32>
        %ne3A_662 = arith.cmpi ne, %rem3A_659, %ne3A_661 : vector<16xi32>
        %lt3A_663 = arith.constant 0 : i32
        %lt3A_664 = vector.broadcast %lt3A_663 : i32 to vector<16xi32>
        %lt3A_665 = arith.cmpi slt, %rem3A_659, %lt3A_664 : vector<16xi32>
        %lt3A_666 = arith.constant 0 : i32
        %lt3A_667 = arith.cmpi slt, %select_n3A_657, %lt3A_666 : i32
        %ne3A_668 = vector.broadcast %lt3A_667 : i1 to vector<16xi1>
        %ne3A_669 = vector.broadcast %ne3A_668 : vector<16xi1> to vector<16xi1>
        %ne3A_670 = arith.xori %lt3A_665, %ne3A_669 : vector<16xi1>
        %and3A_671 = arith.andi %ne3A_670, %ne3A_662 : vector<16xi1>
        %add3A_672 = vector.broadcast %select_n3A_657 : i32 to vector<16xi32>
        %add3A_673 = arith.addi %rem3A_659, %add3A_672 : vector<16xi32>
        %select_n3A_674 = arith.select %and3A_671, %add3A_673, %rem3A_659 : vector<16xi1>, vector<16xi32>
        %mul3A_675 = arith.constant 262144 : i32
        %mul3A_676 = arith.muli %add3A, %mul3A_675 : i32
        %mul3A_677 = arith.constant 3 : i32
        %mul3A_678 = arith.muli %mul3A_676, %mul3A_677 : i32
        %add3A_679 = vector.broadcast %mul3A_678 : i32 to vector<16xi32>
        %add3A_680 = arith.addi %add3A_679, %select_n3A_674 : vector<16xi32>
        %swap3A_681 = arith.constant 112 : index
        %swap3A_682 = tpu.vector_load %arg17[%swap3A_681] {strides = array<i32>} : memref<384xi32, #tpu.memory_space<vmem>>, vector<16xi32>,
        tpu.vector_store %arg17[%swap3A_681], %add3A_680 {strides = array<i32>} : memref<384xi32, #tpu.memory_space<vmem>>, vector<16xi32>,
        %broadcast_in_dim3A_683 = vector.broadcast %mul3A_165 : i32 to vector<16xi32>
        %select_n3A_684 = arith.select %lt3A_646, %add3A_644, %broadcast_in_dim3A_683 : vector<16xi1>, vector<16xi32>
        %swap3A_685 = arith.constant 112 : index
        %swap3A_686 = tpu.vector_load %arg21[%swap3A_685] {strides = array<i32>} : memref<128xi32, #tpu.memory_space<vmem>>, vector<16xi32>,
        tpu.vector_store %arg21[%swap3A_685], %select_n3A_684 {strides = array<i32>} : memref<128xi32, #tpu.memory_space<vmem>>, vector<16xi32>,
        %dma_start3A = arith.constant 0 : i32
        %dma_start3A_687 = tpu.memref_slice %arg17[%dma_start3A] : memref<384xi32, #tpu.memory_space<vmem>> -> memref<128xi32, #tpu.memory_space<vmem>>
        %dma_start3A_688 = arith.constant 0 : i32
        %dma_start3A_689 = tpu.memref_slice %arg3[%dma_start3A_688] : memref<3145728xf32, #tpu.memory_space<hbm>> -> memref<3145728xf32, #tpu.memory_space<hbm>>
        tpu.enqueue_indirect_dma source(%dma_start3A_689 : memref<3145728xf32, #tpu.memory_space<hbm>>) target(%arg18 : memref<128xf32, #tpu.memory_space<vmem>>) offsets(%dma_start3A_687 : memref<128xi32, #tpu.memory_space<vmem>>) semaphore(%arg29 : memref<!tpu.dma_semaphore, #tpu.memory_space<semaphore_mem>>)
        %dma_wait3A = arith.constant 0 : i32
        %dma_wait3A_690 = tpu.memref_slice %arg17[%dma_wait3A] : memref<384xi32, #tpu.memory_space<vmem>> -> memref<128xi32, #tpu.memory_space<vmem>>
        %dma_wait3A_691 = arith.constant 0 : i32
        %dma_wait3A_692 = tpu.memref_slice %arg3[%dma_wait3A_691] : memref<3145728xf32, #tpu.memory_space<hbm>> -> memref<3145728xf32, #tpu.memory_space<hbm>>
        tpu.wait_indirect_dma semaphore(%arg29 : memref<!tpu.dma_semaphore, #tpu.memory_space<semaphore_mem>>) src(%dma_wait3A_692 : memref<3145728xf32, #tpu.memory_space<hbm>>) dst(%arg18 : memref<128xf32, #tpu.memory_space<vmem>>)
        %dma_start3A_693 = arith.constant 0 : i32
        %dma_start3A_694 = tpu.memref_slice %arg4[%dma_start3A_693] : memref<196800xf32, #tpu.memory_space<hbm>> -> memref<196800xf32, #tpu.memory_space<hbm>>
        tpu.enqueue_indirect_dma source(%arg18 : memref<128xf32, #tpu.memory_space<vmem>>) target(%dma_start3A_694 : memref<196800xf32, #tpu.memory_space<hbm>>) offsets(%arg21 : memref<128xi32, #tpu.memory_space<vmem>>) semaphore(%arg30 : memref<!tpu.dma_semaphore, #tpu.memory_space<semaphore_mem>>)
        %dma_wait3A_695 = arith.constant 0 : i32
        %dma_wait3A_696 = tpu.memref_slice %arg4[%dma_wait3A_695] : memref<196800xf32, #tpu.memory_space<hbm>> -> memref<196800xf32, #tpu.memory_space<hbm>>
        tpu.wait_indirect_dma semaphore(%arg30 : memref<!tpu.dma_semaphore, #tpu.memory_space<semaphore_mem>>) src(%arg18 : memref<128xf32, #tpu.memory_space<vmem>>) dst(%dma_wait3A_696 : memref<196800xf32, #tpu.memory_space<hbm>>)
        %while3A_697 = arith.constant 0 : i32
        scf.yield %while3A_697 : i32
      }
      %while3A_246 = arith.constant 1 : i32
      %while3A_247 = scf.for %while3A_249 = %while3A_243 to %while3A_239 step %while3A_246 iter_args(%while3A_250 = %while3A_245) -> (i32)  : i32 {
        %mul3A_251 = arith.constant 16400 : i32
        %mul3A_252 = arith.muli %add3A, %mul3A_251 : i32
        %add3A_253 = arith.addi %mul3A_252, %mul3A_204 : i32
        %mul3A_254 = arith.constant 3 : i32
        %mul3A_255 = arith.muli %add3A_253, %mul3A_254 : i32
        %mul3A_256 = arith.constant 16400 : i32
        %mul3A_257 = arith.muli %add3A, %mul3A_256 : i32
        %add3A_258 = arith.addi %mul3A_257, %max3A_200 : i32
        %mul3A_259 = arith.constant 3 : i32
        %mul3A_260 = arith.muli %add3A_258, %mul3A_259 : i32
        %mul3A_261 = arith.constant 128 : i32
        %mul3A_262 = arith.muli %while3A_249, %mul3A_261 : i32
        %add3A_263 = arith.addi %mul3A_260, %mul3A_262 : i32
        %add3A_264 = arith.constant 0 : i32
        %add3A_265 = arith.addi %add3A_263, %add3A_264 : i32
        %add3A_266 = vector.broadcast %add3A_265 : i32 to vector<16xi32>
        %add3A_267 = arith.addi %add3A_266, %iota3A : vector<16xi32>
        %lt3A_268 = vector.broadcast %mul3A_255 : i32 to vector<16xi32>
        %lt3A_269 = arith.cmpi slt, %add3A_267, %lt3A_268 : vector<16xi32>
        %mul3A_270 = arith.constant 16400 : i32
        %mul3A_271 = arith.muli %add3A, %mul3A_270 : i32
        %mul3A_272 = arith.constant 3 : i32
        %mul3A_273 = arith.muli %mul3A_271, %mul3A_272 : i32
        %sub3A_274 = vector.broadcast %mul3A_273 : i32 to vector<16xi32>
        %sub3A_275 = arith.subi %add3A_267, %sub3A_274 : vector<16xi32>
        %jit3A_276 = arith.constant 3 : i32
        %eq3A = arith.constant 0 : i32
        %eq3A_277 = arith.cmpi eq, %jit3A_276, %eq3A : i32
        %jit3A_278 = arith.constant 1 : i32
        %select_n3A_279 = arith.select %eq3A_277, %jit3A_278, %jit3A_276 : i32
        %rem3A_280 = vector.broadcast %select_n3A_279 : i32 to vector<16xi32>
        %rem3A_281 = arith.remsi %sub3A_275, %rem3A_280 : vector<16xi32>
        %ne3A_282 = arith.constant 0 : i32
        %ne3A_283 = vector.broadcast %ne3A_282 : i32 to vector<16xi32>
        %ne3A_284 = arith.cmpi ne, %rem3A_281, %ne3A_283 : vector<16xi32>
        %lt3A_285 = arith.constant 0 : i32
        %lt3A_286 = vector.broadcast %lt3A_285 : i32 to vector<16xi32>
        %lt3A_287 = arith.cmpi slt, %rem3A_281, %lt3A_286 : vector<16xi32>
        %lt3A_288 = arith.constant 0 : i32
        %lt3A_289 = arith.cmpi slt, %select_n3A_279, %lt3A_288 : i32
        %ne3A_290 = vector.broadcast %lt3A_289 : i1 to vector<16xi1>
        %ne3A_291 = vector.broadcast %ne3A_290 : vector<16xi1> to vector<16xi1>
        %ne3A_292 = arith.xori %lt3A_287, %ne3A_291 : vector<16xi1>
        %and3A_293 = arith.andi %ne3A_292, %ne3A_284 : vector<16xi1>
        %add3A_294 = vector.broadcast %select_n3A_279 : i32 to vector<16xi32>
        %add3A_295 = arith.addi %rem3A_281, %add3A_294 : vector<16xi32>
        %select_n3A_296 = arith.select %and3A_293, %add3A_295, %rem3A_281 : vector<16xi1>, vector<16xi32>
        %mul3A_297 = arith.constant 262144 : i32
        %mul3A_298 = arith.muli %add3A, %mul3A_297 : i32
        %mul3A_299 = arith.constant 3 : i32
        %mul3A_300 = arith.muli %mul3A_298, %mul3A_299 : i32
        %add3A_301 = vector.broadcast %mul3A_300 : i32 to vector<16xi32>
        %add3A_302 = arith.addi %add3A_301, %select_n3A_296 : vector<16xi32>
        %swap3A_303 = arith.constant 0 : index
        %swap3A_304 = tpu.vector_load %arg17[%swap3A_303] {strides = array<i32>} : memref<384xi32, #tpu.memory_space<vmem>>, vector<16xi32>,
        tpu.vector_store %arg17[%swap3A_303], %add3A_302 {strides = array<i32>} : memref<384xi32, #tpu.memory_space<vmem>>, vector<16xi32>,
        %broadcast_in_dim3A_305 = vector.broadcast %mul3A_165 : i32 to vector<16xi32>
        %select_n3A_306 = arith.select %lt3A_269, %add3A_267, %broadcast_in_dim3A_305 : vector<16xi1>, vector<16xi32>
        %swap3A_307 = arith.constant 0 : index
        %swap3A_308 = tpu.vector_load %arg21[%swap3A_307] {strides = array<i32>} : memref<128xi32, #tpu.memory_space<vmem>>, vector<16xi32>,
        tpu.vector_store %arg21[%swap3A_307], %select_n3A_306 {strides = array<i32>} : memref<128xi32, #tpu.memory_space<vmem>>, vector<16xi32>,
        %mul3A_309 = arith.constant 16400 : i32
        %mul3A_310 = arith.muli %add3A, %mul3A_309 : i32
        %add3A_311 = arith.addi %mul3A_310, %max3A_200 : i32
        %mul3A_312 = arith.constant 3 : i32
        %mul3A_313 = arith.muli %add3A_311, %mul3A_312 : i32
        %mul3A_314 = arith.constant 128 : i32
        %mul3A_315 = arith.muli %while3A_249, %mul3A_314 : i32
        %add3A_316 = arith.addi %mul3A_313, %mul3A_315 : i32
        %add3A_317 = arith.constant 16 : i32
        %add3A_318 = arith.addi %add3A_316, %add3A_317 : i32
        %add3A_319 = vector.broadcast %add3A_318 : i32 to vector<16xi32>
        %add3A_320 = arith.addi %add3A_319, %iota3A : vector<16xi32>
        %lt3A_321 = vector.broadcast %mul3A_255 : i32 to vector<16xi32>
        %lt3A_322 = arith.cmpi slt, %add3A_320, %lt3A_321 : vector<16xi32>
        %mul3A_323 = arith.constant 16400 : i32
        %mul3A_324 = arith.muli %add3A, %mul3A_323 : i32
        %mul3A_325 = arith.constant 3 : i32
        %mul3A_326 = arith.muli %mul3A_324, %mul3A_325 : i32
        %sub3A_327 = vector.broadcast %mul3A_326 : i32 to vector<16xi32>
        %sub3A_328 = arith.subi %add3A_320, %sub3A_327 : vector<16xi32>
        %jit3A_329 = arith.constant 3 : i32
        %eq3A_330 = arith.constant 0 : i32
        %eq3A_331 = arith.cmpi eq, %jit3A_329, %eq3A_330 : i32
        %jit3A_332 = arith.constant 1 : i32
        %select_n3A_333 = arith.select %eq3A_331, %jit3A_332, %jit3A_329 : i32
        %rem3A_334 = vector.broadcast %select_n3A_333 : i32 to vector<16xi32>
        %rem3A_335 = arith.remsi %sub3A_328, %rem3A_334 : vector<16xi32>
        %ne3A_336 = arith.constant 0 : i32
        %ne3A_337 = vector.broadcast %ne3A_336 : i32 to vector<16xi32>
        %ne3A_338 = arith.cmpi ne, %rem3A_335, %ne3A_337 : vector<16xi32>
        %lt3A_339 = arith.constant 0 : i32
        %lt3A_340 = vector.broadcast %lt3A_339 : i32 to vector<16xi32>
        %lt3A_341 = arith.cmpi slt, %rem3A_335, %lt3A_340 : vector<16xi32>
        %lt3A_342 = arith.constant 0 : i32
        %lt3A_343 = arith.cmpi slt, %select_n3A_333, %lt3A_342 : i32
        %ne3A_344 = vector.broadcast %lt3A_343 : i1 to vector<16xi1>
        %ne3A_345 = vector.broadcast %ne3A_344 : vector<16xi1> to vector<16xi1>
        %ne3A_346 = arith.xori %lt3A_341, %ne3A_345 : vector<16xi1>
        %and3A_347 = arith.andi %ne3A_346, %ne3A_338 : vector<16xi1>
        %add3A_348 = vector.broadcast %select_n3A_333 : i32 to vector<16xi32>
        %add3A_349 = arith.addi %rem3A_335, %add3A_348 : vector<16xi32>
        %select_n3A_350 = arith.select %and3A_347, %add3A_349, %rem3A_335 : vector<16xi1>, vector<16xi32>
        %mul3A_351 = arith.constant 262144 : i32
        %mul3A_352 = arith.muli %add3A, %mul3A_351 : i32
        %mul3A_353 = arith.constant 3 : i32
        %mul3A_354 = arith.muli %mul3A_352, %mul3A_353 : i32
        %add3A_355 = vector.broadcast %mul3A_354 : i32 to vector<16xi32>
        %add3A_356 = arith.addi %add3A_355, %select_n3A_350 : vector<16xi32>
        %swap3A_357 = arith.constant 16 : index
        %swap3A_358 = tpu.vector_load %arg17[%swap3A_357] {strides = array<i32>} : memref<384xi32, #tpu.memory_space<vmem>>, vector<16xi32>,
        tpu.vector_store %arg17[%swap3A_357], %add3A_356 {strides = array<i32>} : memref<384xi32, #tpu.memory_space<vmem>>, vector<16xi32>,
        %broadcast_in_dim3A_359 = vector.broadcast %mul3A_165 : i32 to vector<16xi32>
        %select_n3A_360 = arith.select %lt3A_322, %add3A_320, %broadcast_in_dim3A_359 : vector<16xi1>, vector<16xi32>
        %swap3A_361 = arith.constant 16 : index
        %swap3A_362 = tpu.vector_load %arg21[%swap3A_361] {strides = array<i32>} : memref<128xi32, #tpu.memory_space<vmem>>, vector<16xi32>,
        tpu.vector_store %arg21[%swap3A_361], %select_n3A_360 {strides = array<i32>} : memref<128xi32, #tpu.memory_space<vmem>>, vector<16xi32>,
        %mul3A_363 = arith.constant 16400 : i32
        %mul3A_364 = arith.muli %add3A, %mul3A_363 : i32
        %add3A_365 = arith.addi %mul3A_364, %max3A_200 : i32
        %mul3A_366 = arith.constant 3 : i32
        %mul3A_367 = arith.muli %add3A_365, %mul3A_366 : i32
        %mul3A_368 = arith.constant 128 : i32
        %mul3A_369 = arith.muli %while3A_249, %mul3A_368 : i32
        %add3A_370 = arith.addi %mul3A_367, %mul3A_369 : i32
        %add3A_371 = arith.constant 32 : i32
        %add3A_372 = arith.addi %add3A_370, %add3A_371 : i32
        %add3A_373 = vector.broadcast %add3A_372 : i32 to vector<16xi32>
        %add3A_374 = arith.addi %add3A_373, %iota3A : vector<16xi32>
        %lt3A_375 = vector.broadcast %mul3A_255 : i32 to vector<16xi32>
        %lt3A_376 = arith.cmpi slt, %add3A_374, %lt3A_375 : vector<16xi32>
        %mul3A_377 = arith.constant 16400 : i32
        %mul3A_378 = arith.muli %add3A, %mul3A_377 : i32
        %mul3A_379 = arith.constant 3 : i32
        %mul3A_380 = arith.muli %mul3A_378, %mul3A_379 : i32
        %sub3A_381 = vector.broadcast %mul3A_380 : i32 to vector<16xi32>
        %sub3A_382 = arith.subi %add3A_374, %sub3A_381 : vector<16xi32>
        %jit3A_383 = arith.constant 3 : i32
        %eq3A_384 = arith.constant 0 : i32
        %eq3A_385 = arith.cmpi eq, %jit3A_383, %eq3A_384 : i32
        %jit3A_386 = arith.constant 1 : i32
        %select_n3A_387 = arith.select %eq3A_385, %jit3A_386, %jit3A_383 : i32
        %rem3A_388 = vector.broadcast %select_n3A_387 : i32 to vector<16xi32>
        %rem3A_389 = arith.remsi %sub3A_382, %rem3A_388 : vector<16xi32>
        %ne3A_390 = arith.constant 0 : i32
        %ne3A_391 = vector.broadcast %ne3A_390 : i32 to vector<16xi32>
        %ne3A_392 = arith.cmpi ne, %rem3A_389, %ne3A_391 : vector<16xi32>
        %lt3A_393 = arith.constant 0 : i32
        %lt3A_394 = vector.broadcast %lt3A_393 : i32 to vector<16xi32>
        %lt3A_395 = arith.cmpi slt, %rem3A_389, %lt3A_394 : vector<16xi32>
        %lt3A_396 = arith.constant 0 : i32
        %lt3A_397 = arith.cmpi slt, %select_n3A_387, %lt3A_396 : i32
        %ne3A_398 = vector.broadcast %lt3A_397 : i1 to vector<16xi1>
        %ne3A_399 = vector.broadcast %ne3A_398 : vector<16xi1> to vector<16xi1>
        %ne3A_400 = arith.xori %lt3A_395, %ne3A_399 : vector<16xi1>
        %and3A_401 = arith.andi %ne3A_400, %ne3A_392 : vector<16xi1>
        %add3A_402 = vector.broadcast %select_n3A_387 : i32 to vector<16xi32>
        %add3A_403 = arith.addi %rem3A_389, %add3A_402 : vector<16xi32>
        %select_n3A_404 = arith.select %and3A_401, %add3A_403, %rem3A_389 : vector<16xi1>, vector<16xi32>
        %mul3A_405 = arith.constant 262144 : i32
        %mul3A_406 = arith.muli %add3A, %mul3A_405 : i32
        %mul3A_407 = arith.constant 3 : i32
        %mul3A_408 = arith.muli %mul3A_406, %mul3A_407 : i32
        %add3A_409 = vector.broadcast %mul3A_408 : i32 to vector<16xi32>
        %add3A_410 = arith.addi %add3A_409, %select_n3A_404 : vector<16xi32>
        %swap3A_411 = arith.constant 32 : index
        %swap3A_412 = tpu.vector_load %arg17[%swap3A_411] {strides = array<i32>} : memref<384xi32, #tpu.memory_space<vmem>>, vector<16xi32>,
        tpu.vector_store %arg17[%swap3A_411], %add3A_410 {strides = array<i32>} : memref<384xi32, #tpu.memory_space<vmem>>, vector<16xi32>,
        %broadcast_in_dim3A_413 = vector.broadcast %mul3A_165 : i32 to vector<16xi32>
        %select_n3A_414 = arith.select %lt3A_376, %add3A_374, %broadcast_in_dim3A_413 : vector<16xi1>, vector<16xi32>
        %swap3A_415 = arith.constant 32 : index
        %swap3A_416 = tpu.vector_load %arg21[%swap3A_415] {strides = array<i32>} : memref<128xi32, #tpu.memory_space<vmem>>, vector<16xi32>,
        tpu.vector_store %arg21[%swap3A_415], %select_n3A_414 {strides = array<i32>} : memref<128xi32, #tpu.memory_space<vmem>>, vector<16xi32>,
        %mul3A_417 = arith.constant 16400 : i32
        %mul3A_418 = arith.muli %add3A, %mul3A_417 : i32
        %add3A_419 = arith.addi %mul3A_418, %max3A_200 : i32
        %mul3A_420 = arith.constant 3 : i32
        %mul3A_421 = arith.muli %add3A_419, %mul3A_420 : i32
        %mul3A_422 = arith.constant 128 : i32
        %mul3A_423 = arith.muli %while3A_249, %mul3A_422 : i32
        %add3A_424 = arith.addi %mul3A_421, %mul3A_423 : i32
        %add3A_425 = arith.constant 48 : i32
        %add3A_426 = arith.addi %add3A_424, %add3A_425 : i32
        %add3A_427 = vector.broadcast %add3A_426 : i32 to vector<16xi32>
        %add3A_428 = arith.addi %add3A_427, %iota3A : vector<16xi32>
        %lt3A_429 = vector.broadcast %mul3A_255 : i32 to vector<16xi32>
        %lt3A_430 = arith.cmpi slt, %add3A_428, %lt3A_429 : vector<16xi32>
        %mul3A_431 = arith.constant 16400 : i32
        %mul3A_432 = arith.muli %add3A, %mul3A_431 : i32
        %mul3A_433 = arith.constant 3 : i32
        %mul3A_434 = arith.muli %mul3A_432, %mul3A_433 : i32
        %sub3A_435 = vector.broadcast %mul3A_434 : i32 to vector<16xi32>
        %sub3A_436 = arith.subi %add3A_428, %sub3A_435 : vector<16xi32>
        %jit3A_437 = arith.constant 3 : i32
        %eq3A_438 = arith.constant 0 : i32
        %eq3A_439 = arith.cmpi eq, %jit3A_437, %eq3A_438 : i32
        %jit3A_440 = arith.constant 1 : i32
        %select_n3A_441 = arith.select %eq3A_439, %jit3A_440, %jit3A_437 : i32
        %rem3A_442 = vector.broadcast %select_n3A_441 : i32 to vector<16xi32>
        %rem3A_443 = arith.remsi %sub3A_436, %rem3A_442 : vector<16xi32>
        %ne3A_444 = arith.constant 0 : i32
        %ne3A_445 = vector.broadcast %ne3A_444 : i32 to vector<16xi32>
        %ne3A_446 = arith.cmpi ne, %rem3A_443, %ne3A_445 : vector<16xi32>
        %lt3A_447 = arith.constant 0 : i32
        %lt3A_448 = vector.broadcast %lt3A_447 : i32 to vector<16xi32>
        %lt3A_449 = arith.cmpi slt, %rem3A_443, %lt3A_448 : vector<16xi32>
        %lt3A_450 = arith.constant 0 : i32
        %lt3A_451 = arith.cmpi slt, %select_n3A_441, %lt3A_450 : i32
        %ne3A_452 = vector.broadcast %lt3A_451 : i1 to vector<16xi1>
        %ne3A_453 = vector.broadcast %ne3A_452 : vector<16xi1> to vector<16xi1>
        %ne3A_454 = arith.xori %lt3A_449, %ne3A_453 : vector<16xi1>
        %and3A_455 = arith.andi %ne3A_454, %ne3A_446 : vector<16xi1>
        %add3A_456 = vector.broadcast %select_n3A_441 : i32 to vector<16xi32>
        %add3A_457 = arith.addi %rem3A_443, %add3A_456 : vector<16xi32>
        %select_n3A_458 = arith.select %and3A_455, %add3A_457, %rem3A_443 : vector<16xi1>, vector<16xi32>
        %mul3A_459 = arith.constant 262144 : i32
        %mul3A_460 = arith.muli %add3A, %mul3A_459 : i32
        %mul3A_461 = arith.constant 3 : i32
        %mul3A_462 = arith.muli %mul3A_460, %mul3A_461 : i32
        %add3A_463 = vector.broadcast %mul3A_462 : i32 to vector<16xi32>
        %add3A_464 = arith.addi %add3A_463, %select_n3A_458 : vector<16xi32>
        %swap3A_465 = arith.constant 48 : index
        %swap3A_466 = tpu.vector_load %arg17[%swap3A_465] {strides = array<i32>} : memref<384xi32, #tpu.memory_space<vmem>>, vector<16xi32>,
        tpu.vector_store %arg17[%swap3A_465], %add3A_464 {strides = array<i32>} : memref<384xi32, #tpu.memory_space<vmem>>, vector<16xi32>,
        %broadcast_in_dim3A_467 = vector.broadcast %mul3A_165 : i32 to vector<16xi32>
        %select_n3A_468 = arith.select %lt3A_430, %add3A_428, %broadcast_in_dim3A_467 : vector<16xi1>, vector<16xi32>
        %swap3A_469 = arith.constant 48 : index
        %swap3A_470 = tpu.vector_load %arg21[%swap3A_469] {strides = array<i32>} : memref<128xi32, #tpu.memory_space<vmem>>, vector<16xi32>,
        tpu.vector_store %arg21[%swap3A_469], %select_n3A_468 {strides = array<i32>} : memref<128xi32, #tpu.memory_space<vmem>>, vector<16xi32>,
        %mul3A_471 = arith.constant 16400 : i32
        %mul3A_472 = arith.muli %add3A, %mul3A_471 : i32
        %add3A_473 = arith.addi %mul3A_472, %max3A_200 : i32
        %mul3A_474 = arith.constant 3 : i32
        %mul3A_475 = arith.muli %add3A_473, %mul3A_474 : i32
        %mul3A_476 = arith.constant 128 : i32
        %mul3A_477 = arith.muli %while3A_249, %mul3A_476 : i32
        %add3A_478 = arith.addi %mul3A_475, %mul3A_477 : i32
        %add3A_479 = arith.constant 64 : i32
        %add3A_480 = arith.addi %add3A_478, %add3A_479 : i32
        %add3A_481 = vector.broadcast %add3A_480 : i32 to vector<16xi32>
        %add3A_482 = arith.addi %add3A_481, %iota3A : vector<16xi32>
        %lt3A_483 = vector.broadcast %mul3A_255 : i32 to vector<16xi32>
        %lt3A_484 = arith.cmpi slt, %add3A_482, %lt3A_483 : vector<16xi32>
        %mul3A_485 = arith.constant 16400 : i32
        %mul3A_486 = arith.muli %add3A, %mul3A_485 : i32
        %mul3A_487 = arith.constant 3 : i32
        %mul3A_488 = arith.muli %mul3A_486, %mul3A_487 : i32
        %sub3A_489 = vector.broadcast %mul3A_488 : i32 to vector<16xi32>
        %sub3A_490 = arith.subi %add3A_482, %sub3A_489 : vector<16xi32>
        %jit3A_491 = arith.constant 3 : i32
        %eq3A_492 = arith.constant 0 : i32
        %eq3A_493 = arith.cmpi eq, %jit3A_491, %eq3A_492 : i32
        %jit3A_494 = arith.constant 1 : i32
        %select_n3A_495 = arith.select %eq3A_493, %jit3A_494, %jit3A_491 : i32
        %rem3A_496 = vector.broadcast %select_n3A_495 : i32 to vector<16xi32>
        %rem3A_497 = arith.remsi %sub3A_490, %rem3A_496 : vector<16xi32>
        %ne3A_498 = arith.constant 0 : i32
        %ne3A_499 = vector.broadcast %ne3A_498 : i32 to vector<16xi32>
        %ne3A_500 = arith.cmpi ne, %rem3A_497, %ne3A_499 : vector<16xi32>
        %lt3A_501 = arith.constant 0 : i32
        %lt3A_502 = vector.broadcast %lt3A_501 : i32 to vector<16xi32>
        %lt3A_503 = arith.cmpi slt, %rem3A_497, %lt3A_502 : vector<16xi32>
        %lt3A_504 = arith.constant 0 : i32
        %lt3A_505 = arith.cmpi slt, %select_n3A_495, %lt3A_504 : i32
        %ne3A_506 = vector.broadcast %lt3A_505 : i1 to vector<16xi1>
        %ne3A_507 = vector.broadcast %ne3A_506 : vector<16xi1> to vector<16xi1>
        %ne3A_508 = arith.xori %lt3A_503, %ne3A_507 : vector<16xi1>
        %and3A_509 = arith.andi %ne3A_508, %ne3A_500 : vector<16xi1>
        %add3A_510 = vector.broadcast %select_n3A_495 : i32 to vector<16xi32>
        %add3A_511 = arith.addi %rem3A_497, %add3A_510 : vector<16xi32>
        %select_n3A_512 = arith.select %and3A_509, %add3A_511, %rem3A_497 : vector<16xi1>, vector<16xi32>
        %mul3A_513 = arith.constant 262144 : i32
        %mul3A_514 = arith.muli %add3A, %mul3A_513 : i32
        %mul3A_515 = arith.constant 3 : i32
        %mul3A_516 = arith.muli %mul3A_514, %mul3A_515 : i32
        %add3A_517 = vector.broadcast %mul3A_516 : i32 to vector<16xi32>
        %add3A_518 = arith.addi %add3A_517, %select_n3A_512 : vector<16xi32>
        %swap3A_519 = arith.constant 64 : index
        %swap3A_520 = tpu.vector_load %arg17[%swap3A_519] {strides = array<i32>} : memref<384xi32, #tpu.memory_space<vmem>>, vector<16xi32>,
        tpu.vector_store %arg17[%swap3A_519], %add3A_518 {strides = array<i32>} : memref<384xi32, #tpu.memory_space<vmem>>, vector<16xi32>,
        %broadcast_in_dim3A_521 = vector.broadcast %mul3A_165 : i32 to vector<16xi32>
        %select_n3A_522 = arith.select %lt3A_484, %add3A_482, %broadcast_in_dim3A_521 : vector<16xi1>, vector<16xi32>
        %swap3A_523 = arith.constant 64 : index
        %swap3A_524 = tpu.vector_load %arg21[%swap3A_523] {strides = array<i32>} : memref<128xi32, #tpu.memory_space<vmem>>, vector<16xi32>,
        tpu.vector_store %arg21[%swap3A_523], %select_n3A_522 {strides = array<i32>} : memref<128xi32, #tpu.memory_space<vmem>>, vector<16xi32>,
        %mul3A_525 = arith.constant 16400 : i32
        %mul3A_526 = arith.muli %add3A, %mul3A_525 : i32
        %add3A_527 = arith.addi %mul3A_526, %max3A_200 : i32
        %mul3A_528 = arith.constant 3 : i32
        %mul3A_529 = arith.muli %add3A_527, %mul3A_528 : i32
        %mul3A_530 = arith.constant 128 : i32
        %mul3A_531 = arith.muli %while3A_249, %mul3A_530 : i32
        %add3A_532 = arith.addi %mul3A_529, %mul3A_531 : i32
        %add3A_533 = arith.constant 80 : i32
        %add3A_534 = arith.addi %add3A_532, %add3A_533 : i32
        %add3A_535 = vector.broadcast %add3A_534 : i32 to vector<16xi32>
        %add3A_536 = arith.addi %add3A_535, %iota3A : vector<16xi32>
        %lt3A_537 = vector.broadcast %mul3A_255 : i32 to vector<16xi32>
        %lt3A_538 = arith.cmpi slt, %add3A_536, %lt3A_537 : vector<16xi32>
        %mul3A_539 = arith.constant 16400 : i32
        %mul3A_540 = arith.muli %add3A, %mul3A_539 : i32
        %mul3A_541 = arith.constant 3 : i32
        %mul3A_542 = arith.muli %mul3A_540, %mul3A_541 : i32
        %sub3A_543 = vector.broadcast %mul3A_542 : i32 to vector<16xi32>
        %sub3A_544 = arith.subi %add3A_536, %sub3A_543 : vector<16xi32>
        %jit3A_545 = arith.constant 3 : i32
        %eq3A_546 = arith.constant 0 : i32
        %eq3A_547 = arith.cmpi eq, %jit3A_545, %eq3A_546 : i32
        %jit3A_548 = arith.constant 1 : i32
        %select_n3A_549 = arith.select %eq3A_547, %jit3A_548, %jit3A_545 : i32
        %rem3A_550 = vector.broadcast %select_n3A_549 : i32 to vector<16xi32>
        %rem3A_551 = arith.remsi %sub3A_544, %rem3A_550 : vector<16xi32>
        %ne3A_552 = arith.constant 0 : i32
        %ne3A_553 = vector.broadcast %ne3A_552 : i32 to vector<16xi32>
        %ne3A_554 = arith.cmpi ne, %rem3A_551, %ne3A_553 : vector<16xi32>
        %lt3A_555 = arith.constant 0 : i32
        %lt3A_556 = vector.broadcast %lt3A_555 : i32 to vector<16xi32>
        %lt3A_557 = arith.cmpi slt, %rem3A_551, %lt3A_556 : vector<16xi32>
        %lt3A_558 = arith.constant 0 : i32
        %lt3A_559 = arith.cmpi slt, %select_n3A_549, %lt3A_558 : i32
        %ne3A_560 = vector.broadcast %lt3A_559 : i1 to vector<16xi1>
        %ne3A_561 = vector.broadcast %ne3A_560 : vector<16xi1> to vector<16xi1>
        %ne3A_562 = arith.xori %lt3A_557, %ne3A_561 : vector<16xi1>
        %and3A_563 = arith.andi %ne3A_562, %ne3A_554 : vector<16xi1>
        %add3A_564 = vector.broadcast %select_n3A_549 : i32 to vector<16xi32>
        %add3A_565 = arith.addi %rem3A_551, %add3A_564 : vector<16xi32>
        %select_n3A_566 = arith.select %and3A_563, %add3A_565, %rem3A_551 : vector<16xi1>, vector<16xi32>
        %mul3A_567 = arith.constant 262144 : i32
        %mul3A_568 = arith.muli %add3A, %mul3A_567 : i32
        %mul3A_569 = arith.constant 3 : i32
        %mul3A_570 = arith.muli %mul3A_568, %mul3A_569 : i32
        %add3A_571 = vector.broadcast %mul3A_570 : i32 to vector<16xi32>
        %add3A_572 = arith.addi %add3A_571, %select_n3A_566 : vector<16xi32>
        %swap3A_573 = arith.constant 80 : index
        %swap3A_574 = tpu.vector_load %arg17[%swap3A_573] {strides = array<i32>} : memref<384xi32, #tpu.memory_space<vmem>>, vector<16xi32>,
        tpu.vector_store %arg17[%swap3A_573], %add3A_572 {strides = array<i32>} : memref<384xi32, #tpu.memory_space<vmem>>, vector<16xi32>,
        %broadcast_in_dim3A_575 = vector.broadcast %mul3A_165 : i32 to vector<16xi32>
        %select_n3A_576 = arith.select %lt3A_538, %add3A_536, %broadcast_in_dim3A_575 : vector<16xi1>, vector<16xi32>
        %swap3A_577 = arith.constant 80 : index
        %swap3A_578 = tpu.vector_load %arg21[%swap3A_577] {strides = array<i32>} : memref<128xi32, #tpu.memory_space<vmem>>, vector<16xi32>,
        tpu.vector_store %arg21[%swap3A_577], %select_n3A_576 {strides = array<i32>} : memref<128xi32, #tpu.memory_space<vmem>>, vector<16xi32>,
        %mul3A_579 = arith.constant 16400 : i32
        %mul3A_580 = arith.muli %add3A, %mul3A_579 : i32
        %add3A_581 = arith.addi %mul3A_580, %max3A_200 : i32
        %mul3A_582 = arith.constant 3 : i32
        %mul3A_583 = arith.muli %add3A_581, %mul3A_582 : i32
        %mul3A_584 = arith.constant 128 : i32
        %mul3A_585 = arith.muli %while3A_249, %mul3A_584 : i32
        %add3A_586 = arith.addi %mul3A_583, %mul3A_585 : i32
        %add3A_587 = arith.constant 96 : i32
        %add3A_588 = arith.addi %add3A_586, %add3A_587 : i32
        %add3A_589 = vector.broadcast %add3A_588 : i32 to vector<16xi32>
        %add3A_590 = arith.addi %add3A_589, %iota3A : vector<16xi32>
        %lt3A_591 = vector.broadcast %mul3A_255 : i32 to vector<16xi32>
        %lt3A_592 = arith.cmpi slt, %add3A_590, %lt3A_591 : vector<16xi32>
        %mul3A_593 = arith.constant 16400 : i32
        %mul3A_594 = arith.muli %add3A, %mul3A_593 : i32
        %mul3A_595 = arith.constant 3 : i32
        %mul3A_596 = arith.muli %mul3A_594, %mul3A_595 : i32
        %sub3A_597 = vector.broadcast %mul3A_596 : i32 to vector<16xi32>
        %sub3A_598 = arith.subi %add3A_590, %sub3A_597 : vector<16xi32>
        %jit3A_599 = arith.constant 3 : i32
        %eq3A_600 = arith.constant 0 : i32
        %eq3A_601 = arith.cmpi eq, %jit3A_599, %eq3A_600 : i32
        %jit3A_602 = arith.constant 1 : i32
        %select_n3A_603 = arith.select %eq3A_601, %jit3A_602, %jit3A_599 : i32
        %rem3A_604 = vector.broadcast %select_n3A_603 : i32 to vector<16xi32>
        %rem3A_605 = arith.remsi %sub3A_598, %rem3A_604 : vector<16xi32>
        %ne3A_606 = arith.constant 0 : i32
        %ne3A_607 = vector.broadcast %ne3A_606 : i32 to vector<16xi32>
        %ne3A_608 = arith.cmpi ne, %rem3A_605, %ne3A_607 : vector<16xi32>
        %lt3A_609 = arith.constant 0 : i32
        %lt3A_610 = vector.broadcast %lt3A_609 : i32 to vector<16xi32>
        %lt3A_611 = arith.cmpi slt, %rem3A_605, %lt3A_610 : vector<16xi32>
        %lt3A_612 = arith.constant 0 : i32
        %lt3A_613 = arith.cmpi slt, %select_n3A_603, %lt3A_612 : i32
        %ne3A_614 = vector.broadcast %lt3A_613 : i1 to vector<16xi1>
        %ne3A_615 = vector.broadcast %ne3A_614 : vector<16xi1> to vector<16xi1>
        %ne3A_616 = arith.xori %lt3A_611, %ne3A_615 : vector<16xi1>
        %and3A_617 = arith.andi %ne3A_616, %ne3A_608 : vector<16xi1>
        %add3A_618 = vector.broadcast %select_n3A_603 : i32 to vector<16xi32>
        %add3A_619 = arith.addi %rem3A_605, %add3A_618 : vector<16xi32>
        %select_n3A_620 = arith.select %and3A_617, %add3A_619, %rem3A_605 : vector<16xi1>, vector<16xi32>
        %mul3A_621 = arith.constant 262144 : i32
        %mul3A_622 = arith.muli %add3A, %mul3A_621 : i32
        %mul3A_623 = arith.constant 3 : i32
        %mul3A_624 = arith.muli %mul3A_622, %mul3A_623 : i32
        %add3A_625 = vector.broadcast %mul3A_624 : i32 to vector<16xi32>
        %add3A_626 = arith.addi %add3A_625, %select_n3A_620 : vector<16xi32>
        %swap3A_627 = arith.constant 96 : index
        %swap3A_628 = tpu.vector_load %arg17[%swap3A_627] {strides = array<i32>} : memref<384xi32, #tpu.memory_space<vmem>>, vector<16xi32>,
        tpu.vector_store %arg17[%swap3A_627], %add3A_626 {strides = array<i32>} : memref<384xi32, #tpu.memory_space<vmem>>, vector<16xi32>,
        %broadcast_in_dim3A_629 = vector.broadcast %mul3A_165 : i32 to vector<16xi32>
        %select_n3A_630 = arith.select %lt3A_592, %add3A_590, %broadcast_in_dim3A_629 : vector<16xi1>, vector<16xi32>
        %swap3A_631 = arith.constant 96 : index
        %swap3A_632 = tpu.vector_load %arg21[%swap3A_631] {strides = array<i32>} : memref<128xi32, #tpu.memory_space<vmem>>, vector<16xi32>,
        tpu.vector_store %arg21[%swap3A_631], %select_n3A_630 {strides = array<i32>} : memref<128xi32, #tpu.memory_space<vmem>>, vector<16xi32>,
        %mul3A_633 = arith.constant 16400 : i32
        %mul3A_634 = arith.muli %add3A, %mul3A_633 : i32
        %add3A_635 = arith.addi %mul3A_634, %max3A_200 : i32
        %mul3A_636 = arith.constant 3 : i32
        %mul3A_637 = arith.muli %add3A_635, %mul3A_636 : i32
        %mul3A_638 = arith.constant 128 : i32
        %mul3A_639 = arith.muli %while3A_249, %mul3A_638 : i32
        %add3A_640 = arith.addi %mul3A_637, %mul3A_639 : i32
        %add3A_641 = arith.constant 112 : i32
        %add3A_642 = arith.addi %add3A_640, %add3A_641 : i32
        %add3A_643 = vector.broadcast %add3A_642 : i32 to vector<16xi32>
        %add3A_644 = arith.addi %add3A_643, %iota3A : vector<16xi32>
        %lt3A_645 = vector.broadcast %mul3A_255 : i32 to vector<16xi32>
        %lt3A_646 = arith.cmpi slt, %add3A_644, %lt3A_645 : vector<16xi32>
        %mul3A_647 = arith.constant 16400 : i32
        %mul3A_648 = arith.muli %add3A, %mul3A_647 : i32
        %mul3A_649 = arith.constant 3 : i32
        %mul3A_650 = arith.muli %mul3A_648, %mul3A_649 : i32
        %sub3A_651 = vector.broadcast %mul3A_650 : i32 to vector<16xi32>
        %sub3A_652 = arith.subi %add3A_644, %sub3A_651 : vector<16xi32>
        %jit3A_653 = arith.constant 3 : i32
        %eq3A_654 = arith.constant 0 : i32
        %eq3A_655 = arith.cmpi eq, %jit3A_653, %eq3A_654 : i32
        %jit3A_656 = arith.constant 1 : i32
        %select_n3A_657 = arith.select %eq3A_655, %jit3A_656, %jit3A_653 : i32
        %rem3A_658 = vector.broadcast %select_n3A_657 : i32 to vector<16xi32>
        %rem3A_659 = arith.remsi %sub3A_652, %rem3A_658 : vector<16xi32>
        %ne3A_660 = arith.constant 0 : i32
        %ne3A_661 = vector.broadcast %ne3A_660 : i32 to vector<16xi32>
        %ne3A_662 = arith.cmpi ne, %rem3A_659, %ne3A_661 : vector<16xi32>
        %lt3A_663 = arith.constant 0 : i32
        %lt3A_664 = vector.broadcast %lt3A_663 : i32 to vector<16xi32>
        %lt3A_665 = arith.cmpi slt, %rem3A_659, %lt3A_664 : vector<16xi32>
        %lt3A_666 = arith.constant 0 : i32
        %lt3A_667 = arith.cmpi slt, %select_n3A_657, %lt3A_666 : i32
        %ne3A_668 = vector.broadcast %lt3A_667 : i1 to vector<16xi1>
        %ne3A_669 = vector.broadcast %ne3A_668 : vector<16xi1> to vector<16xi1>
        %ne3A_670 = arith.xori %lt3A_665, %ne3A_669 : vector<16xi1>
        %and3A_671 = arith.andi %ne3A_670, %ne3A_662 : vector<16xi1>
        %add3A_672 = vector.broadcast %select_n3A_657 : i32 to vector<16xi32>
        %add3A_673 = arith.addi %rem3A_659, %add3A_672 : vector<16xi32>
        %select_n3A_674 = arith.select %and3A_671, %add3A_673, %rem3A_659 : vector<16xi1>, vector<16xi32>
        %mul3A_675 = arith.constant 262144 : i32
        %mul3A_676 = arith.muli %add3A, %mul3A_675 : i32
        %mul3A_677 = arith.constant 3 : i32
        %mul3A_678 = arith.muli %mul3A_676, %mul3A_677 : i32
        %add3A_679 = vector.broadcast %mul3A_678 : i32 to vector<16xi32>
        %add3A_680 = arith.addi %add3A_679, %select_n3A_674 : vector<16xi32>
        %swap3A_681 = arith.constant 112 : index
        %swap3A_682 = tpu.vector_load %arg17[%swap3A_681] {strides = array<i32>} : memref<384xi32, #tpu.memory_space<vmem>>, vector<16xi32>,
        tpu.vector_store %arg17[%swap3A_681], %add3A_680 {strides = array<i32>} : memref<384xi32, #tpu.memory_space<vmem>>, vector<16xi32>,
        %broadcast_in_dim3A_683 = vector.broadcast %mul3A_165 : i32 to vector<16xi32>
        %select_n3A_684 = arith.select %lt3A_646, %add3A_644, %broadcast_in_dim3A_683 : vector<16xi1>, vector<16xi32>
        %swap3A_685 = arith.constant 112 : index
        %swap3A_686 = tpu.vector_load %arg21[%swap3A_685] {strides = array<i32>} : memref<128xi32, #tpu.memory_space<vmem>>, vector<16xi32>,
        tpu.vector_store %arg21[%swap3A_685], %select_n3A_684 {strides = array<i32>} : memref<128xi32, #tpu.memory_space<vmem>>, vector<16xi32>,
        %dma_start3A = arith.constant 0 : i32
        %dma_start3A_687 = tpu.memref_slice %arg17[%dma_start3A] : memref<384xi32, #tpu.memory_space<vmem>> -> memref<128xi32, #tpu.memory_space<vmem>>
        %dma_start3A_688 = arith.constant 0 : i32
        %dma_start3A_689 = tpu.memref_slice %arg3[%dma_start3A_688] : memref<3145728xf32, #tpu.memory_space<hbm>> -> memref<3145728xf32, #tpu.memory_space<hbm>>
        tpu.enqueue_indirect_dma source(%dma_start3A_689 : memref<3145728xf32, #tpu.memory_space<hbm>>) target(%arg18 : memref<128xf32, #tpu.memory_space<vmem>>) offsets(%dma_start3A_687 : memref<128xi32, #tpu.memory_space<vmem>>) semaphore(%arg29 : memref<!tpu.dma_semaphore, #tpu.memory_space<semaphore_mem>>)
        %dma_wait3A = arith.constant 0 : i32
        %dma_wait3A_690 = tpu.memref_slice %arg17[%dma_wait3A] : memref<384xi32, #tpu.memory_space<vmem>> -> memref<128xi32, #tpu.memory_space<vmem>>
        %dma_wait3A_691 = arith.constant 0 : i32
        %dma_wait3A_692 = tpu.memref_slice %arg3[%dma_wait3A_691] : memref<3145728xf32, #tpu.memory_space<hbm>> -> memref<3145728xf32, #tpu.memory_space<hbm>>
        tpu.wait_indirect_dma semaphore(%arg29 : memref<!tpu.dma_semaphore, #tpu.memory_space<semaphore_mem>>) src(%dma_wait3A_692 : memref<3145728xf32, #tpu.memory_space<hbm>>) dst(%arg18 : memref<128xf32, #tpu.memory_space<vmem>>)
        %dma_start3A_693 = arith.constant 0 : i32
        %dma_start3A_694 = tpu.memref_slice %arg4[%dma_start3A_693] : memref<196800xf32, #tpu.memory_space<hbm>> -> memref<196800xf32, #tpu.memory_space<hbm>>
        tpu.enqueue_indirect_dma source(%arg18 : memref<128xf32, #tpu.memory_space<vmem>>) target(%dma_start3A_694 : memref<196800xf32, #tpu.memory_space<hbm>>) offsets(%arg21 : memref<128xi32, #tpu.memory_space<vmem>>) semaphore(%arg30 : memref<!tpu.dma_semaphore, #tpu.memory_space<semaphore_mem>>)
        %dma_wait3A_695 = arith.constant 0 : i32
        %dma_wait3A_696 = tpu.memref_slice %arg4[%dma_wait3A_695] : memref<196800xf32, #tpu.memory_space<hbm>> -> memref<196800xf32, #tpu.memory_space<hbm>>
        tpu.wait_indirect_dma semaphore(%arg30 : memref<!tpu.dma_semaphore, #tpu.memory_space<semaphore_mem>>) src(%arg18 : memref<128xf32, #tpu.memory_space<vmem>>) dst(%dma_wait3A_696 : memref<196800xf32, #tpu.memory_space<hbm>>)
        %while3A_697 = arith.constant 0 : i32
        scf.yield %while3A_697 : i32
      }
      %scan3A_248 = arith.constant 0 : i32
      scf.yield %scan3A_248 : i32
    }
    %scan3A_21 = arith.constant 2 : i32
    return
  }
}

module attributes {stable_mosaic.version = 14 : i64} {
  func.func @_bin_body(%arg0: i32, %arg1: memref<1x3x262144xf32, #tpu.memory_space<vmem>>, %arg2: memref<1x1x262144xi32, #tpu.memory_space<vmem>>) attributes {dimension_semantics = [#tpu.dimension_semantics<arbitrary>], iteration_bounds = array<i64: 4>, scalar_prefetch = 0 : i64, scratch_operands = 0 : i64, tpu.core_type = #tpu.core_type<tc>, window_params = [{transform_indices = @transform_0, window_bounds = array<i64: 1, 3, 262144>}, {transform_indices = @transform_1, window_bounds = array<i64: 1, 1, 262144>}]} {
    %get3A = arith.constant 0 : index
    %get3A_0 = arith.constant 0 : index
    %get3A_1 = arith.constant 0 : index
    %get3A_2 = vector.load %arg1[%get3A, %get3A_0, %get3A_1] : memref<1x3x262144xf32, #tpu.memory_space<vmem>>, vector<1x1x262144xf32>
    %get3A_3 = vector.shape_cast %get3A_2 : vector<1x1x262144xf32> to vector<262144xf32>
    %get3A_4 = arith.constant 0 : index
    %get3A_5 = arith.constant 1 : index
    %get3A_6 = arith.constant 0 : index
    %get3A_7 = vector.load %arg1[%get3A_4, %get3A_5, %get3A_6] : memref<1x3x262144xf32, #tpu.memory_space<vmem>>, vector<1x1x262144xf32>
    %get3A_8 = vector.shape_cast %get3A_7 : vector<1x1x262144xf32> to vector<262144xf32>
    %get3A_9 = arith.constant 0 : index
    %get3A_10 = arith.constant 2 : index
    %get3A_11 = arith.constant 0 : index
    %get3A_12 = vector.load %arg1[%get3A_9, %get3A_10, %get3A_11] : memref<1x3x262144xf32, #tpu.memory_space<vmem>>, vector<1x1x262144xf32>
    %get3A_13 = vector.shape_cast %get3A_12 : vector<1x1x262144xf32> to vector<262144xf32>
    %sub3A = arith.constant -4.000000e+00 : f32
    %sub3A_14 = vector.broadcast %sub3A : f32 to vector<262144xf32>
    %sub3A_15 = arith.subf %get3A_3, %sub3A_14 : vector<262144xf32>
    %div3A = arith.constant 1.000000e-01 : f32
    %div3A_16 = vector.broadcast %div3A : f32 to vector<262144xf32>
    %div3A_17 = arith.divf %sub3A_15, %div3A_16 : vector<262144xf32>
    %floor3A = math.floor %div3A_17 : vector<262144xf32>
    %sub3A_18 = arith.constant -4.000000e+00 : f32
    %sub3A_19 = vector.broadcast %sub3A_18 : f32 to vector<262144xf32>
    %sub3A_20 = arith.subf %get3A_8, %sub3A_19 : vector<262144xf32>
    %div3A_21 = arith.constant 1.000000e-01 : f32
    %div3A_22 = vector.broadcast %div3A_21 : f32 to vector<262144xf32>
    %div3A_23 = arith.divf %sub3A_20, %div3A_22 : vector<262144xf32>
    %floor3A_24 = math.floor %div3A_23 : vector<262144xf32>
    %sub3A_25 = arith.constant -4.000000e+00 : f32
    %sub3A_26 = vector.broadcast %sub3A_25 : f32 to vector<262144xf32>
    %sub3A_27 = arith.subf %get3A_13, %sub3A_26 : vector<262144xf32>
    %div3A_28 = arith.constant 1.000000e-01 : f32
    %div3A_29 = vector.broadcast %div3A_28 : f32 to vector<262144xf32>
    %div3A_30 = arith.divf %sub3A_27, %div3A_29 : vector<262144xf32>
    %floor3A_31 = math.floor %div3A_30 : vector<262144xf32>
    %ge3A = arith.constant 0.000000e+00 : f32
    %ge3A_32 = vector.broadcast %ge3A : f32 to vector<262144xf32>
    %ge3A_33 = arith.cmpf oge, %floor3A, %ge3A_32 : vector<262144xf32>
    %lt3A = arith.constant 8.000000e+01 : f32
    %lt3A_34 = vector.broadcast %lt3A : f32 to vector<262144xf32>
    %lt3A_35 = arith.cmpf olt, %floor3A, %lt3A_34 : vector<262144xf32>
    %and3A = arith.andi %ge3A_33, %lt3A_35 : vector<262144xi1>
    %ge3A_36 = arith.constant 0.000000e+00 : f32
    %ge3A_37 = vector.broadcast %ge3A_36 : f32 to vector<262144xf32>
    %ge3A_38 = arith.cmpf oge, %floor3A_24, %ge3A_37 : vector<262144xf32>
    %and3A_39 = arith.andi %and3A, %ge3A_38 : vector<262144xi1>
    %lt3A_40 = arith.constant 8.000000e+01 : f32
    %lt3A_41 = vector.broadcast %lt3A_40 : f32 to vector<262144xf32>
    %lt3A_42 = arith.cmpf olt, %floor3A_24, %lt3A_41 : vector<262144xf32>
    %and3A_43 = arith.andi %and3A_39, %lt3A_42 : vector<262144xi1>
    %ge3A_44 = arith.constant 0.000000e+00 : f32
    %ge3A_45 = vector.broadcast %ge3A_44 : f32 to vector<262144xf32>
    %ge3A_46 = arith.cmpf oge, %floor3A_31, %ge3A_45 : vector<262144xf32>
    %and3A_47 = arith.andi %and3A_43, %ge3A_46 : vector<262144xi1>
    %lt3A_48 = arith.constant 8.000000e+01 : f32
    %lt3A_49 = vector.broadcast %lt3A_48 : f32 to vector<262144xf32>
    %lt3A_50 = arith.cmpf olt, %floor3A_31, %lt3A_49 : vector<262144xf32>
    %and3A_51 = arith.andi %and3A_47, %lt3A_50 : vector<262144xi1>
    %jit3A = arith.constant 0.000000e+00 : f32
    %broadcast_in_dim3A = vector.broadcast %jit3A : f32 to vector<262144xf32>
    %select_n3A = arith.select %and3A_51, %floor3A, %broadcast_in_dim3A : vector<262144xi1>, vector<262144xf32>
    %convert_element_type3A = arith.fptosi %select_n3A : vector<262144xf32> to vector<262144xi32>
    %jit3A_52 = arith.constant 0.000000e+00 : f32
    %broadcast_in_dim3A_53 = vector.broadcast %jit3A_52 : f32 to vector<262144xf32>
    %select_n3A_54 = arith.select %and3A_51, %floor3A_24, %broadcast_in_dim3A_53 : vector<262144xi1>, vector<262144xf32>
    %convert_element_type3A_55 = arith.fptosi %select_n3A_54 : vector<262144xf32> to vector<262144xi32>
    %jit3A_56 = arith.constant 0.000000e+00 : f32
    %broadcast_in_dim3A_57 = vector.broadcast %jit3A_56 : f32 to vector<262144xf32>
    %select_n3A_58 = arith.select %and3A_51, %floor3A_31, %broadcast_in_dim3A_57 : vector<262144xi1>, vector<262144xf32>
    %convert_element_type3A_59 = arith.fptosi %select_n3A_58 : vector<262144xf32> to vector<262144xi32>
    %mul3A = arith.constant 6400 : i32
    %mul3A_60 = vector.broadcast %mul3A : i32 to vector<262144xi32>
    %mul3A_61 = arith.muli %convert_element_type3A, %mul3A_60 : vector<262144xi32>
    %mul3A_62 = arith.constant 80 : i32
    %mul3A_63 = vector.broadcast %mul3A_62 : i32 to vector<262144xi32>
    %mul3A_64 = arith.muli %convert_element_type3A_55, %mul3A_63 : vector<262144xi32>
    %add3A = arith.addi %mul3A_61, %mul3A_64 : vector<262144xi32>
    %add3A_65 = arith.addi %add3A, %convert_element_type3A_59 : vector<262144xi32>
    %jit3A_66 = arith.constant 524288 : i32
    %broadcast_in_dim3A_67 = vector.broadcast %jit3A_66 : i32 to vector<262144xi32>
    %select_n3A_68 = arith.select %and3A_51, %add3A_65, %broadcast_in_dim3A_67 : vector<262144xi1>, vector<262144xi32>
    %swap3A = arith.constant 0 : index
    %swap3A_69 = arith.constant 0 : index
    %swap3A_70 = arith.constant 0 : index
    %swap3A_71 = vector.load %arg2[%swap3A, %swap3A_69, %swap3A_70] : memref<1x1x262144xi32, #tpu.memory_space<vmem>>, vector<1x1x262144xi32>
    %swap3A_72 = vector.shape_cast %swap3A_71 : vector<1x1x262144xi32> to vector<262144xi32>
    %swap3A_73 = vector.shape_cast %select_n3A_68 : vector<262144xi32> to vector<1x1x262144xi32>
    tpu.vector_store %arg2[%swap3A, %swap3A_69, %swap3A_70], %swap3A_73 {strides = array<i32>} : memref<1x1x262144xi32, #tpu.memory_space<vmem>>, vector<1x1x262144xi32>,
    return
  }
  func.func @transform_0(%arg0: i32) -> (i32, i32, i32) {
    %c0_i32 = arith.constant 0 : i32
    %c0_i32_0 = arith.constant 0 : i32
    %c0_i32_1 = arith.constant 0 : i32
    return %arg0, %c0_i32, %c0_i32_0 : i32, i32, i32
  }
  func.func @transform_1(%arg0: i32) -> (i32, i32, i32) {
    %c0_i32 = arith.constant 0 : i32
    %c0_i32_0 = arith.constant 0 : i32
    %c0_i32_1 = arith.constant 0 : i32
    return %arg0, %c0_i32, %c0_i32_0 : i32, i32, i32
  }
}

</mosaic_0001>

<sc_bundles>
// kernel: kernel.4.cloned.1.call-start
scs
__scs_entry_jumppad:
0x0: {  	(pc) =	sbr.rel $0x88, $3  }
0x1: {  	(tag) =	ssettag $0x0;
	lr =	simm.s32 $0x1  }
0x2: {  	[smem:$0x3FA0] =	sst lr;
	_ =	strace $0xD0000000  }
0x3: {  	_ = 	snop  }
0x4: {  	_ = 	snop  }
0x5: {  	_ = 	snop  }
0x6: {  	_ = 	snop  }
0x7: {  	_ = 	snop  }
__scs_overlays_trampoline_lowered:
0x8: {  	[smem:$0x3FAF] =	sst s0  }
0x9: {  	[smem:$0x3FB0] =	sst s1  }
0xa: {  	[smem:$0x3FB1] =	sst s2  }
0xb: {  	[smem:$0x3FB2] =	sst s3  }
0xc: {  	[smem:$0x3FB3] =	sst s4  }
0xd: {  	[smem:$0x3FB4] =	sst s5  }
0xe: {  	[smem:$0x3FB5] =	sst s6  }
0xf: {  	[smem:$0x3FB6] =	sst s7  }
0x10: {  	[smem:$0x3FB7] =	sst s8  }
0x11: {  	[smem:$0x3FB8] =	sst s9;
	s0 =	simm.s32 @!p0 $0x0  }
0x12: {  	s1 =	sld [smem:$0x3F9E];
	s0 =	simm.s32 @p0 $0x1  }
0x13: {  	[smem:$0x3FB9] =	sst s0;
	s0 =	simm.s32 @!p1 $0x0  }
0x14: {  	s2 =	sld [smem:$0x3F9D];
	s0 =	simm.s32 @p1 $0x1  }
0x15: {  	[smem:$0x3FBA] =	sst s0;
	s0 =	simm.s32 @!p2 $0x0  }
0x16: {  	s3 =	sld [smem:$0x3FDB];
	s0 =	simm.s32 @p2 $0x1  }
0x17: {  	s4 =	simm.s32 $0x1BF5;
	[smem:$0x3FBC] =	sst s0  }
0x18: {  	s0 =	sld [smem:$0x3F9F];
	_ =	swait.ge [sflag:s4], $0x0  }
0x19: {  	s7 =	sld [smem:$0x3FA0]  }
0x1a: {  	s8 =	sadd.s32 $0xFFFFE003, lr  }
0x1b: {  	s9 =	sadd.s32 $0xFFFFFEF7, lr;
	s5 =	simm.s32 $0xFFFFFFFF;
	p2 =	slt.u32 s8, $0xFFFFF086  }
0x1c: {  	p1 =	slt.u32 s9, $0xF7A;
	s5 =	simm.s32 @!p2 $0x0  }
0x1d: {  	s5 =	simm.s32 @p1 $0x1;
	p0 =	seq.s32 s7, s2  }
0x1e: {  	s7 =	smul.u32 @!p0 $0xF7A, s2;
	p2 =	seq.s32 @!p0 s5, $0x0  }
0x1f: {  	s9 =	smul.u32 $0xF7A, s1;
	s8 =	simm.s32 @!p0 $0x1BF5;
	p2 =	por !p2, p0  }
0x20: {  	[sflag:s8] =	ssyncset.s32 @!p0 $0xFFFFF086;
	s6 =	sadd.s32 @!p0 s3, s7;
	s7 =	simm.s32 @!p0 $0x108  }
0x21: {  	s3 =	sadd.s32 s3, s9;
	s6 =	sadd.s32 @!p0 $0x88, s6;
	s7 =	simm.s32 @p2 $0x1082  }
0x22: {  	[simem:s7], [sflag:s8] =	dma.local @!p0 [hbm:s6], $0xF7A  }
0x23: {  	s9 =	sor.u32 $0xD0000000, s2;
	s6 =	simm.s32 $0x108;
	_ =	swait.ge @!p0 [sflag:s8], $0x0  }
0x24: {  	s3 =	sadd.s32 $0x88, s3;
	s6 =	simm.s32 @!p1 $0x1082;
	[sflag:s4] =	ssyncset.s32 $0xFFFFF086  }
0x25: {  	[simem:s6], [sflag:s4] =	dma.local [hbm:s3], $0xF7A  }
0x26: {  	[smem:$0x3FA0] =	sst s1;
	(tag) =	ssettag s2;
	_ =	strace s9  }
0x27: {  	s1 =	sld [smem:$0x3FB0]  }
0x28: {  	s2 =	sld [smem:$0x3FB1]  }
0x29: {  	s4 =	sld [smem:$0x3FB3]  }
0x2a: {  	p0 =	seq.s32 s5, $0x0;
	s5 =	sld [smem:$0x3FB4]  }
0x2b: {  	s6 =	sld [smem:$0x3FB5]  }
0x2c: {  	s7 =	sld [smem:$0x3FB6]  }
0x2d: {  	s3 =	simm.s32 $0x108;
	s8 =	sld [smem:$0x3FB7]  }
0x2e: {  	s3 =	simm.s32 @!p0 $0x1082;
	s9 =	sld [smem:$0x3FB8]  }
0x2f: {  	lr =	sadd.s32 s0, s3;
	s0 =	sld [smem:$0x3FAF]  }
0x30: {  	s3 =	sld [smem:$0x3FB2]  }
0x31: {  	[smem:$0x3FBB] =	sst s10  }
0x32: {  	s10 =	sld [smem:$0x3FB9];
	_ =	sdelay $0x3  }
0x33: {  	p0 =	seq.s32 s10, $0x1;
	s10 =	sld [smem:$0x3FBB];
	_ =	sdelay $0x3  }
0x34: {  	[smem:$0x3FBB] =	sst s10  }
0x35: {  	s10 =	sld [smem:$0x3FBA];
	_ =	sdelay $0x3  }
0x36: {  	p1 =	seq.s32 s10, $0x1;
	s10 =	sld [smem:$0x3FBB];
	_ =	sdelay $0x3  }
0x37: {  	[smem:$0x3FBB] =	sst s10  }
0x38: {  	s10 =	sld [smem:$0x3FBC]  }
0x39: {  	_ = 	snop;
	(pc) =	sbr.ind lr, $3  }
0x3a: {  	_ = 	snop  }
0x3b: {  	_ = 	snop  }
0x3c: {  	p2 =	seq.s32 s10, $0x1;
	s10 =	sld [smem:$0x3FBB]  }
0x3d: {  	_ =	shalt  }
0x3e: {  	_ =	shalt  }
0x3f: {  	_ =	shalt  }
0x40: {  	_ =	shalt  }
0x41: {  	_ =	shalt  }
0x42: {  	_ =	shalt  }
0x43: {  	_ =	shalt  }
0x44: {  	_ =	shalt  }
0x45: {  	_ =	shalt  }
0x46: {  	_ =	shalt  }
0x47: {  	_ =	shalt  }
0x48: {  	_ =	shalt  }
0x49: {  	_ =	shalt  }
0x4a: {  	_ =	shalt  }
0x4b: {  	_ =	shalt  }
0x4c: {  	_ =	shalt  }
0x4d: {  	_ =	shalt  }
0x4e: {  	_ =	shalt  }
0x4f: {  	_ =	shalt  }
0x50: {  	_ =	shalt  }
0x51: {  	_ =	shalt  }
0x52: {  	_ =	shalt  }
0x53: {  	_ =	shalt  }
0x54: {  	_ =	shalt  }
0x55: {  	_ =	shalt  }
0x56: {  	_ =	shalt  }
0x57: {  	_ =	shalt  }
0x58: {  	_ =	shalt  }
0x59: {  	_ =	shalt  }
0x5a: {  	_ =	shalt  }
0x5b: {  	_ =	shalt  }
0x5c: {  	_ =	shalt  }
0x5d: {  	_ =	shalt  }
0x5e: {  	_ =	shalt  }
0x5f: {  	_ =	shalt  }
0x60: {  	_ =	shalt  }
0x61: {  	_ =	shalt  }
0x62: {  	_ =	shalt  }
0x63: {  	_ =	shalt  }
0x64: {  	_ =	shalt  }
0x65: {  	_ =	shalt  }
0x66: {  	_ =	shalt  }
0x67: {  	_ =	shalt  }
0x68: {  	_ =	shalt  }
0x69: {  	_ =	shalt  }
0x6a: {  	_ =	shalt  }
0x6b: {  	_ =	shalt  }
0x6c: {  	_ =	shalt  }
0x6d: {  	_ =	shalt  }
0x6e: {  	_ =	shalt  }
0x6f: {  	_ =	shalt  }
0x70: {  	_ =	shalt  }
0x71: {  	_ =	shalt  }
0x72: {  	_ =	shalt  }
0x73: {  	_ =	shalt  }
0x74: {  	_ =	shalt  }
0x75: {  	_ =	shalt  }
0x76: {  	_ =	shalt  }
0x77: {  	_ =	shalt  }
0x78: {  	_ =	shalt  }
0x79: {  	_ =	shalt  }
0x7a: {  	_ =	shalt  }
0x7b: {  	_ =	shalt  }
0x7c: {  	_ =	shalt  }
0x7d: {  	_ =	shalt  }
0x7e: {  	_ =	shalt  }
0x7f: {  	_ =	shalt  }
0x80: {  	_ =	shalt  }
0x81: {  	_ =	shalt  }
0x82: {  	_ =	shalt  }
0x83: {  	_ =	shalt  }
0x84: {  	_ =	shalt  }
0x85: {  	_ =	shalt  }
0x86: {  	_ =	shalt  }
0x87: {  	_ =	shalt  }
.Lfunc_end0:
.L_simem_size_0:
called_computation_lowered:
.L_overlay_start_0:
0x88: {  	s2 =	sld [smem:$0x3FD9]  }
0x89: {  	s3 =	sld [smem:$0x3FFE];
	_ =	sdelay $0x1  }
0x8a: {  	s1 =	srdreg.scid  }
0x8b: {  	s0 =	sand.u32 $0x1, s1  }
0x8c: {  	s16 =	sshll.u32 s0, $0xA;
	s2 =	sadd.s32 s3, s2  }
0x8d: {  	s2 =	sadd.s32 s2, s16  }
0x8e: {  	[smem:$0x3FC7] =	sst s2  }
0x8f: {  	_ = 	snop  }
0x90: {  	(tm) =	ssettm $0x1  }
0x91: {  	s17 =	sld [smem:$0x3FFB];
	_ =	sdelay $0x3  }
0x92: {  	_ =	strace s17  }
0x93: {  	s2 =	sld [smem:$0x3FFC];
	_ =	sdelay $0x3  }
0x94: {  	_ =	strace s2  }
0x95: {  	s2 =	sld [smem:$0x3FFD];
	_ =	sdelay $0x3  }
0x96: {  	_ =	strace s2  }
0x97: {  	_ =	strace $0x8FFFFFFF  }
0x98: {  	s18 =	sld [smem:$0x3FDB];
	_ =	sdelay $0x1  }
0x99: {  	s19 =	simm.s32 $_scs_section_size  }
0x9a: {  	s4 =	simm.s32 $_size__tile_overlayer_lowered;
	s5 =	simm.s32 $_tile_overlayer_lowered  }
0x9b: {  	s22 =	simm.s32 $0x1BFF;
	s21 =	sshll.u32 s5, $0x1;
	s2 =	sadd.s32 s19, s18  }
0x9c: {  	s6 =	simm.s32 $0x0;
	s20 =	sshll.u32 s4, $0x1;
	s4 =	sadd.s32 s21, s2  }
0x9d: {  	[timem:s6], [sflag:s22] =	dma.local [hbm:s4], s20  }
0x9e: {  	_ =	swait.ge [sflag:s22], s20  }
0x9f: {  	s3 =	ssub.s32 $0x0, s20;
	[sflag:s22] =	ssyncset.done $0x0  }
0xa0: {  	[sflag:s22] =	ssyncadd.s32 s3;
	_ =	sdelay $0x1  }
0xa1: {  	s23 =	simm.s32 $0x1B8B  }
0xa2: {  	_ =	swait.ge [sflag:s23], $0x1  }
0xa3: {  	[sflag:s23] =	ssyncset.done $0x0  }
0xa4: {  	s25 =	simm.s32 $0x1B8E;
	s24 =	sld [smem:$0x3FFE];
	[sflag:s23] =	ssyncadd.s32 $0xFFFFFFFF  }
0xa5: {  	s26 =	simm.s32 $execute0_lowered;
	[smem:$0x3FD2] =	sst s25  }
0xa6: {  	s4 =	sshll.u32 s26, $0x1;
	_ =	strace $0x80000046;
	[dreg:$0x1] =	wrdreg $0xFFFFFFFF  }
0xa7: {  	s28 =	simm.s32 $_size_execute0_lowered;
	s2 =	sadd.s32 s2, s4;
	[dreg:$0x0] =	wrdreg $0x0  }
0xa8: {  	s4 =	sshll.u32 s28, $0x1;
	[dreg:$0x2] =	wrdreg s2  }
0xa9: {  	[dreg:$0x3] =	wrdreg s4  }
0xaa: {  	[dreg:$0x4] =	wrdreg $0xC0  }
0xab: {  	_ =	task [dreg:s6], $0x5FFFF  }
0xac: {  	[dreg:$0x1] =	wrdreg $0xFFFFFFFF  }
0xad: {  	[dreg:$0x0] =	wrdreg $0x60  }
0xae: {  	[dreg:$0x2] =	wrdreg s24  }
0xaf: {  	[dreg:$0x3] =	wrdreg $0x1A6000  }
0xb0: {  	[dreg:$0x4] =	wrdreg $0x166000  }
0xb1: {  	[dreg:$0x5] =	wrdreg $0x1E6080  }
0xb2: {  	[dreg:$0x6] =	wrdreg $0x9  }
0xb3: {  	_ =	task.clear_ibuf [dreg:s6], $0x7FFFF;
	_ =	strace $0x90000046  }
0xb4: {  	s29 =	simm.s32 $0x9;
	_ =	strace $0x80000048  }
0xb5: {  	_ =	swait.ge [sflag:s29], $0x1  }
0xb6: {  	[sflag:s29] =	ssyncadd.s32 $0xFFFFFFFF  }
0xb7: {  	_ =	strace $0x90000048  }
0xb8: {  	_ =	sfence  }
0xb9: {  	s30 =	sld [smem:$0x0];
	_ =	sdelay $0x2  }
0xba: {  	s31 =	sshll.u32 s1, $0xD;
	s1 =	sshrl.u32 s1, $0x2  }
0xbb: {  	s3 =	sand.u32 $0x4000, s31;
	s1 =	sadd.s32 s1, s30  }
0xbc: {  	s0 =	sor.u32 s3, s0;
	s1 =	sshll.u32 s1, $0x11  }
0xbd: {  	s0 =	sor.u32 s1, s0  }
0xbe: {  	s0 =	sadd.s32 $0x8F2B, s0  }
0xbf: {  	[sflag:s0] =	ssyncadd.remote.s32 $0x1  }
0xc0: {  	_ =	sfence.sel $0xFFFF  }
0xc1: {  	[dreg:$0x0] =	wrdreg $0xFFFFFFFF;
	(pc) =	sbr.abs _section_cstart, $3  }
0xc2: {  	[dreg:$0x1] =	wrdreg $0xFFFFFFFF  }
0xc3: {  	_ =	task.clear_ibuf [dreg:s6], $0x2FFFF;
	_ =	strace $0x9FFFFFFF  }
0xc4: {  	(tm) =	ssettm $0x7FFFFFFF  }
0xc5: {  	_ =	shalt  }
tec
execute0_lowered:
.L_overlay_start_1:
0x0: {  	(tag) =	ssettag $0x1  }
0x1: {  	s0 =	rddreg [dreg:$0x0]  }
0x2: {  	s1 =	rddreg [dreg:$0x1]  }
0x3: {  	s8 =	rddreg [dreg:$0x2]  }
0x4: {  	s9 =	rddreg [dreg:$0x3];
	s5 =	simm.s32 $0x0;
	s6 =	stileid.u32  }
0x5: {  	s2 =	srdreg.scid;
	[smem:$0x7FF] =	sst s5;
	s10 =	sshll.u32 s6, $0xE  }
0x6: {  	s19 =	sadd.s32 $0x1080800, s0;
	_ =	strace $0x80000047;
	[dreg:$0x8] =	wrdreg s10  }
0x7: {  	s2 =	sand.u32 $0x1, s2;
	s20 =	sadd.s32 $0x20800, s0;
	[dreg:$0x7] =	wrdreg s19  }
0x8: {  	s15 =	sshll.u32 s6, $0x4;
	s23 =	sshll.u32 s2, $0x1;
	[dreg:$0x9] =	wrdreg s20  }
0x9: {  	s17 =	sadd.s32 s15, s9;
	[dreg:$0xb] =	wrdreg s23  }
0xa: {  	s21 =	sadd.s32 s10, s1;
	[dreg:$0x17] =	wrdreg s17  }
0xb: {  	s24 =	sadd.s32 $0x400, s21;
	[dreg:$0xa] =	wrdreg s21  }
0xc: {  	s25 =	sadd.s32 $0x800, s21;
	[dreg:$0xc] =	wrdreg s24  }
0xd: {  	s26 =	sadd.s32 $0xC00, s21;
	[dreg:$0xd] =	wrdreg s25  }
0xe: {  	s30 =	sadd.s32 $0x1000, s21;
	[dreg:$0xe] =	wrdreg s26  }
0xf: {  	s28 =	simm.s32 $0x16300;
	s31 =	sadd.s32 $0x1400, s21;
	[dreg:$0xf] =	wrdreg s30  }
0x10: {  	s29 =	simm.s32 $0x16400;
	s11 =	sadd.s32 $0x1C00, s21;
	[dreg:$0x10] =	wrdreg s31  }
0x11: {  	s3 =	sshll.u32 s6, $0xD;
	s12 =	sadd.s32 $0x2000, s21;
	[dreg:$0x12] =	wrdreg s11  }
0x12: {  	s3 =	sadd.s32 s3, s0;
	s13 =	sadd.s32 $0x2400, s21;
	[dreg:$0x13] =	wrdreg s12  }
0x13: {  	s4 =	ssub.s32 $0x2, s2;
	s14 =	sadd.s32 $0x2800, s21;
	[dreg:$0x14] =	wrdreg s13  }
0x14: {  	s18 =	smul.u32 $0x18060, s2;
	s3 =	sadd.s32 $0x800, s3;
	[dreg:$0x15] =	wrdreg s14  }
0x15: {  	s16 =	sadd.s32 s10, s8;
	s2 =	simm.s32 $0x3;
	[dreg:$0x16] =	wrdreg s3  }
0x16: {  	s7 =	sshrl.u32 s4, $0x1;
	s23 =	sadd.s32 $0x2C00, s21;
	[dreg:$0x19] =	wrdreg s18  }
0x17: {  	s22 =	ssub.s32 s4, s7;
	s7 =	sadd.s32 $0x1800, s21;
	[dreg:$0x1b] =	wrdreg s23  }
0x18: {  	s24 =	sadd.s32 $0x3000, s21;
	s25 =	sadd.s32 $0x3400, s21;
	[dreg:$0x11] =	wrdreg s7  }
0x19: {  	s26 =	sadd.s32 $0x3800, s21;
	s30 =	sadd.s32 $0x3C00, s21;
	[dreg:$0x1c] =	wrdreg s24  }
0x1a: {  	v1 =	vimm.s32 $0x0;
	s31 =	sshll.u32 s6, $0xA;
	s11 =	simm.s32 $0x80;
	[dreg:$0x1d] =	wrdreg s25  }
0x1b: {  	v2 =	vimm.s32 $0x1;
	v3 =	vimm.s32 $0x7FFFFFFF;
	v4 =	vlaneseq.u32;
	s12 =	simm.s32 $0xDA80;
	s13 =	simm.s32 $0x15F80;
	[dreg:$0x1e] =	wrdreg s26  }
.Ltmp0:
0x1c: {  	v5 =	vimm.s32 $0x40000;
	v7 =	vimm.s32 $0xECA86420;
	vm1 =	vcmask $0xB08;
	s23 =	simm.s32 $0x16000;
	[dreg:$0x1f] =	wrdreg s30;
	(pc) =	sbr.rel .LBB2_1-.Ltmp0, $4  }
0x1d: {  	vm2 =	vcmask $0x1310;
	vm3 =	vcmask $0x1B18;
	vm4 =	vcmask $0x300;
	s3 =	simm.s32 $0x0;
	s0 =	smax.u32 s22, $0x1;
	[smem:$0x7FC] =	sst s31  }
0x1e: {  	vm5 =	vcmask $0x2320;
	vm6 =	vcmask $0x2B28;
	v7 =	vunpack.c.l.s4.s8 v7;
	s22 =	sshrl.u32 s16, $0x3;
	s24 =	simm.s32 $0x1;
	[dreg:$0x18] =	wrdreg s0  }
0x1f: {  	vm7 =	vcmask $0x3330;
	vm8 =	vcmask $0x3B38;
	v0 =	vmov s6;
	s25 =	simm.s32 $0x16180;
	[dreg:$0x1a] =	wrdreg s22;
	s0 =	sadd.s32 $0x400, s31  }
0x20: {  	v6 =	vmul.u32 $0x10, v4;
	vm0 =	vgt.u32 v0, v4;
	v7 =	vunpack.c.0.s8.s32 v7;
	s26 =	simm.s32 $0x2;
	s22 =	simm.s32 $0x8000;
	[smem:$0x7FD] =	sst s0  }
.LBB2_38:
0x21: {  	s3 =	sld [smem:$0x7FB];
	_ =	sdelay $0x2  }
0x22: {  	s0 =	rddreg [dreg:$0x18];
	s3 =	sadd.s32 $0x1, s3  }
0x23: {  	p0 =	sne.s32 s3, s0  }
.Ltmp1:
0x24: {  	_ = 	snop;
	(pc) =	sbr.rel @!p0 .LBB2_39-.Ltmp1, $1  }
0x25: {  	_ =	sdelay $0x3  }
.LBB2_1:
0x26: {  	[smem:$0x7FB] =	sst s3;
	s0 =	simm.s32 $0x40;
	s3 =	simm.s32 $0x0  }
.LBB2_2:
0x27: {  	p0 =	sne.s32 s0, $0xFC0;
	[tilespmem:s3+$0x15B80] =	vst v1;
	s3 =	smov.u32 s0;
	s0 =	sadd.s32 $0x40, s0  }
.Ltmp2:
0x28: {  	(pc) =	sbr.rel @p0 .LBB2_2-.Ltmp2, $2  }
0x29: {  	_ =	sdelay $0x2  }
0x2a: {  	s3 =	sshra.s32 s3, $0x2  }
0x2b: {  	[tilespmem:s3+$0x15B80] =	vst v1  }
0x2c: {  	[tilespmem:$0x15F80] =	vst v2  }
0x2d: {  	[tilespmem:$0x15F90] =	vst v2  }
0x2e: {  	[tilespmem:$0x15FA0] =	vst v2  }
.Ltmp3:
0x2f: {  	[tilespmem:$0x15FB0] =	vst v2;
	(pc) =	sbr.rel .LBB2_4-.Ltmp3, $4  }
0x30: {  	[tilespmem:$0x15FC0] =	vst v2  }
0x31: {  	[tilespmem:$0x15FD0] =	vst v2  }
0x32: {  	[tilespmem:$0x15FE0] =	vst v2  }
0x33: {  	s15 =	simm.s32 $0x0;
	p1 =	por $0x1, $0x1;
	[tilespmem:$0x15FF0] =	vst v2  }
.LBB2_37:
.Ltmp4:
0x34: {  	(pc) =	sbr.rel @!p0 .LBB2_38-.Ltmp4, $3  }
0x35: {  	_ =	sdelay $0x1  }
0x36: {  	s15 =	simm.s32 $0x1;
	p1 =	por $0x0, $0x0;
	s8 =	rddreg [dreg:$0x2]  }
0x37: {  	s21 =	rddreg [dreg:$0xa];
	s22 =	simm.s32 $0x8000;
	s29 =	simm.s32 $0x16400  }
.LBB2_4:
0x38: {  	s3 =	simm.s32 $0x15B80  }
0x39: {  	[spmem:s21] =	stream.linear.scatter [tilespmem:s3], [sflag:$0x3], $0x400, $0x38;
	[tilespmem:$0x1E618] =	vst v63  }
0x3a: {  	_ =	swait.ge [sflag:s2], $0x400  }
0x3b: {  	[sflag:s2] =	ssyncset.done $0x0  }
0x3c: {  	s0 =	rddreg [dreg:$0xc];
	[sflag:s2] =	ssyncadd.s32 $0xFFFFFC00  }
0x3d: {  	[spmem:s0] =	stream.linear.scatter [tilespmem:s3], [sflag:$0x3], $0x400, $0x38;
	[tilespmem:$0x1E618] =	vst v63  }
0x3e: {  	_ =	swait.ge [sflag:s2], $0x400  }
0x3f: {  	[sflag:s2] =	ssyncset.done $0x0  }
0x40: {  	s14 =	rddreg [dreg:$0xd];
	[sflag:s2] =	ssyncadd.s32 $0xFFFFFC00  }
0x41: {  	[spmem:s14] =	stream.linear.scatter [tilespmem:s3], [sflag:$0x3], $0x400, $0x38;
	[tilespmem:$0x1E618] =	vst v63  }
0x42: {  	_ =	swait.ge [sflag:s2], $0x400  }
0x43: {  	[sflag:s2] =	ssyncset.done $0x0  }
0x44: {  	s16 =	rddreg [dreg:$0xe];
	[sflag:s2] =	ssyncadd.s32 $0xFFFFFC00  }
0x45: {  	[spmem:s16] =	stream.linear.scatter [tilespmem:s3], [sflag:$0x3], $0x400, $0x38;
	[tilespmem:$0x1E618] =	vst v63  }
0x46: {  	_ =	swait.ge [sflag:s2], $0x400  }
0x47: {  	[sflag:s2] =	ssyncset.done $0x0  }
0x48: {  	s17 =	rddreg [dreg:$0xf];
	[sflag:s2] =	ssyncadd.s32 $0xFFFFFC00  }
0x49: {  	[spmem:s17] =	stream.linear.scatter [tilespmem:s3], [sflag:$0x3], $0x400, $0x38;
	[tilespmem:$0x1E618] =	vst v63  }
0x4a: {  	_ =	swait.ge [sflag:s2], $0x400  }
0x4b: {  	[sflag:s2] =	ssyncset.done $0x0  }
0x4c: {  	s18 =	rddreg [dreg:$0x10];
	[sflag:s2] =	ssyncadd.s32 $0xFFFFFC00  }
0x4d: {  	[spmem:s18] =	stream.linear.scatter [tilespmem:s3], [sflag:$0x3], $0x400, $0x38;
	[tilespmem:$0x1E618] =	vst v63  }
0x4e: {  	_ =	swait.ge [sflag:s2], $0x400  }
0x4f: {  	[sflag:s2] =	ssyncset.done $0x0  }
0x50: {  	s30 =	rddreg [dreg:$0x11];
	[sflag:s2] =	ssyncadd.s32 $0xFFFFFC00  }
0x51: {  	[spmem:s30] =	stream.linear.scatter [tilespmem:s3], [sflag:$0x3], $0x400, $0x38;
	[tilespmem:$0x1E618] =	vst v63  }
0x52: {  	_ =	swait.ge [sflag:s2], $0x400  }
0x53: {  	[sflag:s2] =	ssyncset.done $0x0  }
0x54: {  	s31 =	rddreg [dreg:$0x12];
	[sflag:s2] =	ssyncadd.s32 $0xFFFFFC00  }
0x55: {  	[spmem:s31] =	stream.linear.scatter [tilespmem:s3], [sflag:$0x3], $0x400, $0x38;
	[tilespmem:$0x1E618] =	vst v63  }
0x56: {  	_ =	swait.ge [sflag:s2], $0x400  }
0x57: {  	[sflag:s2] =	ssyncset.done $0x0  }
0x58: {  	s4 =	rddreg [dreg:$0x13];
	[sflag:s2] =	ssyncadd.s32 $0xFFFFFC00  }
0x59: {  	[spmem:s4] =	stream.linear.scatter [tilespmem:s3], [sflag:$0x3], $0x400, $0x38;
	[tilespmem:$0x1E618] =	vst v63  }
0x5a: {  	_ =	swait.ge [sflag:s2], $0x400  }
0x5b: {  	[sflag:s2] =	ssyncset.done $0x0  }
0x5c: {  	s6 =	rddreg [dreg:$0x14];
	[sflag:s2] =	ssyncadd.s32 $0xFFFFFC00  }
0x5d: {  	[spmem:s6] =	stream.linear.scatter [tilespmem:s3], [sflag:$0x3], $0x400, $0x38;
	[tilespmem:$0x1E618] =	vst v63  }
0x5e: {  	_ =	swait.ge [sflag:s2], $0x400  }
0x5f: {  	[sflag:s2] =	ssyncset.done $0x0  }
0x60: {  	s7 =	rddreg [dreg:$0x15];
	[sflag:s2] =	ssyncadd.s32 $0xFFFFFC00  }
0x61: {  	[spmem:s7] =	stream.linear.scatter [tilespmem:s3], [sflag:$0x3], $0x400, $0x38;
	[tilespmem:$0x1E618] =	vst v63  }
0x62: {  	_ =	swait.ge [sflag:s2], $0x400  }
0x63: {  	[sflag:s2] =	ssyncset.done $0x0  }
0x64: {  	s9 =	rddreg [dreg:$0x1b];
	[sflag:s2] =	ssyncadd.s32 $0xFFFFFC00  }
0x65: {  	[spmem:s9] =	stream.linear.scatter [tilespmem:s3], [sflag:$0x3], $0x400, $0x38;
	[tilespmem:$0x1E618] =	vst v63  }
0x66: {  	_ =	swait.ge [sflag:s2], $0x400  }
0x67: {  	[sflag:s2] =	ssyncset.done $0x0  }
0x68: {  	s10 =	rddreg [dreg:$0x1c];
	[sflag:s2] =	ssyncadd.s32 $0xFFFFFC00  }
0x69: {  	[spmem:s10] =	stream.linear.scatter [tilespmem:s3], [sflag:$0x3], $0x400, $0x38;
	[tilespmem:$0x1E618] =	vst v63  }
0x6a: {  	_ =	swait.ge [sflag:s2], $0x400  }
0x6b: {  	[sflag:s2] =	ssyncset.done $0x0  }
0x6c: {  	s14 =	rddreg [dreg:$0x1d];
	[sflag:s2] =	ssyncadd.s32 $0xFFFFFC00  }
0x6d: {  	[spmem:s14] =	stream.linear.scatter [tilespmem:s3], [sflag:$0x3], $0x400, $0x38;
	[tilespmem:$0x1E618] =	vst v63  }
0x6e: {  	_ =	swait.ge [sflag:s2], $0x400  }
0x6f: {  	[sflag:s2] =	ssyncset.done $0x0  }
0x70: {  	s16 =	rddreg [dreg:$0x1e];
	[sflag:s2] =	ssyncadd.s32 $0xFFFFFC00  }
0x71: {  	[spmem:s16] =	stream.linear.scatter [tilespmem:s3], [sflag:$0x3], $0x400, $0x38;
	[tilespmem:$0x1E618] =	vst v63  }
0x72: {  	s30 =	stileid.u32;
	s6 =	simm.s32 $0x10;
	_ =	swait.ge [sflag:s2], $0x400  }
0x73: {  	s7 =	simm.s32 $0x40;
	[sflag:s2] =	ssyncset.done $0x0;
	s18 =	rddreg [dreg:$0xb]  }
0x74: {  	s17 =	rddreg [dreg:$0x1f];
	[sflag:s2] =	ssyncadd.s32 $0xFFFFFC00;
	s10 =	sor.u32 s18, s15  }
0x75: {  	[spmem:s17] =	stream.linear.scatter [tilespmem:s3], [sflag:$0x3], $0x400, $0x38;
	[tilespmem:$0x1E618] =	vst v63  }
0x76: {  	s0 =	sshll.u32 s10, $0x4;
	s3 =	sshll.u32 s30, $0x6;
	_ =	swait.ge [sflag:s2], $0x400  }
0x77: {  	s3 =	sor.u32 $0x1C03, s3;
	[sflag:s2] =	ssyncset.done $0x0;
	s4 =	rddreg [dreg:$0x16]  }
0x78: {  	s31 =	rddreg [dreg:$0x1a];
	[sflag:s2] =	ssyncadd.s32 $0xFFFFFC00;
	s0 =	sadd.s32 s0, s4  }
0x79: {  	[spmem:s31@s6], [sflag:s3] =	dma.strided [hbm:s0@s7], $0x800, s24, $0x10   }
0x7a: {  	_ =	swait.ge [sflag:s2], $0x800  }
0x7b: {  	[sflag:s2] =	ssyncset.done $0x0  }
0x7c: {  	s0 =	simm.s32 $0x20;
	[sflag:s2] =	ssyncadd.s32 $0xFFFFF800  }
0x7d: {  	[tilespmem:s0+$0xFFFFFFE0] =	vst v3  }
0x7e: {  	[tilespmem:s0+$0x10] =	vst v3  }
0x7f: {  	p0 =	por p1, p1;
	s3 =	simm.s32 $0x0;
	[tilespmem:s0+$0x0] =	vst v3  }
.LBB2_5:
0x80: {  	s3 =	sadd.s32 $0x4, s3  }
0x81: {  	[tilespmem:s0+$0xFFFFFFF0] =	vst v3;
	s0 =	sadd.s32 $0x40, s0;
	p1 =	slt.u32 s3, $0x7FC  }
.Ltmp5:
0x82: {  	[tilespmem:s0+$0xFFFFFFE0] =	vst v3;
	(pc) =	sbr.rel @p1 .LBB2_5-.Ltmp5, $3  }
0x83: {  	_ =	sdelay $0x1  }
0x84: {  	[tilespmem:s0+$0x10] =	vst v3  }
0x85: {  	[tilespmem:s0+$0x0] =	vst v3  }
.Ltmp6:
0x86: {  	(pc) =	sbr.rel .LBB2_7-.Ltmp6, $4  }
0x87: {  	_ = 	snop  }
0x88: {  	[tilespmem:s0+$0xFFFFFFF0] =	vst v3  }
0x89: {  	[bflag:$0x0] =	sbarrier.arrive $0xFFFF  }
0x8a: {  	s7 =	simm.s32 $0x0;
	s31 =	simm.s32 $0x70;
	s14 =	simm.s32 $0x0  }
.LBB2_17:
0x8b: {  	s14 =	sadd.s32 $0x1, s14  }
0x8c: {  	p1 =	sne.s32 s14, $0x80  }
.Ltmp7:
0x8d: {  	_ = 	snop;
	(pc) =	sbr.rel @!p1 .LBB2_18-.Ltmp7, $2  }
0x8e: {  	_ =	sdelay $0x2  }
0x8f: {  	s31 =	sadd.s32 $0x800, s31  }
.LBB2_7:
0x90: {  	s0 =	sshll.u32 s14, $0xB  }
0x91: {  	s0 =	sadd.s32 s0, s8  }
0x92: {  	[tilespmem:s22], [sflag:$0x3] =	stream.linear.gather [spmem:s0], $0x800, $0x38;
	[tilespmem:$0x1E618] =	vst v63  }
0x93: {  	_ =	swait.ge [sflag:s2], $0x800  }
0x94: {  	[sflag:s2] =	ssyncset.done $0x0  }
0x95: {  	s0 =	simm.s32 $0x8040;
	[sflag:s2] =	ssyncadd.s32 $0xFFFFF800  }
0x96: {  	v8 =	vld [tilespmem:s0+$0xFFFFFFC0]  }
0x97: {  	v9 =	vld [tilespmem:s0+$0xFFFFFFD0];
	_ =	sdelay $0x3  }
0x98: {  	v10 =	vshrl.u32 v8, $0xF  }
0x99: {  	v8 =	vand.u32 $0x7FFF, v8;
	vm9 =	veq.s32 v10, v0;
	v10 =	vshrl.u32 v9, $0xF  }
0x9a: {  	s3 =	sadd.s32 $0xFFFFFF90, s31;
	vm10 =	veq.s32 v10, v0;
	[tilespmem:s7+$0x8800] =	vst.msk vm9, v8;
	v8 =	vand.u32 $0x7FFF, v9;
	v9 =	vsel vm9, $0x1, v1  }
0x9b: {  	s9 =	sadd.s32 $0xFFFFFFA0, s31;
	[tilespmem:s7+$0x9100] =	vst.msk vm10, v8;
	v8 =	vor.u32 s3, v4;
	v10 =	vsel vm10, $0x1, v1;
	(xrf0) =	vadd.scan.msk.s32 $0xffff, v9  }
0x9c: {  	[tilespmem:s7+$0x8C80] =	vst.msk vm9, v8;
	v8 =	vor.u32 s9, v4;
	(xrf0) =	vadd.scan.msk.s32 $0xffff, v10  }
0x9d: {  	[tilespmem:s7+$0x9580] =	vst.msk vm10, v8  }
0x9e: {  	v8 =	vld [tilespmem:s0+$0xFFFFFFE0]  }
0x9f: {  	v9 =	vld [tilespmem:s0+$0xFFFFFFF0];
	_ =	sdelay $0x1  }
0xa0: {  	v10, _, _ =	vpop (xrf0)  }
0xa1: {  	(v2sf) =	vpush v10, $0xF;
	v10, _, _ =	vpop (xrf0)  }
0xa2: {  	v11 =	vshrl.u32 v8, $0xF;
	(v2sf) =	vpush v10, $0xF  }
0xa3: {  	v10 =	vshrl.u32 v9, $0xF;
	vm9 =	veq.s32 v11, v0  }
0xa4: {  	vm10 =	veq.s32 v10, v0;
	v10 =	vsel vm9, $0x1, v1  }
0xa5: {  	(xrf0) =	vadd.scan.msk.s32 $0xffff, v10;
	_ =	sdelay $0x1  }
0xa6: {  	v11 =	vsel vm10, $0x1, v1  }
0xa7: {  	(xrf0) =	vadd.scan.msk.s32 $0xffff, v11;
	_ =	sdelay $0x2  }
0xa8: {  	v10, _, _ =	vpop (xrf0)  }
0xa9: {  	(v2sf) =	vpush v10, $0xF;
	_ =	sdelay $0x1  }
0xaa: {  	v10, _, _ =	vpop (xrf0)  }
0xab: {  	(v2sf) =	vpush v10, $0xF  }
0xac: {  	s16 =	spop (v2sf)  }
0xad: {  	v8 =	vand.u32 $0x7FFF, v8;
	s3 =	sadd.s32 $0x0, s16;
	s4 =	spop (v2sf)  }
0xae: {  	s9 =	sadd.s32 $0xFFFFFFB0, s31;
	s4 =	sadd.s32 $0x0, s4;
	[tilespmem:s3+$0x8800] =	vst.msk vm9, v8;
	v8 =	vand.u32 $0x7FFF, v9  }
0xaf: {  	s17 =	sadd.s32 $0xFFFFFFC0, s31;
	[tilespmem:s4+$0x9100] =	vst.msk vm10, v8;
	v8 =	vor.u32 s9, v4  }
0xb0: {  	[tilespmem:s3+$0x8C80] =	vst.msk vm9, v8;
	v8 =	vor.u32 s17, v4  }
0xb1: {  	[tilespmem:s4+$0x9580] =	vst.msk vm10, v8  }
0xb2: {  	v8 =	vld [tilespmem:s0+$0x0]  }
0xb3: {  	v9 =	vld [tilespmem:s0+$0x10];
	_ =	sdelay $0x3  }
0xb4: {  	v10 =	vshrl.u32 v8, $0xF;
	s18 =	spop (v2sf)  }
0xb5: {  	v8 =	vand.u32 $0x7FFF, v8;
	s3 =	sadd.s32 s3, s18;
	vm9 =	veq.s32 v10, v0;
	v10 =	vshrl.u32 v9, $0xF  }
0xb6: {  	vm10 =	veq.s32 v10, v0;
	[tilespmem:s3+$0x8800] =	vst.msk vm9, v8;
	v8 =	vand.u32 $0x7FFF, v9;
	v9 =	vsel vm9, $0x1, v1  }
0xb7: {  	s30 =	spop (v2sf);
	v10 =	vsel vm10, $0x1, v1;
	(xrf0) =	vadd.scan.msk.s32 $0xffff, v9  }
0xb8: {  	s6 =	sadd.s32 $0xFFFFFFD0, s31;
	s4 =	sadd.s32 s4, s30;
	(xrf0) =	vadd.scan.msk.s32 $0xffff, v10  }
0xb9: {  	s16 =	sadd.s32 $0xFFFFFFE0, s31;
	[tilespmem:s4+$0x9100] =	vst.msk vm10, v8;
	v8 =	vor.u32 s6, v4  }
0xba: {  	[tilespmem:s3+$0x8C80] =	vst.msk vm9, v8;
	v8 =	vor.u32 s16, v4  }
0xbb: {  	[tilespmem:s4+$0x9580] =	vst.msk vm10, v8  }
0xbc: {  	v8 =	vld [tilespmem:s0+$0x20]  }
0xbd: {  	v9, _, _ =	vpop (xrf0)  }
0xbe: {  	(v2sf) =	vpush v9, $0xF;
	v9, _, _ =	vpop (xrf0)  }
0xbf: {  	(v2sf) =	vpush v9, $0xF;
	_ =	sdelay $0x1  }
0xc0: {  	v10 =	vshrl.u32 v8, $0xF  }
0xc1: {  	vm9 =	veq.s32 v10, v0  }
0xc2: {  	v9 =	vsel vm9, $0x1, v1  }
0xc3: {  	(xrf0) =	vadd.scan.msk.s32 $0xffff, v9;
	_ =	sdelay $0x1  }
0xc4: {  	v10 =	vld [tilespmem:s0+$0x30];
	_ =	sdelay $0x3  }
0xc5: {  	v9, _, _ =	vpop (xrf0)  }
0xc6: {  	(v2sf) =	vpush v9, $0xF;
	v9 =	vshrl.u32 v10, $0xF  }
0xc7: {  	vm10 =	veq.s32 v9, v0  }
0xc8: {  	v9 =	vsel vm10, $0x1, v1;
	s17 =	spop (v2sf)  }
0xc9: {  	v8 =	vand.u32 $0x7FFF, v8;
	(xrf0) =	vadd.scan.msk.s32 $0xffff, v9;
	s16 =	sadd.s32 s3, s17;
	s18 =	spop (v2sf)  }
0xca: {  	s30 =	sadd.s32 $0xFFFFFFF0, s31;
	s9 =	sadd.s32 s4, s18;
	[tilespmem:s16+$0x8800] =	vst.msk vm9, v8;
	v8 =	vand.u32 $0x7FFF, v10  }
0xcb: {  	[tilespmem:s9+$0x9100] =	vst.msk vm10, v8;
	v8 =	vor.u32 s30, v4  }
0xcc: {  	[tilespmem:s16+$0x8C80] =	vst.msk vm9, v8;
	v8 =	vor.u32 s31, v4;
	_ =	sdelay $0x2  }
0xcd: {  	[tilespmem:s9+$0x9580] =	vst.msk vm10, v8;
	v8, _, _ =	vpop (xrf0)  }
0xce: {  	(v2sf) =	vpush v8, $0xF;
	_ =	sdelay $0x7  }
0xcf: {  	s3 =	simm.s32 $0x80C0  }
0xd0: {  	v9 =	vld [tilespmem:s3+$0xFFFFFFC0]  }
0xd1: {  	v8 =	vld [tilespmem:s3+$0xFFFFFFD0];
	_ =	sdelay $0x3  }
0xd2: {  	s0 =	sadd.s32 $0x80, s31;
	s4 =	simm.s32 $0x4;
	v10 =	vshrl.u32 v9, $0xF;
	v9 =	vand.u32 $0x7FFF, v9;
	s17 =	spop (v2sf)  }
.LBB2_8:
0xd3: {  	s4 =	sadd.s32 $0x4, s4;
	vm9 =	veq.s32 v10, v0;
	v10 =	vshrl.u32 v8, $0xF;
	s16 =	sadd.s32 s16, s17;
	s17 =	spop (v2sf)  }
0xd4: {  	v8 =	vand.u32 $0x7FFF, v8;
	s18 =	sadd.s32 $0xFFFFFF90, s0;
	p1 =	slt.u32 s4, $0x3C;
	vm10 =	veq.s32 v10, v0;
	[tilespmem:s16+$0x8800] =	vst.msk vm9, v9;
	v9 =	vsel vm9, $0x1, v1;
	s9 =	sadd.s32 s9, s17  }
0xd5: {  	s17 =	sadd.s32 $0xFFFFFFA0, s0;
	[tilespmem:s9+$0x9100] =	vst.msk vm10, v8;
	v8 =	vor.u32 s18, v4;
	v10 =	vsel vm10, $0x1, v1;
	(xrf0) =	vadd.scan.msk.s32 $0xffff, v9  }
0xd6: {  	[tilespmem:s16+$0x8C80] =	vst.msk vm9, v8;
	v8 =	vor.u32 s17, v4;
	(xrf0) =	vadd.scan.msk.s32 $0xffff, v10  }
0xd7: {  	[tilespmem:s9+$0x9580] =	vst.msk vm10, v8  }
0xd8: {  	v8 =	vld [tilespmem:s3+$0xFFFFFFE0]  }
0xd9: {  	v9 =	vld [tilespmem:s3+$0xFFFFFFF0];
	_ =	sdelay $0x1  }
0xda: {  	v10, _, _ =	vpop (xrf0)  }
0xdb: {  	(v2sf) =	vpush v10, $0xF;
	v10, _, _ =	vpop (xrf0)  }
0xdc: {  	v11 =	vshrl.u32 v8, $0xF;
	(v2sf) =	vpush v10, $0xF  }
0xdd: {  	vm9 =	veq.s32 v11, v0;
	v10 =	vshrl.u32 v9, $0xF  }
0xde: {  	vm10 =	veq.s32 v10, v0;
	v10 =	vsel vm9, $0x1, v1  }
0xdf: {  	v11 =	vsel vm10, $0x1, v1;
	(xrf0) =	vadd.scan.msk.s32 $0xffff, v10  }
0xe0: {  	(xrf0) =	vadd.scan.msk.s32 $0xffff, v11;
	_ =	sdelay $0x4  }
0xe1: {  	v10, _, _ =	vpop (xrf0)  }
0xe2: {  	(v2sf) =	vpush v10, $0xF;
	v10, _, _ =	vpop (xrf0)  }
0xe3: {  	(v2sf) =	vpush v10, $0xF;
	_ =	sdelay $0x2  }
0xe4: {  	s17 =	spop (v2sf)  }
0xe5: {  	v8 =	vand.u32 $0x7FFF, v8;
	s16 =	sadd.s32 s16, s17;
	s17 =	spop (v2sf)  }
0xe6: {  	s17 =	sadd.s32 s9, s17;
	[tilespmem:s16+$0x8800] =	vst.msk vm9, v8;
	v8 =	vand.u32 $0x7FFF, v9;
	s9 =	sadd.s32 $0xFFFFFFB0, s0  }
0xe7: {  	[tilespmem:s17+$0x9100] =	vst.msk vm10, v8;
	v8 =	vor.u32 s9, v4;
	s9 =	sadd.s32 $0xFFFFFFC0, s0  }
0xe8: {  	[tilespmem:s16+$0x8C80] =	vst.msk vm9, v8;
	v8 =	vor.u32 s9, v4  }
0xe9: {  	[tilespmem:s17+$0x9580] =	vst.msk vm10, v8  }
0xea: {  	v8 =	vld [tilespmem:s3+$0x0]  }
0xeb: {  	v9 =	vld [tilespmem:s3+$0x10];
	_ =	sdelay $0x3  }
0xec: {  	v10 =	vshrl.u32 v8, $0xF;
	s9 =	spop (v2sf)  }
0xed: {  	v8 =	vand.u32 $0x7FFF, v8;
	s9 =	sadd.s32 s16, s9;
	vm9 =	veq.s32 v10, v0;
	v10 =	vshrl.u32 v9, $0xF;
	s16 =	spop (v2sf)  }
0xee: {  	s17 =	sadd.s32 s17, s16;
	vm10 =	veq.s32 v10, v0;
	[tilespmem:s9+$0x8800] =	vst.msk vm9, v8;
	v8 =	vand.u32 $0x7FFF, v9;
	s16 =	sadd.s32 $0xFFFFFFD0, s0;
	v9 =	vsel vm9, $0x1, v1  }
0xef: {  	[tilespmem:s17+$0x9100] =	vst.msk vm10, v8;
	v8 =	vor.u32 s16, v4;
	s16 =	sadd.s32 $0xFFFFFFE0, s0;
	v10 =	vsel vm10, $0x1, v1;
	(xrf0) =	vadd.scan.msk.s32 $0xffff, v9  }
0xf0: {  	[tilespmem:s9+$0x8C80] =	vst.msk vm9, v8;
	v8 =	vor.u32 s16, v4;
	(xrf0) =	vadd.scan.msk.s32 $0xffff, v10  }
0xf1: {  	[tilespmem:s17+$0x9580] =	vst.msk vm10, v8  }
0xf2: {  	v8 =	vld [tilespmem:s3+$0x20]  }
0xf3: {  	v9 =	vld [tilespmem:s3+$0x30];
	_ =	sdelay $0x1  }
0xf4: {  	v10, _, _ =	vpop (xrf0)  }
0xf5: {  	(v2sf) =	vpush v10, $0xF;
	v10, _, _ =	vpop (xrf0)  }
0xf6: {  	v11 =	vshrl.u32 v8, $0xF;
	(v2sf) =	vpush v10, $0xF  }
0xf7: {  	vm9 =	veq.s32 v11, v0;
	v10 =	vshrl.u32 v9, $0xF  }
0xf8: {  	vm10 =	veq.s32 v10, v0;
	v10 =	vsel vm9, $0x1, v1  }
0xf9: {  	v11 =	vsel vm10, $0x1, v1;
	(xrf0) =	vadd.scan.msk.s32 $0xffff, v10  }
0xfa: {  	(xrf0) =	vadd.scan.msk.s32 $0xffff, v11;
	_ =	sdelay $0x4  }
0xfb: {  	v10, _, _ =	vpop (xrf0)  }
0xfc: {  	(v2sf) =	vpush v10, $0xF;
	v10, _, _ =	vpop (xrf0)  }
0xfd: {  	(v2sf) =	vpush v10, $0xF;
	_ =	sdelay $0x2  }
0xfe: {  	s16 =	spop (v2sf)  }
0xff: {  	v8 =	vand.u32 $0x7FFF, v8;
	s16 =	sadd.s32 s9, s16;
	s9 =	spop (v2sf)  }
0x100: {  	s9 =	sadd.s32 s17, s9;
	[tilespmem:s16+$0x8800] =	vst.msk vm9, v8;
	v8 =	vand.u32 $0x7FFF, v9;
	s17 =	sadd.s32 $0xFFFFFFF0, s0  }
0x101: {  	[tilespmem:s9+$0x9100] =	vst.msk vm10, v8;
	v8 =	vor.u32 s17, v4  }
0x102: {  	[tilespmem:s16+$0x8C80] =	vst.msk vm9, v8;
	v8 =	vor.u32 s0, v4  }
0x103: {  	s3 =	sadd.s32 $0x80, s3;
	[tilespmem:s9+$0x9580] =	vst.msk vm10, v8  }
0x104: {  	v9 =	vld [tilespmem:s3+$0xFFFFFFC0]  }
.Ltmp8:
0x105: {  	v8 =	vld [tilespmem:s3+$0xFFFFFFD0];
	(pc) =	sbr.rel @p1 .LBB2_8-.Ltmp8, $2  }
0x106: {  	_ =	sdelay $0x2  }
0x107: {  	s0 =	sadd.s32 $0x80, s0;
	v10 =	vshrl.u32 v9, $0xF;
	v9 =	vand.u32 $0x7FFF, v9;
	s17 =	spop (v2sf)  }
0x108: {  	vm9 =	veq.s32 v10, v0;
	v42 =	vshrl.u32 v8, $0xF;
	s4 =	sadd.s32 s16, s17;
	s30 =	spop (v2sf)  }
0x109: {  	v8 =	vand.u32 $0x7FFF, v8;
	s6 =	sadd.s32 $0xFFFFFF90, s0;
	vm10 =	veq.s32 v42, v0;
	[tilespmem:s4+$0x8800] =	vst.msk vm9, v9;
	v43 =	vsel vm9, $0x1, v1;
	s9 =	sadd.s32 s9, s30  }
0x10a: {  	s18 =	sadd.s32 $0xFFFFFFA0, s0;
	[tilespmem:s9+$0x9100] =	vst.msk vm10, v8;
	v8 =	vor.u32 s6, v4;
	v10 =	vsel vm10, $0x1, v1;
	(xrf0) =	vadd.scan.msk.s32 $0xffff, v43  }
0x10b: {  	[tilespmem:s4+$0x8C80] =	vst.msk vm9, v8;
	v8 =	vor.u32 s18, v4;
	(xrf0) =	vadd.scan.msk.s32 $0xffff, v10  }
0x10c: {  	[tilespmem:s9+$0x9580] =	vst.msk vm10, v8  }
0x10d: {  	v8 =	vld [tilespmem:s3+$0xFFFFFFE0]  }
0x10e: {  	v44 =	vld [tilespmem:s3+$0xFFFFFFF0];
	_ =	sdelay $0x1  }
0x10f: {  	v45, _, _ =	vpop (xrf0)  }
0x110: {  	(v2sf) =	vpush v45, $0xF;
	v46, _, _ =	vpop (xrf0)  }
0x111: {  	v11 =	vshrl.u32 v8, $0xF;
	(v2sf) =	vpush v46, $0xF  }
0x112: {  	v47 =	vshrl.u32 v44, $0xF;
	vm9 =	veq.s32 v11, v0  }
0x113: {  	vm10 =	veq.s32 v47, v0;
	v48 =	vsel vm9, $0x1, v1  }
0x114: {  	v49 =	vsel vm10, $0x1, v1;
	(xrf0) =	vadd.scan.msk.s32 $0xffff, v48  }
0x115: {  	(xrf0) =	vadd.scan.msk.s32 $0xffff, v49;
	_ =	sdelay $0x4  }
0x116: {  	v10, _, _ =	vpop (xrf0)  }
0x117: {  	(v2sf) =	vpush v10, $0xF;
	v50, _, _ =	vpop (xrf0)  }
0x118: {  	(v2sf) =	vpush v50, $0xF;
	_ =	sdelay $0x2  }
0x119: {  	s30 =	spop (v2sf)  }
0x11a: {  	v8 =	vand.u32 $0x7FFF, v8;
	s4 =	sadd.s32 s4, s30;
	s6 =	spop (v2sf)  }
0x11b: {  	s17 =	sadd.s32 $0xFFFFFFB0, s0;
	s9 =	sadd.s32 s9, s6;
	[tilespmem:s4+$0x8800] =	vst.msk vm9, v8;
	v8 =	vand.u32 $0x7FFF, v44  }
0x11c: {  	s18 =	sadd.s32 $0xFFFFFFC0, s0;
	[tilespmem:s9+$0x9100] =	vst.msk vm10, v8;
	v8 =	vor.u32 s17, v4  }
0x11d: {  	[tilespmem:s4+$0x8C80] =	vst.msk vm9, v8;
	v8 =	vor.u32 s18, v4  }
0x11e: {  	[tilespmem:s9+$0x9580] =	vst.msk vm10, v8  }
0x11f: {  	v8 =	vld [tilespmem:s3+$0x0]  }
0x120: {  	v51 =	vld [tilespmem:s3+$0x10];
	_ =	sdelay $0x3  }
0x121: {  	v52 =	vshrl.u32 v8, $0xF;
	s30 =	spop (v2sf)  }
0x122: {  	v53 =	vshrl.u32 v51, $0xF;
	v8 =	vand.u32 $0x7FFF, v8;
	s4 =	sadd.s32 s4, s30;
	vm9 =	veq.s32 v52, v0;
	s6 =	spop (v2sf)  }
0x123: {  	s17 =	sadd.s32 $0xFFFFFFD0, s0;
	vm10 =	veq.s32 v53, v0;
	s9 =	sadd.s32 s9, s6;
	[tilespmem:s4+$0x8800] =	vst.msk vm9, v8;
	v8 =	vand.u32 $0x7FFF, v51  }
0x124: {  	s18 =	sadd.s32 $0xFFFFFFE0, s0;
	[tilespmem:s9+$0x9100] =	vst.msk vm10, v8;
	v8 =	vor.u32 s17, v4  }
0x125: {  	[tilespmem:s4+$0x8C80] =	vst.msk vm9, v8;
	v8 =	vor.u32 s18, v4  }
0x126: {  	[tilespmem:s9+$0x9580] =	vst.msk vm10, v8  }
0x127: {  	v8 =	vld [tilespmem:s3+$0x20];
	_ =	sdelay $0x4  }
0x128: {  	v54 =	vsel vm9, $0x1, v1;
	v55 =	vshrl.u32 v8, $0xF  }
0x129: {  	v56 =	vsel vm10, $0x1, v1;
	(xrf0) =	vadd.scan.msk.s32 $0xffff, v54;
	vm9 =	veq.s32 v55, v0  }
0x12a: {  	(xrf0) =	vadd.scan.msk.s32 $0xffff, v56;
	v10 =	vsel vm9, $0x1, v1  }
0x12b: {  	(xrf0) =	vadd.scan.msk.s32 $0xffff, v10;
	_ =	sdelay $0x2  }
0x12c: {  	v57 =	vld [tilespmem:s3+$0x30]  }
0x12d: {  	v58, _, _ =	vpop (xrf0)  }
0x12e: {  	(v2sf) =	vpush v58, $0xF;
	v60, _, _ =	vpop (xrf0)  }
0x12f: {  	(v2sf) =	vpush v60, $0xF;
	v62, _, _ =	vpop (xrf0)  }
0x130: {  	(v2sf) =	vpush v62, $0xF  }
0x131: {  	v59 =	vshrl.u32 v57, $0xF  }
0x132: {  	vm10 =	veq.s32 v59, v0  }
0x133: {  	v61 =	vsel vm10, $0x1, v1  }
0x134: {  	(xrf0) =	vadd.scan.msk.s32 $0xffff, v61;
	_ =	sdelay $0x5  }
0x135: {  	v10, _, _ =	vpop (xrf0)  }
0x136: {  	(v2sf) =	vpush v10, $0xF;
	_ =	sdelay $0x1  }
0x137: {  	s30 =	spop (v2sf)  }
0x138: {  	s6 =	spop (v2sf)  }
0x139: {  	s3 =	sadd.s32 s4, s30;
	s18 =	spop (v2sf)  }
0x13a: {  	s4 =	sadd.s32 s3, s18  }
0x13b: {  	s17 =	sadd.s32 $0xF, s4  }
0x13c: {  	v8 =	vand.u32 $0x7FFF, v8;
	s30 =	sadd.s32 $0xFFFFFFF0, s0;
	s9 =	sadd.s32 s9, s6;
	s18 =	sand.u32 $0xF, s17  }
0x13d: {  	[tilespmem:s3+$0x8800] =	vst.msk vm9, v8;
	v8 =	vand.u32 $0x7FFF, v57;
	s6 =	sshra.s32 s17, $0x1F;
	p2 =	slt.s32 s17, $0x1;
	p1 =	sne.s32 s18, $0x0  }
0x13e: {  	v63 =	vor.u32 s30, v4;
	[tilespmem:s9+$0x9100] =	vst.msk vm10, v8;
	s18 =	sshrl.u32 s6, $0x1C;
	p1 =	por !p2, !p1  }
0x13f: {  	v8 =	vor.u32 s0, v4;
	[tilespmem:s3+$0x8C80] =	vst.msk vm9, v63;
	s3 =	simm.s32 $0x1;
	s0 =	sadd.s32 s18, s17;
	p1 =	por !p1, !p1  }
0x140: {  	s17 =	sshra.s32 s0, $0x4;
	s3 =	simm.s32 @!p1 $0x0  }
0x141: {  	s3 =	ssub.s32 s17, s3  }
0x142: {  	p1 =	slt.s32 s3, $0x1  }
.Ltmp9:
0x143: {  	[tilespmem:s9+$0x9580] =	vst.msk vm10, v8;
	(pc) =	sbr.rel @!p1 .LBB2_10-.Ltmp9, $4  }
0x144: {  	s30 =	spop (v2sf);
	[tilespmem:s4+$0x8800] =	vst v1  }
0x145: {  	[tilespmem:s4+$0x8C80] =	vst v3;
	s0 =	sadd.s32 s9, s30  }
0x146: {  	[tilespmem:s0+$0x9100] =	vst v1  }
0x147: {  	s4 =	simm.s32 $0x0;
	[tilespmem:s0+$0x9580] =	vst v3  }
.LBB2_13:
0x148: {  	s0 =	sadd.s32 $0xF, s0  }
0x149: {  	s3 =	sand.u32 $0xF, s0  }
0x14a: {  	s4 =	sshra.s32 s0, $0x1F;
	p1 =	slt.s32 s0, $0x1;
	p2 =	sne.s32 s3, $0x0  }
0x14b: {  	s30 =	sshrl.u32 s4, $0x1C;
	p1 =	por !p1, !p2  }
0x14c: {  	s3 =	simm.s32 $0x1;
	s0 =	sadd.s32 s30, s0;
	p1 =	por !p1, !p1  }
0x14d: {  	s0 =	sshra.s32 s0, $0x4;
	s3 =	simm.s32 @!p1 $0x0  }
0x14e: {  	s0 =	ssub.s32 s0, s3  }
0x14f: {  	p1 =	slt.s32 s0, $0x1  }
.Ltmp10:
0x150: {  	_ = 	snop;
	(pc) =	sbr.rel @!p1 .LBB2_14-.Ltmp10, $4  }
.Ltmp11:
0x151: {  	_ = 	snop;
	(pc) =	sbr.rel @p1 .LBB2_17-.Ltmp11, $4  }
0x152: {  	_ = 	snop  }
0x153: {  	_ = 	snop  }
0x154: {  	s3 =	simm.s32 $0x0  }
0x155: {  	_ = 	snop  }
.LBB2_12:
0x156: {  	s4 =	sadd.s32 $0x1, s4  }
0x157: {  	p1 =	sne.s32 s4, s3  }
.Ltmp12:
0x158: {  	_ = 	snop;
	(pc) =	sbr.rel @!p1 .LBB2_13-.Ltmp12, $1  }
0x159: {  	_ =	sdelay $0x3  }
.LBB2_10:
0x15a: {  	s9 =	sshll.u32 s4, $0x4  }
0x15b: {  	v8 =	vld [tilespmem:s9+$0x8800];
	_ =	sdelay $0x6  }
0x15c: {  	v9 =	vld [tilespmem:s9+$0x8C80]  }
0x15d: {  	v10 =	vld.idx.msk [tilespmem:v8+s5+$0x0], $0xffff;
	_ =	sdelay $0x4  }
0x15e: {  	vm9 =	vlt.s32 v9, v10  }
0x15f: {  	v10 =	vsel vm9, $0x1, v1  }
0x160: {  	(xrf0) =	vadd.scan.msk.s32 $0xffff, v10;
	_ =	sdelay $0x5  }
0x161: {  	v10, _, _ =	vpop (xrf0)  }
0x162: {  	(v2sf) =	vpush v10, $0xF;
	_ =	sdelay $0xe  }
0x163: {  	s30 =	spop (v2sf)  }
0x164: {  	p1 =	slt.s32 s30, $0x1  }
.Ltmp13:
0x165: {  	_ = 	snop;
	(pc) =	sbr.rel @p1 .LBB2_12-.Ltmp13, $1  }
0x166: {  	_ =	sdelay $0x3  }
.LBB2_11:
0x167: {  	[tilespmem:v8+s5+$0x0] =	vst.idx.msk vm9, v9  }
0x168: {  	v10 =	vld.idx.msk [tilespmem:v8+s5+$0x0], vm9;
	_ =	sdelay $0x4  }
0x169: {  	vm10 =	vlt.s32 v9, v10  }
0x16a: {  	vm9 =	vmand vm9, vm10  }
0x16b: {  	v10 =	vsel vm9, $0x1, v1  }
0x16c: {  	(xrf0) =	vadd.scan.msk.s32 $0xffff, v10;
	_ =	sdelay $0x5  }
0x16d: {  	v10, _, _ =	vpop (xrf0)  }
0x16e: {  	(v2sf) =	vpush v10, $0xF;
	_ =	sdelay $0xe  }
0x16f: {  	s9 =	spop (v2sf)  }
0x170: {  	p1 =	sgt.s32 s9, $0x0  }
.Ltmp14:
0x171: {  	_ = 	snop;
	(pc) =	sbr.rel @p1 .LBB2_11-.Ltmp14, $1  }
0x172: {  	_ =	sdelay $0x3  }
.Ltmp15:
0x173: {  	_ = 	snop;
	(pc) =	sbr.rel .LBB2_12-.Ltmp15, $1  }
0x174: {  	_ =	sdelay $0x3  }
.LBB2_16:
0x175: {  	s3 =	sadd.s32 $0x1, s3  }
0x176: {  	p1 =	sne.s32 s3, s0  }
.Ltmp16:
0x177: {  	_ = 	snop;
	(pc) =	sbr.rel @!p1 .LBB2_17-.Ltmp16, $1  }
0x178: {  	_ =	sdelay $0x3  }
.LBB2_14:
0x179: {  	s4 =	sshll.u32 s3, $0x4  }
0x17a: {  	v8 =	vld [tilespmem:s4+$0x9100];
	_ =	sdelay $0x6  }
0x17b: {  	v9 =	vld [tilespmem:s4+$0x9580]  }
0x17c: {  	v10 =	vld.idx.msk [tilespmem:v8+s5+$0x0], $0xffff;
	_ =	sdelay $0x4  }
0x17d: {  	vm9 =	vlt.s32 v9, v10  }
0x17e: {  	v10 =	vsel vm9, $0x1, v1  }
0x17f: {  	(xrf0) =	vadd.scan.msk.s32 $0xffff, v10;
	_ =	sdelay $0x5  }
0x180: {  	v10, _, _ =	vpop (xrf0)  }
0x181: {  	(v2sf) =	vpush v10, $0xF;
	_ =	sdelay $0xe  }
0x182: {  	s30 =	spop (v2sf)  }
0x183: {  	p1 =	slt.s32 s30, $0x1  }
.Ltmp17:
0x184: {  	_ = 	snop;
	(pc) =	sbr.rel @p1 .LBB2_16-.Ltmp17, $1  }
0x185: {  	_ =	sdelay $0x3  }
.LBB2_15:
0x186: {  	[tilespmem:v8+s5+$0x0] =	vst.idx.msk vm9, v9  }
0x187: {  	v10 =	vld.idx.msk [tilespmem:v8+s5+$0x0], vm9;
	_ =	sdelay $0x4  }
0x188: {  	vm10 =	vlt.s32 v9, v10  }
0x189: {  	vm9 =	vmand vm9, vm10  }
0x18a: {  	v10 =	vsel vm9, $0x1, v1  }
0x18b: {  	(xrf0) =	vadd.scan.msk.s32 $0xffff, v10;
	_ =	sdelay $0x5  }
0x18c: {  	v10, _, _ =	vpop (xrf0)  }
0x18d: {  	(v2sf) =	vpush v10, $0xF;
	_ =	sdelay $0xe  }
0x18e: {  	s4 =	spop (v2sf)  }
0x18f: {  	p1 =	sgt.s32 s4, $0x0  }
.Ltmp18:
0x190: {  	_ = 	snop;
	(pc) =	sbr.rel @p1 .LBB2_15-.Ltmp18, $1  }
0x191: {  	_ =	sdelay $0x3  }
.Ltmp19:
0x192: {  	_ = 	snop;
	(pc) =	sbr.rel .LBB2_16-.Ltmp19, $1  }
0x193: {  	_ =	sdelay $0x3  }
.LBB2_18:
.Ltmp20:
0x194: {  	(pc) =	sbr.rel .LBB2_19-.Ltmp20, $2  }
0x195: {  	_ =	sdelay $0x2  }
0x196: {  	s0 =	simm.s32 $0x0;
	p2 =	por $0x1, $0x1;
	s3 =	simm.s32 $0x0  }
.LBB2_24:
0x197: {  	[sflag:s2] =	ssyncadd.s32 $0xFFFFFF80  }
.LBB2_25:
.Ltmp21:
0x198: {  	(pc) =	sbr.rel @!p1 .LBB2_26-.Ltmp21, $2  }
0x199: {  	_ =	sdelay $0x2  }
0x19a: {  	s3 =	simm.s32 $0x10000;
	p2 =	por $0x0, $0x0  }
.LBB2_19:
0x19b: {  	s3 =	sshra.s32 s3, $0x2;
	s4 =	sand.u32 $0x3F80, s0  }
0x19c: {  	s7 =	sand.u32 $0x70, s0;
	s4 =	sadd.s32 s4, s3  }
0x19d: {  	s4 =	sadd.s32 s7, s4  }
0x19e: {  	v8 =	vld [tilespmem:s4+$0x0];
	_ =	sdelay $0x4  }
0x19f: {  	vm9 =	vne.s32 v8, $0x7FFFFFFF  }
0x1a0: {  	v9 =	vsel vm9, $0x1, v1  }
0x1a1: {  	(xrf0) =	vadd.scan.msk.s32 $0xffff, v9;
	_ =	sdelay $0x4  }
0x1a2: {  	s22 =	simm.s32 $0x10  }
0x1a3: {  	s30 =	sand.u32 $0x3F80, s22;
	v9, _, _ =	vpop (xrf0)  }
0x1a4: {  	s7 =	sadd.s32 s30, s3;
	s4 =	sand.u32 $0x70, s22;
	(v2sf) =	vpush v9, $0xF  }
0x1a5: {  	s4 =	sadd.s32 s4, s7;
	[tilespmem:s0+$0x9A00] =	vst.msk vm9, v8  }
0x1a6: {  	v8 =	vld [tilespmem:s4+$0x0];
	_ =	sdelay $0x4  }
0x1a7: {  	vm9 =	vne.s32 v8, $0x7FFFFFFF  }
0x1a8: {  	v9 =	vsel vm9, $0x1, v1  }
0x1a9: {  	(xrf0) =	vadd.scan.msk.s32 $0xffff, v9;
	_ =	sdelay $0x3  }
0x1aa: {  	s31 =	simm.s32 $0x20  }
0x1ab: {  	p1 =	por p2, p2;
	s9 =	sand.u32 $0x70, s31;
	s14 =	sand.u32 $0x3F80, s31  }
0x1ac: {  	s7 =	simm.s32 $0x0;
	s4 =	simm.s32 $0x30;
	v9, _, _ =	vpop (xrf0);
	s16 =	spop (v2sf)  }
.LBB2_20:
0x1ad: {  	p2 =	seq.s32 s4, $0x3FF0;
	s14 =	sadd.s32 s14, s3;
	(v2sf) =	vpush v9, $0xF;
	s7 =	sadd.s32 s7, s16  }
0x1ae: {  	s9 =	sadd.s32 s9, s14;
	[tilespmem:s7+$0x9A00] =	vst.msk vm9, v8  }
0x1af: {  	v8 =	vld [tilespmem:s9+$0x0];
	_ =	sdelay $0x4  }
0x1b0: {  	vm9 =	vne.s32 v8, $0x7FFFFFFF  }
0x1b1: {  	v9 =	vsel vm9, $0x1, v1  }
0x1b2: {  	(xrf0) =	vadd.scan.msk.s32 $0xffff, v9;
	_ =	sdelay $0x1  }
.Ltmp22:
0x1b3: {  	(pc) =	sbr.rel @!p2 .LBB2_20-.Ltmp22, $3  }
0x1b4: {  	_ =	sdelay $0x1  }
0x1b5: {  	s9 =	sand.u32 $0x70, s4  }
0x1b6: {  	s14 =	sand.u32 $0x3F80, s4;
	s4 =	sadd.s32 $0x10, s4;
	v9, _, _ =	vpop (xrf0);
	s16 =	spop (v2sf)  }
0x1b7: {  	s3 =	sadd.s32 s14, s3;
	s4 =	sadd.s32 s7, s16  }
0x1b8: {  	s3 =	sadd.s32 s9, s3;
	[tilespmem:s4+$0x9A00] =	vst.msk vm9, v8  }
0x1b9: {  	v8 =	vld [tilespmem:s3+$0x0];
	_ =	sdelay $0x4  }
0x1ba: {  	vm9 =	vne.s32 v8, $0x7FFFFFFF  }
0x1bb: {  	v10 =	vsel vm9, $0x1, v1  }
0x1bc: {  	(xrf0) =	vadd.scan.msk.s32 $0xffff, v10;
	_ =	sdelay $0x5  }
0x1bd: {  	(v2sf) =	vpush v9, $0xF;
	v63, _, _ =	vpop (xrf0)  }
0x1be: {  	(v2sf) =	vpush v63, $0xF;
	_ =	sdelay $0xd  }
0x1bf: {  	s18 =	spop (v2sf)  }
0x1c0: {  	s3 =	sadd.s32 s4, s18;
	s22 =	spop (v2sf)  }
0x1c1: {  	[tilespmem:s3+$0x9A00] =	vst.msk vm9, v8;
	s3 =	sadd.s32 s3, s22  }
0x1c2: {  	s4 =	sadd.s32 $0x7F, s3  }
0x1c3: {  	s30 =	sand.u32 $0x7F, s4  }
0x1c4: {  	s31 =	sshra.s32 s4, $0x1F;
	p3 =	slt.s32 s4, $0x1;
	p2 =	sne.s32 s30, $0x0  }
0x1c5: {  	s7 =	sshrl.u32 s31, $0x19;
	p2 =	por !p3, !p2  }
0x1c6: {  	s4 =	sadd.s32 s7, s4;
	s7 =	simm.s32 $0x1;
	p2 =	por !p2, !p2  }
0x1c7: {  	[tilespmem:s3+$0x9A00] =	vst v5;
	s4 =	sshra.s32 s4, $0x7;
	s7 =	simm.s32 @!p2 $0x0  }
0x1c8: {  	[tilespmem:s3+$0x9A10] =	vst v5;
	s4 =	ssub.s32 s4, s7  }
0x1c9: {  	[tilespmem:s3+$0x9A20] =	vst v5;
	p2 =	sgt.s32 s4, $0x0  }
.Ltmp23:
0x1ca: {  	[tilespmem:s3+$0x9A30] =	vst v5;
	(pc) =	sbr.rel @!p2 .LBB2_25-.Ltmp23, $4  }
0x1cb: {  	[tilespmem:s3+$0x9A40] =	vst v5  }
0x1cc: {  	[tilespmem:s3+$0x9A50] =	vst v5  }
0x1cd: {  	[tilespmem:s3+$0x9A60] =	vst v5  }
0x1ce: {  	[tilespmem:s3+$0x9A70] =	vst v5;
	s3 =	simm.s32 $0x9A40  }
0x1cf: {  	v8 =	vld [tilespmem:s3+$0xFFFFFFC0];
	_ =	sdelay $0x4  }
0x1d0: {  	[tilespmem:$0xDA80] =	vst v8  }
0x1d1: {  	v8 =	vld [tilespmem:s3+$0xFFFFFFD0];
	_ =	sdelay $0x4  }
0x1d2: {  	[tilespmem:$0xDA90] =	vst v8  }
0x1d3: {  	v8 =	vld [tilespmem:s3+$0xFFFFFFE0];
	_ =	sdelay $0x4  }
0x1d4: {  	[tilespmem:$0xDAA0] =	vst v8  }
0x1d5: {  	v8 =	vld [tilespmem:s3+$0xFFFFFFF0];
	_ =	sdelay $0x4  }
0x1d6: {  	[tilespmem:$0xDAB0] =	vst v8  }
0x1d7: {  	v8 =	vld [tilespmem:s3+$0x0];
	_ =	sdelay $0x4  }
0x1d8: {  	[tilespmem:$0xDAC0] =	vst v8  }
0x1d9: {  	v8 =	vld [tilespmem:s3+$0x10];
	_ =	sdelay $0x4  }
0x1da: {  	[tilespmem:$0xDAD0] =	vst v8  }
0x1db: {  	v8 =	vld [tilespmem:s3+$0x20];
	_ =	sdelay $0x4  }
0x1dc: {  	[tilespmem:$0xDAE0] =	vst v8  }
0x1dd: {  	v8 =	vld [tilespmem:s3+$0x30];
	_ =	sdelay $0x2  }
0x1de: {  	p2 =	sne.s32 s4, $0x1  }
.Ltmp24:
0x1df: {  	_ = 	snop;
	(pc) =	sbr.rel @!p2 .LBB2_24-.Ltmp24, $4  }
0x1e0: {  	[tilespmem:$0xDAF0] =	vst v8  }
0x1e1: {  	[spmem:s1] =	stream.indirect.scatter.add.s32 [tilespmem:s13], [sflag:$0x3], $0x1, s12, s11, $0xb8;
	[tilespmem:$0x1E618] =	vst v63  }
0x1e2: {  	_ =	swait.ge [sflag:s2], $0x80  }
0x1e3: {  	s4 =	sadd.s32 $0xFFFFFFFF, s4;
	[sflag:s2] =	ssyncset.done $0x0  }
.LBB2_23:
0x1e4: {  	p2 =	sne.s32 s4, $0x1;
	[sflag:s2] =	ssyncadd.s32 $0xFFFFFF80;
	s3 =	sadd.s32 $0x80, s3  }
0x1e5: {  	s4 =	sadd.s32 $0xFFFFFFFF, s4;
	v8 =	vld [tilespmem:s3+$0xFFFFFFC0];
	_ =	sdelay $0x4  }
0x1e6: {  	[tilespmem:$0xDA80] =	vst v8  }
0x1e7: {  	v8 =	vld [tilespmem:s3+$0xFFFFFFD0];
	_ =	sdelay $0x4  }
0x1e8: {  	[tilespmem:$0xDA90] =	vst v8  }
0x1e9: {  	v8 =	vld [tilespmem:s3+$0xFFFFFFE0];
	_ =	sdelay $0x4  }
0x1ea: {  	[tilespmem:$0xDAA0] =	vst v8  }
0x1eb: {  	v8 =	vld [tilespmem:s3+$0xFFFFFFF0];
	_ =	sdelay $0x4  }
0x1ec: {  	[tilespmem:$0xDAB0] =	vst v8  }
0x1ed: {  	v8 =	vld [tilespmem:s3+$0x0];
	_ =	sdelay $0x4  }
0x1ee: {  	[tilespmem:$0xDAC0] =	vst v8  }
0x1ef: {  	v8 =	vld [tilespmem:s3+$0x10];
	_ =	sdelay $0x4  }
0x1f0: {  	[tilespmem:$0xDAD0] =	vst v8  }
0x1f1: {  	v8 =	vld [tilespmem:s3+$0x20];
	_ =	sdelay $0x4  }
0x1f2: {  	[tilespmem:$0xDAE0] =	vst v8  }
0x1f3: {  	v8 =	vld [tilespmem:s3+$0x30];
	_ =	sdelay $0x3  }
.Ltmp25:
0x1f4: {  	(pc) =	sbr.rel @p2 .LBB2_23-.Ltmp25, $4  }
0x1f5: {  	[tilespmem:$0xDAF0] =	vst v8  }
0x1f6: {  	[spmem:s1] =	stream.indirect.scatter.add.s32 [tilespmem:s13], [sflag:$0x3], $0x1, s12, s11, $0xb8;
	[tilespmem:$0x1E618] =	vst v63  }
0x1f7: {  	_ =	swait.ge [sflag:s2], $0x80  }
0x1f8: {  	[sflag:s2] =	ssyncset.done $0x0  }
.Ltmp26:
0x1f9: {  	_ = 	snop;
	(pc) =	sbr.rel .LBB2_24-.Ltmp26, $1  }
0x1fa: {  	_ =	sdelay $0x3  }
.LBB2_26:
0x1fb: {  	[bflag:$0x0] =	sbarrier.arrive $0xFFFF;
	s0 =	simm.s32 $0xDB00  }
0x1fc: {  	[tilespmem:s0], [sflag:$0x3] =	stream.linear.gather [spmem:s21], $0x4000, $0x38;
	[tilespmem:$0x1E618] =	vst v63  }
0x1fd: {  	_ =	swait.ge [sflag:s2], $0x4000  }
0x1fe: {  	[sflag:s2] =	ssyncset.done $0x0  }
0x1ff: {  	s3 =	simm.s32 $0xDB20;
	[sflag:s2] =	ssyncadd.s32 $0xFFFFC000  }
0x200: {  	v10 =	vld [tilespmem:s3+$0xFFFFFFE0]  }
0x201: {  	v11 =	vld [tilespmem:s3+$0xFFFFFFF0]  }
0x202: {  	v12 =	vld [tilespmem:s3+$0x0];
	_ =	sdelay $0x1  }
0x203: {  	v13 =	vimm.s32 $0x0;
	s0 =	simm.s32 $0xDB60;
	v9 =	vld [tilespmem:s3+$0x10]  }
0x204: {  	v8 =	vld [tilespmem:s0+$0x0];
	v13 =	vadd.s32 v13, v10  }
0x205: {  	v10 =	vld [tilespmem:s0+$0xFFFFFFE0];
	v13 =	vadd.s32 v11, v13  }
0x206: {  	s4 =	simm.s32 $0xDBA0;
	s3 =	simm.s32 $0x4;
	v11 =	vld [tilespmem:s0+$0xFFFFFFF0];
	v12 =	vadd.s32 v12, v13  }
.LBB2_27:
0x207: {  	s3 =	sadd.s32 $0x4, s3  }
0x208: {  	v13 =	vld [tilespmem:s4+$0x0];
	v12 =	vadd.s32 v9, v12;
	p1 =	slt.u32 s3, $0x3FC  }
.Ltmp27:
0x209: {  	v9 =	vld [tilespmem:s0+$0x10];
	s0 =	smov.u32 s4;
	(pc) =	sbr.rel @p1 .LBB2_27-.Ltmp27, $4  }
0x20a: {  	_ = 	snop  }
0x20b: {  	v12 =	vadd.s32 v12, v10  }
0x20c: {  	v10 =	vld [tilespmem:s4+$0xFFFFFFE0];
	v12 =	vadd.s32 v11, v12  }
0x20d: {  	s4 =	sadd.s32 $0x40, s4;
	v11 =	vld [tilespmem:s0+$0xFFFFFFF0];
	v12 =	vadd.s32 v8, v12;
	v8 =	vmov v13  }
0x20e: {  	_ = 	snop  }
0x20f: {  	v13 =	vld [tilespmem:s0+$0x10]  }
0x210: {  	v9 =	vadd.s32 v9, v12  }
0x211: {  	v9 =	vadd.s32 v9, v10  }
0x212: {  	v9 =	vadd.s32 v11, v9  }
0x213: {  	v8 =	vadd.s32 v8, v9  }
0x214: {  	v8 =	vadd.s32 v13, v8  }
0x215: {  	(xrf0) =	vadd.scan.msk.s32 $0xffff, v8;
	_ =	sdelay $0x5  }
0x216: {  	v8, _, _ =	vpop (xrf0)  }
0x217: {  	v8 =	vbroadcast v8, $0xF;
	_ =	sdelay $0x1  }
0x218: {  	s21 =	rddreg [dreg:$0x17];
	s3 =	simm.s32 $0x16480;
	[tilespmem:$0x16480] =	vst v8  }
0x219: {  	[spmem:s21] =	stream.linear.scatter [tilespmem:s3], [sflag:$0x3], $0x10, $0x38;
	[tilespmem:$0x1E618] =	vst v63  }
0x21a: {  	_ =	swait.ge [sflag:s2], $0x10  }
0x21b: {  	[sflag:s2] =	ssyncset.done $0x0  }
0x21c: {  	[sflag:s2] =	ssyncadd.s32 $0xFFFFFFF0  }
0x21d: {  	[bflag:$0x0] =	sbarrier.arrive $0xFFFF  }
0x21e: {  	s30 =	simm.s32 $0x16500;
	s22 =	rddreg [dreg:$0x3]  }
0x21f: {  	[tilespmem:s30], [sflag:$0x3] =	stream.linear.gather [spmem:s22], $0x100, $0x38;
	[tilespmem:$0x1E618] =	vst v63  }
0x220: {  	_ =	swait.ge [sflag:s2], $0x100  }
0x221: {  	[sflag:s2] =	ssyncset.done $0x0  }
0x222: {  	s31 =	simm.s32 $0x0;
	[sflag:s2] =	ssyncadd.s32 $0xFFFFFF00  }
0x223: {  	v8 =	vld [tilespmem:s31+$0xDB00];
	_ =	sdelay $0x4  }
0x224: {  	vm9 =	vgt.s32 v8, $0x0  }
0x225: {  	v8 =	vsel vm9, $0x1, v1  }
0x226: {  	(xrf0) =	vadd.scan.msk.s32 $0xffff, v8;
	_ =	sdelay $0x5  }
0x227: {  	s0 =	rddreg [dreg:$0x8];
	v9, _, _ =	vpop (xrf0)  }
0x228: {  	s3 =	simm.s32 $0x0;
	v10 =	vor.u32 s0, v4;
	(v2sf) =	vpush v9, $0xF  }
0x229: {  	s7 =	simm.s32 $0x10;
	s4 =	simm.s32 $0x80;
	v8 =	vld.idx.msk [tilespmem:v6+s30+$0x0], $0xffff;
	[tilespmem:s3+$0x11B00] =	vst.msk vm9, v10  }
.LBB2_29:
0x22a: {  	p1 =	sne.s32 s4, $0xFFC0;
	v9 =	vld [tilespmem:s7+$0xDB00];
	_ =	sdelay $0x4  }
0x22b: {  	vm9 =	vgt.s32 v9, $0x0  }
0x22c: {  	v9 =	vsel vm9, $0x1, v1  }
0x22d: {  	(xrf0) =	vadd.scan.msk.s32 $0xffff, v9;
	_ =	sdelay $0x3  }
.Ltmp28:
0x22e: {  	(pc) =	sbr.rel @p1 .LBB2_29-.Ltmp28, $4  }
0x22f: {  	_ = 	snop  }
0x230: {  	s0 =	sadd.s32 $0x10, s0;
	v9, _, _ =	vpop (xrf0);
	s7 =	spop (v2sf)  }
0x231: {  	v10 =	vor.u32 s0, v4;
	(v2sf) =	vpush v9, $0xF;
	s3 =	sadd.s32 s3, s7  }
0x232: {  	s7 =	sshra.s32 s4, $0x2;
	s4 =	sadd.s32 $0x40, s4;
	[tilespmem:s3+$0x11B00] =	vst.msk vm9, v10  }
0x233: {  	v9 =	vld [tilespmem:s7+$0xDB00];
	_ =	sdelay $0x4  }
0x234: {  	vm9 =	vgt.s32 v9, $0x0  }
0x235: {  	v9 =	vsel vm9, $0x1, v1  }
0x236: {  	v61 =	vnsel vm0, $0x0, v8;
	(xrf0) =	vadd.scan.msk.s32 $0xffff, v9  }
0x237: {  	(xrf0) =	vadd.scan.msk.s32 $0xffff, v61;
	_ =	sdelay $0x4  }
0x238: {  	v62, _, _ =	vpop (xrf0)  }
0x239: {  	(v2sf) =	vpush v62, $0xF;
	v63, _, _ =	vpop (xrf0)  }
0x23a: {  	(v2sf) =	vpush v63, $0xF;
	_ =	sdelay $0xa  }
0x23b: {  	(xrf0) =	vadd.scan.msk.s32 $0xffff, v8;
	_ =	sdelay $0x1  }
0x23c: {  	s9 =	spop (v2sf)  }
0x23d: {  	s14 =	spop (v2sf)  }
0x23e: {  	s7 =	spop (v2sf)  }
0x23f: {  	s4 =	ssub.s32 $0x4000, s7  }
0x240: {  	s9 =	sadd.s32 s3, s9;
	v8, _, _ =	vpop (xrf0);
	p1 =	sgt.s32 s4, $0x0  }
0x241: {  	(v2sf) =	vpush v8, $0xF;
	s3 =	sadd.s32 s9, s14;
	s4 =	simm.s32 @!p1 $0x0  }
0x242: {  	p1 =	slt.s32 s3, s4  }
0x243: {  	s4 =	smov.u32 @p1 s3  }
0x244: {  	s3 =	sadd.s32 $0x7F, s4  }
0x245: {  	s21 =	sand.u32 $0x7F, s3  }
0x246: {  	s16 =	sshra.s32 s3, $0x1F;
	p6 =	slt.s32 s3, $0x1;
	p2 =	sne.s32 s21, $0x0  }
0x247: {  	s22 =	sshrl.u32 s16, $0x19;
	p1 =	por !p6, !p2  }
0x248: {  	s14 =	simm.s32 $0x1;
	s3 =	sadd.s32 s22, s3;
	p1 =	por !p1, !p1  }
0x249: {  	s30 =	sshra.s32 s3, $0x7;
	s14 =	simm.s32 @!p1 $0x0  }
0x24a: {  	s17 =	sadd.s32 $0x10, s0;
	s0 =	ssub.s32 s30, s14  }
0x24b: {  	p1 =	slt.s32 s0, $0x1  }
.Ltmp29:
0x24c: {  	_ = 	snop;
	(pc) =	sbr.rel @p1 .LBB2_34-.Ltmp29, $4  }
0x24d: {  	_ = 	snop  }
0x24e: {  	s3 =	smul.u32 $0xC030, s10  }
0x24f: {  	v8 =	vor.u32 s17, v4  }
0x250: {  	[tilespmem:s9+$0x11B00] =	vst.msk vm9, v8;
	s17 =	spop (v2sf);
	s14 =	smul.u32 $0x4010, s10;
	s31 =	sadd.s32 $0xC000, s3  }
0x251: {  	_ = 	snop  }
0x252: {  	s16 =	sadd.s32 s14, s7;
	s7 =	simm.s32 $0x11B40  }
0x253: {  	s9 =	simm.s32 $0x0;
	v12 =	vld [tilespmem:s7+$0xFFFFFFC0]  }
0x254: {  	v11 =	vor.u32 s9, v4;
	s16 =	smul.u32 $0x3, s16  }
0x255: {  	v13 =	vmul.u32 $0x3, v11  }
0x256: {  	v8 =	vmov s4;
	v9 =	vmov s16  }
0x257: {  	v10 =	vmov s31;
	s30 =	sshll.u32 s10, $0x12;
	vm9 =	vlt.s32 v11, v8;
	v11 =	vadd.s32 v9, v13  }
0x258: {  	v13 =	vsel vm9, v11, v10;
	v11 =	vmov s30;
	v12 =	vnsel vm9, $0x0, v12  }
0x259: {  	v14 =	vadd.s32 $0x2, v13;
	[tilespmem:$0x16300] =	vst v13;
	v12 =	vadd.s32 v11, v12  }
0x25a: {  	v15 =	vadd.s32 $0x1, v13;
	[tilespmem:$0x16400] =	vst v14;
	v12 =	vmul.u32 $0x3, v12  }
0x25b: {  	[tilespmem:$0x16380] =	vst v15  }
0x25c: {  	[tilespmem:$0x16000] =	vst v12;
	v23 =	vadd.s32 $0x1, v12  }
0x25d: {  	v12 =	vadd.s32 $0x2, v12;
	[tilespmem:$0x16080] =	vst v23  }
0x25e: {  	s6 =	simm.s32 $0x10;
	[tilespmem:$0x16100] =	vst v12  }
0x25f: {  	v24 =	vor.u32 s6, v4;
	v12 =	vld [tilespmem:s7+$0xFFFFFFD0]  }
0x260: {  	v25 =	vmul.u32 $0x3, v24;
	_ =	sdelay $0x1  }
0x261: {  	v26 =	vadd.s32 v9, v25;
	vm9 =	vlt.s32 v24, v8  }
0x262: {  	v13 =	vsel vm9, v26, v10  }
0x263: {  	v27 =	vadd.s32 $0x2, v13;
	v12 =	vnsel vm9, $0x0, v12  }
0x264: {  	v28 =	vadd.s32 $0x1, v13;
	[tilespmem:$0x16410] =	vst v27;
	v12 =	vadd.s32 v11, v12  }
0x265: {  	[tilespmem:$0x16390] =	vst v28;
	v12 =	vmul.u32 $0x3, v12  }
0x266: {  	[tilespmem:$0x16310] =	vst v13  }
0x267: {  	[tilespmem:$0x16010] =	vst v12;
	v29 =	vadd.s32 $0x1, v12  }
0x268: {  	v12 =	vadd.s32 $0x2, v12;
	[tilespmem:$0x16090] =	vst v29  }
0x269: {  	s8 =	simm.s32 $0x20;
	[tilespmem:$0x16110] =	vst v12  }
0x26a: {  	v30 =	vor.u32 s8, v4;
	v12 =	vld [tilespmem:s7+$0xFFFFFFE0]  }
0x26b: {  	v31 =	vmul.u32 $0x3, v30;
	_ =	sdelay $0x1  }
0x26c: {  	v32 =	vadd.s32 v9, v31;
	vm9 =	vlt.s32 v30, v8  }
0x26d: {  	v13 =	vsel vm9, v32, v10  }
0x26e: {  	v33 =	vadd.s32 $0x2, v13;
	v12 =	vnsel vm9, $0x0, v12  }
0x26f: {  	v34 =	vadd.s32 $0x1, v13;
	[tilespmem:$0x16420] =	vst v33;
	v12 =	vadd.s32 v11, v12  }
0x270: {  	[tilespmem:$0x163A0] =	vst v34;
	v12 =	vmul.u32 $0x3, v12  }
0x271: {  	[tilespmem:$0x16320] =	vst v13  }
0x272: {  	[tilespmem:$0x16020] =	vst v12;
	v35 =	vadd.s32 $0x1, v12  }
0x273: {  	v12 =	vadd.s32 $0x2, v12;
	[tilespmem:$0x160A0] =	vst v35  }
0x274: {  	[tilespmem:$0x16120] =	vst v12  }
0x275: {  	s16 =	simm.s32 $0x30;
	v13 =	vld [tilespmem:s7+$0xFFFFFFF0]  }
0x276: {  	v36 =	vor.u32 s16, v4  }
0x277: {  	v37 =	vmul.u32 $0x3, v36;
	_ =	sdelay $0x1  }
0x278: {  	v38 =	vadd.s32 v9, v37;
	vm9 =	vlt.s32 v36, v8  }
0x279: {  	v12 =	vsel vm9, v38, v10;
	v13 =	vnsel vm9, $0x0, v13  }
0x27a: {  	v39 =	vadd.s32 $0x2, v12;
	[tilespmem:$0x16330] =	vst v12;
	v13 =	vadd.s32 v11, v13  }
0x27b: {  	v40 =	vadd.s32 $0x1, v12;
	[tilespmem:$0x16430] =	vst v39;
	v13 =	vmul.u32 $0x3, v13  }
0x27c: {  	[tilespmem:$0x163B0] =	vst v40  }
0x27d: {  	[tilespmem:$0x16030] =	vst v13;
	v41 =	vadd.s32 $0x1, v13  }
0x27e: {  	v13 =	vadd.s32 $0x2, v13;
	[tilespmem:$0x160B0] =	vst v41  }
0x27f: {  	s18 =	simm.s32 $0x40;
	[tilespmem:$0x16130] =	vst v13  }
0x280: {  	v42 =	vor.u32 s18, v4;
	v13 =	vld [tilespmem:s7+$0x0]  }
0x281: {  	v43 =	vmul.u32 $0x3, v42;
	_ =	sdelay $0x1  }
0x282: {  	v44 =	vadd.s32 v9, v43;
	vm9 =	vlt.s32 v42, v8  }
0x283: {  	v12 =	vsel vm9, v44, v10  }
0x284: {  	v45 =	vadd.s32 $0x2, v12;
	v13 =	vnsel vm9, $0x0, v13  }
0x285: {  	v46 =	vadd.s32 $0x1, v12;
	[tilespmem:$0x16440] =	vst v45;
	v13 =	vadd.s32 v11, v13  }
0x286: {  	[tilespmem:$0x163C0] =	vst v46;
	v13 =	vmul.u32 $0x3, v13  }
0x287: {  	[tilespmem:$0x16340] =	vst v12  }
0x288: {  	[tilespmem:$0x16040] =	vst v13;
	v47 =	vadd.s32 $0x1, v13  }
0x289: {  	v13 =	vadd.s32 $0x2, v13;
	[tilespmem:$0x160C0] =	vst v47  }
0x28a: {  	s21 =	simm.s32 $0x50;
	[tilespmem:$0x16140] =	vst v13  }
0x28b: {  	v48 =	vor.u32 s21, v4;
	v13 =	vld [tilespmem:s7+$0x10]  }
0x28c: {  	v49 =	vmul.u32 $0x3, v48;
	_ =	sdelay $0x1  }
0x28d: {  	v50 =	vadd.s32 v9, v49;
	vm9 =	vlt.s32 v48, v8  }
0x28e: {  	v12 =	vsel vm9, v50, v10  }
0x28f: {  	v51 =	vadd.s32 $0x2, v12;
	v13 =	vnsel vm9, $0x0, v13  }
0x290: {  	v52 =	vadd.s32 $0x1, v12;
	[tilespmem:$0x16450] =	vst v51;
	v13 =	vadd.s32 v11, v13  }
0x291: {  	[tilespmem:$0x163D0] =	vst v52;
	v13 =	vmul.u32 $0x3, v13  }
0x292: {  	[tilespmem:$0x16350] =	vst v12  }
0x293: {  	[tilespmem:$0x16050] =	vst v13;
	v53 =	vadd.s32 $0x1, v13  }
0x294: {  	v13 =	vadd.s32 $0x2, v13;
	[tilespmem:$0x160D0] =	vst v53  }
0x295: {  	[tilespmem:$0x16150] =	vst v13  }
0x296: {  	s22 =	simm.s32 $0x60;
	v12 =	vld [tilespmem:s7+$0x20]  }
0x297: {  	v54 =	vor.u32 s22, v4  }
0x298: {  	v55 =	vmul.u32 $0x3, v54;
	_ =	sdelay $0x1  }
0x299: {  	v56 =	vadd.s32 v9, v55;
	vm9 =	vlt.s32 v54, v8  }
0x29a: {  	v13 =	vsel vm9, v56, v10;
	v12 =	vnsel vm9, $0x0, v12  }
0x29b: {  	[tilespmem:$0x16360] =	vst v13;
	v57 =	vadd.s32 $0x1, v13;
	v12 =	vadd.s32 v11, v12  }
0x29c: {  	v13 =	vadd.s32 $0x2, v13;
	[tilespmem:$0x163E0] =	vst v57;
	v12 =	vmul.u32 $0x3, v12  }
0x29d: {  	[tilespmem:$0x16460] =	vst v13  }
0x29e: {  	[tilespmem:$0x16060] =	vst v12;
	v58 =	vadd.s32 $0x1, v12  }
0x29f: {  	v12 =	vadd.s32 $0x2, v12;
	[tilespmem:$0x160E0] =	vst v58  }
0x2a0: {  	[tilespmem:$0x16160] =	vst v12  }
0x2a1: {  	s30 =	simm.s32 $0x70;
	v12 =	vld [tilespmem:s7+$0x30]  }
0x2a2: {  	v59 =	vor.u32 s30, v4  }
0x2a3: {  	v60 =	vmul.u32 $0x3, v59;
	_ =	sdelay $0x1  }
0x2a4: {  	v61 =	vadd.s32 v9, v60;
	vm9 =	vlt.s32 v59, v8  }
0x2a5: {  	v13 =	vsel vm9, v61, v10;
	v12 =	vnsel vm9, $0x0, v12  }
0x2a6: {  	v62 =	vadd.s32 $0x1, v13;
	[tilespmem:$0x16370] =	vst v13;
	v12 =	vadd.s32 v11, v12  }
0x2a7: {  	[tilespmem:$0x163F0] =	vst v62;
	v13 =	vadd.s32 $0x2, v13;
	v12 =	vmul.u32 $0x3, v12  }
0x2a8: {  	[tilespmem:$0x16470] =	vst v13  }
0x2a9: {  	[tilespmem:$0x16070] =	vst v12;
	v63 =	vadd.s32 $0x1, v12  }
0x2aa: {  	v12 =	vadd.s32 $0x2, v12;
	[tilespmem:$0x160F0] =	vst v63  }
0x2ab: {  	[tilespmem:$0x16170] =	vst v12  }
0x2ac: {  	[tilespmem:s25], [sflag:$0x1] =	stream.indirect.gather [hbm4b:s19+s11], $0x1, s23, s11, $0xb8;
	[tilespmem:$0x1E618] =	vst v63  }
0x2ad: {  	s6 =	simm.s32 $0x16080;
	s8 =	simm.s32 $0x16200  }
0x2ae: {  	[tilespmem:s8], [sflag:$0x1] =	stream.indirect.gather [hbm4b:s19+s11], $0x1, s6, s11, $0xb8;
	[tilespmem:$0x1E618] =	vst v63  }
0x2af: {  	s18 =	simm.s32 $0x16280;
	s16 =	simm.s32 $0x16100  }
0x2b0: {  	[tilespmem:s18], [sflag:$0x1] =	stream.indirect.gather [hbm4b:s19+s11], $0x1, s16, s11, $0xb8;
	[tilespmem:$0x1E618] =	vst v63  }
0x2b1: {  	_ =	swait.ge [sflag:s24], $0x80  }
0x2b2: {  	[sflag:s24] =	ssyncset.done $0x0  }
0x2b3: {  	[sflag:s24] =	ssyncadd.s32 $0xFFFFFF80  }
0x2b4: {  	_ =	swait.ge [sflag:s24], $0x80  }
0x2b5: {  	[sflag:s24] =	ssyncset.done $0x0  }
0x2b6: {  	[sflag:s24] =	ssyncadd.s32 $0xFFFFFF80  }
0x2b7: {  	_ =	swait.ge [sflag:s24], $0x80  }
0x2b8: {  	[sflag:s24] =	ssyncset.done $0x0  }
0x2b9: {  	p1 =	sne.s32 s0, $0x1;
	[sflag:s24] =	ssyncadd.s32 $0xFFFFFF80  }
0x2ba: {  	[hbm4b:s20+s11] =	stream.indirect.scatter [tilespmem:s25], [sflag:$0x2], $0x1, s28, s11, $0xb8;
	[tilespmem:$0x1E618] =	vst v63  }
.Ltmp30:
0x2bb: {  	_ = 	snop;
	(pc) =	sbr.rel @!p1 .LBB2_33-.Ltmp30, $4  }
0x2bc: {  	s21 =	simm.s32 $0x16380  }
0x2bd: {  	[hbm4b:s20+s11] =	stream.indirect.scatter [tilespmem:s8], [sflag:$0x2], $0x1, s21, s11, $0xb8;
	[tilespmem:$0x1E618] =	vst v63  }
0x2be: {  	s0 =	sadd.s32 $0xFFFFFFFF, s0  }
0x2bf: {  	[hbm4b:s20+s11] =	stream.indirect.scatter [tilespmem:s18], [sflag:$0x2], $0x1, s29, s11, $0xb8;
	[tilespmem:$0x1E618] =	vst v63  }
.LBB2_32:
0x2c0: {  	_ =	swait.ge [sflag:s26], $0x80;
	s9 =	sadd.s32 $0x80, s9;
	s7 =	sadd.s32 $0x80, s7  }
0x2c1: {  	p1 =	sne.s32 s0, $0x1;
	s0 =	sadd.s32 $0xFFFFFFFF, s0;
	[sflag:s26] =	ssyncset.done $0x0  }
0x2c2: {  	[sflag:s26] =	ssyncadd.s32 $0xFFFFFF80  }
0x2c3: {  	_ =	swait.ge [sflag:s26], $0x80  }
0x2c4: {  	[sflag:s26] =	ssyncset.done $0x0  }
0x2c5: {  	[sflag:s26] =	ssyncadd.s32 $0xFFFFFF80  }
0x2c6: {  	_ =	swait.ge [sflag:s26], $0x80  }
0x2c7: {  	[sflag:s26] =	ssyncset.done $0x0  }
0x2c8: {  	[sflag:s26] =	ssyncadd.s32 $0xFFFFFF80  }
0x2c9: {  	v13 =	vor.u32 s9, v4;
	v12 =	vld [tilespmem:s7+$0xFFFFFFC0]  }
0x2ca: {  	v14 =	vmul.u32 $0x3, v13;
	_ =	sdelay $0x1  }
0x2cb: {  	vm9 =	vlt.s32 v13, v8;
	v13 =	vadd.s32 v9, v14  }
0x2cc: {  	v13 =	vsel vm9, v13, v10  }
0x2cd: {  	v14 =	vadd.s32 $0x2, v13;
	v12 =	vnsel vm9, $0x0, v12  }
0x2ce: {  	v15 =	vadd.s32 $0x1, v13;
	v12 =	vadd.s32 v11, v12;
	[tilespmem:$0x16400] =	vst v14  }
0x2cf: {  	v12 =	vmul.u32 $0x3, v12;
	[tilespmem:$0x16380] =	vst v15  }
0x2d0: {  	[tilespmem:$0x16300] =	vst v13  }
0x2d1: {  	[tilespmem:$0x16000] =	vst v12;
	v13 =	vadd.s32 $0x1, v12;
	v12 =	vadd.s32 $0x2, v12  }
0x2d2: {  	[tilespmem:$0x16080] =	vst v13  }
0x2d3: {  	s4 =	sadd.s32 $0x10, s9;
	[tilespmem:$0x16100] =	vst v12  }
0x2d4: {  	v13 =	vor.u32 s4, v4;
	v12 =	vld [tilespmem:s7+$0xFFFFFFD0]  }
0x2d5: {  	v14 =	vmul.u32 $0x3, v13;
	_ =	sdelay $0x1  }
0x2d6: {  	vm9 =	vlt.s32 v13, v8;
	v13 =	vadd.s32 v9, v14  }
0x2d7: {  	v13 =	vsel vm9, v13, v10  }
0x2d8: {  	v14 =	vadd.s32 $0x2, v13;
	v12 =	vnsel vm9, $0x0, v12  }
0x2d9: {  	v15 =	vadd.s32 $0x1, v13;
	v12 =	vadd.s32 v11, v12;
	[tilespmem:$0x16410] =	vst v14  }
0x2da: {  	v12 =	vmul.u32 $0x3, v12;
	[tilespmem:$0x16390] =	vst v15  }
0x2db: {  	[tilespmem:$0x16310] =	vst v13  }
0x2dc: {  	[tilespmem:$0x16010] =	vst v12;
	v13 =	vadd.s32 $0x1, v12;
	v12 =	vadd.s32 $0x2, v12  }
0x2dd: {  	[tilespmem:$0x16090] =	vst v13  }
0x2de: {  	s4 =	sadd.s32 $0x20, s9;
	[tilespmem:$0x16110] =	vst v12  }
0x2df: {  	v13 =	vor.u32 s4, v4;
	v12 =	vld [tilespmem:s7+$0xFFFFFFE0]  }
0x2e0: {  	v14 =	vmul.u32 $0x3, v13  }
0x2e1: {  	vm9 =	vlt.s32 v13, v8  }
0x2e2: {  	v13 =	vadd.s32 v9, v14  }
0x2e3: {  	v13 =	vsel vm9, v13, v10  }
0x2e4: {  	v14 =	vadd.s32 $0x2, v13;
	v12 =	vnsel vm9, $0x0, v12  }
0x2e5: {  	v15 =	vadd.s32 $0x1, v13;
	v12 =	vadd.s32 v11, v12;
	[tilespmem:$0x16420] =	vst v14  }
0x2e6: {  	v12 =	vmul.u32 $0x3, v12;
	[tilespmem:$0x163A0] =	vst v15  }
0x2e7: {  	[tilespmem:$0x16320] =	vst v13  }
0x2e8: {  	[tilespmem:$0x16020] =	vst v12;
	v13 =	vadd.s32 $0x1, v12;
	v12 =	vadd.s32 $0x2, v12  }
0x2e9: {  	s4 =	sadd.s32 $0x30, s9;
	[tilespmem:$0x160A0] =	vst v13  }
0x2ea: {  	[tilespmem:$0x16120] =	vst v12;
	v12 =	vor.u32 s4, v4  }
0x2eb: {  	v13 =	vld [tilespmem:s7+$0xFFFFFFF0];
	v14 =	vmul.u32 $0x3, v12  }
0x2ec: {  	vm9 =	vlt.s32 v12, v8  }
0x2ed: {  	v12 =	vadd.s32 v9, v14  }
0x2ee: {  	v12 =	vsel vm9, v12, v10  }
0x2ef: {  	v14 =	vadd.s32 $0x2, v12  }
0x2f0: {  	v15 =	vadd.s32 $0x1, v12;
	v13 =	vnsel vm9, $0x0, v13;
	[tilespmem:$0x16430] =	vst v14  }
0x2f1: {  	v13 =	vadd.s32 v11, v13;
	[tilespmem:$0x163B0] =	vst v15  }
0x2f2: {  	v13 =	vmul.u32 $0x3, v13;
	[tilespmem:$0x16330] =	vst v12;
	_ =	sdelay $0x1  }
0x2f3: {  	s4 =	sadd.s32 $0x40, s9;
	[tilespmem:$0x16030] =	vst v13;
	v12 =	vadd.s32 $0x1, v13;
	v13 =	vadd.s32 $0x2, v13  }
0x2f4: {  	[tilespmem:$0x160B0] =	vst v12;
	v12 =	vor.u32 s4, v4  }
0x2f5: {  	[tilespmem:$0x16130] =	vst v13;
	v13 =	vmul.u32 $0x3, v12  }
0x2f6: {  	vm9 =	vlt.s32 v12, v8;
	v14 =	vld [tilespmem:s7+$0x0]  }
0x2f7: {  	v12 =	vadd.s32 v9, v13  }
0x2f8: {  	v12 =	vsel vm9, v12, v10  }
0x2f9: {  	v13 =	vadd.s32 $0x2, v12  }
0x2fa: {  	v15 =	vadd.s32 $0x1, v12;
	[tilespmem:$0x16440] =	vst v13  }
0x2fb: {  	v13 =	vnsel vm9, $0x0, v14;
	[tilespmem:$0x163C0] =	vst v15  }
0x2fc: {  	v13 =	vadd.s32 v11, v13;
	[tilespmem:$0x16340] =	vst v12  }
0x2fd: {  	v12 =	vmul.u32 $0x3, v13  }
0x2fe: {  	s4 =	sadd.s32 $0x50, s9  }
0x2ff: {  	v14 =	vor.u32 s4, v4;
	[tilespmem:$0x16040] =	vst v12;
	v13 =	vadd.s32 $0x1, v12;
	v12 =	vadd.s32 $0x2, v12  }
0x300: {  	[tilespmem:$0x160C0] =	vst v13;
	v13 =	vmul.u32 $0x3, v14  }
0x301: {  	vm9 =	vlt.s32 v14, v8;
	[tilespmem:$0x16140] =	vst v12  }
0x302: {  	v12 =	vld [tilespmem:s7+$0x10];
	v13 =	vadd.s32 v9, v13  }
0x303: {  	v13 =	vsel vm9, v13, v10  }
0x304: {  	v14 =	vadd.s32 $0x2, v13  }
0x305: {  	v15 =	vadd.s32 $0x1, v13;
	[tilespmem:$0x16450] =	vst v14  }
0x306: {  	[tilespmem:$0x163D0] =	vst v15  }
0x307: {  	v12 =	vnsel vm9, $0x0, v12;
	[tilespmem:$0x16350] =	vst v13  }
0x308: {  	v12 =	vadd.s32 v11, v12  }
0x309: {  	s4 =	sadd.s32 $0x60, s9;
	v12 =	vmul.u32 $0x3, v12  }
0x30a: {  	v13 =	vor.u32 s4, v4  }
0x30b: {  	v15 =	vmul.u32 $0x3, v13;
	[tilespmem:$0x16050] =	vst v12;
	v14 =	vadd.s32 $0x1, v12;
	v12 =	vadd.s32 $0x2, v12  }
0x30c: {  	vm9 =	vlt.s32 v13, v8;
	[tilespmem:$0x160D0] =	vst v14  }
0x30d: {  	[tilespmem:$0x16150] =	vst v12;
	v12 =	vadd.s32 v9, v15  }
0x30e: {  	v13 =	vld [tilespmem:s7+$0x20];
	v12 =	vsel vm9, v12, v10  }
0x30f: {  	[tilespmem:$0x16360] =	vst v12;
	v14 =	vadd.s32 $0x1, v12  }
0x310: {  	v12 =	vadd.s32 $0x2, v12;
	[tilespmem:$0x163E0] =	vst v14  }
0x311: {  	[tilespmem:$0x16460] =	vst v12;
	_ =	sdelay $0x1  }
0x312: {  	v12 =	vnsel vm9, $0x0, v13  }
0x313: {  	v12 =	vadd.s32 v11, v12  }
0x314: {  	s4 =	sadd.s32 $0x70, s9;
	v12 =	vmul.u32 $0x3, v12  }
0x315: {  	v13 =	vor.u32 s4, v4  }
0x316: {  	v15 =	vmul.u32 $0x3, v13;
	[tilespmem:$0x16060] =	vst v12;
	v14 =	vadd.s32 $0x1, v12;
	v12 =	vadd.s32 $0x2, v12  }
0x317: {  	[tilespmem:$0x160E0] =	vst v14  }
0x318: {  	vm9 =	vlt.s32 v13, v8;
	[tilespmem:$0x16160] =	vst v12;
	v12 =	vadd.s32 v9, v15  }
0x319: {  	v13 =	vld [tilespmem:s7+$0x30];
	v12 =	vsel vm9, v12, v10  }
0x31a: {  	[tilespmem:$0x16370] =	vst v12;
	v14 =	vadd.s32 $0x1, v12  }
0x31b: {  	v12 =	vadd.s32 $0x2, v12;
	[tilespmem:$0x163F0] =	vst v14  }
0x31c: {  	[tilespmem:$0x16470] =	vst v12;
	_ =	sdelay $0x1  }
0x31d: {  	v12 =	vnsel vm9, $0x0, v13  }
0x31e: {  	v12 =	vadd.s32 v11, v12  }
0x31f: {  	v12 =	vmul.u32 $0x3, v12;
	_ =	sdelay $0x1  }
0x320: {  	[tilespmem:$0x16070] =	vst v12;
	v13 =	vadd.s32 $0x1, v12;
	v12 =	vadd.s32 $0x2, v12  }
0x321: {  	[tilespmem:$0x160F0] =	vst v13  }
0x322: {  	[tilespmem:$0x16170] =	vst v12  }
0x323: {  	[tilespmem:s25], [sflag:$0x1] =	stream.indirect.gather [hbm4b:s19+s11], $0x1, s23, s11, $0xb8;
	[tilespmem:$0x1E618] =	vst v63  }
0x324: {  	_ = 	snop  }
0x325: {  	[tilespmem:s8], [sflag:$0x1] =	stream.indirect.gather [hbm4b:s19+s11], $0x1, s6, s11, $0xb8;
	[tilespmem:$0x1E618] =	vst v63  }
0x326: {  	_ = 	snop  }
0x327: {  	[tilespmem:s18], [sflag:$0x1] =	stream.indirect.gather [hbm4b:s19+s11], $0x1, s16, s11, $0xb8;
	[tilespmem:$0x1E618] =	vst v63  }
0x328: {  	_ =	swait.ge [sflag:s24], $0x80  }
0x329: {  	[sflag:s24] =	ssyncset.done $0x0  }
0x32a: {  	[sflag:s24] =	ssyncadd.s32 $0xFFFFFF80  }
0x32b: {  	_ =	swait.ge [sflag:s24], $0x80  }
0x32c: {  	[sflag:s24] =	ssyncset.done $0x0  }
0x32d: {  	[sflag:s24] =	ssyncadd.s32 $0xFFFFFF80  }
0x32e: {  	_ =	swait.ge [sflag:s24], $0x80  }
0x32f: {  	[sflag:s24] =	ssyncset.done $0x0  }
0x330: {  	[sflag:s24] =	ssyncadd.s32 $0xFFFFFF80  }
0x331: {  	[hbm4b:s20+s11] =	stream.indirect.scatter [tilespmem:s25], [sflag:$0x2], $0x1, s28, s11, $0xb8;
	[tilespmem:$0x1E618] =	vst v63  }
.Ltmp31:
0x332: {  	_ = 	snop;
	(pc) =	sbr.rel @p1 .LBB2_32-.Ltmp31, $4  }
0x333: {  	_ = 	snop  }
0x334: {  	[hbm4b:s20+s11] =	stream.indirect.scatter [tilespmem:s8], [sflag:$0x2], $0x1, s21, s11, $0xb8;
	[tilespmem:$0x1E618] =	vst v63  }
0x335: {  	_ = 	snop  }
0x336: {  	[hbm4b:s20+s11] =	stream.indirect.scatter [tilespmem:s18], [sflag:$0x2], $0x1, s29, s11, $0xb8;
	[tilespmem:$0x1E618] =	vst v63  }
.LBB2_33:
0x337: {  	_ =	swait.ge [sflag:s26], $0x80  }
0x338: {  	[sflag:s26] =	ssyncset.done $0x0  }
0x339: {  	[sflag:s26] =	ssyncadd.s32 $0xFFFFFF80  }
0x33a: {  	_ =	swait.ge [sflag:s26], $0x80  }
0x33b: {  	[sflag:s26] =	ssyncset.done $0x0  }
0x33c: {  	[sflag:s26] =	ssyncadd.s32 $0xFFFFFF80  }
0x33d: {  	_ =	swait.ge [sflag:s26], $0x80  }
0x33e: {  	[sflag:s26] =	ssyncset.done $0x0  }
0x33f: {  	[sflag:s26] =	ssyncadd.s32 $0xFFFFFF80  }
.LBB2_34:
0x340: {  	s0 =	sld [smem:$0x7FC];
	_ =	sdelay $0x1  }
0x341: {  	s4 =	sld [smem:$0x7FD]  }
0x342: {  	p1 =	sgt.s32 s17, s0  }
0x343: {  	s0 =	smov.u32 @p1 s17  }
0x344: {  	s4 =	ssub.s32 s4, s0  }
0x345: {  	p1 =	sgt.s32 s4, $0x0  }
0x346: {  	s4 =	simm.s32 @!p1 $0x0  }
0x347: {  	s4 =	smul.u32 $0x3, s4;
	_ =	sdelay $0x1  }
0x348: {  	s4 =	sadd.s32 $0x7F, s4  }
0x349: {  	s4 =	sshrl.u32 s4, $0x7  }
0x34a: {  	p1 =	seq.s32 s4, $0x0  }
.Ltmp32:
0x34b: {  	_ = 	snop;
	(pc) =	sbr.rel @p1 .LBB2_37-.Ltmp32, $1  }
0x34c: {  	_ =	sdelay $0x3  }
0x34d: {  	s6 =	sld [smem:$0x7FD]  }
0x34e: {  	s9 =	smul.u32 $0xC030, s15  }
0x34f: {  	s0 =	smul.u32 $0x3, s0  }
0x350: {  	s10 =	smul.u32 $0xC0000, s10;
	s30 =	rddreg [dreg:$0x19];
	s7 =	sadd.s32 s6, s14  }
0x351: {  	s4 =	sshll.u32 s4, $0x7;
	s9 =	sadd.s32 s9, s30;
	s7 =	smul.u32 $0x3, s7  }
0x352: {  	v9 =	vmov s3;
	[dreg:$0x6] =	wrdreg s4;
	s0 =	sadd.s32 s0, s9  }
0x353: {  	v11 =	vmov s31;
	s3 =	simm.s32 $0x0;
	v10 =	vmov s10;
	[dreg:$0x5] =	wrdreg s0;
	v8 =	vmov s7  }
.LBB2_36:
0x354: {  	s0 =	rddreg [dreg:$0x5]  }
0x355: {  	s4 =	sadd.s32 s3, s0  }
0x356: {  	v12 =	vadd.s32 s4, v4  }
0x357: {  	v20 =	vsub.s32 v12, v9  }
0x358: {  	(v2sf) =	vpush v20, $0xD  }
0x359: {  	(v2sf) =	vpush v20, $0xC;
	_ =	sdelay $0x2  }
0x35a: {  	(v2sf) =	vpush v20, $0xE;
	_ =	sdelay $0x1  }
0x35b: {  	(v2sf) =	vpush v20, $0xF;
	_ =	sdelay $0x1  }
0x35c: {  	(v2sf) =	vpush v20, $0x9;
	_ =	sdelay $0x1  }
0x35d: {  	(v2sf) =	vpush v20, $0x8;
	_ =	sdelay $0x1  }
0x35e: {  	(v2sf) =	vpush v20, $0xA  }
0x35f: {  	(v2sf) =	vpush v20, $0xB;
	_ =	sdelay $0x1  }
0x360: {  	(v2sf) =	vpush v20, $0x1;
	s17 =	spop (v2sf)  }
0x361: {  	s6 =	smulhi.u32 $0x55555556, s17;
	s0 =	sshra.s32 s17, $0x1F;
	s18 =	spop (v2sf);
	(v2sf) =	vpush v20, $0x0  }
0x362: {  	s8 =	smul.u32 $0x55555556, s0  }
0x363: {  	s7 =	smulhi.u32 $0x55555556, s18;
	s0 =	sshra.s32 s18, $0x1F  }
0x364: {  	s19 =	spop (v2sf);
	(v2sf) =	vpush v20, $0x2;
	s10 =	smul.u32 $0x55555556, s0  }
0x365: {  	s9 =	smulhi.u32 $0x55555556, s19;
	s0 =	sshra.s32 s19, $0x1F  }
0x366: {  	s20 =	spop (v2sf);
	s17 =	smul.u32 $0x55555556, s0  }
0x367: {  	s14 =	smulhi.u32 $0x55555556, s20;
	s0 =	sshra.s32 s20, $0x1F  }
0x368: {  	(v2sf) =	vpush v20, $0x3;
	s21 =	spop (v2sf);
	s20 =	smul.u32 $0x55555556, s0  }
0x369: {  	s18 =	smulhi.u32 $0x55555556, s21;
	s0 =	sshra.s32 s21, $0x1F  }
0x36a: {  	s22 =	spop (v2sf);
	s23 =	smul.u32 $0x55555556, s0  }
0x36b: {  	s15 =	smulhi.u32 $0x55555556, s22;
	s0 =	sshra.s32 s22, $0x1F  }
0x36c: {  	(v2sf) =	vpush v20, $0x4;
	s25 =	spop (v2sf);
	s21 =	smul.u32 $0x55555556, s0  }
0x36d: {  	s16 =	smulhi.u32 $0x55555556, s25;
	s0 =	sshra.s32 s25, $0x1F;
	s29 =	spop (v2sf)  }
0x36e: {  	s22 =	smul.u32 $0x55555556, s0;
	s0 =	sshra.s32 s29, $0x1F  }
0x36f: {  	s30 =	spop (v2sf);
	s28 =	smul.u32 $0x55555556, s0  }
0x370: {  	(v2sf) =	vpush v20, $0x5;
	s25 =	smulhi.u32 $0x55555556, s30;
	s0 =	sshra.s32 s30, $0x1F;
	s31 =	spop (v2sf)  }
0x371: {  	s30 =	smul.u32 $0x55555556, s0;
	s0 =	sshra.s32 s31, $0x1F  }
0x372: {  	[smem:$0x7FA] =	sst s3;
	s3 =	sadd.s32 $0x10, s4;
	s0 =	smul.u32 $0x55555556, s0  }
0x373: {  	v13 =	vadd.s32 s3, v4;
	s19 =	smulhi.u32 $0x55555556, s29;
	s3 =	spop (v2sf)  }
0x374: {  	(v2sf) =	vpush v20, $0x6;
	s29 =	smulhi.u32 $0x55555556, s31;
	[smem:$0x75C] =	sst s0;
	s0 =	sshra.s32 s3, $0x1F  }
0x375: {  	s0 =	smul.u32 $0x55555556, s0  }
0x376: {  	s31 =	smulhi.u32 $0x55555556, s3  }
0x377: {  	[smem:$0x75D] =	sst s0;
	s0 =	spop (v2sf)  }
0x378: {  	(v2sf) =	vpush v20, $0x7;
	s3 =	smulhi.u32 $0x55555556, s0;
	s0 =	sshra.s32 s0, $0x1F  }
0x379: {  	s0 =	smul.u32 $0x55555556, s0;
	_ =	sdelay $0x1  }
0x37a: {  	v16 =	vsub.s32 v13, v9;
	[smem:$0x75F] =	sst s0;
	s0 =	spop (v2sf)  }
0x37b: {  	(v2sf) =	vpush v16, $0xD;
	[smem:$0x75E] =	sst s3;
	s3 =	smulhi.u32 $0x55555556, s0;
	s0 =	sshra.s32 s0, $0x1F  }
0x37c: {  	s0 =	smul.u32 $0x55555556, s0;
	_ =	sdelay $0x1  }
0x37d: {  	[smem:$0x761] =	sst s0;
	s0 =	spop (v2sf)  }
0x37e: {  	(v2sf) =	vpush v16, $0xC;
	[smem:$0x760] =	sst s3;
	s3 =	smulhi.u32 $0x55555556, s0;
	s0 =	sshra.s32 s0, $0x1F  }
0x37f: {  	s0 =	smul.u32 $0x55555556, s0;
	_ =	sdelay $0x1  }
0x380: {  	[smem:$0x763] =	sst s0;
	s0 =	spop (v2sf)  }
0x381: {  	(v2sf) =	vpush v16, $0xE;
	[smem:$0x762] =	sst s3;
	s3 =	smulhi.u32 $0x55555556, s0;
	s0 =	sshra.s32 s0, $0x1F  }
0x382: {  	s0 =	smul.u32 $0x55555556, s0;
	_ =	sdelay $0x1  }
0x383: {  	[smem:$0x765] =	sst s0;
	s0 =	spop (v2sf)  }
0x384: {  	(v2sf) =	vpush v16, $0xF;
	[smem:$0x764] =	sst s3;
	s3 =	smulhi.u32 $0x55555556, s0;
	s0 =	sshra.s32 s0, $0x1F  }
0x385: {  	s0 =	smul.u32 $0x55555556, s0;
	_ =	sdelay $0x1  }
0x386: {  	[smem:$0x767] =	sst s0;
	s0 =	spop (v2sf)  }
0x387: {  	(v2sf) =	vpush v16, $0x9;
	[smem:$0x766] =	sst s3;
	s3 =	smulhi.u32 $0x55555556, s0;
	s0 =	sshra.s32 s0, $0x1F  }
0x388: {  	s0 =	smul.u32 $0x55555556, s0;
	_ =	sdelay $0x1  }
0x389: {  	[smem:$0x769] =	sst s0;
	s0 =	spop (v2sf)  }
0x38a: {  	(v2sf) =	vpush v16, $0x8;
	[smem:$0x768] =	sst s3;
	s3 =	smulhi.u32 $0x55555556, s0;
	s0 =	sshra.s32 s0, $0x1F  }
0x38b: {  	s0 =	smul.u32 $0x55555556, s0;
	_ =	sdelay $0x1  }
0x38c: {  	[smem:$0x76B] =	sst s0;
	s0 =	spop (v2sf)  }
0x38d: {  	(v2sf) =	vpush v16, $0xA;
	[smem:$0x76A] =	sst s3;
	s3 =	smulhi.u32 $0x55555556, s0;
	s0 =	sshra.s32 s0, $0x1F  }
0x38e: {  	s0 =	smul.u32 $0x55555556, s0;
	_ =	sdelay $0x1  }
0x38f: {  	[smem:$0x76D] =	sst s0;
	s0 =	spop (v2sf)  }
0x390: {  	(v2sf) =	vpush v16, $0xB;
	[smem:$0x76C] =	sst s3;
	s3 =	smulhi.u32 $0x55555556, s0;
	s0 =	sshra.s32 s0, $0x1F  }
0x391: {  	s0 =	smul.u32 $0x55555556, s0;
	_ =	sdelay $0x1  }
0x392: {  	[smem:$0x76F] =	sst s0;
	s0 =	spop (v2sf)  }
0x393: {  	(v2sf) =	vpush v16, $0x1;
	[smem:$0x76E] =	sst s3;
	s3 =	smulhi.u32 $0x55555556, s0;
	s0 =	sshra.s32 s0, $0x1F  }
0x394: {  	s0 =	smul.u32 $0x55555556, s0;
	_ =	sdelay $0x1  }
0x395: {  	[smem:$0x771] =	sst s0;
	s0 =	spop (v2sf)  }
0x396: {  	(v2sf) =	vpush v16, $0x0;
	[smem:$0x770] =	sst s3;
	s3 =	smulhi.u32 $0x55555556, s0;
	s0 =	sshra.s32 s0, $0x1F  }
0x397: {  	s0 =	smul.u32 $0x55555556, s0;
	_ =	sdelay $0x1  }
0x398: {  	[smem:$0x773] =	sst s0;
	s0 =	spop (v2sf)  }
0x399: {  	(v2sf) =	vpush v16, $0x2;
	[smem:$0x772] =	sst s3;
	s3 =	smulhi.u32 $0x55555556, s0;
	s0 =	sshra.s32 s0, $0x1F  }
0x39a: {  	s0 =	smul.u32 $0x55555556, s0  }
0x39b: {  	[smem:$0x774] =	sst s3  }
0x39c: {  	s3 =	sadd.s32 $0x20, s4;
	[smem:$0x775] =	sst s0;
	s0 =	spop (v2sf)  }
0x39d: {  	(v2sf) =	vpush v16, $0x3;
	v14 =	vadd.s32 s3, v4;
	s3 =	smulhi.u32 $0x55555556, s0;
	s0 =	sshra.s32 s0, $0x1F  }
0x39e: {  	s0 =	smul.u32 $0x55555556, s0;
	_ =	sdelay $0x1  }
0x39f: {  	[smem:$0x777] =	sst s0;
	s0 =	spop (v2sf)  }
0x3a0: {  	[smem:$0x776] =	sst s3;
	s3 =	smulhi.u32 $0x55555556, s0;
	s0 =	sshra.s32 s0, $0x1F  }
0x3a1: {  	(v2sf) =	vpush v16, $0x4;
	s0 =	smul.u32 $0x55555556, s0;
	_ =	sdelay $0x1  }
0x3a2: {  	[smem:$0x779] =	sst s0;
	s0 =	spop (v2sf)  }
0x3a3: {  	[smem:$0x778] =	sst s3;
	s3 =	smulhi.u32 $0x55555556, s0;
	s0 =	sshra.s32 s0, $0x1F  }
0x3a4: {  	(v2sf) =	vpush v16, $0x5;
	s0 =	smul.u32 $0x55555556, s0;
	_ =	sdelay $0x1  }
0x3a5: {  	[smem:$0x77B] =	sst s0;
	s0 =	spop (v2sf)  }
0x3a6: {  	[smem:$0x77A] =	sst s3;
	s3 =	smulhi.u32 $0x55555556, s0;
	s0 =	sshra.s32 s0, $0x1F  }
0x3a7: {  	(v2sf) =	vpush v16, $0x6;
	s0 =	smul.u32 $0x55555556, s0;
	_ =	sdelay $0x1  }
0x3a8: {  	(v2sf) =	vpush v16, $0x7;
	v19 =	vsub.s32 v14, v9;
	[smem:$0x77D] =	sst s0;
	s0 =	spop (v2sf)  }
0x3a9: {  	(v2sf) =	vpush v19, $0xD;
	[smem:$0x77C] =	sst s3;
	s3 =	smulhi.u32 $0x55555556, s0;
	s0 =	sshra.s32 s0, $0x1F  }
0x3aa: {  	(v2sf) =	vpush v19, $0xC;
	s0 =	smul.u32 $0x55555556, s0  }
0x3ab: {  	(v2sf) =	vpush v19, $0xE;
	[smem:$0x77E] =	sst s3  }
0x3ac: {  	(v2sf) =	vpush v19, $0xF;
	[smem:$0x77F] =	sst s0  }
0x3ad: {  	s0 =	spop (v2sf)  }
0x3ae: {  	s3 =	smulhi.u32 $0x55555556, s0;
	s0 =	sshra.s32 s0, $0x1F  }
0x3af: {  	s0 =	smul.u32 $0x55555556, s0;
	_ =	sdelay $0x1  }
0x3b0: {  	[smem:$0x781] =	sst s0;
	s0 =	spop (v2sf)  }
0x3b1: {  	[smem:$0x780] =	sst s3;
	s3 =	smulhi.u32 $0x55555556, s0;
	s0 =	sshra.s32 s0, $0x1F  }
0x3b2: {  	s8 =	sadd.s32 s8, s6;
	s0 =	smul.u32 $0x55555556, s0  }
0x3b3: {  	[smem:$0x7A9] =	sst s8  }
0x3b4: {  	s7 =	sadd.s32 s10, s7;
	[smem:$0x783] =	sst s0;
	s0 =	spop (v2sf)  }
0x3b5: {  	[smem:$0x782] =	sst s3;
	s3 =	smulhi.u32 $0x55555556, s0;
	s0 =	sshra.s32 s0, $0x1F  }
0x3b6: {  	s9 =	sadd.s32 s17, s9;
	[smem:$0x7A8] =	sst s7;
	s0 =	smul.u32 $0x55555556, s0  }
0x3b7: {  	[smem:$0x7AA] =	sst s9  }
0x3b8: {  	s14 =	sadd.s32 s20, s14;
	[smem:$0x785] =	sst s0;
	s0 =	spop (v2sf)  }
0x3b9: {  	[smem:$0x784] =	sst s3;
	s3 =	smulhi.u32 $0x55555556, s0;
	s0 =	sshra.s32 s0, $0x1F  }
0x3ba: {  	s20 =	sadd.s32 s23, s18;
	[smem:$0x7AB] =	sst s14;
	s0 =	smul.u32 $0x55555556, s0  }
0x3bb: {  	[smem:$0x7AF] =	sst s20  }
0x3bc: {  	s15 =	sadd.s32 s21, s15;
	[smem:$0x787] =	sst s0;
	s0 =	spop (v2sf)  }
0x3bd: {  	[smem:$0x786] =	sst s3;
	s3 =	smulhi.u32 $0x55555556, s0;
	s0 =	sshra.s32 s0, $0x1F  }
0x3be: {  	s18 =	sadd.s32 s22, s16;
	[smem:$0x7AD] =	sst s15;
	s0 =	smul.u32 $0x55555556, s0  }
0x3bf: {  	[smem:$0x7B1] =	sst s18  }
0x3c0: {  	s21 =	sadd.s32 s28, s19;
	(v2sf) =	vpush v19, $0x9;
	[smem:$0x789] =	sst s0;
	s0 =	spop (v2sf)  }
0x3c1: {  	(v2sf) =	vpush v19, $0x8;
	[smem:$0x788] =	sst s3;
	s3 =	smulhi.u32 $0x55555556, s0;
	s0 =	sshra.s32 s0, $0x1F  }
0x3c2: {  	s22 =	sadd.s32 s30, s25;
	[smem:$0x7B3] =	sst s21;
	s0 =	smul.u32 $0x55555556, s0  }
0x3c3: {  	[smem:$0x7AE] =	sst s22;
	(v2sf) =	vpush v19, $0xA  }
0x3c4: {  	[smem:$0x78B] =	sst s0;
	s0 =	spop (v2sf)  }
0x3c5: {  	(v2sf) =	vpush v19, $0xB;
	[smem:$0x78A] =	sst s3;
	s3 =	smulhi.u32 $0x55555556, s0;
	s0 =	sshra.s32 s0, $0x1F  }
0x3c6: {  	[smem:$0x7F9] =	sst s4;
	s0 =	smul.u32 $0x55555556, s0  }
0x3c7: {  	s25 =	sld [smem:$0x75C]  }
0x3c8: {  	(v2sf) =	vpush v19, $0x1;
	[smem:$0x78D] =	sst s0;
	s0 =	spop (v2sf)  }
0x3c9: {  	(v2sf) =	vpush v19, $0x0;
	[smem:$0x78C] =	sst s3;
	s3 =	smulhi.u32 $0x55555556, s0  }
0x3ca: {  	s30 =	sld [smem:$0x75D];
	s0 =	sshra.s32 s0, $0x1F  }
0x3cb: {  	s0 =	smul.u32 $0x55555556, s0;
	[smem:$0x78E] =	sst s3  }
0x3cc: {  	s3 =	sadd.s32 s25, s29;
	s29 =	sld [smem:$0x762]  }
0x3cd: {  	[smem:$0x78F] =	sst s0  }
0x3ce: {  	[smem:$0x7AC] =	sst s3  }
0x3cf: {  	s0 =	spop (v2sf);
	s3 =	sadd.s32 s30, s31;
	s30 =	sld [smem:$0x763]  }
0x3d0: {  	(v2sf) =	vpush v19, $0x2;
	s6 =	smulhi.u32 $0x55555556, s0;
	s0 =	sshra.s32 s0, $0x1F;
	s8 =	spop (v2sf)  }
0x3d1: {  	[smem:$0x7B0] =	sst s3;
	s10 =	smul.u32 $0x55555556, s0  }
0x3d2: {  	s7 =	smulhi.u32 $0x55555556, s8;
	s0 =	sshra.s32 s8, $0x1F;
	s17 =	spop (v2sf)  }
0x3d3: {  	[smem:$0x790] =	sst s6;
	s14 =	smul.u32 $0x55555556, s0  }
0x3d4: {  	s9 =	smulhi.u32 $0x55555556, s17;
	s0 =	sshra.s32 s17, $0x1F;
	s23 =	spop (v2sf)  }
0x3d5: {  	s8 =	sadd.s32 $0x30, s4;
	s6 =	sld [smem:$0x75E];
	s17 =	smul.u32 $0x55555556, s0  }
0x3d6: {  	v15 =	vadd.s32 s8, v4;
	s8 =	sld [smem:$0x75F];
	s15 =	smulhi.u32 $0x55555556, s23;
	s0 =	sshra.s32 s23, $0x1F  }
0x3d7: {  	s20 =	spop (v2sf);
	s16 =	smul.u32 $0x55555556, s0  }
0x3d8: {  	s18 =	smulhi.u32 $0x55555556, s20;
	s0 =	sshra.s32 s20, $0x1F;
	s23 =	spop (v2sf)  }
0x3d9: {  	s20 =	sld [smem:$0x760];
	s22 =	smul.u32 $0x55555556, s0  }
0x3da: {  	s21 =	smulhi.u32 $0x55555556, s23;
	s0 =	sshra.s32 s23, $0x1F;
	s23 =	sld [smem:$0x761]  }
0x3db: {  	s3 =	sadd.s32 s8, s6;
	s6 =	sld [smem:$0x764]  }
0x3dc: {  	s14 =	sadd.s32 s14, s7;
	s8 =	sld [smem:$0x765]  }
0x3dd: {  	[smem:$0x7CB] =	sst s14;
	s0 =	smul.u32 $0x55555556, s0  }
0x3de: {  	(v2sf) =	vpush v19, $0x3;
	[smem:$0x7B2] =	sst s3  }
0x3df: {  	s31 =	spop (v2sf);
	[smem:$0x791] =	sst s0  }
0x3e0: {  	s19 =	smulhi.u32 $0x55555556, s31;
	s3 =	sadd.s32 s23, s20;
	s20 =	sld [smem:$0x766]  }
0x3e1: {  	s23 =	sld [smem:$0x767]  }
0x3e2: {  	[smem:$0x792] =	sst s19  }
0x3e3: {  	[smem:$0x7B4] =	sst s3  }
0x3e4: {  	s3 =	sadd.s32 s30, s29;
	s29 =	sld [smem:$0x768]  }
0x3e5: {  	s30 =	sld [smem:$0x769]  }
0x3e6: {  	s0 =	sshra.s32 s31, $0x1F;
	[smem:$0x7B5] =	sst s3  }
0x3e7: {  	s0 =	smul.u32 $0x55555556, s0;
	s3 =	sadd.s32 s8, s6;
	s6 =	sld [smem:$0x76A]  }
0x3e8: {  	s8 =	sld [smem:$0x76B]  }
0x3e9: {  	[smem:$0x793] =	sst s0  }
0x3ea: {  	[smem:$0x7B6] =	sst s3  }
0x3eb: {  	s3 =	sadd.s32 s23, s20;
	s20 =	sld [smem:$0x76C]  }
0x3ec: {  	(v2sf) =	vpush v19, $0x4;
	s23 =	sld [smem:$0x76D]  }
0x3ed: {  	s25 =	spop (v2sf);
	[smem:$0x7B7] =	sst s3  }
0x3ee: {  	s31 =	smulhi.u32 $0x55555556, s25;
	s3 =	sadd.s32 s30, s29;
	s29 =	sld [smem:$0x76E]  }
0x3ef: {  	s30 =	sld [smem:$0x76F]  }
0x3f0: {  	(v2sf) =	vpush v19, $0x5;
	[smem:$0x794] =	sst s31  }
0x3f1: {  	s0 =	sshra.s32 s25, $0x1F;
	[smem:$0x7B9] =	sst s3  }
0x3f2: {  	s0 =	smul.u32 $0x55555556, s0;
	s3 =	sadd.s32 s8, s6;
	s6 =	sld [smem:$0x770]  }
0x3f3: {  	s8 =	sld [smem:$0x771]  }
0x3f4: {  	[smem:$0x795] =	sst s0  }
0x3f5: {  	[smem:$0x7B8] =	sst s3  }
0x3f6: {  	s3 =	sadd.s32 s23, s20;
	s20 =	sld [smem:$0x772]  }
0x3f7: {  	s23 =	sld [smem:$0x773]  }
0x3f8: {  	(v2sf) =	vpush v19, $0x6;
	[smem:$0x7BA] =	sst s3  }
0x3f9: {  	s3 =	sadd.s32 s30, s29;
	s29 =	sld [smem:$0x774]  }
0x3fa: {  	s30 =	sld [smem:$0x775]  }
0x3fb: {  	s19 =	spop (v2sf);
	[smem:$0x7BB] =	sst s3  }
0x3fc: {  	s25 =	smulhi.u32 $0x55555556, s19;
	s3 =	sadd.s32 s8, s6;
	s6 =	sld [smem:$0x776]  }
0x3fd: {  	s8 =	sld [smem:$0x777]  }
0x3fe: {  	[smem:$0x796] =	sst s25  }
0x3ff: {  	s0 =	sshra.s32 s19, $0x1F;
	s31 =	spop (v2sf);
	[smem:$0x7BE] =	sst s3  }
0x400: {  	s0 =	smul.u32 $0x55555556, s0;
	s3 =	sadd.s32 s23, s20;
	s20 =	sld [smem:$0x778]  }
0x401: {  	s19 =	smulhi.u32 $0x55555556, s31;
	s23 =	sld [smem:$0x779]  }
0x402: {  	[smem:$0x797] =	sst s0  }
0x403: {  	(v2sf) =	vpush v19, $0x7;
	[smem:$0x798] =	sst s19  }
0x404: {  	[smem:$0x7BC] =	sst s3  }
0x405: {  	s3 =	sadd.s32 s30, s29;
	s29 =	sld [smem:$0x77A]  }
0x406: {  	s30 =	sld [smem:$0x77B]  }
0x407: {  	s25 =	spop (v2sf);
	s0 =	sshra.s32 s31, $0x1F;
	[smem:$0x7C3] =	sst s3  }
0x408: {  	s31 =	smulhi.u32 $0x55555556, s25;
	s3 =	sadd.s32 s8, s6;
	s6 =	sld [smem:$0x77C]  }
0x409: {  	s8 =	sld [smem:$0x77D]  }
0x40a: {  	[smem:$0x79A] =	sst s31  }
0x40b: {  	[smem:$0x7C5] =	sst s3  }
0x40c: {  	s0 =	smul.u32 $0x55555556, s0;
	s3 =	sadd.s32 s23, s20;
	s20 =	sld [smem:$0x77E]  }
0x40d: {  	v18 =	vsub.s32 v15, v9;
	s23 =	sld [smem:$0x77F]  }
0x40e: {  	(v2sf) =	vpush v18, $0xD;
	[smem:$0x799] =	sst s0  }
0x40f: {  	[smem:$0x7BF] =	sst s3  }
0x410: {  	s3 =	sadd.s32 s30, s29;
	s29 =	sld [smem:$0x780]  }
0x411: {  	s30 =	sld [smem:$0x781]  }
0x412: {  	s19 =	spop (v2sf);
	s0 =	sshra.s32 s25, $0x1F;
	[smem:$0x7BD] =	sst s3  }
0x413: {  	s25 =	smulhi.u32 $0x55555556, s19;
	s3 =	sadd.s32 s8, s6;
	s6 =	sld [smem:$0x782]  }
0x414: {  	s8 =	sld [smem:$0x783]  }
0x415: {  	[smem:$0x79C] =	sst s25  }
0x416: {  	[smem:$0x7C0] =	sst s3  }
0x417: {  	s0 =	smul.u32 $0x55555556, s0;
	s3 =	sadd.s32 s23, s20;
	s20 =	sld [smem:$0x784]  }
0x418: {  	(v2sf) =	vpush v18, $0xC;
	s23 =	sld [smem:$0x785]  }
0x419: {  	[smem:$0x79B] =	sst s0  }
0x41a: {  	[smem:$0x7C1] =	sst s3  }
0x41b: {  	s3 =	sadd.s32 s30, s29;
	s29 =	sld [smem:$0x786]  }
0x41c: {  	s30 =	sld [smem:$0x787]  }
0x41d: {  	(v2sf) =	vpush v18, $0xE;
	s31 =	spop (v2sf);
	s0 =	sshra.s32 s19, $0x1F;
	[smem:$0x7C2] =	sst s3  }
0x41e: {  	(v2sf) =	vpush v18, $0xF;
	s19 =	smulhi.u32 $0x55555556, s31;
	s3 =	sadd.s32 s8, s6;
	s6 =	sld [smem:$0x788]  }
0x41f: {  	s8 =	sld [smem:$0x789]  }
0x420: {  	[smem:$0x79E] =	sst s19  }
0x421: {  	[smem:$0x7C4] =	sst s3  }
0x422: {  	s0 =	smul.u32 $0x55555556, s0;
	s3 =	sadd.s32 s23, s20;
	s20 =	sld [smem:$0x78A]  }
0x423: {  	(v2sf) =	vpush v18, $0x9;
	s23 =	sld [smem:$0x78B]  }
0x424: {  	[smem:$0x79D] =	sst s0  }
0x425: {  	(v2sf) =	vpush v18, $0x8;
	[smem:$0x7C6] =	sst s3  }
0x426: {  	(v2sf) =	vpush v18, $0xA;
	s3 =	sadd.s32 s30, s29;
	s29 =	sld [smem:$0x78C]  }
0x427: {  	s25 =	spop (v2sf);
	s30 =	sld [smem:$0x78D]  }
0x428: {  	s0 =	sshra.s32 s31, $0x1F;
	s31 =	smulhi.u32 $0x55555556, s25;
	[smem:$0x7C7] =	sst s3  }
0x429: {  	s3 =	sadd.s32 s8, s6;
	s6 =	sld [smem:$0x790]  }
0x42a: {  	[smem:$0x7A0] =	sst s31  }
0x42b: {  	s0 =	smul.u32 $0x55555556, s0;
	[smem:$0x7C9] =	sst s3  }
0x42c: {  	s19 =	spop (v2sf);
	s3 =	sadd.s32 s23, s20;
	s20 =	sld [smem:$0x78F]  }
0x42d: {  	s31 =	spop (v2sf);
	[smem:$0x79F] =	sst s0;
	s0 =	sshra.s32 s25, $0x1F  }
0x42e: {  	[smem:$0x7C8] =	sst s3;
	s3 =	sadd.s32 s30, s29;
	s0 =	smul.u32 $0x55555556, s0  }
0x42f: {  	(v2sf) =	vpush v18, $0xB;
	s25 =	smulhi.u32 $0x55555556, s19;
	[smem:$0x7CA] =	sst s3  }
0x430: {  	[smem:$0x7A1] =	sst s0;
	s0 =	sshra.s32 s19, $0x1F;
	s19 =	smulhi.u32 $0x55555556, s31  }
0x431: {  	[smem:$0x7A2] =	sst s25;
	s0 =	smul.u32 $0x55555556, s0  }
0x432: {  	s25 =	spop (v2sf);
	[smem:$0x7A4] =	sst s19  }
0x433: {  	[smem:$0x7A3] =	sst s0;
	s0 =	sshra.s32 s31, $0x1F;
	s31 =	smulhi.u32 $0x55555556, s25  }
0x434: {  	(v2sf) =	vpush v18, $0x1;
	s19 =	spop (v2sf);
	s0 =	smul.u32 $0x55555556, s0  }
0x435: {  	s8 =	spop (v2sf);
	[smem:$0x7A6] =	sst s31  }
0x436: {  	(v2sf) =	vpush v18, $0x0;
	[smem:$0x7A5] =	sst s0;
	s0 =	sshra.s32 s25, $0x1F;
	s25 =	smulhi.u32 $0x55555556, s19  }
0x437: {  	s31 =	smul.u32 $0x55555556, s0;
	s0 =	sshra.s32 s19, $0x1F;
	s19 =	sld [smem:$0x78E]  }
0x438: {  	s30 =	smulhi.u32 $0x55555556, s8;
	[smem:$0x7A7] =	sst s25  }
0x439: {  	(v2sf) =	vpush v18, $0x2;
	s29 =	smul.u32 $0x55555556, s0;
	s0 =	sshra.s32 s8, $0x1F;
	s25 =	sadd.s32 $0x40, s4  }
0x43a: {  	s8 =	smov.u32 s4;
	s4 =	sadd.s32 s10, s6;
	s10 =	sld [smem:$0x791]  }
0x43b: {  	s6 =	sadd.s32 s16, s15;
	s15 =	sld [smem:$0x792]  }
0x43c: {  	(v2sf) =	vpush v18, $0x3;
	s16 =	sld [smem:$0x793]  }
0x43d: {  	[smem:$0x7CD] =	sst s4  }
0x43e: {  	s23 =	spop (v2sf);
	[smem:$0x7D0] =	sst s6  }
0x43f: {  	s4 =	sadd.s32 s17, s9;
	s9 =	sadd.s32 s22, s18;
	s22 =	sld [smem:$0x795]  }
0x440: {  	s28 =	smul.u32 $0x55555556, s0;
	[smem:$0x7CE] =	sst s4  }
0x441: {  	v17 =	vadd.s32 s25, v4;
	s25 =	smulhi.u32 $0x55555556, s23;
	s0 =	sshra.s32 s23, $0x1F;
	[smem:$0x7D1] =	sst s9  }
0x442: {  	s23 =	smul.u32 $0x55555556, s0;
	s9 =	sld [smem:$0x797]  }
0x443: {  	s3 =	sadd.s32 s20, s19;
	s19 =	spop (v2sf);
	s4 =	sld [smem:$0x79A]  }
0x444: {  	(v2sf) =	vpush v18, $0x4;
	[smem:$0x7CC] =	sst s3;
	s20 =	smulhi.u32 $0x55555556, s19;
	s0 =	sshra.s32 s19, $0x1F  }
0x445: {  	s7 =	spop (v2sf);
	s3 =	sadd.s32 s10, s21;
	s21 =	sld [smem:$0x794]  }
0x446: {  	s10 =	sld [smem:$0x798];
	s19 =	smul.u32 $0x55555556, s0  }
0x447: {  	(v2sf) =	vpush v18, $0x5;
	s30 =	sadd.s32 s28, s30;
	s18 =	smulhi.u32 $0x55555556, s7;
	[smem:$0x7CF] =	sst s3  }
0x448: {  	s0 =	sshra.s32 s7, $0x1F;
	s14 =	spop (v2sf);
	s7 =	sld [smem:$0x796]  }
0x449: {  	s3 =	sadd.s32 s16, s15;
	[smem:$0x7E0] =	sst s30;
	s17 =	smul.u32 $0x55555556, s0  }
0x44a: {  	s30 =	sadd.s32 s23, s25;
	[smem:$0x7D2] =	sst s3;
	s16 =	smulhi.u32 $0x55555556, s14  }
0x44b: {  	s0 =	sshra.s32 s14, $0x1F;
	s6 =	spop (v2sf);
	[smem:$0x7E2] =	sst s30  }
0x44c: {  	s3 =	sadd.s32 s22, s21;
	s15 =	smul.u32 $0x55555556, s0;
	s21 =	sld [smem:$0x799]  }
0x44d: {  	s14 =	smulhi.u32 $0x55555556, s6;
	s0 =	sshra.s32 s6, $0x1F;
	s6 =	sld [smem:$0x79B]  }
0x44e: {  	[smem:$0x7D3] =	sst s3  }
0x44f: {  	s3 =	sadd.s32 s9, s7;
	s7 =	sld [smem:$0x79C]  }
0x450: {  	[smem:$0x7D4] =	sst s3  }
0x451: {  	s3 =	sadd.s32 s21, s10;
	s21 =	sld [smem:$0x79D]  }
0x452: {  	[smem:$0x7D5] =	sst s3  }
0x453: {  	s22 =	spop (v2sf);
	s3 =	sadd.s32 s6, s4;
	s4 =	sld [smem:$0x79E]  }
0x454: {  	s19 =	sadd.s32 s19, s20;
	s9 =	smulhi.u32 $0x55555556, s22;
	s6 =	sld [smem:$0x79F]  }
0x455: {  	s10 =	smul.u32 $0x55555556, s0;
	s0 =	sshra.s32 s22, $0x1F;
	[smem:$0x7D6] =	sst s3  }
0x456: {  	(v2sf) =	vpush v18, $0x6;
	s22 =	spop (v2sf);
	s3 =	sadd.s32 s21, s7;
	s21 =	sld [smem:$0x7A0]  }
0x457: {  	s7 =	smul.u32 $0x55555556, s0;
	s0 =	sshra.s32 s22, $0x1F;
	[smem:$0x7D7] =	sst s3  }
0x458: {  	s3 =	sadd.s32 s6, s4;
	s4 =	smulhi.u32 $0x55555556, s22;
	s22 =	sld [smem:$0x7A1]  }
0x459: {  	[smem:$0x7DD] =	sst s19  }
0x45a: {  	(v2sf) =	vpush v18, $0x7;
	[smem:$0x7D9] =	sst s3  }
0x45b: {  	v21 =	vsub.s32 v17, v9;
	s3 =	sadd.s32 s22, s21;
	s21 =	sld [smem:$0x7A2]  }
0x45c: {  	(v2sf) =	vpush v21, $0xD;
	s15 =	sadd.s32 s15, s16;
	s22 =	sld [smem:$0x7A3]  }
0x45d: {  	[smem:$0x7DF] =	sst s15  }
0x45e: {  	(v2sf) =	vpush v21, $0xC;
	[smem:$0x7D8] =	sst s3  }
0x45f: {  	s3 =	sadd.s32 s22, s21;
	s21 =	sld [smem:$0x7A4]  }
0x460: {  	(v2sf) =	vpush v21, $0xE;
	s10 =	sadd.s32 s10, s14;
	s22 =	sld [smem:$0x7A5]  }
0x461: {  	[smem:$0x7E1] =	sst s10;
	s0 =	smul.u32 $0x55555556, s0;
	s7 =	sadd.s32 s7, s9  }
0x462: {  	(v2sf) =	vpush v21, $0xF;
	[smem:$0x7E3] =	sst s7  }
0x463: {  	(v2sf) =	vpush v21, $0x9;
	s0 =	sadd.s32 s0, s4;
	s21 =	sadd.s32 s22, s21;
	s22 =	sld [smem:$0x7A6]  }
0x464: {  	[smem:$0x7E4] =	sst s0  }
0x465: {  	s6 =	spop (v2sf);
	[smem:$0x7DB] =	sst s3  }
0x466: {  	(v2sf) =	vpush v21, $0x8;
	s3 =	smulhi.u32 $0x55555556, s6;
	s6 =	sshra.s32 s6, $0x1F;
	s22 =	sadd.s32 s31, s22  }
0x467: {  	s6 =	smul.u32 $0x55555556, s6;
	[smem:$0x7DC] =	sst s22  }
0x468: {  	s22 =	sld [smem:$0x7A7]  }
0x469: {  	[smem:$0x7DE] =	sst s21;
	s21 =	spop (v2sf);
	s3 =	sadd.s32 s6, s3  }
0x46a: {  	(v2sf) =	vpush v21, $0xA;
	[smem:$0x7E5] =	sst s3;
	s31 =	smulhi.u32 $0x55555556, s21;
	s21 =	sshra.s32 s21, $0x1F  }
0x46b: {  	s21 =	smul.u32 $0x55555556, s21;
	s22 =	sadd.s32 s29, s22;
	s29 =	spop (v2sf)  }
0x46c: {  	(v2sf) =	vpush v21, $0xB;
	[smem:$0x7DA] =	sst s22;
	s28 =	smulhi.u32 $0x55555556, s29;
	s29 =	sshra.s32 s29, $0x1F  }
0x46d: {  	s9 =	sadd.s32 s21, s31;
	s22 =	spop (v2sf);
	s23 =	smul.u32 $0x55555556, s29  }
0x46e: {  	s31 =	sld [smem:$0x7AC];
	s19 =	smulhi.u32 $0x55555556, s22;
	s29 =	sshra.s32 s22, $0x1F  }
0x46f: {  	s22 =	sadd.s32 s17, s18;
	s30 =	spop (v2sf);
	s17 =	smul.u32 $0x55555556, s29  }
0x470: {  	[smem:$0x7E6] =	sst s9;
	s15 =	smulhi.u32 $0x55555556, s30;
	s18 =	sshra.s32 s30, $0x1F  }
0x471: {  	s25 =	spop (v2sf);
	s20 =	smul.u32 $0x55555556, s18  }
0x472: {  	s7 =	smulhi.u32 $0x55555556, s25;
	s29 =	sshra.s32 s25, $0x1F;
	s30 =	spop (v2sf)  }
0x473: {  	s16 =	sadd.s32 s23, s28;
	s23 =	sld [smem:$0x7A9];
	s0 =	smul.u32 $0x55555556, s29  }
0x474: {  	s25 =	sld [smem:$0x7AA];
	s3 =	smulhi.u32 $0x55555556, s30  }
0x475: {  	(v2sf) =	vpush v21, $0x1;
	s4 =	sshra.s32 s30, $0x1F;
	s14 =	spop (v2sf);
	[smem:$0x7E8] =	sst s16  }
0x476: {  	s18 =	sadd.s32 s17, s19;
	s30 =	sld [smem:$0x7AB];
	s4 =	smul.u32 $0x55555556, s4  }
0x477: {  	s9 =	smulhi.u32 $0x55555556, s14;
	[smem:$0x7E7] =	sst s18  }
0x478: {  	s6 =	sshra.s32 s14, $0x1F;
	s10 =	sadd.s32 s20, s15;
	s20 =	sld [smem:$0x7A8]  }
0x479: {  	s19 =	spop (v2sf);
	[smem:$0x7EA] =	sst s10;
	s0 =	sadd.s32 s0, s7  }
0x47a: {  	(v2sf) =	vpush v21, $0x0;
	s6 =	smul.u32 $0x55555556, s6;
	[smem:$0x7EC] =	sst s0;
	s3 =	sadd.s32 s4, s3  }
0x47b: {  	s15 =	sshrl.u32 s20, $0x1F;
	s21 =	spop (v2sf);
	[smem:$0x7EB] =	sst s3  }
0x47c: {  	(v2sf) =	vpush v21, $0x2;
	v22 =	vmov s20;
	s17 =	smulhi.u32 $0x55555556, s21;
	s16 =	sshra.s32 s21, $0x1F;
	s21 =	sld [smem:$0x7AD]  }
0x47d: {  	v23 =	vmov s15;
	v22 =	vsel vm1, s23, v22;
	s15 =	sshrl.u32 s23, $0x1F;
	s23 =	sadd.s32 s6, s9;
	s6 =	sld [smem:$0x7AF]  }
0x47e: {  	(v2sf) =	vpush v21, $0x3;
	s10 =	smulhi.u32 $0x55555556, s19;
	s14 =	sshra.s32 s19, $0x1F;
	s9 =	sld [smem:$0x7B1]  }
0x47f: {  	s14 =	smul.u32 $0x55555556, s14;
	[smem:$0x7E9] =	sst s23  }
0x480: {  	v23 =	vsel vm1, s15, v23;
	v22 =	vsel vm2, s25, v22;
	s15 =	sshrl.u32 s25, $0x1F;
	s25 =	sld [smem:$0x7AE]  }
0x481: {  	v23 =	vsel vm2, s15, v23;
	v26 =	vsel vm3, s30, v22;
	s15 =	sshrl.u32 s30, $0x1F;
	s30 =	sadd.s32 s14, s10;
	s10 =	sld [smem:$0x7B2]  }
0x482: {  	s14 =	sld [smem:$0x7B3]  }
0x483: {  	(v2sf) =	vpush v21, $0x4;
	s16 =	smul.u32 $0x55555556, s16;
	s18 =	sshrl.u32 s21, $0x1F;
	[smem:$0x7ED] =	sst s30  }
0x484: {  	(v2sf) =	vpush v21, $0x5;
	v29 =	vsel vm3, s15, v23;
	s3 =	sshrl.u32 s9, $0x1F;
	s15 =	sld [smem:$0x7B4];
	s29 =	spop (v2sf)  }
0x485: {  	(v2sf) =	vpush v21, $0x6;
	s30 =	sld [smem:$0x7B7];
	s0 =	smulhi.u32 $0x55555556, s29;
	s20 =	sshra.s32 s29, $0x1F  }
0x486: {  	v34 =	vmov s31;
	s29 =	sshrl.u32 s31, $0x1F;
	s31 =	sadd.s32 s16, s17;
	s16 =	sld [smem:$0x7B5]  }
0x487: {  	s4 =	sshrl.u32 s25, $0x1F;
	s7 =	smul.u32 $0x55555556, s20;
	[smem:$0x7EE] =	sst s31  }
0x488: {  	v24 =	vmov s21;
	s17 =	sshrl.u32 s15, $0x1F;
	v25 =	vmov s29;
	s20 =	sld [smem:$0x7B6];
	s29 =	sadd.s32 $0x50, s8  }
0x489: {  	v22 =	vnsel vm4, $0x0, v34;
	v24 =	vsel vm1, s6, v24;
	s31 =	sld [smem:$0x7B8];
	v25 =	vnsel vm4, $0x0, v25;
	s19 =	spop (v2sf);
	s0 =	sadd.s32 s7, s0  }
0x48a: {  	v35 =	vmov s18;
	v24 =	vsel vm2, s9, v24;
	s7 =	sld [smem:$0x7B0];
	v25 =	vsel vm1, s4, v25;
	s4 =	sshrl.u32 s14, $0x1F;
	s18 =	sshrl.u32 s16, $0x1F  }
0x48b: {  	v22 =	vsel vm1, s25, v22;
	v37 =	vsel vm3, s14, v24;
	s23 =	sshra.s32 s19, $0x1F;
	s25 =	spop (v2sf);
	s14 =	sld [smem:$0x7B9]  }
0x48c: {  	[smem:$0x7EF] =	sst s0;
	s0 =	sshrl.u32 s6, $0x1F;
	s9 =	smulhi.u32 $0x55555556, s25  }
0x48d: {  	s21 =	sshrl.u32 s20, $0x1F;
	s8 =	spop (v2sf);
	v23 =	vsel vm1, s0, v35;
	s0 =	smulhi.u32 $0x55555556, s19  }
0x48e: {  	s19 =	sld [smem:$0x7BD];
	v22 =	vsel vm2, s7, v22;
	s6 =	sshrl.u32 s7, $0x1F;
	s7 =	sshrl.u32 s10, $0x1F;
	v23 =	vsel vm2, s3, v23  }
0x48f: {  	s3 =	sshrl.u32 s31, $0x1F;
	v22 =	vsel vm3, s10, v22;
	v38 =	vsel vm3, s4, v23;
	s4 =	smul.u32 $0x55555556, s23;
	s23 =	sld [smem:$0x7BE]  }
0x490: {  	v39 =	vsel vm2, s6, v25;
	s6 =	sshra.s32 s25, $0x1F;
	v27 =	vmov s3;
	s3 =	sshrl.u32 s14, $0x1F;
	v22 =	vsel vm5, s15, v22;
	s15 =	sld [smem:$0x7BA]  }
0x491: {  	v44 =	vmov s31;
	s10 =	sshra.s32 s8, $0x1F;
	s25 =	sld [smem:$0x7BF];
	v24 =	vsel vm3, s7, v39;
	s6 =	smul.u32 $0x55555556, s6  }
0x492: {  	v25 =	vsel vm1, s14, v44;
	s7 =	sshrl.u32 s30, $0x1F;
	v22 =	vsel vm6, s16, v22;
	v41 =	vsel vm5, s17, v24;
	s16 =	spop (v2sf);
	s17 =	sld [smem:$0x7BB]  }
0x493: {  	v45 =	vsel vm1, s3, v27;
	v40 =	vsel vm7, s20, v22;
	v42 =	vsel vm6, s18, v41;
	s18 =	sld [smem:$0x7BC];
	s20 =	spop (v2sf);
	s3 =	sshrl.u32 s15, $0x1F  }
0x494: {  	v22 =	vadd.s32 s29, v4;
	v43 =	vsel vm7, s21, v42;
	v25 =	vsel vm2, s15, v25;
	s15 =	smulhi.u32 $0x55555556, s16;
	s21 =	sshrl.u32 s19, $0x1F;
	s29 =	spop (v2sf)  }
0x495: {  	v47 =	vmov s19;
	v39 =	vsel vm8, s30, v40;
	s30 =	sld [smem:$0x7C0];
	s19 =	sshrl.u32 s25, $0x1F;
	v40 =	vsel vm8, s7, v43;
	s7 =	smul.u32 $0x55555556, s10  }
0x496: {  	v24 =	vsel vm2, s3, v45;
	v28 =	vsel vm3, s17, v25;
	s3 =	sshrl.u32 s17, $0x1F;
	s10 =	sshra.s32 s16, $0x1F;
	s17 =	smulhi.u32 $0x55555556, s20  }
0x497: {  	v25 =	vnsel vm4, $0x0, v47;
	v31 =	vmov s21;
	s31 =	sshra.s32 s29, $0x1F;
	s21 =	sld [smem:$0x7C7];
	s16 =	smul.u32 $0x55555556, s10  }
0x498: {  	s10 =	sshra.s32 s20, $0x1F;
	v25 =	vsel vm1, s25, v25;
	s25 =	smul.u32 $0x55555556, s31;
	s31 =	sld [smem:$0x7C2]  }
0x499: {  	v31 =	vnsel vm4, $0x0, v31;
	s20 =	smulhi.u32 $0x55555556, s29;
	s29 =	sadd.s32 s6, s9;
	s9 =	sld [smem:$0x7C3]  }
0x49a: {  	(v2sf) =	vpush v21, $0x7;
	s14 =	smulhi.u32 $0x55555556, s8;
	v27 =	vsel vm3, s3, v24;
	s3 =	sshrl.u32 s18, $0x1F;
	v31 =	vsel vm1, s19, v31;
	s19 =	sld [smem:$0x7C1]  }
0x49b: {  	v46 =	vmov s18;
	v30 =	vmov s3;
	s3 =	sshrl.u32 s23, $0x1F;
	[smem:$0x7F0] =	sst s29  }
0x49c: {  	v24 =	vsel vm1, s23, v46;
	v25 =	vsel vm2, s30, v25;
	s23 =	sshrl.u32 s30, $0x1F;
	s30 =	sadd.s32 s7, s14;
	s14 =	sld [smem:$0x7C4]  }
0x49d: {  	s18 =	smul.u32 $0x55555556, s10;
	[smem:$0x7F1] =	sst s30  }
0x49e: {  	s10 =	sadd.s32 s4, s0;
	s4 =	sadd.s32 s16, s15;
	s16 =	sld [smem:$0x7C5]  }
0x49f: {  	v23 =	vsub.s32 v22, v9;
	s30 =	sld [smem:$0x7C8]  }
0x4a0: {  	(v2sf) =	vpush v23, $0xD;
	s8 =	sadd.s32 s25, s20;
	[smem:$0x7F2] =	sst s4  }
0x4a1: {  	(v2sf) =	vpush v23, $0xC;
	[smem:$0x7F4] =	sst s8  }
0x4a2: {  	(v2sf) =	vpush v23, $0xE;
	s6 =	sadd.s32 s18, s17;
	s17 =	sld [smem:$0x7C6]  }
0x4a3: {  	(v2sf) =	vpush v23, $0xF;
	v30 =	vsel vm1, s3, v30;
	s8 =	sld [smem:$0x7CA];
	v25 =	vsel vm3, s19, v25  }
0x4a4: {  	v31 =	vsel vm2, s23, v31;
	v24 =	vsel vm2, s9, v24;
	s18 =	sshrl.u32 s9, $0x1F;
	s3 =	sshrl.u32 s19, $0x1F;
	[smem:$0x7F3] =	sst s6;
	v25 =	vsel vm5, s31, v25  }
0x4a5: {  	s20 =	sshrl.u32 s31, $0x1F;
	v49 =	vsel vm2, s18, v30;
	v31 =	vsel vm3, s3, v31;
	s3 =	sld [smem:$0x7C9];
	v25 =	vsel vm6, s14, v25  }
0x4a6: {  	s29 =	sshrl.u32 s21, $0x1F;
	s23 =	sshrl.u32 s14, $0x1F;
	s18 =	sld [smem:$0x7D1];
	v33 =	vsel vm3, s16, v24;
	v31 =	vsel vm5, s20, v31;
	v48 =	vsel vm7, s17, v25  }
0x4a7: {  	v51 =	vmov s30;
	s31 =	sshrl.u32 s30, $0x1F;
	s25 =	sshrl.u32 s17, $0x1F;
	v50 =	vsel vm6, s23, v31;
	v30 =	vsel vm8, s21, v48;
	s21 =	sld [smem:$0x7CB]  }
0x4a8: {  	v55 =	vmov s31;
	s4 =	sshrl.u32 s3, $0x1F;
	v24 =	vsel vm7, s25, v50;
	v25 =	vsel vm1, s3, v51;
	s25 =	sld [smem:$0x7CC]  }
0x4a9: {  	s7 =	spop (v2sf);
	s19 =	sshrl.u32 s16, $0x1F;
	v52 =	vsel vm2, s8, v25;
	v25 =	vsel vm1, s4, v55;
	s4 =	sld [smem:$0x7CF]  }
0x4aa: {  	(v2sf) =	vpush v23, $0x9;
	s15 =	smulhi.u32 $0x55555556, s7;
	s30 =	sld [smem:$0x7CD];
	s23 =	sshra.s32 s7, $0x1F  }
0x4ab: {  	v34 =	vsel vm3, s19, v49;
	s9 =	sshrl.u32 s8, $0x1F;
	s7 =	sld [smem:$0x7D0];
	s19 =	smul.u32 $0x55555556, s23;
	v31 =	vsel vm8, s29, v24  }
0x4ac: {  	s31 =	sld [smem:$0x7CE];
	v56 =	vsel vm2, s9, v25;
	s20 =	sshrl.u32 s21, $0x1F;
	v53 =	vmov s21;
	s29 =	sshrl.u32 s25, $0x1F;
	v36 =	vmov s4  }
0x4ad: {  	v41 =	vmov s20;
	s20 =	sadd.s32 s19, s15;
	v57 =	vnsel vm4, $0x0, v36;
	v36 =	vsel vm3, s29, v56;
	s29 =	sld [smem:$0x7D2]  }
0x4ae: {  	(v2sf) =	vpush v23, $0x8;
	s28 =	sshrl.u32 s18, $0x1F;
	s23 =	sshrl.u32 s7, $0x1F;
	v54 =	vsel vm1, s30, v53;
	[smem:$0x7F5] =	sst s20  }
0x4af: {  	s21 =	sshrl.u32 s30, $0x1F;
	v24 =	vsel vm2, s31, v54;
	s20 =	sld [smem:$0x7DB];
	s3 =	spop (v2sf)  }
0x4b0: {  	v35 =	vsel vm3, s7, v24;
	s7 =	sld [smem:$0x7D4];
	s14 =	smulhi.u32 $0x55555556, s3;
	s16 =	sshra.s32 s3, $0x1F  }
0x4b1: {  	s8 =	sshrl.u32 s4, $0x1F;
	s9 =	spop (v2sf);
	s16 =	smul.u32 $0x55555556, s16  }
0x4b2: {  	(v2sf) =	vpush v23, $0xA;
	v32 =	vsel vm3, s25, v52;
	v58 =	vmov s8;
	s3 =	sld [smem:$0x7D3];
	s17 =	smulhi.u32 $0x55555556, s9;
	s25 =	sshra.s32 s9, $0x1F  }
0x4b3: {  	s6 =	sshrl.u32 s31, $0x1F;
	v41 =	vsel vm1, s21, v41;
	v25 =	vsel vm1, s18, v57;
	v24 =	vnsel vm4, $0x0, v58;
	s31 =	spop (v2sf);
	s18 =	smul.u32 $0x55555556, s25  }
0x4b4: {  	v41 =	vsel vm2, s6, v41;
	s6 =	sld [smem:$0x7DA];
	v24 =	vsel vm1, s28, v24;
	s30 =	sshrl.u32 s29, $0x1F;
	s28 =	smulhi.u32 $0x55555556, s31  }
0x4b5: {  	v25 =	vsel vm2, s29, v25;
	s29 =	sshra.s32 s31, $0x1F;
	v24 =	vsel vm2, s30, v24;
	s9 =	spop (v2sf);
	s4 =	sshrl.u32 s3, $0x1F  }
0x4b6: {  	s8 =	sshrl.u32 s7, $0x1F;
	v25 =	vsel vm3, s3, v25;
	s29 =	smul.u32 $0x55555556, s29;
	s3 =	sld [smem:$0x7D5];
	v24 =	vsel vm3, s4, v24  }
0x4b7: {  	s31 =	smulhi.u32 $0x55555556, s9;
	v25 =	vsel vm5, s7, v25;
	s7 =	sshra.s32 s9, $0x1F;
	v24 =	vsel vm5, s8, v24;
	s8 =	sld [smem:$0x7D6]  }
0x4b8: {  	s25 =	smul.u32 $0x55555556, s7;
	s7 =	sld [smem:$0x7D8]  }
0x4b9: {  	s30 =	spop (v2sf);
	v25 =	vsel vm6, s3, v25;
	s4 =	sshrl.u32 s3, $0x1F;
	s3 =	sld [smem:$0x7D7]  }
0x4ba: {  	(v2sf) =	vpush v23, $0xB;
	v43 =	vsel vm3, s23, v41;
	v61 =	vmov s6;
	s15 =	sshrl.u32 s6, $0x1F;
	s6 =	sld [smem:$0x7E5];
	s23 =	smulhi.u32 $0x55555556, s30  }
0x4bb: {  	v25 =	vsel vm7, s8, v25;
	s9 =	sshrl.u32 s8, $0x1F;
	v59 =	vmov s7;
	s8 =	sshrl.u32 s7, $0x1F;
	s7 =	sld [smem:$0x7DC]  }
0x4bc: {  	s21 =	sshra.s32 s30, $0x1F;
	v24 =	vsel vm6, s4, v24;
	v42 =	vsel vm8, s3, v25;
	s4 =	sshrl.u32 s3, $0x1F;
	s3 =	sld [smem:$0x7D9]  }
0x4bd: {  	(v2sf) =	vpush v23, $0x1;
	s30 =	smul.u32 $0x55555556, s21;
	v24 =	vsel vm7, s9, v24;
	s9 =	spop (v2sf)  }
0x4be: {  	v45 =	vmov s15;
	s15 =	sld [smem:$0x7DD];
	s19 =	smulhi.u32 $0x55555556, s9;
	s9 =	sshra.s32 s9, $0x1F  }
0x4bf: {  	s21 =	sshrl.u32 s20, $0x1F;
	v60 =	vmov s8;
	s8 =	sshrl.u32 s7, $0x1F;
	s0 =	smul.u32 $0x55555556, s9;
	v25 =	vsel vm1, s3, v59  }
0x4c0: {  	v46 =	vmov s22;
	v25 =	vsel vm2, s20, v25;
	s20 =	sadd.s32 s16, s14;
	s14 =	sadd.s32 s25, s31;
	s25 =	sld [smem:$0x7DE]  }
0x4c1: {  	v46 =	vnsel vm4, $0x0, v46;
	(v2sf) =	vpush v23, $0x0;
	v44 =	vsel vm8, s4, v24;
	s4 =	sshrl.u32 s3, $0x1F;
	s3 =	spop (v2sf);
	s31 =	sld [smem:$0x7E1]  }
0x4c2: {  	v46 =	vsel vm1, s15, v46;
	v24 =	vsel vm1, s4, v60;
	s4 =	sshrl.u32 s22, $0x1F;
	s16 =	sshrl.u32 s15, $0x1F;
	s15 =	sld [smem:$0x7E3]  }
0x4c3: {  	v41 =	vsel vm1, s7, v61;
	s7 =	smulhi.u32 $0x55555556, s3;
	s9 =	sshra.s32 s3, $0x1F;
	[smem:$0x7F6] =	sst s14  }
0x4c4: {  	(v2sf) =	vpush v23, $0x2;
	v24 =	vsel vm2, s21, v24;
	s21 =	sadd.s32 s18, s17;
	s17 =	sadd.s32 s29, s28;
	s29 =	sld [smem:$0x7DF]  }
0x4c5: {  	v45 =	vsel vm1, s8, v45;
	s8 =	smul.u32 $0x55555556, s9;
	s18 =	sadd.s32 s30, s23;
	s30 =	sld [smem:$0x7E0]  }
0x4c6: {  	(v2sf) =	vpush v23, $0x3;
	s19 =	sadd.s32 s0, s19;
	v47 =	vmov s4;
	s14 =	sld [smem:$0x7E2]  }
0x4c7: {  	v47 =	vnsel vm4, $0x0, v47;
	[smem:$0x7F7] =	sst s18;
	s23 =	sadd.s32 s8, s7;
	s0 =	sshrl.u32 s25, $0x1F  }
0x4c8: {  	v48 =	vsel vm1, s16, v47;
	[smem:$0x7F8] =	sst s23;
	v62 =	vsel vm2, s29, v46;
	s7 =	sshrl.u32 s30, $0x1F;
	s9 =	sshrl.u32 s29, $0x1F  }
0x4c9: {  	v47 =	vsel vm3, s25, v25;
	v41 =	vsel vm2, s30, v41;
	s29 =	sshrl.u32 s31, $0x1F;
	s30 =	spop (v2sf);
	v25 =	vsel vm3, s31, v62;
	s31 =	sld [smem:$0x7E4]  }
0x4ca: {  	(v2sf) =	vpush v23, $0x4;
	v63 =	vsel vm2, s9, v48;
	s18 =	smulhi.u32 $0x55555556, s30;
	s23 =	sshra.s32 s30, $0x1F;
	s30 =	sld [smem:$0x7E7]  }
0x4cb: {  	s3 =	sshrl.u32 s15, $0x1F;
	s16 =	sshrl.u32 s14, $0x1F;
	v50 =	vsel vm3, s14, v41;
	s9 =	sld [smem:$0x7E6];
	v25 =	vsel vm5, s15, v25;
	v48 =	vsel vm3, s29, v63  }
0x4cc: {  	v45 =	vsel vm2, s7, v45;
	s28 =	spop (v2sf);
	v41 =	vsel vm5, s3, v48;
	v25 =	vsel vm6, s31, v25;
	s7 =	sshrl.u32 s31, $0x1F;
	s31 =	sld [smem:$0x7F9]  }
0x4cd: {  	(v2sf) =	vpush v23, $0x5;
	s14 =	sshrl.u32 s6, $0x1F;
	s8 =	sshrl.u32 s30, $0x1F;
	v41 =	vsel vm6, s7, v41;
	s7 =	sld [smem:$0x7E8]  }
0x4ce: {  	s25 =	smulhi.u32 $0x55555556, s28;
	v52 =	vsel vm3, s16, v45;
	s16 =	sshra.s32 s28, $0x1F;
	v25 =	vsel vm7, s6, v25;
	v56 =	vmov s8;
	s8 =	sld [smem:$0x7ED]  }
0x4cf: {  	v58 =	vmov s21;
	s28 =	smul.u32 $0x55555556, s16;
	s15 =	sshrl.u32 s9, $0x1F;
	v48 =	vsel vm8, s9, v25;
	s9 =	sld [smem:$0x7E9]  }
0x4d0: {  	(v2sf) =	vpush v23, $0x6;
	v59 =	vsel vm1, s20, v58;
	s20 =	sshrl.u32 s20, $0x1F;
	s16 =	spop (v2sf);
	v49 =	vsel vm7, s14, v41;
	s14 =	sld [smem:$0x7EA]  }
0x4d1: {  	vm9 =	vmmov $0xff;
	(v2sf) =	vpush v23, $0x7;
	s29 =	smulhi.u32 $0x55555556, s16;
	s6 =	sadd.s32 $0x60, s31;
	v49 =	vsel vm8, s15, v49;
	s15 =	sld [smem:$0x7EB]  }
0x4d2: {  	v51 =	vsel vm3, s0, v24;
	v53 =	vmov s30;
	s0 =	sshra.s32 s16, $0x1F;
	v24 =	vadd.s32 s6, v4;
	s3 =	sshrl.u32 s7, $0x1F;
	s6 =	sld [smem:$0x7EC]  }
0x4d3: {  	v54 =	vsel vm1, s7, v53;
	v53 =	vmov s10;
	s10 =	sshrl.u32 s10, $0x1F;
	s22 =	sshrl.u32 s9, $0x1F;
	v55 =	vmov s9;
	s9 =	spop (v2sf)  }
0x4d4: {  	v29 =	vcombine.low v38, v29;
	v46 =	vsel vm1, s3, v56;
	s3 =	sld [smem:$0x7EF];
	s31 =	sshrl.u32 s15, $0x1F;
	v45 =	vsel vm1, s15, v55;
	s15 =	smul.u32 $0x55555556, s0  }
0x4d5: {  	v25 =	vsub.s32 v24, v9;
	s30 =	sshrl.u32 s14, $0x1F;
	v41 =	vsel vm2, s14, v54;
	v53 =	vnsel vm4, $0x0, v53;
	s16 =	smulhi.u32 $0x55555556, s9;
	s4 =	spop (v2sf)  }
0x4d6: {  	s14 =	sld [smem:$0x7EE];
	v54 =	vmov s10;
	(v2sf) =	vpush v25, $0xD;
	s0 =	sshra.s32 s9, $0x1F;
	v46 =	vsel vm2, s30, v46;
	s9 =	smulhi.u32 $0x55555556, s4  }
0x4d7: {  	v55 =	vmov s22;
	v54 =	vnsel vm4, $0x0, v54;
	v41 =	vsel vm3, s6, v41;
	s30 =	sshra.s32 s4, $0x1F;
	s4 =	sld [smem:$0x7F0];
	s10 =	sshrl.u32 s3, $0x1F  }
0x4d8: {  	s23 =	smul.u32 $0x55555556, s23;
	s7 =	sshrl.u32 s6, $0x1F;
	v45 =	vsel vm2, s8, v45;
	(v2sf) =	vpush v25, $0xC;
	v54 =	vsel vm1, s10, v54;
	s10 =	sld [smem:$0x7F1]  }
0x4d9: {  	v55 =	vsel vm1, s31, v55;
	s31 =	sld [smem:$0x7F2];
	s6 =	sshrl.u32 s14, $0x1F;
	v45 =	vsel vm3, s14, v45;
	s14 =	smul.u32 $0x55555556, s0;
	v53 =	vsel vm1, s3, v53  }
0x4da: {  	v29 =	vperm.xlane v29, v7;
	v28 =	vcombine.low v33, v28;
	s23 =	sadd.s32 s23, s18;
	s3 =	smul.u32 $0x55555556, s30;
	s30 =	spop (v2sf);
	v53 =	vsel vm2, s4, v53  }
0x4db: {  	v27 =	vcombine.low v34, v27;
	v56 =	vcombine.low v37, v26;
	s22 =	sshrl.u32 s4, $0x1F;
	s4 =	smulhi.u32 $0x55555556, s30;
	s30 =	sshra.s32 s30, $0x1F;
	v53 =	vsel vm3, s10, v53  }
0x4dc: {  	(v2sf) =	vpush v25, $0xE;
	v54 =	vsel vm2, s22, v54;
	s22 =	sshrl.u32 s31, $0x1F;
	s10 =	sshrl.u32 s10, $0x1F;
	v53 =	vsel vm5, s31, v53;
	s31 =	smul.u32 $0x55555556, s30  }
0x4dd: {  	v26 =	vmul.u32 $0x2, v4;
	s8 =	sshrl.u32 s8, $0x1F;
	(v2sf) =	vpush v25, $0xF;
	s30 =	spop (v2sf);
	v54 =	vsel vm3, s10, v54;
	s10 =	sld [smem:$0x7F3]  }
0x4de: {  	v28 =	vperm.xlane v28, v7;
	v57 =	vperm.xlane v56, v7;
	v55 =	vsel vm2, s8, v55;
	s8 =	sadd.s32 s28, s25;
	s0 =	smulhi.u32 $0x55555556, s30;
	s30 =	sshra.s32 s30, $0x1F  }
0x4df: {  	v39 =	vperm.xlane v39, v26;
	v40 =	vperm.xlane v40, v26;
	v46 =	vsel vm3, s7, v46;
	s7 =	smul.u32 $0x55555556, s30;
	s30 =	spop (v2sf);
	s28 =	sadd.s32 s31, s4  }
0x4e0: {  	(v2sf) =	vpush v25, $0x9;
	v54 =	vsel vm5, s22, v54;
	s31 =	sld [smem:$0x7F6];
	v53 =	vsel vm6, s10, v53;
	s10 =	sshrl.u32 s10, $0x1F;
	s22 =	smulhi.u32 $0x55555556, s30  }
0x4e1: {  	v32 =	vcombine.low v35, v32;
	v37 =	vsel vm3, s6, v55;
	v39 =	vsel vm9, v39, v57;
	s18 =	sshra.s32 s30, $0x1F;
	s30 =	sadd.s32 s15, s29;
	s25 =	spop (v2sf)  }
0x4e2: {  	v29 =	vsel vm9, v40, v29;
	(v2sf) =	vpush v25, $0x8;
	s15 =	sld [smem:$0x7F4];
	v54 =	vsel vm6, s10, v54;
	s6 =	smul.u32 $0x55555556, s18;
	s10 =	sshra.s32 s25, $0x1F  }
0x4e3: {  	v32 =	vperm.xlane v32, v7;
	v63 =	vmov s19;
	v29 =	vadd.s32 v29, v39;
	s29 =	sadd.s32 s14, s16;
	s16 =	smul.u32 $0x55555556, s10;
	s10 =	sld [smem:$0x7F5]  }
0x4e4: {  	v31 =	vperm.xlane v31, v26;
	v61 =	vmul.u32 $0x3, v29;
	(v2sf) =	vpush v25, $0xA;
	s14 =	smulhi.u32 $0x55555556, s25;
	s25 =	sadd.s32 s3, s9;
	s18 =	sadd.s32 s7, s0  }
0x4e5: {  	v41 =	vcombine.low v45, v41;
	v39 =	vsel vm2, s17, v59;
	(v2sf) =	vpush v25, $0xB;
	s3 =	sshrl.u32 s15, $0x1F;
	s4 =	sadd.s32 s6, s22;
	s22 =	sshrl.u32 s17, $0x1F  }
0x4e6: {  	v55 =	vsub.s32 v20, v61;
	v53 =	vsel vm7, s15, v53;
	v54 =	vsel vm7, s3, v54;
	s3 =	sadd.s32 s16, s14;
	s0 =	sshrl.u32 s10, $0x1F;
	s15 =	spop (v2sf)  }
0x4e7: {  	v41 =	vperm.xlane v41, v7;
	vm10 =	vlt.s32 v55, $0x0;
	s16 =	sshrl.u32 s21, $0x1F;
	v38 =	vsel vm8, s0, v54;
	s0 =	smulhi.u32 $0x55555556, s15;
	s6 =	sshra.s32 s15, $0x1F  }
0x4e8: {  	v59 =	vmov s30;
	v39 =	vsel vm3, s31, v39;
	v60 =	vmov s16;
	s21 =	spop (v2sf);
	s15 =	sshrl.u32 s31, $0x1F;
	s9 =	smul.u32 $0x55555556, s6  }
0x4e9: {  	v40 =	vsel vm8, s10, v53;
	(v2sf) =	vpush v25, $0x1;
	v53 =	vsel vm1, s20, v60;
	s7 =	smulhi.u32 $0x55555556, s21;
	s6 =	sshra.s32 s21, $0x1F;
	s21 =	sld [smem:$0x7F7]  }
0x4ea: {  	(v2sf) =	vpush v25, $0x0;
	s20 =	sshrl.u32 s19, $0x1F;
	s31 =	sld [smem:$0x7F8];
	s19 =	sshrl.u32 s30, $0x1F;
	v40 =	vperm.xlane v40, v26;
	v62 =	vsel vm2, s22, v53  }
0x4eb: {  	s16 =	spop (v2sf);
	(v2sf) =	vpush v25, $0x2;
	v58 =	vmov s20;
	v60 =	vmov s19;
	s17 =	smul.u32 $0x55555556, s6  }
0x4ec: {  	v38 =	vperm.xlane v38, v26;
	v29 =	vsel vm3, s15, v62;
	s15 =	smulhi.u32 $0x55555556, s16;
	s6 =	sshra.s32 s16, $0x1F;
	s22 =	spop (v2sf);
	v57 =	vsel vm1, s21, v63  }
0x4ed: {  	s30 =	sshrl.u32 s25, $0x1F;
	(v2sf) =	vpush v25, $0x3;
	v56 =	vnsel vm4, $0x0, v60;
	s16 =	smul.u32 $0x55555556, s6;
	s6 =	sshra.s32 s22, $0x1F;
	v20 =	vsel vm2, s31, v57  }
0x4ee: {  	v62 =	vperm.xlane v30, v26;
	s10 =	sshrl.u32 s31, $0x1F;
	s14 =	sshrl.u32 s21, $0x1F;
	s20 =	smul.u32 $0x55555556, s6;
	v54 =	vsel vm3, s23, v20;
	v20 =	vnsel vm4, $0x0, v59  }
0x4ef: {  	v60 =	vadd.s32 $0x3, v55;
	s21 =	spop (v2sf);
	v53 =	vsel vm1, s14, v58;
	s14 =	smulhi.u32 $0x55555556, s22;
	v20 =	vsel vm1, s8, v20;
	s8 =	sshrl.u32 s8, $0x1F  }
0x4f0: {  	v40 =	vsel vm9, v40, v41;
	s19 =	smulhi.u32 $0x55555556, s21;
	s6 =	sshra.s32 s21, $0x1F;
	v20 =	vsel vm2, s29, v20;
	v56 =	vsel vm1, s8, v56;
	s29 =	sshrl.u32 s29, $0x1F  }
0x4f1: {  	(v2sf) =	vpush v25, $0x4;
	s22 =	sshrl.u32 s23, $0x1F;
	v53 =	vsel vm2, s10, v53;
	s10 =	smul.u32 $0x55555556, s6;
	s23 =	spop (v2sf);
	v61 =	vsel vm2, s29, v56  }
0x4f2: {  	(v2sf) =	vpush v25, $0x5;
	s17 =	sadd.s32 s17, s7;
	s6 =	smulhi.u32 $0x55555556, s23;
	v20 =	vsel vm3, s25, v20;
	s25 =	sshrl.u32 s28, $0x1F;
	v33 =	vsel vm3, s30, v61  }
0x4f3: {  	v63 =	vperm.xlane v27, v7;
	v28 =	vsel vm9, v62, v28;
	s21 =	sshra.s32 s23, $0x1F;
	s31 =	spop (v2sf);
	s29 =	sshrl.u32 s18, $0x1F;
	v33 =	vsel vm5, s25, v33  }
0x4f4: {  	v62 =	vcombine.low v50, v47;
	(v2sf) =	vpush v25, $0x6;
	s15 =	sadd.s32 s16, s15;
	s23 =	smul.u32 $0x55555556, s21;
	v33 =	vsel vm6, s29, v33;
	s29 =	sld [smem:$0x7F9]  }
0x4f5: {  	v57 =	vcombine.low v43, v36;
	v53 =	vsel vm3, s22, v53;
	s21 =	smulhi.u32 $0x55555556, s31;
	s22 =	sshra.s32 s31, $0x1F;
	v20 =	vsel vm5, s28, v20;
	s30 =	spop (v2sf)  }
0x4f6: {  	v58 =	vperm.xlane v42, v26;
	v47 =	vmov s17;
	s17 =	sshrl.u32 s17, $0x1F;
	s22 =	smul.u32 $0x55555556, s22;
	v20 =	vsel vm6, s18, v20;
	s18 =	sshra.s32 s30, $0x1F  }
0x4f7: {  	v31 =	vsel vm9, v31, v63;
	v59 =	vperm.xlane v44, v26;
	s28 =	sshrl.u32 s3, $0x1F;
	v20 =	vsel vm7, s4, v20;
	s25 =	smul.u32 $0x55555556, s18;
	s18 =	sadd.s32 $0x70, s29  }
0x4f8: {  	s8 =	smulhi.u32 $0x55555556, s30;
	s4 =	sshrl.u32 s4, $0x1F;
	v30 =	vsel vm8, s3, v20;
	s31 =	spop (v2sf);
	(v2sf) =	vpush v25, $0x7;
	v20 =	vadd.s32 s18, v4  }
0x4f9: {  	v63 =	vcombine.low v52, v51;
	v33 =	vsel vm7, s4, v33;
	s4 =	sadd.s32 s20, s14;
	s30 =	sshra.s32 s31, $0x1F;
	s18 =	smulhi.u32 $0x55555556, s31;
	v27 =	vsub.s32 v20, v9  }
0x4fa: {  	v50 =	vmov s17;
	v34 =	vperm.xlane v57, v7;
	s29 =	sadd.s32 s9, s0;
	s9 =	smul.u32 $0x55555556, s30;
	s31 =	spop (v2sf);
	(v2sf) =	vpush v27, $0xD  }
0x4fb: {  	v35 =	vperm.xlane v62, v7;
	v51 =	vperm.xlane v48, v26;
	v31 =	vadd.s32 v31, v28;
	s14 =	sadd.s32 s23, s6;
	s7 =	smulhi.u32 $0x55555556, s31;
	s0 =	sshra.s32 s31, $0x1F  }
0x4fc: {  	v34 =	vsel vm9, v59, v34;
	v59 =	vmov s14;
	s14 =	sshrl.u32 s14, $0x1F;
	s3 =	spop (v2sf);
	s16 =	smul.u32 $0x55555556, s0;
	(v2sf) =	vpush v27, $0xC  }
0x4fd: {  	v32 =	vsel vm9, v58, v32;
	v28 =	vsel vm10, v60, v55;
	v61 =	vmul.u32 $0x3, v31;
	s31 =	sshrl.u32 s29, $0x1F;
	s20 =	smulhi.u32 $0x55555556, s3;
	s0 =	sshra.s32 s3, $0x1F  }
0x4fe: {  	v31 =	vsel vm8, s28, v33;
	v33 =	vsel vm1, s29, v47;
	s3 =	sadd.s32 s10, s19;
	s10 =	spop (v2sf);
	s19 =	smul.u32 $0x55555556, s0;
	(v2sf) =	vpush v27, $0xE  }
0x4ff: {  	v39 =	vcombine.low v54, v39;
	v55 =	vperm.xlane v63, v7;
	v33 =	vsel vm2, s15, v33;
	s15 =	sshrl.u32 s15, $0x1F;
	s6 =	smulhi.u32 $0x55555556, s10;
	s0 =	sshra.s32 s10, $0x1F  }
0x500: {  	v29 =	vcombine.low v53, v29;
	v56 =	vperm.xlane v49, v26;
	s10 =	sadd.s32 s22, s21;
	s23 =	spop (v2sf);
	s21 =	smul.u32 $0x55555556, s0;
	(v2sf) =	vpush v27, $0xF  }
0x501: {  	v57 =	vsel vm9, v51, v35;
	v49 =	vcombine.low v37, v46;
	v39 =	vperm.xlane v39, v7;
	s0 =	sadd.s32 s25, s8;
	s8 =	smulhi.u32 $0x55555556, s23;
	s22 =	sshra.s32 s23, $0x1F  }
0x502: {  	v32 =	vadd.s32 v34, v32;
	v34 =	vsel vm9, v56, v55;
	s18 =	sadd.s32 s9, s18;
	s30 =	spop (v2sf);
	s22 =	smul.u32 $0x55555556, s22;
	(v2sf) =	vpush v27, $0x9  }
0x503: {  	v52 =	vsub.s32 v16, v61;
	v58 =	vadd.s32 v34, v57;
	v16 =	vsel vm3, s4, v33;
	s4 =	sshrl.u32 s4, $0x1F;
	s17 =	smulhi.u32 $0x55555556, s30;
	s29 =	spop (v2sf)  }
0x504: {  	v42 =	vsel vm1, s31, v50;
	v34 =	vsel vm1, s3, v59;
	s23 =	sshra.s32 s30, $0x1F;
	s30 =	smulhi.u32 $0x55555556, s29;
	s31 =	sshra.s32 s29, $0x1F;
	(v2sf) =	vpush v27, $0x8  }
0x505: {  	v29 =	vperm.xlane v29, v7;
	v32 =	vmul.u32 $0x3, v32;
	s3 =	sshrl.u32 s3, $0x1F;
	s16 =	sadd.s32 s16, s7;
	v34 =	vsel vm2, s10, v34;
	s29 =	smul.u32 $0x55555556, s31  }
0x506: {  	v46 =	vperm.xlane v49, v7;
	s19 =	sadd.s32 s19, s20;
	v34 =	vsel vm3, s0, v34;
	s0 =	sshrl.u32 s0, $0x1F;
	s23 =	smul.u32 $0x55555556, s23;
	(v2sf) =	vpush v27, $0xA  }
0x507: {  	vm10 =	vlt.s32 v52, $0x0;
	v32 =	vsub.s32 v19, v32;
	v42 =	vsel vm2, s15, v42;
	s6 =	sadd.s32 s21, s6;
	s7 =	sadd.s32 s29, s30;
	s30 =	spop (v2sf)  }
0x508: {  	v63 =	vadd.s32 $0x3, v52;
	v48 =	vmul.u32 $0x3, v58;
	v19 =	vsel vm3, s4, v42;
	s21 =	sshrl.u32 s16, $0x1F;
	s4 =	smulhi.u32 $0x55555556, s30;
	s15 =	sshra.s32 s30, $0x1F  }
0x509: {  	v38 =	vsel vm9, v38, v46;
	v46 =	vadd.s32 v10, v28;
	s9 =	sadd.s32 s23, s17;
	(v2sf) =	vpush v27, $0xB;
	s15 =	smul.u32 $0x55555556, s15;
	s31 =	spop (v2sf)  }
0x50a: {  	vm11 =	vlt.s32 v32, $0x0;
	v60 =	vmov s14;
	v61 =	vmov s16;
	s17 =	sshrl.u32 s10, $0x1F;
	s10 =	smulhi.u32 $0x55555556, s31;
	s14 =	sshra.s32 s31, $0x1F  }
0x50b: {  	v51 =	vadd.s32 $0x3, v32;
	v36 =	vnsel vm4, $0x0, v61;
	s8 =	sadd.s32 s22, s8;
	(v2sf) =	vpush v27, $0x1;
	s22 =	spop (v2sf);
	s14 =	smul.u32 $0x55555556, s14  }
0x50c: {  	v35 =	vsel vm1, s3, v60;
	v36 =	vsel vm1, s18, v36;
	v62 =	vmov s21;
	s21 =	sshrl.u32 s6, $0x1F;
	s3 =	smulhi.u32 $0x55555556, s22;
	s16 =	sshra.s32 s22, $0x1F  }
0x50d: {  	v42 =	vnsel vm4, $0x0, v62;
	v36 =	vsel vm2, s19, v36;
	s29 =	sshrl.u32 s18, $0x1F;
	(v2sf) =	vpush v27, $0x0;
	s30 =	spop (v2sf);
	s16 =	smul.u32 $0x55555556, s16  }
0x50e: {  	v35 =	vsel vm2, s17, v35;
	v36 =	vsel vm3, s6, v36;
	v42 =	vsel vm1, s29, v42;
	s29 =	sshrl.u32 s8, $0x1F;
	s18 =	smulhi.u32 $0x55555556, s30;
	s17 =	sshra.s32 s30, $0x1F  }
0x50f: {  	v52 =	vsel vm10, v63, v52;
	v36 =	vsel vm5, s8, v36;
	s31 =	sshrl.u32 s19, $0x1F;
	(v2sf) =	vpush v27, $0x2;
	s22 =	spop (v2sf);
	s6 =	smul.u32 $0x55555556, s17  }
0x510: {  	v38 =	vadd.s32 v38, v40;
	v36 =	vsel vm6, s9, v36;
	s4 =	sadd.s32 s15, s4;
	v42 =	vsel vm2, s31, v42;
	s8 =	smulhi.u32 $0x55555556, s22;
	s17 =	sshra.s32 s22, $0x1F  }
0x511: {  	v36 =	vsel vm7, s7, v36;
	v42 =	vsel vm3, s21, v42;
	s30 =	sshrl.u32 s9, $0x1F;
	(v2sf) =	vpush v27, $0x3;
	s31 =	spop (v2sf);
	s9 =	smul.u32 $0x55555556, s17  }
0x512: {  	v30 =	vperm.xlane v30, v26;
	v36 =	vsel vm8, s4, v36;
	s4 =	sshrl.u32 s4, $0x1F;
	v42 =	vsel vm5, s29, v42;
	s22 =	smulhi.u32 $0x55555556, s31;
	s17 =	sshra.s32 s31, $0x1F  }
0x513: {  	v32 =	vsel vm11, v51, v32;
	s21 =	sshrl.u32 s7, $0x1F;
	(v2sf) =	vpush v27, $0x4;
	v42 =	vsel vm6, s30, v42;
	s30 =	spop (v2sf);
	s29 =	smul.u32 $0x55555556, s17  }
0x514: {  	v18 =	vsub.s32 v18, v48;
	v31 =	vperm.xlane v31, v26;
	v38 =	vmul.u32 $0x3, v38;
	s10 =	sadd.s32 s14, s10;
	s31 =	smulhi.u32 $0x55555556, s30;
	s15 =	sshra.s32 s30, $0x1F  }
0x515: {  	v49 =	vadd.s32 v10, v52;
	vm10 =	vlt.s32 v18, $0x0;
	s3 =	sadd.s32 s16, s3;
	(v2sf) =	vpush v27, $0x5;
	s17 =	spop (v2sf);
	s15 =	smul.u32 $0x55555556, s15  }
0x516: {  	v54 =	vadd.s32 $0x3, v18;
	v30 =	vsel vm9, v30, v39;
	s6 =	sadd.s32 s6, s18;
	v55 =	vmov s3;
	s3 =	sshrl.u32 s3, $0x1F;
	s18 =	smulhi.u32 $0x55555556, s17  }
0x517: {  	v29 =	vsel vm9, v31, v29;
	(v2sf) =	vpush v27, $0x6;
	s16 =	sshra.s32 s17, $0x1F;
	s8 =	sadd.s32 s9, s8;
	v40 =	vsel vm1, s10, v55;
	s10 =	sshrl.u32 s10, $0x1F  }
0x518: {  	v29 =	vadd.s32 v29, v30;
	v35 =	vsel vm3, s0, v35;
	v50 =	vsel vm7, s21, v42;
	s0 =	sadd.s32 s29, s22;
	s21 =	smul.u32 $0x55555556, s16;
	s29 =	spop (v2sf)  }
0x519: {  	v21 =	vsub.s32 v21, v38;
	v29 =	vmul.u32 $0x3, v29;
	v40 =	vsel vm2, s6, v40;
	s6 =	sshrl.u32 s6, $0x1F;
	s30 =	smulhi.u32 $0x55555556, s29;
	s14 =	sshra.s32 s29, $0x1F  }
0x51a: {  	v18 =	vsel vm10, v54, v18;
	vm10 =	vlt.s32 v21, $0x0;
	(v2sf) =	vpush v27, $0x7;
	s22 =	sadd.s32 s15, s31;
	s14 =	smul.u32 $0x55555556, s14;
	s31 =	spop (v2sf)  }
0x51b: {  	v54 =	vadd.s32 v10, v18;
	v23 =	vsub.s32 v23, v29;
	v40 =	vsel vm3, s8, v40;
	s8 =	sshrl.u32 s8, $0x1F;
	s16 =	smulhi.u32 $0x55555556, s31;
	s15 =	sshra.s32 s31, $0x1F  }
0x51c: {  	v16 =	vcombine.low v34, v16;
	v37 =	vsel vm8, s4, v50;
	v56 =	vmov s3;
	s4 =	sadd.s32 s21, s18;
	s17 =	spop (v2sf);
	s15 =	smul.u32 $0x55555556, s15  }
0x51d: {  	v19 =	vcombine.low v35, v19;
	v41 =	vsel vm1, s10, v56;
	v57 =	vmov s22;
	s9 =	sshrl.u32 s22, $0x1F;
	s18 =	smulhi.u32 $0x55555556, s17;
	s10 =	sshra.s32 s17, $0x1F  }
0x51e: {  	vm11 =	vlt.s32 v23, $0x0;
	v44 =	vadd.s32 $0x3, v23;
	v42 =	vsel vm1, s0, v57;
	s0 =	sshrl.u32 s0, $0x1F;
	s21 =	spop (v2sf);
	s10 =	smul.u32 $0x55555556, s10  }
0x51f: {  	v16 =	vperm.xlane v16, v7;
	v19 =	vperm.xlane v19, v7;
	v58 =	vmov s9;
	s7 =	sadd.s32 s14, s30;
	s22 =	smulhi.u32 $0x55555556, s21;
	s9 =	sshra.s32 s21, $0x1F  }
0x520: {  	v36 =	vperm.xlane v36, v26;
	v37 =	vperm.xlane v37, v26;
	v60 =	vsel vm2, s4, v42;
	s4 =	sshrl.u32 s4, $0x1F;
	s29 =	spop (v2sf);
	s9 =	smul.u32 $0x55555556, s9  }
0x521: {  	v41 =	vsel vm2, s6, v41;
	v43 =	vsel vm1, s0, v58;
	v63 =	vsel vm3, s7, v60;
	s7 =	sshrl.u32 s7, $0x1F;
	s30 =	smulhi.u32 $0x55555556, s29;
	s0 =	sshra.s32 s29, $0x1F  }
0x522: {  	v16 =	vsel vm9, v36, v16;
	v50 =	vadd.s32 v10, v32;
	v41 =	vsel vm3, s8, v41;
	s31 =	spop (v2sf);
	s6 =	sadd.s32 s10, s18;
	s0 =	smul.u32 $0x55555556, s0  }
0x523: {  	v19 =	vsel vm9, v37, v19;
	v43 =	vsel vm2, s4, v43;
	s10 =	smulhi.u32 $0x55555556, s31;
	s4 =	sshra.s32 s31, $0x1F;
	v59 =	vmov s6;
	s6 =	sshrl.u32 s6, $0x1F  }
0x524: {  	v16 =	vadd.s32 v19, v16;
	s3 =	sadd.s32 s15, s16;
	s15 =	spop (v2sf);
	s4 =	smul.u32 $0x55555556, s4;
	v31 =	vnsel vm4, $0x0, v59;
	v61 =	vmov s6  }
0x525: {  	v16 =	vmul.u32 $0x3, v16;
	s8 =	sadd.s32 s9, s22;
	s16 =	smulhi.u32 $0x55555556, s15;
	v31 =	vsel vm1, s3, v31;
	v42 =	vnsel vm4, $0x0, v61;
	s3 =	sshrl.u32 s3, $0x1F  }
0x526: {  	v47 =	vcombine.low v63, v40;
	s17 =	spop (v2sf);
	s0 =	sadd.s32 s0, s30;
	s14 =	sshrl.u32 s8, $0x1F;
	v62 =	vsel vm1, s3, v42;
	v31 =	vsel vm2, s8, v31  }
0x527: {  	v19 =	vsel vm11, v44, v23;
	s6 =	sshra.s32 s15, $0x1F;
	s18 =	smulhi.u32 $0x55555556, s17;
	v30 =	vsel vm2, s14, v62;
	v31 =	vsel vm3, s0, v31;
	s0 =	sshrl.u32 s0, $0x1F  }
0x528: {  	v16 =	vsub.s32 v25, v16;
	v52 =	vperm.xlane v47, v7;
	s6 =	smul.u32 $0x55555556, s6;
	s3 =	sadd.s32 s4, s10;
	v30 =	vsel vm3, s0, v30;
	s0 =	sshra.s32 s17, $0x1F  }
0x529: {  	s22 =	spop (v2sf);
	v42 =	vsel vm3, s7, v43;
	v43 =	vadd.s32 $0x3, v21;
	v31 =	vsel vm5, s3, v31;
	s3 =	sshrl.u32 s3, $0x1F;
	s0 =	smul.u32 $0x55555556, s0  }
0x52a: {  	v59 =	vadd.s32 v10, v19;
	s29 =	smulhi.u32 $0x55555556, s22;
	s4 =	sadd.s32 s6, s16;
	v21 =	vsel vm10, v43, v21;
	v30 =	vsel vm5, s3, v30;
	s3 =	sshra.s32 s22, $0x1F  }
0x52b: {  	[tilespmem:$0x16000] =	vst v46;
	vm10 =	vlt.s32 v12, v8;
	v48 =	vcombine.low v42, v41;
	s21 =	sshrl.u32 s4, $0x1F;
	v31 =	vsel vm6, s4, v31;
	s3 =	smul.u32 $0x55555556, s3;
	s0 =	sadd.s32 s0, s18  }
0x52c: {  	[tilespmem:$0x16010] =	vst v49;
	v12 =	vsel vm10, v12, v11;
	v30 =	vsel vm6, s21, v30;
	v31 =	vsel vm7, s0, v31;
	s0 =	sshrl.u32 s0, $0x1F  }
0x52d: {  	[tilespmem:$0x16030] =	vst v54;
	vm10 =	vlt.s32 v13, v8;
	v56 =	vadd.s32 v10, v21;
	v45 =	vsel vm7, s0, v30;
	s0 =	sadd.s32 s3, s29  }
0x52e: {  	[tilespmem:$0x16020] =	vst v50;
	v13 =	vsel vm10, v13, v11;
	vm10 =	vlt.s32 v14, v8;
	v51 =	vsel vm8, s0, v31;
	s0 =	sshrl.u32 s0, $0x1F  }
0x52f: {  	[tilespmem:$0x16300] =	vst v12;
	v12 =	vperm.xlane v48, v7;
	v14 =	vsel vm10, v14, v11;
	v23 =	vsel vm8, s0, v45  }
0x530: {  	[tilespmem:$0x16050] =	vst v59;
	vm10 =	vlt.s32 v15, v8;
	v53 =	vperm.xlane v51, v26;
	v23 =	vperm.xlane v23, v26  }
0x531: {  	v58 =	vadd.s32 $0x3, v16;
	[tilespmem:$0x16040] =	vst v56;
	v55 =	vsel vm10, v15, v11  }
0x532: {  	[tilespmem:$0x16310] =	vst v13;
	v13 =	vsel vm9, v53, v52;
	v12 =	vsel vm9, v23, v12;
	vm9 =	vlt.s32 v17, v8  }
0x533: {  	[tilespmem:$0x16320] =	vst v14;
	v12 =	vadd.s32 v12, v13;
	v57 =	vsel vm9, v17, v11;
	vm9 =	vlt.s32 v16, $0x0  }
0x534: {  	[tilespmem:$0x16330] =	vst v55;
	v12 =	vmul.u32 $0x3, v12;
	v13 =	vsel vm9, v58, v16;
	vm9 =	vlt.s32 v22, v8  }
0x535: {  	[tilespmem:$0x16340] =	vst v57;
	v60 =	vsel vm9, v22, v11;
	vm9 =	vlt.s32 v24, v8  }
0x536: {  	v13 =	vadd.s32 v10, v13;
	v12 =	vsub.s32 v27, v12;
	[tilespmem:$0x16350] =	vst v60;
	v62 =	vsel vm9, v24, v11  }
0x537: {  	[tilespmem:$0x16060] =	vst v13;
	vm9 =	vlt.s32 v20, v8;
	vm10 =	vlt.s32 v12, $0x0;
	v61 =	vadd.s32 $0x3, v12  }
0x538: {  	[tilespmem:$0x16360] =	vst v62;
	v63 =	vsel vm9, v20, v11;
	v12 =	vsel vm10, v61, v12  }
0x539: {  	s20 =	rddreg [dreg:$0x9];
	[tilespmem:$0x16370] =	vst v63;
	v12 =	vadd.s32 v10, v12  }
0x53a: {  	s25 =	simm.s32 $0x16180;
	s23 =	simm.s32 $0x16000;
	s19 =	rddreg [dreg:$0x7];
	[tilespmem:$0x16070] =	vst v12  }
0x53b: {  	[tilespmem:s25], [sflag:$0x1] =	stream.indirect.gather [hbm4b:s19+s11], $0x1, s23, s11, $0xb8;
	[tilespmem:$0x1E618] =	vst v63  }
0x53c: {  	s30 =	sld [smem:$0x7FA];
	_ =	swait.ge [sflag:s24], $0x80  }
0x53d: {  	[sflag:s24] =	ssyncset.done $0x0  }
0x53e: {  	s28 =	simm.s32 $0x16300;
	[sflag:s24] =	ssyncadd.s32 $0xFFFFFF80  }
0x53f: {  	[hbm4b:s20+s11] =	stream.indirect.scatter [tilespmem:s25], [sflag:$0x2], $0x1, s28, s11, $0xb8;
	[tilespmem:$0x1E618] =	vst v63  }
0x540: {  	_ =	swait.ge [sflag:s26], $0x80  }
0x541: {  	s3 =	sadd.s32 $0x80, s30;
	s31 =	rddreg [dreg:$0x6]  }
0x542: {  	p1 =	sne.s32 s31, s3  }
.Ltmp33:
0x543: {  	_ = 	snop;
	(pc) =	sbr.rel @p1 .LBB2_36-.Ltmp33, $3  }
0x544: {  	_ =	sdelay $0x1  }
0x545: {  	[sflag:s26] =	ssyncset.done $0x0  }
0x546: {  	[sflag:s26] =	ssyncadd.s32 $0xFFFFFF80  }
.Ltmp34:
0x547: {  	_ = 	snop;
	(pc) =	sbr.rel .LBB2_37-.Ltmp34, $1  }
0x548: {  	_ =	sdelay $0x3  }
.LBB2_39:
0x549: {  	_ =	sfence.sel $0x180000  }
0x54a: {  	[bflag:$0x0] =	sbarrier.arrive $0xFFFF  }
0x54b: {  	_ =	strace $0x90000047  }
0x54c: {  	s0 =	stileid.u32;
	[bflag:$0x2] =	sbarrier.arrive $0xFFFF  }
0x54d: {  	p0 =	sne.s32 s0, $0x0;
	s0 =	rddreg [dreg:$0x4]  }
0x54e: {  	s0 =	sadd.s32 @!p0 $0x100000, s0  }
0x54f: {  	[sflag:s0] =	ssyncadd.tile.s32 @!p0 $0x1;
	_ =	shalt  }
.Lfunc_end2:
_tile_overlayer_lowered:
.L_overlay_start_2:
0x550: {  	(tag) =	ssettag $0x2  }
0x551: {  	s0 =	rddreg [dreg:$0x0];
	s2 =	stileid.u32  }
0x552: {  	s1 =	rddreg [dreg:$0x1];
	p0 =	sne.s32 s2, $0x0  }
0x553: {  	s3 =	rddreg [dreg:$0x2];
	[bflag:$0x3] =	sbarrier.arrive $0xFFFF;
	s2 =	simm.s32 @!p0 $0x1C03  }
0x554: {  	[timem:s3], [sflag:s2] =	dma.local @!p0 [hbm:s0], s1  }
0x555: {  	s0 =	simm.s32 @!p0 $0x3  }
0x556: {  	_ =	swait.ge @!p0 [sflag:s0], s1  }
0x557: {  	s1 =	ssub.s32 @!p0 $0x0, s1;
	[sflag:s0] =	ssyncset.done @!p0 $0x0  }
0x558: {  	[sflag:s0] =	ssyncadd.s32 @!p0 s1  }
0x559: {  	[bflag:$0x3] =	sbarrier.arrive $0xFFFF  }
0x55a: {  	_ =	shalt  }

</sc_bundles>
